<compile_context>
chip_gen: v7x
topology: tpu7x:2x2x1
jax: 0.10.2.dev20260603
libtpu: 0.0.44.dev20260713+nightly
codegen_flags: <defaults>
</compile_context>

<pallas_src>
import jax
import jax.numpy as jnp
import numpy as np
from jax import lax
from jax.experimental import pallas as pl
from jax.experimental.pallas import tpu as pltpu
from jax.experimental.pallas import tpu_sc as plsc

_HA = 64
_DD = 3
_B = 64
_ET = 512
_CT = 256
_PT = 512
_NEG = np.float32(-1e30)
_F32 = jnp.float32


def _pick_tile(n):
    for t in (1280, 640, 512, 256, 128):
        if n % t == 0:
            return t
    return n


def _lrelu(x):
    return jnp.where(x > 0, x, 0.1 * x)


_PREC = jax.lax.Precision.DEFAULT


def _dotn(a, w):
    return jnp.dot(a, w, preferred_element_type=_F32, precision=_PREC)


def _dot_t(a, w):
    return lax.dot_general(a, w, (((1,), (1,)), ((), ())),
                           preferred_element_type=_F32, precision=_PREC)


def _dot_c0(a, w):
    return lax.dot_general(a, w, (((0,), (0,)), ((), ())),
                           preferred_element_type=_F32, precision=_PREC)


_HI = jax.lax.Precision.HIGHEST


def _dot_t_hi(a, w):
    return lax.dot_general(a, w, (((1,), (1,)), ((), ())),
                           preferred_element_type=_F32, precision=_HI)


def _dot_c0_hi(a, w):
    return lax.dot_general(a, w, (((0,), (0,)), ((), ())),
                           preferred_element_type=_F32, precision=_HI)


def _onehot(ids_col, n_rows):
    seg = lax.broadcasted_iota(jnp.int32, (n_rows, _B), 1)
    return (ids_col == seg).astype(_F32)



def _embed_body(x_ref, ids_ref, wmain_ref, waff_ref, wpre_ref, wh0_ref,
                main_ref, aff_ref, pre3_ref, h0t3_ref, sum_ref, cnt_ref,
                main_bf_ref, pre192_bf_ref):
    i = pl.program_id(0)

    @pl.when(i == 0)
    def _():
        sum_ref[...] = jnp.zeros((_HA, _B), _F32)
        cnt_ref[...] = jnp.zeros((1, _B), _F32)

    x = x_ref[...]
    emb = _lrelu(_dotn(x, wmain_ref[...]))
    pool = _lrelu(_dotn(x, waff_ref[...]))
    main_ref[...] = emb
    aff_ref[...] = pool
    main_bf_ref[...] = emb.astype(jnp.bfloat16)
    pres = []
    for d in range(_DD):
        pre = jnp.tanh(_dotn(pool, wpre_ref[d]))
        pre3_ref[d] = pre
        pres.append(pre.astype(jnp.bfloat16))
        h0t3_ref[d] = jnp.tanh(_dotn(pool, wh0_ref[d]))
    pre192_bf_ref[...] = jnp.concatenate(pres, axis=1)
    ohf = _onehot(ids_ref[...], _ET)
    sum_ref[...] += _dot_c0_hi(pool, ohf)
    cnt_ref[...] += jnp.sum(ohf, axis=0, keepdims=True)


def _embed(x, ids_col, wmain, waff, wpre, wh0):
    n, h = x.shape
    grid = n // _ET
    cfull = lambda shp: pl.BlockSpec(shp, lambda i: tuple(0 for _ in shp))
    return pl.pallas_call(
        _embed_body,
        grid=(grid,),
        in_specs=[
            pl.BlockSpec((_ET, h), lambda i: (i, 0)),
            pl.BlockSpec((_ET, 1), lambda i: (i, 0)),
            cfull((h, _HA)), cfull((h, _HA)),
            cfull((_DD, _HA, _HA)), cfull((_DD, _HA, _HA)),
        ],
        out_specs=[
            pl.BlockSpec((_ET, _HA), lambda i: (i, 0)),
            pl.BlockSpec((_ET, _HA), lambda i: (i, 0)),
            pl.BlockSpec((_DD, _ET, _HA), lambda i: (0, i, 0)),
            pl.BlockSpec((_DD, _ET, _HA), lambda i: (0, i, 0)),
            cfull((_HA, _B)), cfull((1, _B)),
            pl.BlockSpec((_ET, _HA), lambda i: (i, 0)),
            pl.BlockSpec((_ET, _DD * _HA), lambda i: (i, 0)),
        ],
        out_shape=[
            jax.ShapeDtypeStruct((n, _HA), _F32),
            jax.ShapeDtypeStruct((n, _HA), _F32),
            jax.ShapeDtypeStruct((_DD, n, _HA), _F32),
            jax.ShapeDtypeStruct((_DD, n, _HA), _F32),
            jax.ShapeDtypeStruct((_HA, _B), _F32),
            jax.ShapeDtypeStruct((1, _B), _F32),
            jax.ShapeDtypeStruct((n, _HA), jnp.bfloat16),
            jax.ShapeDtypeStruct((n, _DD * _HA), jnp.bfloat16),
        ],
    )(x, ids_col, wmain, waff, wpre, wh0)



def _sc_offsets(bc, bp, nc, npr):
    nct = nc // _CT
    npt = npr // _PT
    mesh = plsc.VectorSubcoreMesh(core_axis_name="c", subcore_axis_name="s")

    def body(bc_hbm, bp_hbm, coff_hbm, poff_hbm, bc_v, bp_v, res_v):
        cid = lax.axis_index("c")
        sid = lax.axis_index("s")
        wid = sid * 2 + cid
        pltpu.sync_copy(bc_hbm, bc_v)
        pltpu.sync_copy(bp_hbm, bp_v)

        for tgt_v, n, out_hbm in ((bc_v, nc, coff_hbm),
                                  (bp_v, npr, poff_hbm)):
            for base in (0, 32):
                k = wid + base

                def scan(i, acc, tgt_v=tgt_v, k=k):
                    v = tgt_v[pl.ds(i * 16, 16)]
                    return acc + jnp.minimum(jnp.maximum(k - v, 0), 1)

                acc = lax.fori_loop(0, n // 16, scan,
                                    jnp.zeros((16,), jnp.int32))
                res_v[...] = acc
                pltpu.sync_copy(res_v, out_hbm.at[pl.ds(k * 16, 16)])

    fn = pl.kernel(
        body,
        out_type=[jax.ShapeDtypeStruct((64 * 16,), jnp.int32),
                  jax.ShapeDtypeStruct((64 * 16,), jnp.int32)],
        mesh=mesh,
        scratch_types=[pltpu.VMEM((nc,), jnp.int32),
                       pltpu.VMEM((npr,), jnp.int32),
                       pltpu.VMEM((16,), jnp.int32)],
    )
    coff_raw, poff_raw = fn(bc, bp)
    coff = jnp.concatenate([coff_raw.reshape(64, 16).sum(1, dtype=jnp.int32),
                            jnp.full((1,), nc, jnp.int32)])
    poff = jnp.concatenate([poff_raw.reshape(64, 16).sum(1, dtype=jnp.int32),
                            jnp.full((1,), npr, jnp.int32)])
    u0 = poff[bc[::_CT]] // _PT
    u1 = (poff[bc[_CT - 1::_CT] + 1] + _PT - 1) // _PT
    t0 = coff[bp[::_PT]] // _CT
    t1 = (coff[bp[_PT - 1::_PT] + 1] + _CT - 1) // _CT
    return u0, u1, t0, t1



def _make_accum(t_out, t_in):
    def body(lo_ref, hi_ref, e_ref, ids_ref,
             eo_ref, pre3_ref, ido_ref, acc_ref):
        t = pl.program_id(0)
        e_t = e_ref[...]
        ids_t = ids_ref[...]

        def inner(u, acc):
            o = u * t_in
            eo_u = eo_ref[pl.ds(o, t_in), :]
            mask = (ids_t == ido_ref[:, pl.ds(o, t_in)]).astype(_F32)
            pw = (jax.nn.sigmoid(_dot_t(e_t, eo_u)) * mask
                  ).astype(jnp.bfloat16)
            return acc + jnp.dot(pw, pre3_ref[pl.ds(o, t_in), :],
                                 preferred_element_type=_F32)

        acc = lax.fori_loop(lo_ref[t], hi_ref[t], inner,
                            jnp.zeros((t_out, _DD * _HA), _F32))
        for d in range(_DD):
            acc_ref[d] = acc[:, d * _HA:(d + 1) * _HA]

    return body


def _accum(lo, hi, e_blk, ids_col, e_other, pre3_other, ids_row_other,
           t_out, t_in):
    n = e_blk.shape[0]
    n_other = e_other.shape[0]
    cfull = lambda shp: pl.BlockSpec(shp, lambda i: tuple(0 for _ in shp))
    smem = pl.BlockSpec(memory_space=pltpu.SMEM)
    return pl.pallas_call(
        _make_accum(t_out, t_in),
        grid=(n // t_out,),
        in_specs=[
            smem, smem,
            pl.BlockSpec((t_out, _HA), lambda t: (t, 0)),
            pl.BlockSpec((t_out, 1), lambda t: (t, 0)),
            cfull((n_other, _HA)), cfull((n_other, _DD * _HA)),
            cfull((1, n_other)),
        ],
        out_specs=pl.BlockSpec((_DD, t_out, _HA), lambda t: (0, t, 0)),
        out_shape=jax.ShapeDtypeStruct((_DD, n, _HA), _F32),
    )(lo, hi, e_blk, ids_col, e_other, pre3_other, ids_row_other)



def _make_sweep(d, n, tile, first_depth, is_prot, with_head):
    n_tiles = n // tile

    def body(*refs):
        it = iter(refs)
        h0t_ref = next(it)
        acc_ref = next(it)
        pool_ref = next(it)
        ids_ref = next(it)
        wgate_ref = next(it)
        wa_ref = next(it)
        if first_depth:
            csum_ref = next(it); ccnt_ref = next(it)
            psum_ref = next(it); pcnt_ref = next(it)
        else:
            m_ref = next(it)
        if is_prot:
            sc_ref = next(it); vc_ref = next(it)
            wih_ref = next(it); whh_ref = next(it)
            if with_head:
                w2_ref = next(it)
        mx_ref = next(it); s_ref = next(it); v_ref = next(it)
        if is_prot:
            m_out_ref = next(it)
            if with_head:
                out_ref = next(it)

        t = pl.program_id(0)

        @pl.when(t == 0)
        def _():
            mx_ref[...] = jnp.full((1, _B), _NEG, _F32)
            s_ref[...] = jnp.zeros((1, _B), _F32)
            v_ref[...] = jnp.zeros((_HA, _B), _F32)

        if first_depth:
            c0 = csum_ref[...] / jnp.maximum(ccnt_ref[...], 1.0)
            p0 = psum_ref[...] / jnp.maximum(pcnt_ref[...], 1.0)
            m_col = c0 * p0
        else:
            m_col = m_ref[...]

        gate_col = jnp.tanh(_dot_c0(wgate_ref[d], m_col))
        ohf = _onehot(ids_ref[...], tile)
        gate_rows = _dot_t_hi(ohf, gate_col)

        tmp = h0t_ref[0] * gate_rows * acc_ref[0]
        tmp_b = tmp.astype(jnp.bfloat16).astype(_F32)
        a = jnp.sum(tmp_b * wa_ref[d], axis=1, keepdims=True)
        a_b = jnp.where(ohf > 0, a, _NEG)
        tmax = jnp.max(a_b, axis=0, keepdims=True)
        m_old = mx_ref[...]
        m_new = jnp.maximum(m_old, tmax)
        scale = jnp.exp(m_old - m_new)
        a_ref_row = jnp.sum(ohf * m_new, axis=1, keepdims=True)
        e = jnp.exp(a - a_ref_row)
        mx_ref[...] = m_new
        s_ref[...] = s_ref[...] * scale + jnp.sum(ohf * e, axis=0,
                                                  keepdims=True)
        v_ref[...] = v_ref[...] * scale + _dot_c0_hi(pool_ref[...] * e, ohf)

        if is_prot:
            @pl.when(t == n_tiles - 1)
            def _():
                cf = vc_ref[...] / (sc_ref[...] + 1e-6)
                pf = v_ref[...] / (s_ref[...] + 1e-6)
                x = cf * pf
                gi = _dot_c0(wih_ref[...], x)
                gh = _dot_c0(whh_ref[...], m_col)
                r = jax.nn.sigmoid(gi[:_HA] + gh[:_HA])
                z = jax.nn.sigmoid(gi[_HA:2 * _HA] + gh[_HA:2 * _HA])
                n_ = jnp.tanh(gi[2 * _HA:] + r * gh[2 * _HA:])
                m_out_ref[...] = (1.0 - z) * n_ + z * m_col
                if with_head:
                    acc_o = jnp.zeros((1, _B), _F32)
                    for i in range(_HA):
                        kb = _lrelu(cf[i:i + 1, :] * pf)
                        kb = kb.astype(jnp.bfloat16).astype(_F32)
                        acc_o = acc_o + jnp.sum(
                            kb * w2_ref[:, i:i + 1], axis=0, keepdims=True)
                    out_ref[...] = acc_o

    return body


def kernel(comp_feature, prot_feature, batch_comp, batch_prot, params):
    p = params
    nc, hc = comp_feature.shape
    npr, hp = prot_feature.shape
    bc = batch_comp.astype(jnp.int32)
    bp = batch_prot.astype(jnp.int32)
    bc_col = bc.reshape(nc, 1)
    bp_col = bp.reshape(npr, 1)
    bp_row = bp.reshape(1, npr)
    nct = nc // _CT
    npt = npr // _PT

    u0, u1, t0, t1 = _sc_offsets(bc, bp, nc, npr)

    pcf, ce, cpre3, hc0t3, csum, ccnt, pcf_bf, cpre192_bf = _embed(
        comp_feature, bc_col, p['W_pc'], p['W_caff'], p['W_c2p'], p['W_hc0'])
    ppf, pe, ppre3, hp0t3, psum, pcnt, ppf_bf, ppre192_bf = _embed(
        prot_feature, bp_col, p['W_pp'], p['W_paff'], p['W_p2c'], p['W_hp0'])

    cfull = lambda shp: pl.BlockSpec(shp, lambda i: tuple(0 for _ in shp))

    accc3 = _accum(u0, u1, pcf, bc_col, ppf, ppre192_bf, bp_row,
                   _CT, _PT)
    accp3 = _accum(t0, t1, ppf, bp_col, pcf, cpre192_bf,
                   bc.reshape(1, nc), _PT, _CT)

    whc1 = (p['W_hc1'].reshape(_DD, 1, _HA)
            .astype(jnp.bfloat16).astype(jnp.float32))
    whp1 = (p['W_hp1'].reshape(_DD, 1, _HA)
            .astype(jnp.bfloat16).astype(jnp.float32))
    wih = p['W_ih'].T
    whh = p['W_hh'].T
    w2 = (p['W_out'].reshape(_HA, _HA).T
          .astype(jnp.bfloat16).astype(jnp.float32))

    stat_specs = [cfull((1, _B)), cfull((1, _B)), cfull((_HA, _B))]
    stat_shapes = [jax.ShapeDtypeStruct((1, _B), _F32),
                   jax.ShapeDtypeStruct((1, _B), _F32),
                   jax.ShapeDtypeStruct((_HA, _B), _F32)]

    st_c = _pick_tile(nc)
    st_p = _pick_tile(npr)
    m_col = None
    for d in range(_DD):
        first = (d == 0)
        last = (d == _DD - 1)

        c_in = [
            pl.BlockSpec((1, st_c, _HA), lambda t, d_=d: (d_, t, 0)),
            pl.BlockSpec((1, st_c, _HA), lambda t, d_=d: (d_, t, 0)),
            pl.BlockSpec((st_c, _HA), lambda t: (t, 0)),
            pl.BlockSpec((st_c, 1), lambda t: (t, 0)),
            cfull((_DD, _HA, _HA)), cfull((_DD, 1, _HA)),
        ]
        c_args = [hc0t3, accc3, ce, bc_col, p['W_mc1'], whc1]
        if first:
            c_in += [cfull((_HA, _B)), cfull((1, _B)),
                     cfull((_HA, _B)), cfull((1, _B))]
            c_args += [csum, ccnt, psum, pcnt]
        else:
            c_in += [cfull((_HA, _B))]
            c_args += [m_col]
        mxc, sc, vc = pl.pallas_call(
            _make_sweep(d, nc, st_c, first, False, False),
            grid=(nc // st_c,),
            in_specs=c_in,
            out_specs=stat_specs,
            out_shape=stat_shapes,
        )(*c_args)

        p_in = [
            pl.BlockSpec((1, st_p, _HA), lambda t, d_=d: (d_, t, 0)),
            pl.BlockSpec((1, st_p, _HA), lambda t, d_=d: (d_, t, 0)),
            pl.BlockSpec((st_p, _HA), lambda t: (t, 0)),
            pl.BlockSpec((st_p, 1), lambda t: (t, 0)),
            cfull((_DD, _HA, _HA)), cfull((_DD, 1, _HA)),
        ]
        p_args = [hp0t3, accp3, pe, bp_col, p['W_mp1'], whp1]
        if first:
            p_in += [cfull((_HA, _B)), cfull((1, _B)),
                     cfull((_HA, _B)), cfull((1, _B))]
            p_args += [csum, ccnt, psum, pcnt]
        else:
            p_in += [cfull((_HA, _B))]
            p_args += [m_col]
        p_in += [cfull((1, _B)), cfull((_HA, _B)),
                 cfull((_HA, 3 * _HA)), cfull((_HA, 3 * _HA))]
        p_args += [sc, vc, wih, whh]
        p_out_specs = stat_specs + [cfull((_HA, _B))]
        p_out_shapes = stat_shapes + [jax.ShapeDtypeStruct((_HA, _B), _F32)]
        if last:
            p_in += [cfull((_HA, _HA))]
            p_args += [w2]
            p_out_specs += [cfull((1, _B))]
            p_out_shapes += [jax.ShapeDtypeStruct((1, _B), _F32)]
        res = pl.pallas_call(
            _make_sweep(d, npr, st_p, first, True, last),
            grid=(npr // st_p,),
            in_specs=p_in,
            out_specs=p_out_specs,
            out_shape=p_out_shapes,
        )(*p_args)
        if last:
            _, _, _, m_col, out_row = res
        else:
            _, _, _, m_col = res

    return out_row.reshape(_B, 1) + p['b_out']

# --- scband reference (transcript-rebuilt; emitter-appended) ---
"""Pipeline reference for scband-affinity-neural-network-cliff-net-monn-29300266893468 (READ-ONLY COPY).

The authoritative reference and input builder live on the scoring server;
editing this copy changes nothing except your own understanding.
"""

import jax, jax.numpy as jnp
import numpy as np

HC, HP, HA, DD, B = 128, 128, 64, 3, 64
NC, NPR = 12800, 25600


def setup_inputs(seed: int = 0) -> dict:
    key = jax.random.key(seed)
    ks = jax.random.split(key, 24)
    params = {}
    params['W_pc'] = 0.05 * jax.random.normal(ks[4], (HC, HA)); params['b_pc'] = jnp.zeros((HA,))
    params['W_pp'] = 0.05 * jax.random.normal(ks[5], (HP, HA)); params['b_pp'] = jnp.zeros((HA,))
    params['W_caff'] = 0.05 * jax.random.normal(ks[6], (HC, HA)); params['b_caff'] = jnp.zeros((HA,))
    params['W_paff'] = 0.05 * jax.random.normal(ks[7], (HP, HA)); params['b_paff'] = jnp.zeros((HA,))
    for name, i, o, kk in [('mc1', HA, HA, 8), ('mp1', HA, HA, 9), ('hc0', HA, HA, 10), ('hp0', HA, HA, 11), ('hc1', HA, 1, 12), ('hp1', HA, 1, 13), ('c2p', HA, HA, 14), ('p2c', HA, HA, 15)]:
        params['W_' + name] = 0.05 * jax.random.normal(ks[kk], (DD, i, o))
        params['b_' + name] = jnp.zeros((DD, o))
    params['W_ih'] = 0.05 * jax.random.normal(ks[16], (3 * HA, HA)); params['b_ih'] = jnp.zeros((3 * HA,))
    params['W_hh'] = 0.05 * jax.random.normal(ks[17], (3 * HA, HA)); params['b_hh'] = jnp.zeros((3 * HA,))
    params['W_out'] = 0.05 * jax.random.normal(ks[18], (HA * HA, 1)); params['b_out'] = jnp.zeros((1,))
    comp_feature = jax.random.normal(ks[0], (NC, HC), dtype=jnp.float32)
    prot_feature = jax.random.normal(ks[1], (NPR, HP), dtype=jnp.float32)
    batch_comp = jnp.sort(jax.random.randint(ks[2], (NC,), 0, B))
    batch_prot = jnp.sort(jax.random.randint(ks[3], (NPR,), 0, B))
    return {'comp_feature': comp_feature, 'prot_feature': prot_feature, 'batch_comp': batch_comp, 'batch_prot': batch_prot, 'params': params}


def _seg_mean(x, ids, n):
    s = jax.ops.segment_sum(x, ids, num_segments=n)
    c = jax.ops.segment_sum(jnp.ones((x.shape[0], 1), x.dtype), ids, num_segments=n)
    return s / jnp.maximum(c, 1.0)


def _scatter_softmax(a, ids, n):
    m = jax.ops.segment_max(a, ids, num_segments=n)
    e = jnp.exp(a - m[ids])
    s = jax.ops.segment_sum(e, ids, num_segments=n) + 1e-6
    return e / s[ids]


def _gru(x, h, p):
    gi = x @ p['W_ih'].T + p['b_ih']
    gh = h @ p['W_hh'].T + p['b_hh']
    ir, iz, inn = jnp.split(gi, 3, axis=1)
    hr, hz, hn = jnp.split(gh, 3, axis=1)
    r = jax.nn.sigmoid(ir + hr)
    z = jax.nn.sigmoid(iz + hz)
    nn_ = jnp.tanh(inn + r * hn)
    return (1.0 - z) * nn_ + z * h


def _forward(comp_feature, prot_feature, params, batch_comp, batch_prot, nb):
    p = params
    lrelu = lambda v: jax.nn.leaky_relu(v, 0.1)
    pcf = lrelu(comp_feature @ p['W_pc'] + p['b_pc'])
    ppf = lrelu(prot_feature @ p['W_pp'] + p['b_pp'])
    mask = batch_comp[:, None] == batch_prot[None, :]
    pw = jnp.where(mask, jax.nn.sigmoid(pcf @ ppf.T), jnp.zeros((), pcf.dtype))
    ce = lrelu(comp_feature @ p['W_caff'] + p['b_caff'])
    pe = lrelu(prot_feature @ p['W_paff'] + p['b_paff'])
    c0 = _seg_mean(ce, batch_comp, nb)
    p0 = _seg_mean(pe, batch_prot, nb)
    m = c0 * p0
    cf = None
    pf = None
    for d in range(DD):
        c_pre = jnp.tanh(ce @ p['W_c2p'][d] + p['b_c2p'][d])
        p_pre = jnp.tanh(pe @ p['W_p2c'][d] + p['b_p2c'][d])
        p_to_c = pw @ p_pre
        c_to_p = pw.T @ c_pre
        c_tmp = jnp.tanh(ce @ p['W_hc0'][d] + p['b_hc0'][d]) * jnp.tanh(m @ p['W_mc1'][d] + p['b_mc1'][d])[batch_comp] * p_to_c
        p_tmp = jnp.tanh(pe @ p['W_hp0'][d] + p['b_hp0'][d]) * jnp.tanh(m @ p['W_mp1'][d] + p['b_mp1'][d])[batch_prot] * c_to_p
        cf = jax.ops.segment_sum(ce * _scatter_softmax(c_tmp @ p['W_hc1'][d] + p['b_hc1'][d], batch_comp, nb), batch_comp, num_segments=nb)
        pf = jax.ops.segment_sum(pe * _scatter_softmax(p_tmp @ p['W_hp1'][d] + p['b_hp1'][d], batch_prot, nb), batch_prot, num_segments=nb)
        m = _gru(cf * pf, m, p)
    kron = (cf[:, :, None] * pf[:, None, :]).reshape(nb, -1)
    kron = jax.nn.leaky_relu(kron, 0.1)
    return kron @ p['W_out'] + p['b_out']


def reference(comp_feature, prot_feature, batch_comp, batch_prot, params):
    nb = B
    return _forward(comp_feature, prot_feature, params, batch_comp, batch_prot, nb)

if __name__ == "__main__":
    import jax
    _d = setup_inputs()
    print(jax.jit(kernel)(*tuple(_d.values())))

</pallas_src>

<mosaic_0001>
#map = affine_map<(d0, d1) -> (0)>
module attributes {stable_mosaic.version = 14 : i64} {
  func.func @body(%arg0: i32, %arg1: i32, %arg2: memref<12800xi32, #tpu.memory_space<hbm>>, %arg3: memref<25600xi32, #tpu.memory_space<hbm>>, %arg4: memref<1024xi32, #tpu.memory_space<hbm>>, %arg5: memref<1024xi32, #tpu.memory_space<hbm>>, %arg6: memref<12800xi32, #tpu.memory_space<vmem>>, %arg7: memref<25600xi32, #tpu.memory_space<vmem>>, %arg8: memref<16xi32, #tpu.memory_space<vmem>>) attributes {dimension_semantics = [#tpu.dimension_semantics<core_parallel>, #tpu.dimension_semantics<subcore_parallel>], iteration_bounds = array<i64: 2, 16>, scalar_prefetch = 0 : i64, scratch_operands = 3 : i64, tpu.core_type = #tpu.core_type<sc_vector_subcore>, window_params = [{transform_indices = #map}, {transform_indices = #map}, {transform_indices = #map}, {transform_indices = #map}]} {
    %mul3A = arith.constant 2 : i32
    %mul3A_0 = arith.muli %arg1, %mul3A : i32
    %add3A = arith.addi %mul3A_0, %arg0 : i32
    "tpu.region"() ({
      %run_scoped3A = tpu.sem_alloc : memref<!tpu.dma_semaphore, #tpu.memory_space<semaphore_mem>>
      tpu.enqueue_dma source(%arg2 : memref<12800xi32, #tpu.memory_space<hbm>>) target(%arg6 : memref<12800xi32, #tpu.memory_space<vmem>>) target_semaphore(%run_scoped3A : memref<!tpu.dma_semaphore, #tpu.memory_space<semaphore_mem>>)
      tpu.wait_dma2 semaphore(%run_scoped3A : memref<!tpu.dma_semaphore, #tpu.memory_space<semaphore_mem>>) src(%arg2 : memref<12800xi32, #tpu.memory_space<hbm>>) dst(%arg6 : memref<12800xi32, #tpu.memory_space<vmem>>)
      tpu.yield
    }) : () -> ()
    "tpu.region"() ({
      %run_scoped3A = tpu.sem_alloc : memref<!tpu.dma_semaphore, #tpu.memory_space<semaphore_mem>>
      tpu.enqueue_dma source(%arg3 : memref<25600xi32, #tpu.memory_space<hbm>>) target(%arg7 : memref<25600xi32, #tpu.memory_space<vmem>>) target_semaphore(%run_scoped3A : memref<!tpu.dma_semaphore, #tpu.memory_space<semaphore_mem>>)
      tpu.wait_dma2 semaphore(%run_scoped3A : memref<!tpu.dma_semaphore, #tpu.memory_space<semaphore_mem>>) src(%arg3 : memref<25600xi32, #tpu.memory_space<hbm>>) dst(%arg7 : memref<25600xi32, #tpu.memory_space<vmem>>)
      tpu.yield
    }) : () -> ()
    %add3A_1 = arith.constant 0 : i32
    %add3A_2 = arith.addi %add3A, %add3A_1 : i32
    %broadcast_in_dim3A = arith.constant 0 : i32
    %broadcast_in_dim3A_3 = vector.broadcast %broadcast_in_dim3A : i32 to vector<16xi32>
    %scan3A = arith.constant 0 : i32
    %scan3A_4 = arith.constant 800 : i32
    %scan3A_5 = arith.addi %scan3A, %scan3A_4 : i32
    %scan3A_6 = arith.constant 1 : i32
    %scan3A_7 = scf.for %scan3A_62 = %scan3A to %scan3A_5 step %scan3A_6 iter_args(%scan3A_63 = %broadcast_in_dim3A_3) -> (vector<16xi32>)  : i32 {
      %mul3A_64 = arith.constant 16 : i32
      %mul3A_65 = arith.muli %scan3A_62, %mul3A_64 : i32
      %get3A = arith.index_cast %mul3A_65 : i32 to index
      %get3A_66 = tpu.vector_load %arg6[%get3A] {strides = array<i32>} : memref<12800xi32, #tpu.memory_space<vmem>>, vector<16xi32>,
      %get3A_67 = vector.shape_cast %get3A_66 : vector<16xi32> to vector<16xi32>
      %sub3A = vector.broadcast %add3A_2 : i32 to vector<16xi32>
      %sub3A_68 = arith.subi %sub3A, %get3A_67 : vector<16xi32>
      %max3A = arith.constant 0 : i32
      %max3A_69 = vector.broadcast %max3A : i32 to vector<16xi32>
      %max3A_70 = arith.maxsi %sub3A_68, %max3A_69 : vector<16xi32>
      %min3A = arith.constant 1 : i32
      %min3A_71 = vector.broadcast %min3A : i32 to vector<16xi32>
      %min3A_72 = arith.minsi %max3A_70, %min3A_71 : vector<16xi32>
      %add3A_73 = arith.addi %scan3A_63, %min3A_72 : vector<16xi32>
      scf.yield %add3A_73 : vector<16xi32>
    }
    %scan3A_8 = arith.constant 800 : i32
    %swap3A = arith.constant 0 : index
    %swap3A_9 = tpu.vector_load %arg8[%swap3A] {strides = array<i32>} : memref<16xi32, #tpu.memory_space<vmem>>, vector<16xi32>,
    %swap3A_10 = vector.shape_cast %swap3A_9 : vector<16xi32> to vector<16xi32>
    %swap3A_11 = vector.shape_cast %scan3A_7 : vector<16xi32> to vector<16xi32>
    tpu.vector_store %arg8[%swap3A], %swap3A_11 {strides = array<i32>} : memref<16xi32, #tpu.memory_space<vmem>>, vector<16xi32>,
    %mul3A_12 = arith.constant 16 : i32
    %mul3A_13 = arith.muli %add3A_2, %mul3A_12 : i32
    "tpu.region"() ({
      %run_scoped3A = tpu.sem_alloc : memref<!tpu.dma_semaphore, #tpu.memory_space<semaphore_mem>>
      %dma_start3A = tpu.memref_slice %arg4[%mul3A_13] : memref<1024xi32, #tpu.memory_space<hbm>> -> memref<16xi32, #tpu.memory_space<hbm>>
      %dma_start3A_62 = tpu.memref_slice %arg4[%mul3A_13] : memref<1024xi32, #tpu.memory_space<hbm>> -> memref<16xi32, #tpu.memory_space<hbm>>
      tpu.enqueue_dma source(%arg8 : memref<16xi32, #tpu.memory_space<vmem>>) target(%dma_start3A_62 : memref<16xi32, #tpu.memory_space<hbm>>) target_semaphore(%run_scoped3A : memref<!tpu.dma_semaphore, #tpu.memory_space<semaphore_mem>>)
      %dma_wait3A = tpu.memref_slice %arg4[%mul3A_13] : memref<1024xi32, #tpu.memory_space<hbm>> -> memref<16xi32, #tpu.memory_space<hbm>>
      %dma_wait3A_63 = tpu.memref_slice %arg4[%mul3A_13] : memref<1024xi32, #tpu.memory_space<hbm>> -> memref<16xi32, #tpu.memory_space<hbm>>
      tpu.wait_dma2 semaphore(%run_scoped3A : memref<!tpu.dma_semaphore, #tpu.memory_space<semaphore_mem>>) src(%arg8 : memref<16xi32, #tpu.memory_space<vmem>>) dst(%dma_wait3A_63 : memref<16xi32, #tpu.memory_space<hbm>>)
      tpu.yield
    }) : () -> ()
    %add3A_14 = arith.constant 32 : i32
    %add3A_15 = arith.addi %add3A, %add3A_14 : i32
    %broadcast_in_dim3A_16 = arith.constant 0 : i32
    %broadcast_in_dim3A_17 = vector.broadcast %broadcast_in_dim3A_16 : i32 to vector<16xi32>
    %scan3A_18 = arith.constant 0 : i32
    %scan3A_19 = arith.constant 800 : i32
    %scan3A_20 = arith.addi %scan3A_18, %scan3A_19 : i32
    %scan3A_21 = arith.constant 1 : i32
    %scan3A_22 = scf.for %scan3A_62 = %scan3A_18 to %scan3A_20 step %scan3A_21 iter_args(%scan3A_63 = %broadcast_in_dim3A_17) -> (vector<16xi32>)  : i32 {
      %mul3A_64 = arith.constant 16 : i32
      %mul3A_65 = arith.muli %scan3A_62, %mul3A_64 : i32
      %get3A = arith.index_cast %mul3A_65 : i32 to index
      %get3A_66 = tpu.vector_load %arg6[%get3A] {strides = array<i32>} : memref<12800xi32, #tpu.memory_space<vmem>>, vector<16xi32>,
      %get3A_67 = vector.shape_cast %get3A_66 : vector<16xi32> to vector<16xi32>
      %sub3A = vector.broadcast %add3A_15 : i32 to vector<16xi32>
      %sub3A_68 = arith.subi %sub3A, %get3A_67 : vector<16xi32>
      %max3A = arith.constant 0 : i32
      %max3A_69 = vector.broadcast %max3A : i32 to vector<16xi32>
      %max3A_70 = arith.maxsi %sub3A_68, %max3A_69 : vector<16xi32>
      %min3A = arith.constant 1 : i32
      %min3A_71 = vector.broadcast %min3A : i32 to vector<16xi32>
      %min3A_72 = arith.minsi %max3A_70, %min3A_71 : vector<16xi32>
      %add3A_73 = arith.addi %scan3A_63, %min3A_72 : vector<16xi32>
      scf.yield %add3A_73 : vector<16xi32>
    }
    %scan3A_23 = arith.constant 800 : i32
    %swap3A_24 = arith.constant 0 : index
    %swap3A_25 = tpu.vector_load %arg8[%swap3A_24] {strides = array<i32>} : memref<16xi32, #tpu.memory_space<vmem>>, vector<16xi32>,
    %swap3A_26 = vector.shape_cast %swap3A_25 : vector<16xi32> to vector<16xi32>
    %swap3A_27 = vector.shape_cast %scan3A_22 : vector<16xi32> to vector<16xi32>
    tpu.vector_store %arg8[%swap3A_24], %swap3A_27 {strides = array<i32>} : memref<16xi32, #tpu.memory_space<vmem>>, vector<16xi32>,
    %mul3A_28 = arith.constant 16 : i32
    %mul3A_29 = arith.muli %add3A_15, %mul3A_28 : i32
    "tpu.region"() ({
      %run_scoped3A = tpu.sem_alloc : memref<!tpu.dma_semaphore, #tpu.memory_space<semaphore_mem>>
      %dma_start3A = tpu.memref_slice %arg4[%mul3A_29] : memref<1024xi32, #tpu.memory_space<hbm>> -> memref<16xi32, #tpu.memory_space<hbm>>
      %dma_start3A_62 = tpu.memref_slice %arg4[%mul3A_29] : memref<1024xi32, #tpu.memory_space<hbm>> -> memref<16xi32, #tpu.memory_space<hbm>>
      tpu.enqueue_dma source(%arg8 : memref<16xi32, #tpu.memory_space<vmem>>) target(%dma_start3A_62 : memref<16xi32, #tpu.memory_space<hbm>>) target_semaphore(%run_scoped3A : memref<!tpu.dma_semaphore, #tpu.memory_space<semaphore_mem>>)
      %dma_wait3A = tpu.memref_slice %arg4[%mul3A_29] : memref<1024xi32, #tpu.memory_space<hbm>> -> memref<16xi32, #tpu.memory_space<hbm>>
      %dma_wait3A_63 = tpu.memref_slice %arg4[%mul3A_29] : memref<1024xi32, #tpu.memory_space<hbm>> -> memref<16xi32, #tpu.memory_space<hbm>>
      tpu.wait_dma2 semaphore(%run_scoped3A : memref<!tpu.dma_semaphore, #tpu.memory_space<semaphore_mem>>) src(%arg8 : memref<16xi32, #tpu.memory_space<vmem>>) dst(%dma_wait3A_63 : memref<16xi32, #tpu.memory_space<hbm>>)
      tpu.yield
    }) : () -> ()
    %add3A_30 = arith.constant 0 : i32
    %add3A_31 = arith.addi %add3A, %add3A_30 : i32
    %broadcast_in_dim3A_32 = arith.constant 0 : i32
    %broadcast_in_dim3A_33 = vector.broadcast %broadcast_in_dim3A_32 : i32 to vector<16xi32>
    %scan3A_34 = arith.constant 0 : i32
    %scan3A_35 = arith.constant 1600 : i32
    %scan3A_36 = arith.addi %scan3A_34, %scan3A_35 : i32
    %scan3A_37 = arith.constant 1 : i32
    %scan3A_38 = scf.for %scan3A_62 = %scan3A_34 to %scan3A_36 step %scan3A_37 iter_args(%scan3A_63 = %broadcast_in_dim3A_33) -> (vector<16xi32>)  : i32 {
      %mul3A_64 = arith.constant 16 : i32
      %mul3A_65 = arith.muli %scan3A_62, %mul3A_64 : i32
      %get3A = arith.index_cast %mul3A_65 : i32 to index
      %get3A_66 = tpu.vector_load %arg7[%get3A] {strides = array<i32>} : memref<25600xi32, #tpu.memory_space<vmem>>, vector<16xi32>,
      %get3A_67 = vector.shape_cast %get3A_66 : vector<16xi32> to vector<16xi32>
      %sub3A = vector.broadcast %add3A_31 : i32 to vector<16xi32>
      %sub3A_68 = arith.subi %sub3A, %get3A_67 : vector<16xi32>
      %max3A = arith.constant 0 : i32
      %max3A_69 = vector.broadcast %max3A : i32 to vector<16xi32>
      %max3A_70 = arith.maxsi %sub3A_68, %max3A_69 : vector<16xi32>
      %min3A = arith.constant 1 : i32
      %min3A_71 = vector.broadcast %min3A : i32 to vector<16xi32>
      %min3A_72 = arith.minsi %max3A_70, %min3A_71 : vector<16xi32>
      %add3A_73 = arith.addi %scan3A_63, %min3A_72 : vector<16xi32>
      scf.yield %add3A_73 : vector<16xi32>
    }
    %scan3A_39 = arith.constant 1600 : i32
    %swap3A_40 = arith.constant 0 : index
    %swap3A_41 = tpu.vector_load %arg8[%swap3A_40] {strides = array<i32>} : memref<16xi32, #tpu.memory_space<vmem>>, vector<16xi32>,
    %swap3A_42 = vector.shape_cast %swap3A_41 : vector<16xi32> to vector<16xi32>
    %swap3A_43 = vector.shape_cast %scan3A_38 : vector<16xi32> to vector<16xi32>
    tpu.vector_store %arg8[%swap3A_40], %swap3A_43 {strides = array<i32>} : memref<16xi32, #tpu.memory_space<vmem>>, vector<16xi32>,
    %mul3A_44 = arith.constant 16 : i32
    %mul3A_45 = arith.muli %add3A_31, %mul3A_44 : i32
    "tpu.region"() ({
      %run_scoped3A = tpu.sem_alloc : memref<!tpu.dma_semaphore, #tpu.memory_space<semaphore_mem>>
      %dma_start3A = tpu.memref_slice %arg5[%mul3A_45] : memref<1024xi32, #tpu.memory_space<hbm>> -> memref<16xi32, #tpu.memory_space<hbm>>
      %dma_start3A_62 = tpu.memref_slice %arg5[%mul3A_45] : memref<1024xi32, #tpu.memory_space<hbm>> -> memref<16xi32, #tpu.memory_space<hbm>>
      tpu.enqueue_dma source(%arg8 : memref<16xi32, #tpu.memory_space<vmem>>) target(%dma_start3A_62 : memref<16xi32, #tpu.memory_space<hbm>>) target_semaphore(%run_scoped3A : memref<!tpu.dma_semaphore, #tpu.memory_space<semaphore_mem>>)
      %dma_wait3A = tpu.memref_slice %arg5[%mul3A_45] : memref<1024xi32, #tpu.memory_space<hbm>> -> memref<16xi32, #tpu.memory_space<hbm>>
      %dma_wait3A_63 = tpu.memref_slice %arg5[%mul3A_45] : memref<1024xi32, #tpu.memory_space<hbm>> -> memref<16xi32, #tpu.memory_space<hbm>>
      tpu.wait_dma2 semaphore(%run_scoped3A : memref<!tpu.dma_semaphore, #tpu.memory_space<semaphore_mem>>) src(%arg8 : memref<16xi32, #tpu.memory_space<vmem>>) dst(%dma_wait3A_63 : memref<16xi32, #tpu.memory_space<hbm>>)
      tpu.yield
    }) : () -> ()
    %add3A_46 = arith.constant 32 : i32
    %add3A_47 = arith.addi %add3A, %add3A_46 : i32
    %broadcast_in_dim3A_48 = arith.constant 0 : i32
    %broadcast_in_dim3A_49 = vector.broadcast %broadcast_in_dim3A_48 : i32 to vector<16xi32>
    %scan3A_50 = arith.constant 0 : i32
    %scan3A_51 = arith.constant 1600 : i32
    %scan3A_52 = arith.addi %scan3A_50, %scan3A_51 : i32
    %scan3A_53 = arith.constant 1 : i32
    %scan3A_54 = scf.for %scan3A_62 = %scan3A_50 to %scan3A_52 step %scan3A_53 iter_args(%scan3A_63 = %broadcast_in_dim3A_49) -> (vector<16xi32>)  : i32 {
      %mul3A_64 = arith.constant 16 : i32
      %mul3A_65 = arith.muli %scan3A_62, %mul3A_64 : i32
      %get3A = arith.index_cast %mul3A_65 : i32 to index
      %get3A_66 = tpu.vector_load %arg7[%get3A] {strides = array<i32>} : memref<25600xi32, #tpu.memory_space<vmem>>, vector<16xi32>,
      %get3A_67 = vector.shape_cast %get3A_66 : vector<16xi32> to vector<16xi32>
      %sub3A = vector.broadcast %add3A_47 : i32 to vector<16xi32>
      %sub3A_68 = arith.subi %sub3A, %get3A_67 : vector<16xi32>
      %max3A = arith.constant 0 : i32
      %max3A_69 = vector.broadcast %max3A : i32 to vector<16xi32>
      %max3A_70 = arith.maxsi %sub3A_68, %max3A_69 : vector<16xi32>
      %min3A = arith.constant 1 : i32
      %min3A_71 = vector.broadcast %min3A : i32 to vector<16xi32>
      %min3A_72 = arith.minsi %max3A_70, %min3A_71 : vector<16xi32>
      %add3A_73 = arith.addi %scan3A_63, %min3A_72 : vector<16xi32>
      scf.yield %add3A_73 : vector<16xi32>
    }
    %scan3A_55 = arith.constant 1600 : i32
    %swap3A_56 = arith.constant 0 : index
    %swap3A_57 = tpu.vector_load %arg8[%swap3A_56] {strides = array<i32>} : memref<16xi32, #tpu.memory_space<vmem>>, vector<16xi32>,
    %swap3A_58 = vector.shape_cast %swap3A_57 : vector<16xi32> to vector<16xi32>
    %swap3A_59 = vector.shape_cast %scan3A_54 : vector<16xi32> to vector<16xi32>
    tpu.vector_store %arg8[%swap3A_56], %swap3A_59 {strides = array<i32>} : memref<16xi32, #tpu.memory_space<vmem>>, vector<16xi32>,
    %mul3A_60 = arith.constant 16 : i32
    %mul3A_61 = arith.muli %add3A_47, %mul3A_60 : i32
    "tpu.region"() ({
      %run_scoped3A = tpu.sem_alloc : memref<!tpu.dma_semaphore, #tpu.memory_space<semaphore_mem>>
      %dma_start3A = tpu.memref_slice %arg5[%mul3A_61] : memref<1024xi32, #tpu.memory_space<hbm>> -> memref<16xi32, #tpu.memory_space<hbm>>
      %dma_start3A_62 = tpu.memref_slice %arg5[%mul3A_61] : memref<1024xi32, #tpu.memory_space<hbm>> -> memref<16xi32, #tpu.memory_space<hbm>>
      tpu.enqueue_dma source(%arg8 : memref<16xi32, #tpu.memory_space<vmem>>) target(%dma_start3A_62 : memref<16xi32, #tpu.memory_space<hbm>>) target_semaphore(%run_scoped3A : memref<!tpu.dma_semaphore, #tpu.memory_space<semaphore_mem>>)
      %dma_wait3A = tpu.memref_slice %arg5[%mul3A_61] : memref<1024xi32, #tpu.memory_space<hbm>> -> memref<16xi32, #tpu.memory_space<hbm>>
      %dma_wait3A_63 = tpu.memref_slice %arg5[%mul3A_61] : memref<1024xi32, #tpu.memory_space<hbm>> -> memref<16xi32, #tpu.memory_space<hbm>>
      tpu.wait_dma2 semaphore(%run_scoped3A : memref<!tpu.dma_semaphore, #tpu.memory_space<semaphore_mem>>) src(%arg8 : memref<16xi32, #tpu.memory_space<vmem>>) dst(%dma_wait3A_63 : memref<16xi32, #tpu.memory_space<hbm>>)
      tpu.yield
    }) : () -> ()
    return
  }
}

module attributes {stable_mosaic.version = 14 : i64} {
  func.func @_embed_body(%arg0: i32, %arg1: memref<512x128xf32, #tpu.memory_space<vmem>>, %arg2: memref<512x1xi32, #tpu.memory_space<vmem>>, %arg3: memref<128x64xf32, #tpu.memory_space<vmem>>, %arg4: memref<128x64xf32, #tpu.memory_space<vmem>>, %arg5: memref<3x64x64xf32, #tpu.memory_space<vmem>>, %arg6: memref<3x64x64xf32, #tpu.memory_space<vmem>>, %arg7: memref<512x64xf32, #tpu.memory_space<vmem>>, %arg8: memref<512x64xf32, #tpu.memory_space<vmem>>, %arg9: memref<3x512x64xf32, #tpu.memory_space<vmem>>, %arg10: memref<3x512x64xf32, #tpu.memory_space<vmem>>, %arg11: memref<64x64xf32, #tpu.memory_space<vmem>>, %arg12: memref<1x64xf32, #tpu.memory_space<vmem>>, %arg13: memref<512x64xbf16, #tpu.memory_space<vmem>>, %arg14: memref<512x192xbf16, #tpu.memory_space<vmem>>) attributes {dimension_semantics = [#tpu.dimension_semantics<arbitrary>], iteration_bounds = array<i64: 25>, scalar_prefetch = 0 : i64, scratch_operands = 0 : i64, tpu.core_type = #tpu.core_type<tc>, window_params = [{transform_indices = @transform_0, window_bounds = array<i64: 512, 128>}, {transform_indices = @transform_1, window_bounds = array<i64: 512, 1>}, {pipeline_mode = #tpu.pipeline_mode<synchronous>, transform_indices = @transform_2, window_bounds = array<i64: 128, 64>}, {pipeline_mode = #tpu.pipeline_mode<synchronous>, transform_indices = @transform_3, window_bounds = array<i64: 128, 64>}, {pipeline_mode = #tpu.pipeline_mode<synchronous>, transform_indices = @transform_4, window_bounds = array<i64: 3, 64, 64>}, {pipeline_mode = #tpu.pipeline_mode<synchronous>, transform_indices = @transform_5, window_bounds = array<i64: 3, 64, 64>}, {transform_indices = @transform_6, window_bounds = array<i64: 512, 64>}, {transform_indices = @transform_7, window_bounds = array<i64: 512, 64>}, {transform_indices = @transform_8, window_bounds = array<i64: 3, 512, 64>}, {transform_indices = @transform_9, window_bounds = array<i64: 3, 512, 64>}, {pipeline_mode = #tpu.pipeline_mode<synchronous>, transform_indices = @transform_10, window_bounds = array<i64: 64, 64>}, {pipeline_mode = #tpu.pipeline_mode<synchronous>, transform_indices = @transform_11, window_bounds = array<i64: 1, 64>}, {transform_indices = @transform_12, window_bounds = array<i64: 512, 64>}, {transform_indices = @transform_13, window_bounds = array<i64: 512, 192>}]} {
    %eq3A = arith.constant 0 : i32
    %eq3A_0 = arith.cmpi eq, %arg0, %eq3A : i32
    %convert_element_type3A = arith.extui %eq3A_0 : i1 to i32
    %cond3A = arith.constant 0 : i32
    %cond3A_1 = arith.cmpi ne, %convert_element_type3A, %cond3A : i32
    scf.if %cond3A_1 {
      %broadcast_in_dim3A_145 = arith.constant 0.000000e+00 : f32
      %broadcast_in_dim3A_146 = vector.broadcast %broadcast_in_dim3A_145 : f32 to vector<64x64xf32>
      %swap3A_147 = arith.constant 0 : index
      %swap3A_148 = arith.constant 0 : index
      %swap3A_149 = vector.load %arg11[%swap3A_147, %swap3A_148] : memref<64x64xf32, #tpu.memory_space<vmem>>, vector<64x64xf32>
      tpu.vector_store %arg11[%swap3A_147, %swap3A_148], %broadcast_in_dim3A_146 {strides = array<i32>} : memref<64x64xf32, #tpu.memory_space<vmem>>, vector<64x64xf32>,
      %broadcast_in_dim3A_150 = arith.constant 0.000000e+00 : f32
      %broadcast_in_dim3A_151 = vector.broadcast %broadcast_in_dim3A_150 : f32 to vector<1x64xf32>
      %swap3A_152 = arith.constant 0 : index
      %swap3A_153 = arith.constant 0 : index
      %swap3A_154 = vector.load %arg12[%swap3A_152, %swap3A_153] : memref<1x64xf32, #tpu.memory_space<vmem>>, vector<1x64xf32>
      tpu.vector_store %arg12[%swap3A_152, %swap3A_153], %broadcast_in_dim3A_151 {strides = array<i32>} : memref<1x64xf32, #tpu.memory_space<vmem>>, vector<1x64xf32>,
    } else {
    }
    %get3A = arith.constant 0 : index
    %get3A_2 = arith.constant 0 : index
    %get3A_3 = vector.load %arg1[%get3A, %get3A_2] : memref<512x128xf32, #tpu.memory_space<vmem>>, vector<512x128xf32>
    %get3A_4 = arith.constant 0 : index
    %get3A_5 = arith.constant 0 : index
    %get3A_6 = vector.load %arg3[%get3A_4, %get3A_5] : memref<128x64xf32, #tpu.memory_space<vmem>>, vector<128x64xf32>
    %dot_general3A = arith.constant dense<0.000000e+00> : vector<512x64xf32>
    %dot_general3A_7 = tpu.matmul %get3A_3, %get3A_6, %dot_general3A {dimension_numbers = #tpu.dot_dimension_numbers<[1], [0], [0], [1], [0, 0, 1, 1], [], []>, transpose_lhs_hint = false} : vector<512x128xf32>, vector<128x64xf32>, vector<512x64xf32> -> vector<512x64xf32>
    %gt3A = arith.constant 0.000000e+00 : f32
    %gt3A_8 = vector.broadcast %gt3A : f32 to vector<512x64xf32>
    %gt3A_9 = arith.cmpf ogt, %dot_general3A_7, %gt3A_8 : vector<512x64xf32>
    %mul3A = arith.constant 1.000000e-01 : f32
    %mul3A_10 = vector.broadcast %mul3A : f32 to vector<512x64xf32>
    %mul3A_11 = arith.mulf %mul3A_10, %dot_general3A_7 : vector<512x64xf32>
    %select_n3A = arith.select %gt3A_9, %dot_general3A_7, %mul3A_11 : vector<512x64xi1>, vector<512x64xf32>
    %get3A_12 = arith.constant 0 : index
    %get3A_13 = arith.constant 0 : index
    %get3A_14 = vector.load %arg4[%get3A_12, %get3A_13] : memref<128x64xf32, #tpu.memory_space<vmem>>, vector<128x64xf32>
    %dot_general3A_15 = arith.constant dense<0.000000e+00> : vector<512x64xf32>
    %dot_general3A_16 = tpu.matmul %get3A_3, %get3A_14, %dot_general3A_15 {dimension_numbers = #tpu.dot_dimension_numbers<[1], [0], [0], [1], [0, 0, 1, 1], [], []>, transpose_lhs_hint = false} : vector<512x128xf32>, vector<128x64xf32>, vector<512x64xf32> -> vector<512x64xf32>
    %gt3A_17 = arith.constant 0.000000e+00 : f32
    %gt3A_18 = vector.broadcast %gt3A_17 : f32 to vector<512x64xf32>
    %gt3A_19 = arith.cmpf ogt, %dot_general3A_16, %gt3A_18 : vector<512x64xf32>
    %mul3A_20 = arith.constant 1.000000e-01 : f32
    %mul3A_21 = vector.broadcast %mul3A_20 : f32 to vector<512x64xf32>
    %mul3A_22 = arith.mulf %mul3A_21, %dot_general3A_16 : vector<512x64xf32>
    %select_n3A_23 = arith.select %gt3A_19, %dot_general3A_16, %mul3A_22 : vector<512x64xi1>, vector<512x64xf32>
    %swap3A = arith.constant 0 : index
    %swap3A_24 = arith.constant 0 : index
    %swap3A_25 = vector.load %arg7[%swap3A, %swap3A_24] : memref<512x64xf32, #tpu.memory_space<vmem>>, vector<512x64xf32>
    tpu.vector_store %arg7[%swap3A, %swap3A_24], %select_n3A {strides = array<i32>} : memref<512x64xf32, #tpu.memory_space<vmem>>, vector<512x64xf32>,
    %swap3A_26 = arith.constant 0 : index
    %swap3A_27 = arith.constant 0 : index
    %swap3A_28 = vector.load %arg8[%swap3A_26, %swap3A_27] : memref<512x64xf32, #tpu.memory_space<vmem>>, vector<512x64xf32>
    tpu.vector_store %arg8[%swap3A_26, %swap3A_27], %select_n3A_23 {strides = array<i32>} : memref<512x64xf32, #tpu.memory_space<vmem>>, vector<512x64xf32>,
    %convert_element_type3A_29 = arith.truncf %select_n3A : vector<512x64xf32> to vector<512x64xbf16>
    %swap3A_30 = arith.constant 0 : index
    %swap3A_31 = arith.constant 0 : index
    %swap3A_32 = vector.load %arg13[%swap3A_30, %swap3A_31] : memref<512x64xbf16, #tpu.memory_space<vmem>>, vector<512x64xbf16>
    tpu.vector_store %arg13[%swap3A_30, %swap3A_31], %convert_element_type3A_29 {strides = array<i32>} : memref<512x64xbf16, #tpu.memory_space<vmem>>, vector<512x64xbf16>,
    %get3A_33 = arith.constant 0 : index
    %get3A_34 = arith.constant 0 : index
    %get3A_35 = arith.constant 0 : index
    %get3A_36 = vector.load %arg5[%get3A_33, %get3A_34, %get3A_35] : memref<3x64x64xf32, #tpu.memory_space<vmem>>, vector<1x64x64xf32>
    %get3A_37 = vector.shape_cast %get3A_36 : vector<1x64x64xf32> to vector<64x64xf32>
    %dot_general3A_38 = arith.constant dense<0.000000e+00> : vector<512x64xf32>
    %dot_general3A_39 = tpu.matmul %select_n3A_23, %get3A_37, %dot_general3A_38 {dimension_numbers = #tpu.dot_dimension_numbers<[1], [0], [0], [1], [0, 0, 1, 1], [], []>, transpose_lhs_hint = false} : vector<512x64xf32>, vector<64x64xf32>, vector<512x64xf32> -> vector<512x64xf32>
    %tanh3A = math.tanh %dot_general3A_39 : vector<512x64xf32>
    %swap3A_40 = arith.constant 0 : index
    %swap3A_41 = arith.constant 0 : index
    %swap3A_42 = arith.constant 0 : index
    %swap3A_43 = vector.load %arg9[%swap3A_40, %swap3A_41, %swap3A_42] : memref<3x512x64xf32, #tpu.memory_space<vmem>>, vector<1x512x64xf32>
    %swap3A_44 = vector.shape_cast %swap3A_43 : vector<1x512x64xf32> to vector<512x64xf32>
    %swap3A_45 = vector.shape_cast %tanh3A : vector<512x64xf32> to vector<1x512x64xf32>
    tpu.vector_store %arg9[%swap3A_40, %swap3A_41, %swap3A_42], %swap3A_45 {strides = array<i32>} : memref<3x512x64xf32, #tpu.memory_space<vmem>>, vector<1x512x64xf32>,
    %convert_element_type3A_46 = arith.truncf %tanh3A : vector<512x64xf32> to vector<512x64xbf16>
    %get3A_47 = arith.constant 0 : index
    %get3A_48 = arith.constant 0 : index
    %get3A_49 = arith.constant 0 : index
    %get3A_50 = vector.load %arg6[%get3A_47, %get3A_48, %get3A_49] : memref<3x64x64xf32, #tpu.memory_space<vmem>>, vector<1x64x64xf32>
    %get3A_51 = vector.shape_cast %get3A_50 : vector<1x64x64xf32> to vector<64x64xf32>
    %dot_general3A_52 = arith.constant dense<0.000000e+00> : vector<512x64xf32>
    %dot_general3A_53 = tpu.matmul %select_n3A_23, %get3A_51, %dot_general3A_52 {dimension_numbers = #tpu.dot_dimension_numbers<[1], [0], [0], [1], [0, 0, 1, 1], [], []>, transpose_lhs_hint = false} : vector<512x64xf32>, vector<64x64xf32>, vector<512x64xf32> -> vector<512x64xf32>
    %tanh3A_54 = math.tanh %dot_general3A_53 : vector<512x64xf32>
    %swap3A_55 = arith.constant 0 : index
    %swap3A_56 = arith.constant 0 : index
    %swap3A_57 = arith.constant 0 : index
    %swap3A_58 = vector.load %arg10[%swap3A_55, %swap3A_56, %swap3A_57] : memref<3x512x64xf32, #tpu.memory_space<vmem>>, vector<1x512x64xf32>
    %swap3A_59 = vector.shape_cast %swap3A_58 : vector<1x512x64xf32> to vector<512x64xf32>
    %swap3A_60 = vector.shape_cast %tanh3A_54 : vector<512x64xf32> to vector<1x512x64xf32>
    tpu.vector_store %arg10[%swap3A_55, %swap3A_56, %swap3A_57], %swap3A_60 {strides = array<i32>} : memref<3x512x64xf32, #tpu.memory_space<vmem>>, vector<1x512x64xf32>,
    %get3A_61 = arith.constant 1 : index
    %get3A_62 = arith.constant 0 : index
    %get3A_63 = arith.constant 0 : index
    %get3A_64 = vector.load %arg5[%get3A_61, %get3A_62, %get3A_63] : memref<3x64x64xf32, #tpu.memory_space<vmem>>, vector<1x64x64xf32>
    %get3A_65 = vector.shape_cast %get3A_64 : vector<1x64x64xf32> to vector<64x64xf32>
    %dot_general3A_66 = arith.constant dense<0.000000e+00> : vector<512x64xf32>
    %dot_general3A_67 = tpu.matmul %select_n3A_23, %get3A_65, %dot_general3A_66 {dimension_numbers = #tpu.dot_dimension_numbers<[1], [0], [0], [1], [0, 0, 1, 1], [], []>, transpose_lhs_hint = false} : vector<512x64xf32>, vector<64x64xf32>, vector<512x64xf32> -> vector<512x64xf32>
    %tanh3A_68 = math.tanh %dot_general3A_67 : vector<512x64xf32>
    %swap3A_69 = arith.constant 1 : index
    %swap3A_70 = arith.constant 0 : index
    %swap3A_71 = arith.constant 0 : index
    %swap3A_72 = vector.load %arg9[%swap3A_69, %swap3A_70, %swap3A_71] : memref<3x512x64xf32, #tpu.memory_space<vmem>>, vector<1x512x64xf32>
    %swap3A_73 = vector.shape_cast %swap3A_72 : vector<1x512x64xf32> to vector<512x64xf32>
    %swap3A_74 = vector.shape_cast %tanh3A_68 : vector<512x64xf32> to vector<1x512x64xf32>
    tpu.vector_store %arg9[%swap3A_69, %swap3A_70, %swap3A_71], %swap3A_74 {strides = array<i32>} : memref<3x512x64xf32, #tpu.memory_space<vmem>>, vector<1x512x64xf32>,
    %convert_element_type3A_75 = arith.truncf %tanh3A_68 : vector<512x64xf32> to vector<512x64xbf16>
    %get3A_76 = arith.constant 1 : index
    %get3A_77 = arith.constant 0 : index
    %get3A_78 = arith.constant 0 : index
    %get3A_79 = vector.load %arg6[%get3A_76, %get3A_77, %get3A_78] : memref<3x64x64xf32, #tpu.memory_space<vmem>>, vector<1x64x64xf32>
    %get3A_80 = vector.shape_cast %get3A_79 : vector<1x64x64xf32> to vector<64x64xf32>
    %dot_general3A_81 = arith.constant dense<0.000000e+00> : vector<512x64xf32>
    %dot_general3A_82 = tpu.matmul %select_n3A_23, %get3A_80, %dot_general3A_81 {dimension_numbers = #tpu.dot_dimension_numbers<[1], [0], [0], [1], [0, 0, 1, 1], [], []>, transpose_lhs_hint = false} : vector<512x64xf32>, vector<64x64xf32>, vector<512x64xf32> -> vector<512x64xf32>
    %tanh3A_83 = math.tanh %dot_general3A_82 : vector<512x64xf32>
    %swap3A_84 = arith.constant 1 : index
    %swap3A_85 = arith.constant 0 : index
    %swap3A_86 = arith.constant 0 : index
    %swap3A_87 = vector.load %arg10[%swap3A_84, %swap3A_85, %swap3A_86] : memref<3x512x64xf32, #tpu.memory_space<vmem>>, vector<1x512x64xf32>
    %swap3A_88 = vector.shape_cast %swap3A_87 : vector<1x512x64xf32> to vector<512x64xf32>
    %swap3A_89 = vector.shape_cast %tanh3A_83 : vector<512x64xf32> to vector<1x512x64xf32>
    tpu.vector_store %arg10[%swap3A_84, %swap3A_85, %swap3A_86], %swap3A_89 {strides = array<i32>} : memref<3x512x64xf32, #tpu.memory_space<vmem>>, vector<1x512x64xf32>,
    %get3A_90 = arith.constant 2 : index
    %get3A_91 = arith.constant 0 : index
    %get3A_92 = arith.constant 0 : index
    %get3A_93 = vector.load %arg5[%get3A_90, %get3A_91, %get3A_92] : memref<3x64x64xf32, #tpu.memory_space<vmem>>, vector<1x64x64xf32>
    %get3A_94 = vector.shape_cast %get3A_93 : vector<1x64x64xf32> to vector<64x64xf32>
    %dot_general3A_95 = arith.constant dense<0.000000e+00> : vector<512x64xf32>
    %dot_general3A_96 = tpu.matmul %select_n3A_23, %get3A_94, %dot_general3A_95 {dimension_numbers = #tpu.dot_dimension_numbers<[1], [0], [0], [1], [0, 0, 1, 1], [], []>, transpose_lhs_hint = false} : vector<512x64xf32>, vector<64x64xf32>, vector<512x64xf32> -> vector<512x64xf32>
    %tanh3A_97 = math.tanh %dot_general3A_96 : vector<512x64xf32>
    %swap3A_98 = arith.constant 2 : index
    %swap3A_99 = arith.constant 0 : index
    %swap3A_100 = arith.constant 0 : index
    %swap3A_101 = vector.load %arg9[%swap3A_98, %swap3A_99, %swap3A_100] : memref<3x512x64xf32, #tpu.memory_space<vmem>>, vector<1x512x64xf32>
    %swap3A_102 = vector.shape_cast %swap3A_101 : vector<1x512x64xf32> to vector<512x64xf32>
    %swap3A_103 = vector.shape_cast %tanh3A_97 : vector<512x64xf32> to vector<1x512x64xf32>
    tpu.vector_store %arg9[%swap3A_98, %swap3A_99, %swap3A_100], %swap3A_103 {strides = array<i32>} : memref<3x512x64xf32, #tpu.memory_space<vmem>>, vector<1x512x64xf32>,
    %convert_element_type3A_104 = arith.truncf %tanh3A_97 : vector<512x64xf32> to vector<512x64xbf16>
    %get3A_105 = arith.constant 2 : index
    %get3A_106 = arith.constant 0 : index
    %get3A_107 = arith.constant 0 : index
    %get3A_108 = vector.load %arg6[%get3A_105, %get3A_106, %get3A_107] : memref<3x64x64xf32, #tpu.memory_space<vmem>>, vector<1x64x64xf32>
    %get3A_109 = vector.shape_cast %get3A_108 : vector<1x64x64xf32> to vector<64x64xf32>
    %dot_general3A_110 = arith.constant dense<0.000000e+00> : vector<512x64xf32>
    %dot_general3A_111 = tpu.matmul %select_n3A_23, %get3A_109, %dot_general3A_110 {dimension_numbers = #tpu.dot_dimension_numbers<[1], [0], [0], [1], [0, 0, 1, 1], [], []>, transpose_lhs_hint = false} : vector<512x64xf32>, vector<64x64xf32>, vector<512x64xf32> -> vector<512x64xf32>
    %tanh3A_112 = math.tanh %dot_general3A_111 : vector<512x64xf32>
    %swap3A_113 = arith.constant 2 : index
    %swap3A_114 = arith.constant 0 : index
    %swap3A_115 = arith.constant 0 : index
    %swap3A_116 = vector.load %arg10[%swap3A_113, %swap3A_114, %swap3A_115] : memref<3x512x64xf32, #tpu.memory_space<vmem>>, vector<1x512x64xf32>
    %swap3A_117 = vector.shape_cast %swap3A_116 : vector<1x512x64xf32> to vector<512x64xf32>
    %swap3A_118 = vector.shape_cast %tanh3A_112 : vector<512x64xf32> to vector<1x512x64xf32>
    tpu.vector_store %arg10[%swap3A_113, %swap3A_114, %swap3A_115], %swap3A_118 {strides = array<i32>} : memref<3x512x64xf32, #tpu.memory_space<vmem>>, vector<1x512x64xf32>,
    %concatenate3A = tpu.concatenate %convert_element_type3A_46, %convert_element_type3A_75, %convert_element_type3A_104 in 1 : vector<512x64xbf16>, vector<512x64xbf16>, vector<512x64xbf16> -> vector<512x192xbf16>
    %swap3A_119 = arith.constant 0 : index
    %swap3A_120 = arith.constant 0 : index
    %swap3A_121 = vector.load %arg14[%swap3A_119, %swap3A_120] : memref<512x192xbf16, #tpu.memory_space<vmem>>, vector<512x192xbf16>
    tpu.vector_store %arg14[%swap3A_119, %swap3A_120], %concatenate3A {strides = array<i32>} : memref<512x192xbf16, #tpu.memory_space<vmem>>, vector<512x192xbf16>,
    %get3A_122 = arith.constant 0 : index
    %get3A_123 = arith.constant 0 : index
    %get3A_124 = vector.load %arg2[%get3A_122, %get3A_123] : memref<512x1xi32, #tpu.memory_space<vmem>>, vector<512x1xi32>
    %iota3A = tpu.iota {dimensions = array<i32: 1>} : vector<512x64xi32>
    %eq3A_125 = vector.broadcast %get3A_124 : vector<512x1xi32> to vector<512x64xi32>
    %eq3A_126 = arith.cmpi eq, %eq3A_125, %iota3A : vector<512x64xi32>
    %convert_element_type3A_127 = arith.extui %eq3A_126 : vector<512x64xi1> to vector<512x64xi32>
    %convert_element_type3A_128 = arith.sitofp %convert_element_type3A_127 : vector<512x64xi32> to vector<512x64xf32>
    %get3A_129 = arith.constant 0 : index
    %get3A_130 = arith.constant 0 : index
    %get3A_131 = vector.load %arg11[%get3A_129, %get3A_130] : memref<64x64xf32, #tpu.memory_space<vmem>>, vector<64x64xf32>
    %dot_general3A_132 = arith.constant dense<0.000000e+00> : vector<64x64xf32>
    %dot_general3A_133 = tpu.matmul %select_n3A_23, %convert_element_type3A_128, %dot_general3A_132 {dimension_numbers = #tpu.dot_dimension_numbers<[0], [0], [1], [1], [0, 1, 1, 1], [], []>, precision = #tpu.contract_precision<fp32>, transpose_lhs_hint = false} : vector<512x64xf32>, vector<512x64xf32>, vector<64x64xf32> -> vector<64x64xf32>
    %add3A = arith.addf %get3A_131, %dot_general3A_133 : vector<64x64xf32>
    %swap3A_134 = arith.constant 0 : index
    %swap3A_135 = arith.constant 0 : index
    %swap3A_136 = vector.load %arg11[%swap3A_134, %swap3A_135] : memref<64x64xf32, #tpu.memory_space<vmem>>, vector<64x64xf32>
    tpu.vector_store %arg11[%swap3A_134, %swap3A_135], %add3A {strides = array<i32>} : memref<64x64xf32, #tpu.memory_space<vmem>>, vector<64x64xf32>,
    %get3A_137 = arith.constant 0 : index
    %get3A_138 = arith.constant 0 : index
    %get3A_139 = vector.load %arg12[%get3A_137, %get3A_138] : memref<1x64xf32, #tpu.memory_space<vmem>>, vector<1x64xf32>
    %reduce_sum3A = arith.constant dense<0.000000e+00> : vector<64xf32>
    %reduce_sum3A_140 = vector.multi_reduction <add>, %convert_element_type3A_128, %reduce_sum3A [0] : vector<512x64xf32> to vector<64xf32>
    %broadcast_in_dim3A = vector.shape_cast %reduce_sum3A_140 : vector<64xf32> to vector<1x64xf32>
    %add3A_141 = arith.addf %get3A_139, %broadcast_in_dim3A : vector<1x64xf32>
    %swap3A_142 = arith.constant 0 : index
    %swap3A_143 = arith.constant 0 : index
    %swap3A_144 = vector.load %arg12[%swap3A_142, %swap3A_143] : memref<1x64xf32, #tpu.memory_space<vmem>>, vector<1x64xf32>
    tpu.vector_store %arg12[%swap3A_142, %swap3A_143], %add3A_141 {strides = array<i32>} : memref<1x64xf32, #tpu.memory_space<vmem>>, vector<1x64xf32>,
    return
  }
  func.func @transform_0(%arg0: i32) -> (i32, i32) {
    %c0_i32 = arith.constant 0 : i32
    %c0_i32_0 = arith.constant 0 : i32
    return %arg0, %c0_i32 : i32, i32
  }
  func.func @transform_1(%arg0: i32) -> (i32, i32) {
    %c0_i32 = arith.constant 0 : i32
    %c0_i32_0 = arith.constant 0 : i32
    return %arg0, %c0_i32 : i32, i32
  }
  func.func @transform_2(%arg0: i32) -> (i32, i32) {
    %c0_i32 = arith.constant 0 : i32
    %c0_i32_0 = arith.constant 0 : i32
    %c0_i32_1 = arith.constant 0 : i32
    return %c0_i32, %c0_i32_0 : i32, i32
  }
  func.func @transform_3(%arg0: i32) -> (i32, i32) {
    %c0_i32 = arith.constant 0 : i32
    %c0_i32_0 = arith.constant 0 : i32
    %c0_i32_1 = arith.constant 0 : i32
    return %c0_i32, %c0_i32_0 : i32, i32
  }
  func.func @transform_4(%arg0: i32) -> (i32, i32, i32) {
    %c0_i32 = arith.constant 0 : i32
    %c0_i32_0 = arith.constant 0 : i32
    %c0_i32_1 = arith.constant 0 : i32
    %c0_i32_2 = arith.constant 0 : i32
    return %c0_i32, %c0_i32_0, %c0_i32_1 : i32, i32, i32
  }
  func.func @transform_5(%arg0: i32) -> (i32, i32, i32) {
    %c0_i32 = arith.constant 0 : i32
    %c0_i32_0 = arith.constant 0 : i32
    %c0_i32_1 = arith.constant 0 : i32
    %c0_i32_2 = arith.constant 0 : i32
    return %c0_i32, %c0_i32_0, %c0_i32_1 : i32, i32, i32
  }
  func.func @transform_6(%arg0: i32) -> (i32, i32) {
    %c0_i32 = arith.constant 0 : i32
    %c0_i32_0 = arith.constant 0 : i32
    return %arg0, %c0_i32 : i32, i32
  }
  func.func @transform_7(%arg0: i32) -> (i32, i32) {
    %c0_i32 = arith.constant 0 : i32
    %c0_i32_0 = arith.constant 0 : i32
    return %arg0, %c0_i32 : i32, i32
  }
  func.func @transform_8(%arg0: i32) -> (i32, i32, i32) {
    %c0_i32 = arith.constant 0 : i32
    %c0_i32_0 = arith.constant 0 : i32
    %c0_i32_1 = arith.constant 0 : i32
    return %c0_i32, %arg0, %c0_i32_0 : i32, i32, i32
  }
  func.func @transform_9(%arg0: i32) -> (i32, i32, i32) {
    %c0_i32 = arith.constant 0 : i32
    %c0_i32_0 = arith.constant 0 : i32
    %c0_i32_1 = arith.constant 0 : i32
    return %c0_i32, %arg0, %c0_i32_0 : i32, i32, i32
  }
  func.func @transform_10(%arg0: i32) -> (i32, i32) {
    %c0_i32 = arith.constant 0 : i32
    %c0_i32_0 = arith.constant 0 : i32
    %c0_i32_1 = arith.constant 0 : i32
    return %c0_i32, %c0_i32_0 : i32, i32
  }
  func.func @transform_11(%arg0: i32) -> (i32, i32) {
    %c0_i32 = arith.constant 0 : i32
    %c0_i32_0 = arith.constant 0 : i32
    %c0_i32_1 = arith.constant 0 : i32
    return %c0_i32, %c0_i32_0 : i32, i32
  }
  func.func @transform_12(%arg0: i32) -> (i32, i32) {
    %c0_i32 = arith.constant 0 : i32
    %c0_i32_0 = arith.constant 0 : i32
    return %arg0, %c0_i32 : i32, i32
  }
  func.func @transform_13(%arg0: i32) -> (i32, i32) {
    %c0_i32 = arith.constant 0 : i32
    %c0_i32_0 = arith.constant 0 : i32
    return %arg0, %c0_i32 : i32, i32
  }
}

module attributes {stable_mosaic.version = 14 : i64} {
  func.func @_embed_body(%arg0: i32, %arg1: memref<512x128xf32, #tpu.memory_space<vmem>>, %arg2: memref<512x1xi32, #tpu.memory_space<vmem>>, %arg3: memref<128x64xf32, #tpu.memory_space<vmem>>, %arg4: memref<128x64xf32, #tpu.memory_space<vmem>>, %arg5: memref<3x64x64xf32, #tpu.memory_space<vmem>>, %arg6: memref<3x64x64xf32, #tpu.memory_space<vmem>>, %arg7: memref<512x64xf32, #tpu.memory_space<vmem>>, %arg8: memref<512x64xf32, #tpu.memory_space<vmem>>, %arg9: memref<3x512x64xf32, #tpu.memory_space<vmem>>, %arg10: memref<3x512x64xf32, #tpu.memory_space<vmem>>, %arg11: memref<64x64xf32, #tpu.memory_space<vmem>>, %arg12: memref<1x64xf32, #tpu.memory_space<vmem>>, %arg13: memref<512x64xbf16, #tpu.memory_space<vmem>>, %arg14: memref<512x192xbf16, #tpu.memory_space<vmem>>) attributes {dimension_semantics = [#tpu.dimension_semantics<arbitrary>], iteration_bounds = array<i64: 50>, scalar_prefetch = 0 : i64, scratch_operands = 0 : i64, tpu.core_type = #tpu.core_type<tc>, window_params = [{transform_indices = @transform_0, window_bounds = array<i64: 512, 128>}, {transform_indices = @transform_1, window_bounds = array<i64: 512, 1>}, {pipeline_mode = #tpu.pipeline_mode<synchronous>, transform_indices = @transform_2, window_bounds = array<i64: 128, 64>}, {pipeline_mode = #tpu.pipeline_mode<synchronous>, transform_indices = @transform_3, window_bounds = array<i64: 128, 64>}, {pipeline_mode = #tpu.pipeline_mode<synchronous>, transform_indices = @transform_4, window_bounds = array<i64: 3, 64, 64>}, {pipeline_mode = #tpu.pipeline_mode<synchronous>, transform_indices = @transform_5, window_bounds = array<i64: 3, 64, 64>}, {transform_indices = @transform_6, window_bounds = array<i64: 512, 64>}, {transform_indices = @transform_7, window_bounds = array<i64: 512, 64>}, {transform_indices = @transform_8, window_bounds = array<i64: 3, 512, 64>}, {transform_indices = @transform_9, window_bounds = array<i64: 3, 512, 64>}, {pipeline_mode = #tpu.pipeline_mode<synchronous>, transform_indices = @transform_10, window_bounds = array<i64: 64, 64>}, {pipeline_mode = #tpu.pipeline_mode<synchronous>, transform_indices = @transform_11, window_bounds = array<i64: 1, 64>}, {transform_indices = @transform_12, window_bounds = array<i64: 512, 64>}, {transform_indices = @transform_13, window_bounds = array<i64: 512, 192>}]} {
    %eq3A = arith.constant 0 : i32
    %eq3A_0 = arith.cmpi eq, %arg0, %eq3A : i32
    %convert_element_type3A = arith.extui %eq3A_0 : i1 to i32
    %cond3A = arith.constant 0 : i32
    %cond3A_1 = arith.cmpi ne, %convert_element_type3A, %cond3A : i32
    scf.if %cond3A_1 {
      %broadcast_in_dim3A_145 = arith.constant 0.000000e+00 : f32
      %broadcast_in_dim3A_146 = vector.broadcast %broadcast_in_dim3A_145 : f32 to vector<64x64xf32>
      %swap3A_147 = arith.constant 0 : index
      %swap3A_148 = arith.constant 0 : index
      %swap3A_149 = vector.load %arg11[%swap3A_147, %swap3A_148] : memref<64x64xf32, #tpu.memory_space<vmem>>, vector<64x64xf32>
      tpu.vector_store %arg11[%swap3A_147, %swap3A_148], %broadcast_in_dim3A_146 {strides = array<i32>} : memref<64x64xf32, #tpu.memory_space<vmem>>, vector<64x64xf32>,
      %broadcast_in_dim3A_150 = arith.constant 0.000000e+00 : f32
      %broadcast_in_dim3A_151 = vector.broadcast %broadcast_in_dim3A_150 : f32 to vector<1x64xf32>
      %swap3A_152 = arith.constant 0 : index
      %swap3A_153 = arith.constant 0 : index
      %swap3A_154 = vector.load %arg12[%swap3A_152, %swap3A_153] : memref<1x64xf32, #tpu.memory_space<vmem>>, vector<1x64xf32>
      tpu.vector_store %arg12[%swap3A_152, %swap3A_153], %broadcast_in_dim3A_151 {strides = array<i32>} : memref<1x64xf32, #tpu.memory_space<vmem>>, vector<1x64xf32>,
    } else {
    }
    %get3A = arith.constant 0 : index
    %get3A_2 = arith.constant 0 : index
    %get3A_3 = vector.load %arg1[%get3A, %get3A_2] : memref<512x128xf32, #tpu.memory_space<vmem>>, vector<512x128xf32>
    %get3A_4 = arith.constant 0 : index
    %get3A_5 = arith.constant 0 : index
    %get3A_6 = vector.load %arg3[%get3A_4, %get3A_5] : memref<128x64xf32, #tpu.memory_space<vmem>>, vector<128x64xf32>
    %dot_general3A = arith.constant dense<0.000000e+00> : vector<512x64xf32>
    %dot_general3A_7 = tpu.matmul %get3A_3, %get3A_6, %dot_general3A {dimension_numbers = #tpu.dot_dimension_numbers<[1], [0], [0], [1], [0, 0, 1, 1], [], []>, transpose_lhs_hint = false} : vector<512x128xf32>, vector<128x64xf32>, vector<512x64xf32> -> vector<512x64xf32>
    %gt3A = arith.constant 0.000000e+00 : f32
    %gt3A_8 = vector.broadcast %gt3A : f32 to vector<512x64xf32>
    %gt3A_9 = arith.cmpf ogt, %dot_general3A_7, %gt3A_8 : vector<512x64xf32>
    %mul3A = arith.constant 1.000000e-01 : f32
    %mul3A_10 = vector.broadcast %mul3A : f32 to vector<512x64xf32>
    %mul3A_11 = arith.mulf %mul3A_10, %dot_general3A_7 : vector<512x64xf32>
    %select_n3A = arith.select %gt3A_9, %dot_general3A_7, %mul3A_11 : vector<512x64xi1>, vector<512x64xf32>
    %get3A_12 = arith.constant 0 : index
    %get3A_13 = arith.constant 0 : index
    %get3A_14 = vector.load %arg4[%get3A_12, %get3A_13] : memref<128x64xf32, #tpu.memory_space<vmem>>, vector<128x64xf32>
    %dot_general3A_15 = arith.constant dense<0.000000e+00> : vector<512x64xf32>
    %dot_general3A_16 = tpu.matmul %get3A_3, %get3A_14, %dot_general3A_15 {dimension_numbers = #tpu.dot_dimension_numbers<[1], [0], [0], [1], [0, 0, 1, 1], [], []>, transpose_lhs_hint = false} : vector<512x128xf32>, vector<128x64xf32>, vector<512x64xf32> -> vector<512x64xf32>
    %gt3A_17 = arith.constant 0.000000e+00 : f32
    %gt3A_18 = vector.broadcast %gt3A_17 : f32 to vector<512x64xf32>
    %gt3A_19 = arith.cmpf ogt, %dot_general3A_16, %gt3A_18 : vector<512x64xf32>
    %mul3A_20 = arith.constant 1.000000e-01 : f32
    %mul3A_21 = vector.broadcast %mul3A_20 : f32 to vector<512x64xf32>
    %mul3A_22 = arith.mulf %mul3A_21, %dot_general3A_16 : vector<512x64xf32>
    %select_n3A_23 = arith.select %gt3A_19, %dot_general3A_16, %mul3A_22 : vector<512x64xi1>, vector<512x64xf32>
    %swap3A = arith.constant 0 : index
    %swap3A_24 = arith.constant 0 : index
    %swap3A_25 = vector.load %arg7[%swap3A, %swap3A_24] : memref<512x64xf32, #tpu.memory_space<vmem>>, vector<512x64xf32>
    tpu.vector_store %arg7[%swap3A, %swap3A_24], %select_n3A {strides = array<i32>} : memref<512x64xf32, #tpu.memory_space<vmem>>, vector<512x64xf32>,
    %swap3A_26 = arith.constant 0 : index
    %swap3A_27 = arith.constant 0 : index
    %swap3A_28 = vector.load %arg8[%swap3A_26, %swap3A_27] : memref<512x64xf32, #tpu.memory_space<vmem>>, vector<512x64xf32>
    tpu.vector_store %arg8[%swap3A_26, %swap3A_27], %select_n3A_23 {strides = array<i32>} : memref<512x64xf32, #tpu.memory_space<vmem>>, vector<512x64xf32>,
    %convert_element_type3A_29 = arith.truncf %select_n3A : vector<512x64xf32> to vector<512x64xbf16>
    %swap3A_30 = arith.constant 0 : index
    %swap3A_31 = arith.constant 0 : index
    %swap3A_32 = vector.load %arg13[%swap3A_30, %swap3A_31] : memref<512x64xbf16, #tpu.memory_space<vmem>>, vector<512x64xbf16>
    tpu.vector_store %arg13[%swap3A_30, %swap3A_31], %convert_element_type3A_29 {strides = array<i32>} : memref<512x64xbf16, #tpu.memory_space<vmem>>, vector<512x64xbf16>,
    %get3A_33 = arith.constant 0 : index
    %get3A_34 = arith.constant 0 : index
    %get3A_35 = arith.constant 0 : index
    %get3A_36 = vector.load %arg5[%get3A_33, %get3A_34, %get3A_35] : memref<3x64x64xf32, #tpu.memory_space<vmem>>, vector<1x64x64xf32>
    %get3A_37 = vector.shape_cast %get3A_36 : vector<1x64x64xf32> to vector<64x64xf32>
    %dot_general3A_38 = arith.constant dense<0.000000e+00> : vector<512x64xf32>
    %dot_general3A_39 = tpu.matmul %select_n3A_23, %get3A_37, %dot_general3A_38 {dimension_numbers = #tpu.dot_dimension_numbers<[1], [0], [0], [1], [0, 0, 1, 1], [], []>, transpose_lhs_hint = false} : vector<512x64xf32>, vector<64x64xf32>, vector<512x64xf32> -> vector<512x64xf32>
    %tanh3A = math.tanh %dot_general3A_39 : vector<512x64xf32>
    %swap3A_40 = arith.constant 0 : index
    %swap3A_41 = arith.constant 0 : index
    %swap3A_42 = arith.constant 0 : index
    %swap3A_43 = vector.load %arg9[%swap3A_40, %swap3A_41, %swap3A_42] : memref<3x512x64xf32, #tpu.memory_space<vmem>>, vector<1x512x64xf32>
    %swap3A_44 = vector.shape_cast %swap3A_43 : vector<1x512x64xf32> to vector<512x64xf32>
    %swap3A_45 = vector.shape_cast %tanh3A : vector<512x64xf32> to vector<1x512x64xf32>
    tpu.vector_store %arg9[%swap3A_40, %swap3A_41, %swap3A_42], %swap3A_45 {strides = array<i32>} : memref<3x512x64xf32, #tpu.memory_space<vmem>>, vector<1x512x64xf32>,
    %convert_element_type3A_46 = arith.truncf %tanh3A : vector<512x64xf32> to vector<512x64xbf16>
    %get3A_47 = arith.constant 0 : index
    %get3A_48 = arith.constant 0 : index
    %get3A_49 = arith.constant 0 : index
    %get3A_50 = vector.load %arg6[%get3A_47, %get3A_48, %get3A_49] : memref<3x64x64xf32, #tpu.memory_space<vmem>>, vector<1x64x64xf32>
    %get3A_51 = vector.shape_cast %get3A_50 : vector<1x64x64xf32> to vector<64x64xf32>
    %dot_general3A_52 = arith.constant dense<0.000000e+00> : vector<512x64xf32>
    %dot_general3A_53 = tpu.matmul %select_n3A_23, %get3A_51, %dot_general3A_52 {dimension_numbers = #tpu.dot_dimension_numbers<[1], [0], [0], [1], [0, 0, 1, 1], [], []>, transpose_lhs_hint = false} : vector<512x64xf32>, vector<64x64xf32>, vector<512x64xf32> -> vector<512x64xf32>
    %tanh3A_54 = math.tanh %dot_general3A_53 : vector<512x64xf32>
    %swap3A_55 = arith.constant 0 : index
    %swap3A_56 = arith.constant 0 : index
    %swap3A_57 = arith.constant 0 : index
    %swap3A_58 = vector.load %arg10[%swap3A_55, %swap3A_56, %swap3A_57] : memref<3x512x64xf32, #tpu.memory_space<vmem>>, vector<1x512x64xf32>
    %swap3A_59 = vector.shape_cast %swap3A_58 : vector<1x512x64xf32> to vector<512x64xf32>
    %swap3A_60 = vector.shape_cast %tanh3A_54 : vector<512x64xf32> to vector<1x512x64xf32>
    tpu.vector_store %arg10[%swap3A_55, %swap3A_56, %swap3A_57], %swap3A_60 {strides = array<i32>} : memref<3x512x64xf32, #tpu.memory_space<vmem>>, vector<1x512x64xf32>,
    %get3A_61 = arith.constant 1 : index
    %get3A_62 = arith.constant 0 : index
    %get3A_63 = arith.constant 0 : index
    %get3A_64 = vector.load %arg5[%get3A_61, %get3A_62, %get3A_63] : memref<3x64x64xf32, #tpu.memory_space<vmem>>, vector<1x64x64xf32>
    %get3A_65 = vector.shape_cast %get3A_64 : vector<1x64x64xf32> to vector<64x64xf32>
    %dot_general3A_66 = arith.constant dense<0.000000e+00> : vector<512x64xf32>
    %dot_general3A_67 = tpu.matmul %select_n3A_23, %get3A_65, %dot_general3A_66 {dimension_numbers = #tpu.dot_dimension_numbers<[1], [0], [0], [1], [0, 0, 1, 1], [], []>, transpose_lhs_hint = false} : vector<512x64xf32>, vector<64x64xf32>, vector<512x64xf32> -> vector<512x64xf32>
    %tanh3A_68 = math.tanh %dot_general3A_67 : vector<512x64xf32>
    %swap3A_69 = arith.constant 1 : index
    %swap3A_70 = arith.constant 0 : index
    %swap3A_71 = arith.constant 0 : index
    %swap3A_72 = vector.load %arg9[%swap3A_69, %swap3A_70, %swap3A_71] : memref<3x512x64xf32, #tpu.memory_space<vmem>>, vector<1x512x64xf32>
    %swap3A_73 = vector.shape_cast %swap3A_72 : vector<1x512x64xf32> to vector<512x64xf32>
    %swap3A_74 = vector.shape_cast %tanh3A_68 : vector<512x64xf32> to vector<1x512x64xf32>
    tpu.vector_store %arg9[%swap3A_69, %swap3A_70, %swap3A_71], %swap3A_74 {strides = array<i32>} : memref<3x512x64xf32, #tpu.memory_space<vmem>>, vector<1x512x64xf32>,
    %convert_element_type3A_75 = arith.truncf %tanh3A_68 : vector<512x64xf32> to vector<512x64xbf16>
    %get3A_76 = arith.constant 1 : index
    %get3A_77 = arith.constant 0 : index
    %get3A_78 = arith.constant 0 : index
    %get3A_79 = vector.load %arg6[%get3A_76, %get3A_77, %get3A_78] : memref<3x64x64xf32, #tpu.memory_space<vmem>>, vector<1x64x64xf32>
    %get3A_80 = vector.shape_cast %get3A_79 : vector<1x64x64xf32> to vector<64x64xf32>
    %dot_general3A_81 = arith.constant dense<0.000000e+00> : vector<512x64xf32>
    %dot_general3A_82 = tpu.matmul %select_n3A_23, %get3A_80, %dot_general3A_81 {dimension_numbers = #tpu.dot_dimension_numbers<[1], [0], [0], [1], [0, 0, 1, 1], [], []>, transpose_lhs_hint = false} : vector<512x64xf32>, vector<64x64xf32>, vector<512x64xf32> -> vector<512x64xf32>
    %tanh3A_83 = math.tanh %dot_general3A_82 : vector<512x64xf32>
    %swap3A_84 = arith.constant 1 : index
    %swap3A_85 = arith.constant 0 : index
    %swap3A_86 = arith.constant 0 : index
    %swap3A_87 = vector.load %arg10[%swap3A_84, %swap3A_85, %swap3A_86] : memref<3x512x64xf32, #tpu.memory_space<vmem>>, vector<1x512x64xf32>
    %swap3A_88 = vector.shape_cast %swap3A_87 : vector<1x512x64xf32> to vector<512x64xf32>
    %swap3A_89 = vector.shape_cast %tanh3A_83 : vector<512x64xf32> to vector<1x512x64xf32>
    tpu.vector_store %arg10[%swap3A_84, %swap3A_85, %swap3A_86], %swap3A_89 {strides = array<i32>} : memref<3x512x64xf32, #tpu.memory_space<vmem>>, vector<1x512x64xf32>,
    %get3A_90 = arith.constant 2 : index
    %get3A_91 = arith.constant 0 : index
    %get3A_92 = arith.constant 0 : index
    %get3A_93 = vector.load %arg5[%get3A_90, %get3A_91, %get3A_92] : memref<3x64x64xf32, #tpu.memory_space<vmem>>, vector<1x64x64xf32>
    %get3A_94 = vector.shape_cast %get3A_93 : vector<1x64x64xf32> to vector<64x64xf32>
    %dot_general3A_95 = arith.constant dense<0.000000e+00> : vector<512x64xf32>
    %dot_general3A_96 = tpu.matmul %select_n3A_23, %get3A_94, %dot_general3A_95 {dimension_numbers = #tpu.dot_dimension_numbers<[1], [0], [0], [1], [0, 0, 1, 1], [], []>, transpose_lhs_hint = false} : vector<512x64xf32>, vector<64x64xf32>, vector<512x64xf32> -> vector<512x64xf32>
    %tanh3A_97 = math.tanh %dot_general3A_96 : vector<512x64xf32>
    %swap3A_98 = arith.constant 2 : index
    %swap3A_99 = arith.constant 0 : index
    %swap3A_100 = arith.constant 0 : index
    %swap3A_101 = vector.load %arg9[%swap3A_98, %swap3A_99, %swap3A_100] : memref<3x512x64xf32, #tpu.memory_space<vmem>>, vector<1x512x64xf32>
    %swap3A_102 = vector.shape_cast %swap3A_101 : vector<1x512x64xf32> to vector<512x64xf32>
    %swap3A_103 = vector.shape_cast %tanh3A_97 : vector<512x64xf32> to vector<1x512x64xf32>
    tpu.vector_store %arg9[%swap3A_98, %swap3A_99, %swap3A_100], %swap3A_103 {strides = array<i32>} : memref<3x512x64xf32, #tpu.memory_space<vmem>>, vector<1x512x64xf32>,
    %convert_element_type3A_104 = arith.truncf %tanh3A_97 : vector<512x64xf32> to vector<512x64xbf16>
    %get3A_105 = arith.constant 2 : index
    %get3A_106 = arith.constant 0 : index
    %get3A_107 = arith.constant 0 : index
    %get3A_108 = vector.load %arg6[%get3A_105, %get3A_106, %get3A_107] : memref<3x64x64xf32, #tpu.memory_space<vmem>>, vector<1x64x64xf32>
    %get3A_109 = vector.shape_cast %get3A_108 : vector<1x64x64xf32> to vector<64x64xf32>
    %dot_general3A_110 = arith.constant dense<0.000000e+00> : vector<512x64xf32>
    %dot_general3A_111 = tpu.matmul %select_n3A_23, %get3A_109, %dot_general3A_110 {dimension_numbers = #tpu.dot_dimension_numbers<[1], [0], [0], [1], [0, 0, 1, 1], [], []>, transpose_lhs_hint = false} : vector<512x64xf32>, vector<64x64xf32>, vector<512x64xf32> -> vector<512x64xf32>
    %tanh3A_112 = math.tanh %dot_general3A_111 : vector<512x64xf32>
    %swap3A_113 = arith.constant 2 : index
    %swap3A_114 = arith.constant 0 : index
    %swap3A_115 = arith.constant 0 : index
    %swap3A_116 = vector.load %arg10[%swap3A_113, %swap3A_114, %swap3A_115] : memref<3x512x64xf32, #tpu.memory_space<vmem>>, vector<1x512x64xf32>
    %swap3A_117 = vector.shape_cast %swap3A_116 : vector<1x512x64xf32> to vector<512x64xf32>
    %swap3A_118 = vector.shape_cast %tanh3A_112 : vector<512x64xf32> to vector<1x512x64xf32>
    tpu.vector_store %arg10[%swap3A_113, %swap3A_114, %swap3A_115], %swap3A_118 {strides = array<i32>} : memref<3x512x64xf32, #tpu.memory_space<vmem>>, vector<1x512x64xf32>,
    %concatenate3A = tpu.concatenate %convert_element_type3A_46, %convert_element_type3A_75, %convert_element_type3A_104 in 1 : vector<512x64xbf16>, vector<512x64xbf16>, vector<512x64xbf16> -> vector<512x192xbf16>
    %swap3A_119 = arith.constant 0 : index
    %swap3A_120 = arith.constant 0 : index
    %swap3A_121 = vector.load %arg14[%swap3A_119, %swap3A_120] : memref<512x192xbf16, #tpu.memory_space<vmem>>, vector<512x192xbf16>
    tpu.vector_store %arg14[%swap3A_119, %swap3A_120], %concatenate3A {strides = array<i32>} : memref<512x192xbf16, #tpu.memory_space<vmem>>, vector<512x192xbf16>,
    %get3A_122 = arith.constant 0 : index
    %get3A_123 = arith.constant 0 : index
    %get3A_124 = vector.load %arg2[%get3A_122, %get3A_123] : memref<512x1xi32, #tpu.memory_space<vmem>>, vector<512x1xi32>
    %iota3A = tpu.iota {dimensions = array<i32: 1>} : vector<512x64xi32>
    %eq3A_125 = vector.broadcast %get3A_124 : vector<512x1xi32> to vector<512x64xi32>
    %eq3A_126 = arith.cmpi eq, %eq3A_125, %iota3A : vector<512x64xi32>
    %convert_element_type3A_127 = arith.extui %eq3A_126 : vector<512x64xi1> to vector<512x64xi32>
    %convert_element_type3A_128 = arith.sitofp %convert_element_type3A_127 : vector<512x64xi32> to vector<512x64xf32>
    %get3A_129 = arith.constant 0 : index
    %get3A_130 = arith.constant 0 : index
    %get3A_131 = vector.load %arg11[%get3A_129, %get3A_130] : memref<64x64xf32, #tpu.memory_space<vmem>>, vector<64x64xf32>
    %dot_general3A_132 = arith.constant dense<0.000000e+00> : vector<64x64xf32>
    %dot_general3A_133 = tpu.matmul %select_n3A_23, %convert_element_type3A_128, %dot_general3A_132 {dimension_numbers = #tpu.dot_dimension_numbers<[0], [0], [1], [1], [0, 1, 1, 1], [], []>, precision = #tpu.contract_precision<fp32>, transpose_lhs_hint = false} : vector<512x64xf32>, vector<512x64xf32>, vector<64x64xf32> -> vector<64x64xf32>
    %add3A = arith.addf %get3A_131, %dot_general3A_133 : vector<64x64xf32>
    %swap3A_134 = arith.constant 0 : index
    %swap3A_135 = arith.constant 0 : index
    %swap3A_136 = vector.load %arg11[%swap3A_134, %swap3A_135] : memref<64x64xf32, #tpu.memory_space<vmem>>, vector<64x64xf32>
    tpu.vector_store %arg11[%swap3A_134, %swap3A_135], %add3A {strides = array<i32>} : memref<64x64xf32, #tpu.memory_space<vmem>>, vector<64x64xf32>,
    %get3A_137 = arith.constant 0 : index
    %get3A_138 = arith.constant 0 : index
    %get3A_139 = vector.load %arg12[%get3A_137, %get3A_138] : memref<1x64xf32, #tpu.memory_space<vmem>>, vector<1x64xf32>
    %reduce_sum3A = arith.constant dense<0.000000e+00> : vector<64xf32>
    %reduce_sum3A_140 = vector.multi_reduction <add>, %convert_element_type3A_128, %reduce_sum3A [0] : vector<512x64xf32> to vector<64xf32>
    %broadcast_in_dim3A = vector.shape_cast %reduce_sum3A_140 : vector<64xf32> to vector<1x64xf32>
    %add3A_141 = arith.addf %get3A_139, %broadcast_in_dim3A : vector<1x64xf32>
    %swap3A_142 = arith.constant 0 : index
    %swap3A_143 = arith.constant 0 : index
    %swap3A_144 = vector.load %arg12[%swap3A_142, %swap3A_143] : memref<1x64xf32, #tpu.memory_space<vmem>>, vector<1x64xf32>
    tpu.vector_store %arg12[%swap3A_142, %swap3A_143], %add3A_141 {strides = array<i32>} : memref<1x64xf32, #tpu.memory_space<vmem>>, vector<1x64xf32>,
    return
  }
  func.func @transform_0(%arg0: i32) -> (i32, i32) {
    %c0_i32 = arith.constant 0 : i32
    %c0_i32_0 = arith.constant 0 : i32
    return %arg0, %c0_i32 : i32, i32
  }
  func.func @transform_1(%arg0: i32) -> (i32, i32) {
    %c0_i32 = arith.constant 0 : i32
    %c0_i32_0 = arith.constant 0 : i32
    return %arg0, %c0_i32 : i32, i32
  }
  func.func @transform_2(%arg0: i32) -> (i32, i32) {
    %c0_i32 = arith.constant 0 : i32
    %c0_i32_0 = arith.constant 0 : i32
    %c0_i32_1 = arith.constant 0 : i32
    return %c0_i32, %c0_i32_0 : i32, i32
  }
  func.func @transform_3(%arg0: i32) -> (i32, i32) {
    %c0_i32 = arith.constant 0 : i32
    %c0_i32_0 = arith.constant 0 : i32
    %c0_i32_1 = arith.constant 0 : i32
    return %c0_i32, %c0_i32_0 : i32, i32
  }
  func.func @transform_4(%arg0: i32) -> (i32, i32, i32) {
    %c0_i32 = arith.constant 0 : i32
    %c0_i32_0 = arith.constant 0 : i32
    %c0_i32_1 = arith.constant 0 : i32
    %c0_i32_2 = arith.constant 0 : i32
    return %c0_i32, %c0_i32_0, %c0_i32_1 : i32, i32, i32
  }
  func.func @transform_5(%arg0: i32) -> (i32, i32, i32) {
    %c0_i32 = arith.constant 0 : i32
    %c0_i32_0 = arith.constant 0 : i32
    %c0_i32_1 = arith.constant 0 : i32
    %c0_i32_2 = arith.constant 0 : i32
    return %c0_i32, %c0_i32_0, %c0_i32_1 : i32, i32, i32
  }
  func.func @transform_6(%arg0: i32) -> (i32, i32) {
    %c0_i32 = arith.constant 0 : i32
    %c0_i32_0 = arith.constant 0 : i32
    return %arg0, %c0_i32 : i32, i32
  }
  func.func @transform_7(%arg0: i32) -> (i32, i32) {
    %c0_i32 = arith.constant 0 : i32
    %c0_i32_0 = arith.constant 0 : i32
    return %arg0, %c0_i32 : i32, i32
  }
  func.func @transform_8(%arg0: i32) -> (i32, i32, i32) {
    %c0_i32 = arith.constant 0 : i32
    %c0_i32_0 = arith.constant 0 : i32
    %c0_i32_1 = arith.constant 0 : i32
    return %c0_i32, %arg0, %c0_i32_0 : i32, i32, i32
  }
  func.func @transform_9(%arg0: i32) -> (i32, i32, i32) {
    %c0_i32 = arith.constant 0 : i32
    %c0_i32_0 = arith.constant 0 : i32
    %c0_i32_1 = arith.constant 0 : i32
    return %c0_i32, %arg0, %c0_i32_0 : i32, i32, i32
  }
  func.func @transform_10(%arg0: i32) -> (i32, i32) {
    %c0_i32 = arith.constant 0 : i32
    %c0_i32_0 = arith.constant 0 : i32
    %c0_i32_1 = arith.constant 0 : i32
    return %c0_i32, %c0_i32_0 : i32, i32
  }
  func.func @transform_11(%arg0: i32) -> (i32, i32) {
    %c0_i32 = arith.constant 0 : i32
    %c0_i32_0 = arith.constant 0 : i32
    %c0_i32_1 = arith.constant 0 : i32
    return %c0_i32, %c0_i32_0 : i32, i32
  }
  func.func @transform_12(%arg0: i32) -> (i32, i32) {
    %c0_i32 = arith.constant 0 : i32
    %c0_i32_0 = arith.constant 0 : i32
    return %arg0, %c0_i32 : i32, i32
  }
  func.func @transform_13(%arg0: i32) -> (i32, i32) {
    %c0_i32 = arith.constant 0 : i32
    %c0_i32_0 = arith.constant 0 : i32
    return %arg0, %c0_i32 : i32, i32
  }
}

module attributes {stable_mosaic.version = 14 : i64} {
  func.func @body(%arg0: i32, %arg1: memref<50xi32, #tpu.memory_space<smem>>, %arg2: memref<50xi32, #tpu.memory_space<smem>>, %arg3: memref<256x64xf32, #tpu.memory_space<vmem>>, %arg4: memref<256x1xi32, #tpu.memory_space<vmem>>, %arg5: memref<25600x64xf32, #tpu.memory_space<vmem>>, %arg6: memref<25600x192xbf16, #tpu.memory_space<vmem>>, %arg7: memref<1x25600xi32, #tpu.memory_space<vmem>>, %arg8: memref<3x256x64xf32, #tpu.memory_space<vmem>>) attributes {dimension_semantics = [#tpu.dimension_semantics<arbitrary>], iteration_bounds = array<i64: 50>, scalar_prefetch = 0 : i64, scratch_operands = 0 : i64, tpu.core_type = #tpu.core_type<tc>, window_params = [{transform_indices = @transform_0, window_bounds = array<i64: 50>}, {transform_indices = @transform_1, window_bounds = array<i64: 50>}, {transform_indices = @transform_2, window_bounds = array<i64: 256, 64>}, {transform_indices = @transform_3, window_bounds = array<i64: 256, 1>}, {pipeline_mode = #tpu.pipeline_mode<synchronous>, transform_indices = @transform_4, window_bounds = array<i64: 25600, 64>}, {pipeline_mode = #tpu.pipeline_mode<synchronous>, transform_indices = @transform_5, window_bounds = array<i64: 25600, 192>}, {pipeline_mode = #tpu.pipeline_mode<synchronous>, transform_indices = @transform_6, window_bounds = array<i64: 1, 25600>}, {transform_indices = @transform_7, window_bounds = array<i64: 3, 256, 64>}]} {
    %get3A = arith.constant 0 : index
    %get3A_0 = arith.constant 0 : index
    %get3A_1 = vector.load %arg3[%get3A, %get3A_0] : memref<256x64xf32, #tpu.memory_space<vmem>>, vector<256x64xf32>
    %get3A_2 = arith.constant 0 : index
    %get3A_3 = arith.constant 0 : index
    %get3A_4 = vector.load %arg4[%get3A_2, %get3A_3] : memref<256x1xi32, #tpu.memory_space<vmem>>, vector<256x1xi32>
    %get3A_5 = arith.index_cast %arg0 : i32 to index
    %get3A_6 = memref.load %arg1[%get3A_5] : memref<50xi32, #tpu.memory_space<smem>>
    %get3A_7 = arith.index_cast %arg0 : i32 to index
    %get3A_8 = memref.load %arg2[%get3A_7] : memref<50xi32, #tpu.memory_space<smem>>
    %broadcast_in_dim3A = arith.constant 0.000000e+00 : f32
    %broadcast_in_dim3A_9 = vector.broadcast %broadcast_in_dim3A : f32 to vector<256x192xf32>
    %while3A = arith.subi %get3A_8, %get3A_6 : i32
    %while3A_10 = arith.addi %get3A_6, %while3A : i32
    %while3A_11 = arith.constant 1 : i32
    %while3A_12 = arith.divsi %while3A, %while3A_11 : i32
    %while3A_13 = arith.muli %while3A_12, %while3A_11 : i32
    %while3A_14 = arith.addi %get3A_6, %while3A_13 : i32
    %while3A_15 = arith.constant 1 : i32
    %while3A_16 = scf.for %while3A_38 = %get3A_6 to %while3A_14 step %while3A_15 iter_args(%while3A_39 = %broadcast_in_dim3A_9) -> (vector<256x192xf32>)  : i32 {
      %mul3A = arith.constant 512 : i32
      %mul3A_40 = arith.muli %while3A_38, %mul3A : i32
      %get3A_41 = arith.index_cast %mul3A_40 : i32 to index
      %get3A_42 = arith.constant 0 : index
      %get3A_43 = vector.load %arg5[%get3A_41, %get3A_42] : memref<25600x64xf32, #tpu.memory_space<vmem>>, vector<512x64xf32>
      %get3A_44 = arith.constant 0 : index
      %get3A_45 = arith.index_cast %mul3A_40 : i32 to index
      %get3A_46 = vector.load %arg7[%get3A_44, %get3A_45] : memref<1x25600xi32, #tpu.memory_space<vmem>>, vector<1x512xi32>
      %eq3A = vector.broadcast %get3A_4 : vector<256x1xi32> to vector<256x512xi32>
      %eq3A_47 = vector.broadcast %get3A_46 : vector<1x512xi32> to vector<256x512xi32>
      %eq3A_48 = arith.cmpi eq, %eq3A, %eq3A_47 : vector<256x512xi32>
      %convert_element_type3A = arith.extui %eq3A_48 : vector<256x512xi1> to vector<256x512xi32>
      %convert_element_type3A_49 = arith.sitofp %convert_element_type3A : vector<256x512xi32> to vector<256x512xf32>
      %dot_general3A = arith.constant dense<0.000000e+00> : vector<256x512xf32>
      %dot_general3A_50 = tpu.matmul %get3A_1, %get3A_43, %dot_general3A {dimension_numbers = #tpu.dot_dimension_numbers<[1], [1], [0], [0], [0, 0, 1, 0], [], []>, transpose_lhs_hint = false} : vector<256x64xf32>, vector<512x64xf32>, vector<256x512xf32> -> vector<256x512xf32>
      %logistic3A = arith.negf %dot_general3A_50 : vector<256x512xf32>
      %logistic3A_51 = math.exp %logistic3A : vector<256x512xf32>
      %logistic3A_52 = arith.constant 1.000000e+00 : f32
      %logistic3A_53 = vector.broadcast %logistic3A_52 : f32 to vector<256x512xf32>
      %logistic3A_54 = arith.addf %logistic3A_53, %logistic3A_51 : vector<256x512xf32>
      %logistic3A_55 = arith.divf %logistic3A_53, %logistic3A_54 : vector<256x512xf32>
      %mul3A_56 = arith.mulf %logistic3A_55, %convert_element_type3A_49 : vector<256x512xf32>
      %convert_element_type3A_57 = arith.truncf %mul3A_56 : vector<256x512xf32> to vector<256x512xbf16>
      %get3A_58 = arith.index_cast %mul3A_40 : i32 to index
      %get3A_59 = arith.constant 0 : index
      %get3A_60 = vector.load %arg6[%get3A_58, %get3A_59] : memref<25600x192xbf16, #tpu.memory_space<vmem>>, vector<512x192xbf16>
      %dot_general3A_61 = arith.constant dense<0.000000e+00> : vector<256x192xf32>
      %dot_general3A_62 = tpu.matmul %convert_element_type3A_57, %get3A_60, %dot_general3A_61 {dimension_numbers = #tpu.dot_dimension_numbers<[1], [0], [0], [1], [0, 0, 1, 1], [], []>, transpose_lhs_hint = false} : vector<256x512xbf16>, vector<512x192xbf16>, vector<256x192xf32> -> vector<256x192xf32>
      %add3A = arith.addf %while3A_39, %dot_general3A_62 : vector<256x192xf32>
      scf.yield %add3A : vector<256x192xf32>
    }
    %while3A_17 = arith.constant 1 : i32
    %while3A_18 = scf.for %while3A_38 = %while3A_14 to %while3A_10 step %while3A_17 iter_args(%while3A_39 = %while3A_16) -> (vector<256x192xf32>)  : i32 {
      %mul3A = arith.constant 512 : i32
      %mul3A_40 = arith.muli %while3A_38, %mul3A : i32
      %get3A_41 = arith.index_cast %mul3A_40 : i32 to index
      %get3A_42 = arith.constant 0 : index
      %get3A_43 = vector.load %arg5[%get3A_41, %get3A_42] : memref<25600x64xf32, #tpu.memory_space<vmem>>, vector<512x64xf32>
      %get3A_44 = arith.constant 0 : index
      %get3A_45 = arith.index_cast %mul3A_40 : i32 to index
      %get3A_46 = vector.load %arg7[%get3A_44, %get3A_45] : memref<1x25600xi32, #tpu.memory_space<vmem>>, vector<1x512xi32>
      %eq3A = vector.broadcast %get3A_4 : vector<256x1xi32> to vector<256x512xi32>
      %eq3A_47 = vector.broadcast %get3A_46 : vector<1x512xi32> to vector<256x512xi32>
      %eq3A_48 = arith.cmpi eq, %eq3A, %eq3A_47 : vector<256x512xi32>
      %convert_element_type3A = arith.extui %eq3A_48 : vector<256x512xi1> to vector<256x512xi32>
      %convert_element_type3A_49 = arith.sitofp %convert_element_type3A : vector<256x512xi32> to vector<256x512xf32>
      %dot_general3A = arith.constant dense<0.000000e+00> : vector<256x512xf32>
      %dot_general3A_50 = tpu.matmul %get3A_1, %get3A_43, %dot_general3A {dimension_numbers = #tpu.dot_dimension_numbers<[1], [1], [0], [0], [0, 0, 1, 0], [], []>, transpose_lhs_hint = false} : vector<256x64xf32>, vector<512x64xf32>, vector<256x512xf32> -> vector<256x512xf32>
      %logistic3A = arith.negf %dot_general3A_50 : vector<256x512xf32>
      %logistic3A_51 = math.exp %logistic3A : vector<256x512xf32>
      %logistic3A_52 = arith.constant 1.000000e+00 : f32
      %logistic3A_53 = vector.broadcast %logistic3A_52 : f32 to vector<256x512xf32>
      %logistic3A_54 = arith.addf %logistic3A_53, %logistic3A_51 : vector<256x512xf32>
      %logistic3A_55 = arith.divf %logistic3A_53, %logistic3A_54 : vector<256x512xf32>
      %mul3A_56 = arith.mulf %logistic3A_55, %convert_element_type3A_49 : vector<256x512xf32>
      %convert_element_type3A_57 = arith.truncf %mul3A_56 : vector<256x512xf32> to vector<256x512xbf16>
      %get3A_58 = arith.index_cast %mul3A_40 : i32 to index
      %get3A_59 = arith.constant 0 : index
      %get3A_60 = vector.load %arg6[%get3A_58, %get3A_59] : memref<25600x192xbf16, #tpu.memory_space<vmem>>, vector<512x192xbf16>
      %dot_general3A_61 = arith.constant dense<0.000000e+00> : vector<256x192xf32>
      %dot_general3A_62 = tpu.matmul %convert_element_type3A_57, %get3A_60, %dot_general3A_61 {dimension_numbers = #tpu.dot_dimension_numbers<[1], [0], [0], [1], [0, 0, 1, 1], [], []>, transpose_lhs_hint = false} : vector<256x512xbf16>, vector<512x192xbf16>, vector<256x192xf32> -> vector<256x192xf32>
      %add3A = arith.addf %while3A_39, %dot_general3A_62 : vector<256x192xf32>
      scf.yield %add3A : vector<256x192xf32>
    }
    %slice3A = vector.extract_strided_slice %while3A_18 {offsets = [0, 0], sizes = [256, 64], strides = [1, 1]} : vector<256x192xf32> to vector<256x64xf32>
    %swap3A = arith.constant 0 : index
    %swap3A_19 = arith.constant 0 : index
    %swap3A_20 = arith.constant 0 : index
    %swap3A_21 = vector.load %arg8[%swap3A, %swap3A_19, %swap3A_20] : memref<3x256x64xf32, #tpu.memory_space<vmem>>, vector<1x256x64xf32>
    %swap3A_22 = vector.shape_cast %swap3A_21 : vector<1x256x64xf32> to vector<256x64xf32>
    %swap3A_23 = vector.shape_cast %slice3A : vector<256x64xf32> to vector<1x256x64xf32>
    tpu.vector_store %arg8[%swap3A, %swap3A_19, %swap3A_20], %swap3A_23 {strides = array<i32>} : memref<3x256x64xf32, #tpu.memory_space<vmem>>, vector<1x256x64xf32>,
    %slice3A_24 = vector.extract_strided_slice %while3A_18 {offsets = [0, 64], sizes = [256, 64], strides = [1, 1]} : vector<256x192xf32> to vector<256x64xf32>
    %swap3A_25 = arith.constant 1 : index
    %swap3A_26 = arith.constant 0 : index
    %swap3A_27 = arith.constant 0 : index
    %swap3A_28 = vector.load %arg8[%swap3A_25, %swap3A_26, %swap3A_27] : memref<3x256x64xf32, #tpu.memory_space<vmem>>, vector<1x256x64xf32>
    %swap3A_29 = vector.shape_cast %swap3A_28 : vector<1x256x64xf32> to vector<256x64xf32>
    %swap3A_30 = vector.shape_cast %slice3A_24 : vector<256x64xf32> to vector<1x256x64xf32>
    tpu.vector_store %arg8[%swap3A_25, %swap3A_26, %swap3A_27], %swap3A_30 {strides = array<i32>} : memref<3x256x64xf32, #tpu.memory_space<vmem>>, vector<1x256x64xf32>,
    %slice3A_31 = vector.extract_strided_slice %while3A_18 {offsets = [0, 128], sizes = [256, 64], strides = [1, 1]} : vector<256x192xf32> to vector<256x64xf32>
    %swap3A_32 = arith.constant 2 : index
    %swap3A_33 = arith.constant 0 : index
    %swap3A_34 = arith.constant 0 : index
    %swap3A_35 = vector.load %arg8[%swap3A_32, %swap3A_33, %swap3A_34] : memref<3x256x64xf32, #tpu.memory_space<vmem>>, vector<1x256x64xf32>
    %swap3A_36 = vector.shape_cast %swap3A_35 : vector<1x256x64xf32> to vector<256x64xf32>
    %swap3A_37 = vector.shape_cast %slice3A_31 : vector<256x64xf32> to vector<1x256x64xf32>
    tpu.vector_store %arg8[%swap3A_32, %swap3A_33, %swap3A_34], %swap3A_37 {strides = array<i32>} : memref<3x256x64xf32, #tpu.memory_space<vmem>>, vector<1x256x64xf32>,
    return
  }
  func.func @transform_0(%arg0: i32) -> i32 {
    %c0_i32 = arith.constant 0 : i32
    %c0_i32_0 = arith.constant 0 : i32
    return %c0_i32 : i32
  }
  func.func @transform_1(%arg0: i32) -> i32 {
    %c0_i32 = arith.constant 0 : i32
    %c0_i32_0 = arith.constant 0 : i32
    return %c0_i32 : i32
  }
  func.func @transform_2(%arg0: i32) -> (i32, i32) {
    %c0_i32 = arith.constant 0 : i32
    %c0_i32_0 = arith.constant 0 : i32
    return %arg0, %c0_i32 : i32, i32
  }
  func.func @transform_3(%arg0: i32) -> (i32, i32) {
    %c0_i32 = arith.constant 0 : i32
    %c0_i32_0 = arith.constant 0 : i32
    return %arg0, %c0_i32 : i32, i32
  }
  func.func @transform_4(%arg0: i32) -> (i32, i32) {
    %c0_i32 = arith.constant 0 : i32
    %c0_i32_0 = arith.constant 0 : i32
    %c0_i32_1 = arith.constant 0 : i32
    return %c0_i32, %c0_i32_0 : i32, i32
  }
  func.func @transform_5(%arg0: i32) -> (i32, i32) {
    %c0_i32 = arith.constant 0 : i32
    %c0_i32_0 = arith.constant 0 : i32
    %c0_i32_1 = arith.constant 0 : i32
    return %c0_i32, %c0_i32_0 : i32, i32
  }
  func.func @transform_6(%arg0: i32) -> (i32, i32) {
    %c0_i32 = arith.constant 0 : i32
    %c0_i32_0 = arith.constant 0 : i32
    %c0_i32_1 = arith.constant 0 : i32
    return %c0_i32, %c0_i32_0 : i32, i32
  }
  func.func @transform_7(%arg0: i32) -> (i32, i32, i32) {
    %c0_i32 = arith.constant 0 : i32
    %c0_i32_0 = arith.constant 0 : i32
    %c0_i32_1 = arith.constant 0 : i32
    return %c0_i32, %arg0, %c0_i32_0 : i32, i32, i32
  }
}

module attributes {stable_mosaic.version = 14 : i64} {
  func.func @body(%arg0: i32, %arg1: memref<50xi32, #tpu.memory_space<smem>>, %arg2: memref<50xi32, #tpu.memory_space<smem>>, %arg3: memref<512x64xf32, #tpu.memory_space<vmem>>, %arg4: memref<512x1xi32, #tpu.memory_space<vmem>>, %arg5: memref<12800x64xf32, #tpu.memory_space<vmem>>, %arg6: memref<12800x192xbf16, #tpu.memory_space<vmem>>, %arg7: memref<1x12800xi32, #tpu.memory_space<vmem>>, %arg8: memref<3x512x64xf32, #tpu.memory_space<vmem>>) attributes {dimension_semantics = [#tpu.dimension_semantics<arbitrary>], iteration_bounds = array<i64: 50>, scalar_prefetch = 0 : i64, scratch_operands = 0 : i64, tpu.core_type = #tpu.core_type<tc>, window_params = [{transform_indices = @transform_0, window_bounds = array<i64: 50>}, {transform_indices = @transform_1, window_bounds = array<i64: 50>}, {transform_indices = @transform_2, window_bounds = array<i64: 512, 64>}, {transform_indices = @transform_3, window_bounds = array<i64: 512, 1>}, {pipeline_mode = #tpu.pipeline_mode<synchronous>, transform_indices = @transform_4, window_bounds = array<i64: 12800, 64>}, {pipeline_mode = #tpu.pipeline_mode<synchronous>, transform_indices = @transform_5, window_bounds = array<i64: 12800, 192>}, {pipeline_mode = #tpu.pipeline_mode<synchronous>, transform_indices = @transform_6, window_bounds = array<i64: 1, 12800>}, {transform_indices = @transform_7, window_bounds = array<i64: 3, 512, 64>}]} {
    %get3A = arith.constant 0 : index
    %get3A_0 = arith.constant 0 : index
    %get3A_1 = vector.load %arg3[%get3A, %get3A_0] : memref<512x64xf32, #tpu.memory_space<vmem>>, vector<512x64xf32>
    %get3A_2 = arith.constant 0 : index
    %get3A_3 = arith.constant 0 : index
    %get3A_4 = vector.load %arg4[%get3A_2, %get3A_3] : memref<512x1xi32, #tpu.memory_space<vmem>>, vector<512x1xi32>
    %get3A_5 = arith.index_cast %arg0 : i32 to index
    %get3A_6 = memref.load %arg1[%get3A_5] : memref<50xi32, #tpu.memory_space<smem>>
    %get3A_7 = arith.index_cast %arg0 : i32 to index
    %get3A_8 = memref.load %arg2[%get3A_7] : memref<50xi32, #tpu.memory_space<smem>>
    %broadcast_in_dim3A = arith.constant 0.000000e+00 : f32
    %broadcast_in_dim3A_9 = vector.broadcast %broadcast_in_dim3A : f32 to vector<512x192xf32>
    %while3A = arith.subi %get3A_8, %get3A_6 : i32
    %while3A_10 = arith.addi %get3A_6, %while3A : i32
    %while3A_11 = arith.constant 1 : i32
    %while3A_12 = arith.divsi %while3A, %while3A_11 : i32
    %while3A_13 = arith.muli %while3A_12, %while3A_11 : i32
    %while3A_14 = arith.addi %get3A_6, %while3A_13 : i32
    %while3A_15 = arith.constant 1 : i32
    %while3A_16 = scf.for %while3A_38 = %get3A_6 to %while3A_14 step %while3A_15 iter_args(%while3A_39 = %broadcast_in_dim3A_9) -> (vector<512x192xf32>)  : i32 {
      %mul3A = arith.constant 256 : i32
      %mul3A_40 = arith.muli %while3A_38, %mul3A : i32
      %get3A_41 = arith.index_cast %mul3A_40 : i32 to index
      %get3A_42 = arith.constant 0 : index
      %get3A_43 = vector.load %arg5[%get3A_41, %get3A_42] : memref<12800x64xf32, #tpu.memory_space<vmem>>, vector<256x64xf32>
      %get3A_44 = arith.constant 0 : index
      %get3A_45 = arith.index_cast %mul3A_40 : i32 to index
      %get3A_46 = vector.load %arg7[%get3A_44, %get3A_45] : memref<1x12800xi32, #tpu.memory_space<vmem>>, vector<1x256xi32>
      %eq3A = vector.broadcast %get3A_4 : vector<512x1xi32> to vector<512x256xi32>
      %eq3A_47 = vector.broadcast %get3A_46 : vector<1x256xi32> to vector<512x256xi32>
      %eq3A_48 = arith.cmpi eq, %eq3A, %eq3A_47 : vector<512x256xi32>
      %convert_element_type3A = arith.extui %eq3A_48 : vector<512x256xi1> to vector<512x256xi32>
      %convert_element_type3A_49 = arith.sitofp %convert_element_type3A : vector<512x256xi32> to vector<512x256xf32>
      %dot_general3A = arith.constant dense<0.000000e+00> : vector<512x256xf32>
      %dot_general3A_50 = tpu.matmul %get3A_1, %get3A_43, %dot_general3A {dimension_numbers = #tpu.dot_dimension_numbers<[1], [1], [0], [0], [0, 0, 1, 0], [], []>, transpose_lhs_hint = false} : vector<512x64xf32>, vector<256x64xf32>, vector<512x256xf32> -> vector<512x256xf32>
      %logistic3A = arith.negf %dot_general3A_50 : vector<512x256xf32>
      %logistic3A_51 = math.exp %logistic3A : vector<512x256xf32>
      %logistic3A_52 = arith.constant 1.000000e+00 : f32
      %logistic3A_53 = vector.broadcast %logistic3A_52 : f32 to vector<512x256xf32>
      %logistic3A_54 = arith.addf %logistic3A_53, %logistic3A_51 : vector<512x256xf32>
      %logistic3A_55 = arith.divf %logistic3A_53, %logistic3A_54 : vector<512x256xf32>
      %mul3A_56 = arith.mulf %logistic3A_55, %convert_element_type3A_49 : vector<512x256xf32>
      %convert_element_type3A_57 = arith.truncf %mul3A_56 : vector<512x256xf32> to vector<512x256xbf16>
      %get3A_58 = arith.index_cast %mul3A_40 : i32 to index
      %get3A_59 = arith.constant 0 : index
      %get3A_60 = vector.load %arg6[%get3A_58, %get3A_59] : memref<12800x192xbf16, #tpu.memory_space<vmem>>, vector<256x192xbf16>
      %dot_general3A_61 = arith.constant dense<0.000000e+00> : vector<512x192xf32>
      %dot_general3A_62 = tpu.matmul %convert_element_type3A_57, %get3A_60, %dot_general3A_61 {dimension_numbers = #tpu.dot_dimension_numbers<[1], [0], [0], [1], [0, 0, 1, 1], [], []>, transpose_lhs_hint = false} : vector<512x256xbf16>, vector<256x192xbf16>, vector<512x192xf32> -> vector<512x192xf32>
      %add3A = arith.addf %while3A_39, %dot_general3A_62 : vector<512x192xf32>
      scf.yield %add3A : vector<512x192xf32>
    }
    %while3A_17 = arith.constant 1 : i32
    %while3A_18 = scf.for %while3A_38 = %while3A_14 to %while3A_10 step %while3A_17 iter_args(%while3A_39 = %while3A_16) -> (vector<512x192xf32>)  : i32 {
      %mul3A = arith.constant 256 : i32
      %mul3A_40 = arith.muli %while3A_38, %mul3A : i32
      %get3A_41 = arith.index_cast %mul3A_40 : i32 to index
      %get3A_42 = arith.constant 0 : index
      %get3A_43 = vector.load %arg5[%get3A_41, %get3A_42] : memref<12800x64xf32, #tpu.memory_space<vmem>>, vector<256x64xf32>
      %get3A_44 = arith.constant 0 : index
      %get3A_45 = arith.index_cast %mul3A_40 : i32 to index
      %get3A_46 = vector.load %arg7[%get3A_44, %get3A_45] : memref<1x12800xi32, #tpu.memory_space<vmem>>, vector<1x256xi32>
      %eq3A = vector.broadcast %get3A_4 : vector<512x1xi32> to vector<512x256xi32>
      %eq3A_47 = vector.broadcast %get3A_46 : vector<1x256xi32> to vector<512x256xi32>
      %eq3A_48 = arith.cmpi eq, %eq3A, %eq3A_47 : vector<512x256xi32>
      %convert_element_type3A = arith.extui %eq3A_48 : vector<512x256xi1> to vector<512x256xi32>
      %convert_element_type3A_49 = arith.sitofp %convert_element_type3A : vector<512x256xi32> to vector<512x256xf32>
      %dot_general3A = arith.constant dense<0.000000e+00> : vector<512x256xf32>
      %dot_general3A_50 = tpu.matmul %get3A_1, %get3A_43, %dot_general3A {dimension_numbers = #tpu.dot_dimension_numbers<[1], [1], [0], [0], [0, 0, 1, 0], [], []>, transpose_lhs_hint = false} : vector<512x64xf32>, vector<256x64xf32>, vector<512x256xf32> -> vector<512x256xf32>
      %logistic3A = arith.negf %dot_general3A_50 : vector<512x256xf32>
      %logistic3A_51 = math.exp %logistic3A : vector<512x256xf32>
      %logistic3A_52 = arith.constant 1.000000e+00 : f32
      %logistic3A_53 = vector.broadcast %logistic3A_52 : f32 to vector<512x256xf32>
      %logistic3A_54 = arith.addf %logistic3A_53, %logistic3A_51 : vector<512x256xf32>
      %logistic3A_55 = arith.divf %logistic3A_53, %logistic3A_54 : vector<512x256xf32>
      %mul3A_56 = arith.mulf %logistic3A_55, %convert_element_type3A_49 : vector<512x256xf32>
      %convert_element_type3A_57 = arith.truncf %mul3A_56 : vector<512x256xf32> to vector<512x256xbf16>
      %get3A_58 = arith.index_cast %mul3A_40 : i32 to index
      %get3A_59 = arith.constant 0 : index
      %get3A_60 = vector.load %arg6[%get3A_58, %get3A_59] : memref<12800x192xbf16, #tpu.memory_space<vmem>>, vector<256x192xbf16>
      %dot_general3A_61 = arith.constant dense<0.000000e+00> : vector<512x192xf32>
      %dot_general3A_62 = tpu.matmul %convert_element_type3A_57, %get3A_60, %dot_general3A_61 {dimension_numbers = #tpu.dot_dimension_numbers<[1], [0], [0], [1], [0, 0, 1, 1], [], []>, transpose_lhs_hint = false} : vector<512x256xbf16>, vector<256x192xbf16>, vector<512x192xf32> -> vector<512x192xf32>
      %add3A = arith.addf %while3A_39, %dot_general3A_62 : vector<512x192xf32>
      scf.yield %add3A : vector<512x192xf32>
    }
    %slice3A = vector.extract_strided_slice %while3A_18 {offsets = [0, 0], sizes = [512, 64], strides = [1, 1]} : vector<512x192xf32> to vector<512x64xf32>
    %swap3A = arith.constant 0 : index
    %swap3A_19 = arith.constant 0 : index
    %swap3A_20 = arith.constant 0 : index
    %swap3A_21 = vector.load %arg8[%swap3A, %swap3A_19, %swap3A_20] : memref<3x512x64xf32, #tpu.memory_space<vmem>>, vector<1x512x64xf32>
    %swap3A_22 = vector.shape_cast %swap3A_21 : vector<1x512x64xf32> to vector<512x64xf32>
    %swap3A_23 = vector.shape_cast %slice3A : vector<512x64xf32> to vector<1x512x64xf32>
    tpu.vector_store %arg8[%swap3A, %swap3A_19, %swap3A_20], %swap3A_23 {strides = array<i32>} : memref<3x512x64xf32, #tpu.memory_space<vmem>>, vector<1x512x64xf32>,
    %slice3A_24 = vector.extract_strided_slice %while3A_18 {offsets = [0, 64], sizes = [512, 64], strides = [1, 1]} : vector<512x192xf32> to vector<512x64xf32>
    %swap3A_25 = arith.constant 1 : index
    %swap3A_26 = arith.constant 0 : index
    %swap3A_27 = arith.constant 0 : index
    %swap3A_28 = vector.load %arg8[%swap3A_25, %swap3A_26, %swap3A_27] : memref<3x512x64xf32, #tpu.memory_space<vmem>>, vector<1x512x64xf32>
    %swap3A_29 = vector.shape_cast %swap3A_28 : vector<1x512x64xf32> to vector<512x64xf32>
    %swap3A_30 = vector.shape_cast %slice3A_24 : vector<512x64xf32> to vector<1x512x64xf32>
    tpu.vector_store %arg8[%swap3A_25, %swap3A_26, %swap3A_27], %swap3A_30 {strides = array<i32>} : memref<3x512x64xf32, #tpu.memory_space<vmem>>, vector<1x512x64xf32>,
    %slice3A_31 = vector.extract_strided_slice %while3A_18 {offsets = [0, 128], sizes = [512, 64], strides = [1, 1]} : vector<512x192xf32> to vector<512x64xf32>
    %swap3A_32 = arith.constant 2 : index
    %swap3A_33 = arith.constant 0 : index
    %swap3A_34 = arith.constant 0 : index
    %swap3A_35 = vector.load %arg8[%swap3A_32, %swap3A_33, %swap3A_34] : memref<3x512x64xf32, #tpu.memory_space<vmem>>, vector<1x512x64xf32>
    %swap3A_36 = vector.shape_cast %swap3A_35 : vector<1x512x64xf32> to vector<512x64xf32>
    %swap3A_37 = vector.shape_cast %slice3A_31 : vector<512x64xf32> to vector<1x512x64xf32>
    tpu.vector_store %arg8[%swap3A_32, %swap3A_33, %swap3A_34], %swap3A_37 {strides = array<i32>} : memref<3x512x64xf32, #tpu.memory_space<vmem>>, vector<1x512x64xf32>,
    return
  }
  func.func @transform_0(%arg0: i32) -> i32 {
    %c0_i32 = arith.constant 0 : i32
    %c0_i32_0 = arith.constant 0 : i32
    return %c0_i32 : i32
  }
  func.func @transform_1(%arg0: i32) -> i32 {
    %c0_i32 = arith.constant 0 : i32
    %c0_i32_0 = arith.constant 0 : i32
    return %c0_i32 : i32
  }
  func.func @transform_2(%arg0: i32) -> (i32, i32) {
    %c0_i32 = arith.constant 0 : i32
    %c0_i32_0 = arith.constant 0 : i32
    return %arg0, %c0_i32 : i32, i32
  }
  func.func @transform_3(%arg0: i32) -> (i32, i32) {
    %c0_i32 = arith.constant 0 : i32
    %c0_i32_0 = arith.constant 0 : i32
    return %arg0, %c0_i32 : i32, i32
  }
  func.func @transform_4(%arg0: i32) -> (i32, i32) {
    %c0_i32 = arith.constant 0 : i32
    %c0_i32_0 = arith.constant 0 : i32
    %c0_i32_1 = arith.constant 0 : i32
    return %c0_i32, %c0_i32_0 : i32, i32
  }
  func.func @transform_5(%arg0: i32) -> (i32, i32) {
    %c0_i32 = arith.constant 0 : i32
    %c0_i32_0 = arith.constant 0 : i32
    %c0_i32_1 = arith.constant 0 : i32
    return %c0_i32, %c0_i32_0 : i32, i32
  }
  func.func @transform_6(%arg0: i32) -> (i32, i32) {
    %c0_i32 = arith.constant 0 : i32
    %c0_i32_0 = arith.constant 0 : i32
    %c0_i32_1 = arith.constant 0 : i32
    return %c0_i32, %c0_i32_0 : i32, i32
  }
  func.func @transform_7(%arg0: i32) -> (i32, i32, i32) {
    %c0_i32 = arith.constant 0 : i32
    %c0_i32_0 = arith.constant 0 : i32
    %c0_i32_1 = arith.constant 0 : i32
    return %c0_i32, %arg0, %c0_i32_0 : i32, i32, i32
  }
}

module attributes {stable_mosaic.version = 14 : i64} {
  func.func @body(%arg0: i32, %arg1: memref<1x1280x64xf32, #tpu.memory_space<vmem>>, %arg2: memref<1x1280x64xf32, #tpu.memory_space<vmem>>, %arg3: memref<1280x64xf32, #tpu.memory_space<vmem>>, %arg4: memref<1280x1xi32, #tpu.memory_space<vmem>>, %arg5: memref<3x64x64xf32, #tpu.memory_space<vmem>>, %arg6: memref<3x1x64xf32, #tpu.memory_space<vmem>>, %arg7: memref<64x64xf32, #tpu.memory_space<vmem>>, %arg8: memref<1x64xf32, #tpu.memory_space<vmem>>, %arg9: memref<64x64xf32, #tpu.memory_space<vmem>>, %arg10: memref<1x64xf32, #tpu.memory_space<vmem>>, %arg11: memref<1x64xf32, #tpu.memory_space<vmem>>, %arg12: memref<1x64xf32, #tpu.memory_space<vmem>>, %arg13: memref<64x64xf32, #tpu.memory_space<vmem>>) attributes {dimension_semantics = [#tpu.dimension_semantics<arbitrary>], iteration_bounds = array<i64: 10>, scalar_prefetch = 0 : i64, scratch_operands = 0 : i64, tpu.core_type = #tpu.core_type<tc>, window_params = [{transform_indices = @transform_0, window_bounds = array<i64: 1, 1280, 64>}, {transform_indices = @transform_1, window_bounds = array<i64: 1, 1280, 64>}, {transform_indices = @transform_2, window_bounds = array<i64: 1280, 64>}, {transform_indices = @transform_3, window_bounds = array<i64: 1280, 1>}, {pipeline_mode = #tpu.pipeline_mode<synchronous>, transform_indices = @transform_4, window_bounds = array<i64: 3, 64, 64>}, {pipeline_mode = #tpu.pipeline_mode<synchronous>, transform_indices = @transform_5, window_bounds = array<i64: 3, 1, 64>}, {pipeline_mode = #tpu.pipeline_mode<synchronous>, transform_indices = @transform_6, window_bounds = array<i64: 64, 64>}, {pipeline_mode = #tpu.pipeline_mode<synchronous>, transform_indices = @transform_7, window_bounds = array<i64: 1, 64>}, {pipeline_mode = #tpu.pipeline_mode<synchronous>, transform_indices = @transform_8, window_bounds = array<i64: 64, 64>}, {pipeline_mode = #tpu.pipeline_mode<synchronous>, transform_indices = @transform_9, window_bounds = array<i64: 1, 64>}, {pipeline_mode = #tpu.pipeline_mode<synchronous>, transform_indices = @transform_10, window_bounds = array<i64: 1, 64>}, {pipeline_mode = #tpu.pipeline_mode<synchronous>, transform_indices = @transform_11, window_bounds = array<i64: 1, 64>}, {pipeline_mode = #tpu.pipeline_mode<synchronous>, transform_indices = @transform_12, window_bounds = array<i64: 64, 64>}]} {
    %eq3A = arith.constant 0 : i32
    %eq3A_0 = arith.cmpi eq, %arg0, %eq3A : i32
    %convert_element_type3A = arith.extui %eq3A_0 : i1 to i32
    %cond3A = arith.constant 0 : i32
    %cond3A_1 = arith.cmpi ne, %convert_element_type3A, %cond3A : i32
    scf.if %cond3A_1 {
      %broadcast_in_dim3A_106 = arith.constant -1.000000e+30 : f32
      %broadcast_in_dim3A_107 = vector.broadcast %broadcast_in_dim3A_106 : f32 to vector<1x64xf32>
      %swap3A_108 = arith.constant 0 : index
      %swap3A_109 = arith.constant 0 : index
      %swap3A_110 = vector.load %arg11[%swap3A_108, %swap3A_109] : memref<1x64xf32, #tpu.memory_space<vmem>>, vector<1x64xf32>
      tpu.vector_store %arg11[%swap3A_108, %swap3A_109], %broadcast_in_dim3A_107 {strides = array<i32>} : memref<1x64xf32, #tpu.memory_space<vmem>>, vector<1x64xf32>,
      %broadcast_in_dim3A_111 = arith.constant 0.000000e+00 : f32
      %broadcast_in_dim3A_112 = vector.broadcast %broadcast_in_dim3A_111 : f32 to vector<1x64xf32>
      %swap3A_113 = arith.constant 0 : index
      %swap3A_114 = arith.constant 0 : index
      %swap3A_115 = vector.load %arg12[%swap3A_113, %swap3A_114] : memref<1x64xf32, #tpu.memory_space<vmem>>, vector<1x64xf32>
      tpu.vector_store %arg12[%swap3A_113, %swap3A_114], %broadcast_in_dim3A_112 {strides = array<i32>} : memref<1x64xf32, #tpu.memory_space<vmem>>, vector<1x64xf32>,
      %broadcast_in_dim3A_116 = arith.constant 0.000000e+00 : f32
      %broadcast_in_dim3A_117 = vector.broadcast %broadcast_in_dim3A_116 : f32 to vector<64x64xf32>
      %swap3A_118 = arith.constant 0 : index
      %swap3A_119 = arith.constant 0 : index
      %swap3A_120 = vector.load %arg13[%swap3A_118, %swap3A_119] : memref<64x64xf32, #tpu.memory_space<vmem>>, vector<64x64xf32>
      tpu.vector_store %arg13[%swap3A_118, %swap3A_119], %broadcast_in_dim3A_117 {strides = array<i32>} : memref<64x64xf32, #tpu.memory_space<vmem>>, vector<64x64xf32>,
    } else {
    }
    %get3A = arith.constant 0 : index
    %get3A_2 = arith.constant 0 : index
    %get3A_3 = vector.load %arg7[%get3A, %get3A_2] : memref<64x64xf32, #tpu.memory_space<vmem>>, vector<64x64xf32>
    %get3A_4 = arith.constant 0 : index
    %get3A_5 = arith.constant 0 : index
    %get3A_6 = vector.load %arg8[%get3A_4, %get3A_5] : memref<1x64xf32, #tpu.memory_space<vmem>>, vector<1x64xf32>
    %max3A = arith.constant 1.000000e+00 : f32
    %max3A_7 = vector.broadcast %max3A : f32 to vector<1x64xf32>
    %max3A_8 = arith.maximumf %get3A_6, %max3A_7 : vector<1x64xf32>
    %div3A = vector.broadcast %max3A_8 : vector<1x64xf32> to vector<64x64xf32>
    %div3A_9 = arith.divf %get3A_3, %div3A : vector<64x64xf32>
    %get3A_10 = arith.constant 0 : index
    %get3A_11 = arith.constant 0 : index
    %get3A_12 = vector.load %arg9[%get3A_10, %get3A_11] : memref<64x64xf32, #tpu.memory_space<vmem>>, vector<64x64xf32>
    %get3A_13 = arith.constant 0 : index
    %get3A_14 = arith.constant 0 : index
    %get3A_15 = vector.load %arg10[%get3A_13, %get3A_14] : memref<1x64xf32, #tpu.memory_space<vmem>>, vector<1x64xf32>
    %max3A_16 = arith.constant 1.000000e+00 : f32
    %max3A_17 = vector.broadcast %max3A_16 : f32 to vector<1x64xf32>
    %max3A_18 = arith.maximumf %get3A_15, %max3A_17 : vector<1x64xf32>
    %div3A_19 = vector.broadcast %max3A_18 : vector<1x64xf32> to vector<64x64xf32>
    %div3A_20 = arith.divf %get3A_12, %div3A_19 : vector<64x64xf32>
    %mul3A = arith.mulf %div3A_9, %div3A_20 : vector<64x64xf32>
    %get3A_21 = arith.constant 0 : index
    %get3A_22 = arith.constant 0 : index
    %get3A_23 = arith.constant 0 : index
    %get3A_24 = vector.load %arg5[%get3A_21, %get3A_22, %get3A_23] : memref<3x64x64xf32, #tpu.memory_space<vmem>>, vector<1x64x64xf32>
    %get3A_25 = vector.shape_cast %get3A_24 : vector<1x64x64xf32> to vector<64x64xf32>
    %dot_general3A = arith.constant dense<0.000000e+00> : vector<64x64xf32>
    %dot_general3A_26 = tpu.matmul %get3A_25, %mul3A, %dot_general3A {dimension_numbers = #tpu.dot_dimension_numbers<[0], [0], [1], [1], [0, 1, 1, 1], [], []>, transpose_lhs_hint = false} : vector<64x64xf32>, vector<64x64xf32>, vector<64x64xf32> -> vector<64x64xf32>
    %tanh3A = math.tanh %dot_general3A_26 : vector<64x64xf32>
    %get3A_27 = arith.constant 0 : index
    %get3A_28 = arith.constant 0 : index
    %get3A_29 = vector.load %arg4[%get3A_27, %get3A_28] : memref<1280x1xi32, #tpu.memory_space<vmem>>, vector<1280x1xi32>
    %iota3A = tpu.iota {dimensions = array<i32: 1>} : vector<1280x64xi32>
    %eq3A_30 = vector.broadcast %get3A_29 : vector<1280x1xi32> to vector<1280x64xi32>
    %eq3A_31 = arith.cmpi eq, %eq3A_30, %iota3A : vector<1280x64xi32>
    %convert_element_type3A_32 = arith.extui %eq3A_31 : vector<1280x64xi1> to vector<1280x64xi32>
    %convert_element_type3A_33 = arith.sitofp %convert_element_type3A_32 : vector<1280x64xi32> to vector<1280x64xf32>
    %dot_general3A_34 = arith.constant dense<0.000000e+00> : vector<1280x64xf32>
    %dot_general3A_35 = tpu.matmul %convert_element_type3A_33, %tanh3A, %dot_general3A_34 {dimension_numbers = #tpu.dot_dimension_numbers<[1], [1], [0], [0], [0, 0, 1, 0], [], []>, precision = #tpu.contract_precision<fp32>, transpose_lhs_hint = false} : vector<1280x64xf32>, vector<64x64xf32>, vector<1280x64xf32> -> vector<1280x64xf32>
    %get3A_36 = arith.constant 0 : index
    %get3A_37 = arith.constant 0 : index
    %get3A_38 = arith.constant 0 : index
    %get3A_39 = vector.load %arg1[%get3A_36, %get3A_37, %get3A_38] : memref<1x1280x64xf32, #tpu.memory_space<vmem>>, vector<1x1280x64xf32>
    %get3A_40 = vector.shape_cast %get3A_39 : vector<1x1280x64xf32> to vector<1280x64xf32>
    %mul3A_41 = arith.mulf %get3A_40, %dot_general3A_35 : vector<1280x64xf32>
    %get3A_42 = arith.constant 0 : index
    %get3A_43 = arith.constant 0 : index
    %get3A_44 = arith.constant 0 : index
    %get3A_45 = vector.load %arg2[%get3A_42, %get3A_43, %get3A_44] : memref<1x1280x64xf32, #tpu.memory_space<vmem>>, vector<1x1280x64xf32>
    %get3A_46 = vector.shape_cast %get3A_45 : vector<1x1280x64xf32> to vector<1280x64xf32>
    %mul3A_47 = arith.mulf %mul3A_41, %get3A_46 : vector<1280x64xf32>
    %convert_element_type3A_48 = arith.truncf %mul3A_47 : vector<1280x64xf32> to vector<1280x64xbf16>
    %convert_element_type3A_49 = arith.extf %convert_element_type3A_48 : vector<1280x64xbf16> to vector<1280x64xf32>
    %get3A_50 = arith.constant 0 : index
    %get3A_51 = arith.constant 0 : index
    %get3A_52 = arith.constant 0 : index
    %get3A_53 = vector.load %arg6[%get3A_50, %get3A_51, %get3A_52] : memref<3x1x64xf32, #tpu.memory_space<vmem>>, vector<1x1x64xf32>
    %get3A_54 = vector.shape_cast %get3A_53 : vector<1x1x64xf32> to vector<1x64xf32>
    %mul3A_55 = vector.broadcast %get3A_54 : vector<1x64xf32> to vector<1280x64xf32>
    %mul3A_56 = arith.mulf %convert_element_type3A_49, %mul3A_55 : vector<1280x64xf32>
    %reduce_sum3A = arith.constant dense<0.000000e+00> : vector<1280xf32>
    %reduce_sum3A_57 = vector.multi_reduction <add>, %mul3A_56, %reduce_sum3A [1] : vector<1280x64xf32> to vector<1280xf32>
    %broadcast_in_dim3A = vector.shape_cast %reduce_sum3A_57 : vector<1280xf32> to vector<1280x1xf32>
    %gt3A = arith.constant 0.000000e+00 : f32
    %gt3A_58 = vector.broadcast %gt3A : f32 to vector<1280x64xf32>
    %gt3A_59 = arith.cmpf ogt, %convert_element_type3A_33, %gt3A_58 : vector<1280x64xf32>
    %jit3A = arith.constant -1.000000e+30 : f32
    %broadcast_in_dim3A_60 = vector.shape_cast %broadcast_in_dim3A : vector<1280x1xf32> to vector<1280x1xf32>
    %broadcast_in_dim3A_61 = vector.broadcast %broadcast_in_dim3A_60 : vector<1280x1xf32> to vector<1280x64xf32>
    %broadcast_in_dim3A_62 = vector.broadcast %jit3A : f32 to vector<1280x64xf32>
    %select_n3A = arith.select %gt3A_59, %broadcast_in_dim3A_61, %broadcast_in_dim3A_62 : vector<1280x64xi1>, vector<1280x64xf32>
    %reduce_max3A = arith.constant dense<0xFF800000> : vector<64xf32>
    %reduce_max3A_63 = vector.multi_reduction <maximumf>, %select_n3A, %reduce_max3A [0] : vector<1280x64xf32> to vector<64xf32>
    %broadcast_in_dim3A_64 = vector.shape_cast %reduce_max3A_63 : vector<64xf32> to vector<1x64xf32>
    %get3A_65 = arith.constant 0 : index
    %get3A_66 = arith.constant 0 : index
    %get3A_67 = vector.load %arg11[%get3A_65, %get3A_66] : memref<1x64xf32, #tpu.memory_space<vmem>>, vector<1x64xf32>
    %max3A_68 = arith.maximumf %get3A_67, %broadcast_in_dim3A_64 : vector<1x64xf32>
    %sub3A = arith.subf %get3A_67, %max3A_68 : vector<1x64xf32>
    %exp3A = math.exp %sub3A : vector<1x64xf32>
    %mul3A_69 = vector.broadcast %max3A_68 : vector<1x64xf32> to vector<1280x64xf32>
    %mul3A_70 = arith.mulf %convert_element_type3A_33, %mul3A_69 : vector<1280x64xf32>
    %reduce_sum3A_71 = arith.constant dense<0.000000e+00> : vector<1280xf32>
    %reduce_sum3A_72 = vector.multi_reduction <add>, %mul3A_70, %reduce_sum3A_71 [1] : vector<1280x64xf32> to vector<1280xf32>
    %broadcast_in_dim3A_73 = vector.shape_cast %reduce_sum3A_72 : vector<1280xf32> to vector<1280x1xf32>
    %sub3A_74 = arith.subf %broadcast_in_dim3A, %broadcast_in_dim3A_73 : vector<1280x1xf32>
    %exp3A_75 = math.exp %sub3A_74 : vector<1280x1xf32>
    %swap3A = arith.constant 0 : index
    %swap3A_76 = arith.constant 0 : index
    %swap3A_77 = vector.load %arg11[%swap3A, %swap3A_76] : memref<1x64xf32, #tpu.memory_space<vmem>>, vector<1x64xf32>
    tpu.vector_store %arg11[%swap3A, %swap3A_76], %max3A_68 {strides = array<i32>} : memref<1x64xf32, #tpu.memory_space<vmem>>, vector<1x64xf32>,
    %get3A_78 = arith.constant 0 : index
    %get3A_79 = arith.constant 0 : index
    %get3A_80 = vector.load %arg12[%get3A_78, %get3A_79] : memref<1x64xf32, #tpu.memory_space<vmem>>, vector<1x64xf32>
    %mul3A_81 = arith.mulf %get3A_80, %exp3A : vector<1x64xf32>
    %mul3A_82 = vector.broadcast %exp3A_75 : vector<1280x1xf32> to vector<1280x64xf32>
    %mul3A_83 = arith.mulf %convert_element_type3A_33, %mul3A_82 : vector<1280x64xf32>
    %reduce_sum3A_84 = arith.constant dense<0.000000e+00> : vector<64xf32>
    %reduce_sum3A_85 = vector.multi_reduction <add>, %mul3A_83, %reduce_sum3A_84 [0] : vector<1280x64xf32> to vector<64xf32>
    %broadcast_in_dim3A_86 = vector.shape_cast %reduce_sum3A_85 : vector<64xf32> to vector<1x64xf32>
    %add3A = arith.addf %mul3A_81, %broadcast_in_dim3A_86 : vector<1x64xf32>
    %swap3A_87 = arith.constant 0 : index
    %swap3A_88 = arith.constant 0 : index
    %swap3A_89 = vector.load %arg12[%swap3A_87, %swap3A_88] : memref<1x64xf32, #tpu.memory_space<vmem>>, vector<1x64xf32>
    tpu.vector_store %arg12[%swap3A_87, %swap3A_88], %add3A {strides = array<i32>} : memref<1x64xf32, #tpu.memory_space<vmem>>, vector<1x64xf32>,
    %get3A_90 = arith.constant 0 : index
    %get3A_91 = arith.constant 0 : index
    %get3A_92 = vector.load %arg13[%get3A_90, %get3A_91] : memref<64x64xf32, #tpu.memory_space<vmem>>, vector<64x64xf32>
    %mul3A_93 = vector.broadcast %exp3A : vector<1x64xf32> to vector<64x64xf32>
    %mul3A_94 = arith.mulf %get3A_92, %mul3A_93 : vector<64x64xf32>
    %get3A_95 = arith.constant 0 : index
    %get3A_96 = arith.constant 0 : index
    %get3A_97 = vector.load %arg3[%get3A_95, %get3A_96] : memref<1280x64xf32, #tpu.memory_space<vmem>>, vector<1280x64xf32>
    %mul3A_98 = vector.broadcast %exp3A_75 : vector<1280x1xf32> to vector<1280x64xf32>
    %mul3A_99 = arith.mulf %get3A_97, %mul3A_98 : vector<1280x64xf32>
    %dot_general3A_100 = arith.constant dense<0.000000e+00> : vector<64x64xf32>
    %dot_general3A_101 = tpu.matmul %mul3A_99, %convert_element_type3A_33, %dot_general3A_100 {dimension_numbers = #tpu.dot_dimension_numbers<[0], [0], [1], [1], [0, 1, 1, 1], [], []>, precision = #tpu.contract_precision<fp32>, transpose_lhs_hint = false} : vector<1280x64xf32>, vector<1280x64xf32>, vector<64x64xf32> -> vector<64x64xf32>
    %add3A_102 = arith.addf %mul3A_94, %dot_general3A_101 : vector<64x64xf32>
    %swap3A_103 = arith.constant 0 : index
    %swap3A_104 = arith.constant 0 : index
    %swap3A_105 = vector.load %arg13[%swap3A_103, %swap3A_104] : memref<64x64xf32, #tpu.memory_space<vmem>>, vector<64x64xf32>
    tpu.vector_store %arg13[%swap3A_103, %swap3A_104], %add3A_102 {strides = array<i32>} : memref<64x64xf32, #tpu.memory_space<vmem>>, vector<64x64xf32>,
    return
  }
  func.func @transform_0(%arg0: i32) -> (i32, i32, i32) {
    %c0_i32 = arith.constant 0 : i32
    %c0_i32_0 = arith.constant 0 : i32
    %c0_i32_1 = arith.constant 0 : i32
    return %c0_i32, %arg0, %c0_i32_0 : i32, i32, i32
  }
  func.func @transform_1(%arg0: i32) -> (i32, i32, i32) {
    %c0_i32 = arith.constant 0 : i32
    %c0_i32_0 = arith.constant 0 : i32
    %c0_i32_1 = arith.constant 0 : i32
    return %c0_i32, %arg0, %c0_i32_0 : i32, i32, i32
  }
  func.func @transform_2(%arg0: i32) -> (i32, i32) {
    %c0_i32 = arith.constant 0 : i32
    %c0_i32_0 = arith.constant 0 : i32
    return %arg0, %c0_i32 : i32, i32
  }
  func.func @transform_3(%arg0: i32) -> (i32, i32) {
    %c0_i32 = arith.constant 0 : i32
    %c0_i32_0 = arith.constant 0 : i32
    return %arg0, %c0_i32 : i32, i32
  }
  func.func @transform_4(%arg0: i32) -> (i32, i32, i32) {
    %c0_i32 = arith.constant 0 : i32
    %c0_i32_0 = arith.constant 0 : i32
    %c0_i32_1 = arith.constant 0 : i32
    %c0_i32_2 = arith.constant 0 : i32
    return %c0_i32, %c0_i32_0, %c0_i32_1 : i32, i32, i32
  }
  func.func @transform_5(%arg0: i32) -> (i32, i32, i32) {
    %c0_i32 = arith.constant 0 : i32
    %c0_i32_0 = arith.constant 0 : i32
    %c0_i32_1 = arith.constant 0 : i32
    %c0_i32_2 = arith.constant 0 : i32
    return %c0_i32, %c0_i32_0, %c0_i32_1 : i32, i32, i32
  }
  func.func @transform_6(%arg0: i32) -> (i32, i32) {
    %c0_i32 = arith.constant 0 : i32
    %c0_i32_0 = arith.constant 0 : i32
    %c0_i32_1 = arith.constant 0 : i32
    return %c0_i32, %c0_i32_0 : i32, i32
  }
  func.func @transform_7(%arg0: i32) -> (i32, i32) {
    %c0_i32 = arith.constant 0 : i32
    %c0_i32_0 = arith.constant 0 : i32
    %c0_i32_1 = arith.constant 0 : i32
    return %c0_i32, %c0_i32_0 : i32, i32
  }
  func.func @transform_8(%arg0: i32) -> (i32, i32) {
    %c0_i32 = arith.constant 0 : i32
    %c0_i32_0 = arith.constant 0 : i32
    %c0_i32_1 = arith.constant 0 : i32
    return %c0_i32, %c0_i32_0 : i32, i32
  }
  func.func @transform_9(%arg0: i32) -> (i32, i32) {
    %c0_i32 = arith.constant 0 : i32
    %c0_i32_0 = arith.constant 0 : i32
    %c0_i32_1 = arith.constant 0 : i32
    return %c0_i32, %c0_i32_0 : i32, i32
  }
  func.func @transform_10(%arg0: i32) -> (i32, i32) {
    %c0_i32 = arith.constant 0 : i32
    %c0_i32_0 = arith.constant 0 : i32
    %c0_i32_1 = arith.constant 0 : i32
    return %c0_i32, %c0_i32_0 : i32, i32
  }
  func.func @transform_11(%arg0: i32) -> (i32, i32) {
    %c0_i32 = arith.constant 0 : i32
    %c0_i32_0 = arith.constant 0 : i32
    %c0_i32_1 = arith.constant 0 : i32
    return %c0_i32, %c0_i32_0 : i32, i32
  }
  func.func @transform_12(%arg0: i32) -> (i32, i32) {
    %c0_i32 = arith.constant 0 : i32
    %c0_i32_0 = arith.constant 0 : i32
    %c0_i32_1 = arith.constant 0 : i32
    return %c0_i32, %c0_i32_0 : i32, i32
  }
}

module attributes {stable_mosaic.version = 14 : i64} {
  func.func @body(%arg0: i32, %arg1: memref<1x1280x64xf32, #tpu.memory_space<vmem>>, %arg2: memref<1x1280x64xf32, #tpu.memory_space<vmem>>, %arg3: memref<1280x64xf32, #tpu.memory_space<vmem>>, %arg4: memref<1280x1xi32, #tpu.memory_space<vmem>>, %arg5: memref<3x64x64xf32, #tpu.memory_space<vmem>>, %arg6: memref<3x1x64xf32, #tpu.memory_space<vmem>>, %arg7: memref<64x64xf32, #tpu.memory_space<vmem>>, %arg8: memref<1x64xf32, #tpu.memory_space<vmem>>, %arg9: memref<64x64xf32, #tpu.memory_space<vmem>>, %arg10: memref<1x64xf32, #tpu.memory_space<vmem>>, %arg11: memref<1x64xf32, #tpu.memory_space<vmem>>, %arg12: memref<64x64xf32, #tpu.memory_space<vmem>>, %arg13: memref<64x192xf32, #tpu.memory_space<vmem>>, %arg14: memref<64x192xf32, #tpu.memory_space<vmem>>, %arg15: memref<1x64xf32, #tpu.memory_space<vmem>>, %arg16: memref<1x64xf32, #tpu.memory_space<vmem>>, %arg17: memref<64x64xf32, #tpu.memory_space<vmem>>, %arg18: memref<64x64xf32, #tpu.memory_space<vmem>>) attributes {dimension_semantics = [#tpu.dimension_semantics<arbitrary>], iteration_bounds = array<i64: 20>, scalar_prefetch = 0 : i64, scratch_operands = 0 : i64, tpu.core_type = #tpu.core_type<tc>, window_params = [{transform_indices = @transform_0, window_bounds = array<i64: 1, 1280, 64>}, {transform_indices = @transform_1, window_bounds = array<i64: 1, 1280, 64>}, {transform_indices = @transform_2, window_bounds = array<i64: 1280, 64>}, {transform_indices = @transform_3, window_bounds = array<i64: 1280, 1>}, {pipeline_mode = #tpu.pipeline_mode<synchronous>, transform_indices = @transform_4, window_bounds = array<i64: 3, 64, 64>}, {pipeline_mode = #tpu.pipeline_mode<synchronous>, transform_indices = @transform_5, window_bounds = array<i64: 3, 1, 64>}, {pipeline_mode = #tpu.pipeline_mode<synchronous>, transform_indices = @transform_6, window_bounds = array<i64: 64, 64>}, {pipeline_mode = #tpu.pipeline_mode<synchronous>, transform_indices = @transform_7, window_bounds = array<i64: 1, 64>}, {pipeline_mode = #tpu.pipeline_mode<synchronous>, transform_indices = @transform_8, window_bounds = array<i64: 64, 64>}, {pipeline_mode = #tpu.pipeline_mode<synchronous>, transform_indices = @transform_9, window_bounds = array<i64: 1, 64>}, {pipeline_mode = #tpu.pipeline_mode<synchronous>, transform_indices = @transform_10, window_bounds = array<i64: 1, 64>}, {pipeline_mode = #tpu.pipeline_mode<synchronous>, transform_indices = @transform_11, window_bounds = array<i64: 64, 64>}, {pipeline_mode = #tpu.pipeline_mode<synchronous>, transform_indices = @transform_12, window_bounds = array<i64: 64, 192>}, {pipeline_mode = #tpu.pipeline_mode<synchronous>, transform_indices = @transform_13, window_bounds = array<i64: 64, 192>}, {pipeline_mode = #tpu.pipeline_mode<synchronous>, transform_indices = @transform_14, window_bounds = array<i64: 1, 64>}, {pipeline_mode = #tpu.pipeline_mode<synchronous>, transform_indices = @transform_15, window_bounds = array<i64: 1, 64>}, {pipeline_mode = #tpu.pipeline_mode<synchronous>, transform_indices = @transform_16, window_bounds = array<i64: 64, 64>}, {pipeline_mode = #tpu.pipeline_mode<synchronous>, transform_indices = @transform_17, window_bounds = array<i64: 64, 64>}]} {
    %eq3A = arith.constant 0 : i32
    %eq3A_0 = arith.cmpi eq, %arg0, %eq3A : i32
    %convert_element_type3A = arith.extui %eq3A_0 : i1 to i32
    %cond3A = arith.constant 0 : i32
    %cond3A_1 = arith.cmpi ne, %convert_element_type3A, %cond3A : i32
    scf.if %cond3A_1 {
      %broadcast_in_dim3A_111 = arith.constant -1.000000e+30 : f32
      %broadcast_in_dim3A_112 = vector.broadcast %broadcast_in_dim3A_111 : f32 to vector<1x64xf32>
      %swap3A_113 = arith.constant 0 : index
      %swap3A_114 = arith.constant 0 : index
      %swap3A_115 = vector.load %arg15[%swap3A_113, %swap3A_114] : memref<1x64xf32, #tpu.memory_space<vmem>>, vector<1x64xf32>
      tpu.vector_store %arg15[%swap3A_113, %swap3A_114], %broadcast_in_dim3A_112 {strides = array<i32>} : memref<1x64xf32, #tpu.memory_space<vmem>>, vector<1x64xf32>,
      %broadcast_in_dim3A_116 = arith.constant 0.000000e+00 : f32
      %broadcast_in_dim3A_117 = vector.broadcast %broadcast_in_dim3A_116 : f32 to vector<1x64xf32>
      %swap3A_118 = arith.constant 0 : index
      %swap3A_119 = arith.constant 0 : index
      %swap3A_120 = vector.load %arg16[%swap3A_118, %swap3A_119] : memref<1x64xf32, #tpu.memory_space<vmem>>, vector<1x64xf32>
      tpu.vector_store %arg16[%swap3A_118, %swap3A_119], %broadcast_in_dim3A_117 {strides = array<i32>} : memref<1x64xf32, #tpu.memory_space<vmem>>, vector<1x64xf32>,
      %broadcast_in_dim3A_121 = arith.constant 0.000000e+00 : f32
      %broadcast_in_dim3A_122 = vector.broadcast %broadcast_in_dim3A_121 : f32 to vector<64x64xf32>
      %swap3A_123 = arith.constant 0 : index
      %swap3A_124 = arith.constant 0 : index
      %swap3A_125 = vector.load %arg17[%swap3A_123, %swap3A_124] : memref<64x64xf32, #tpu.memory_space<vmem>>, vector<64x64xf32>
      tpu.vector_store %arg17[%swap3A_123, %swap3A_124], %broadcast_in_dim3A_122 {strides = array<i32>} : memref<64x64xf32, #tpu.memory_space<vmem>>, vector<64x64xf32>,
    } else {
    }
    %get3A = arith.constant 0 : index
    %get3A_2 = arith.constant 0 : index
    %get3A_3 = vector.load %arg7[%get3A, %get3A_2] : memref<64x64xf32, #tpu.memory_space<vmem>>, vector<64x64xf32>
    %get3A_4 = arith.constant 0 : index
    %get3A_5 = arith.constant 0 : index
    %get3A_6 = vector.load %arg8[%get3A_4, %get3A_5] : memref<1x64xf32, #tpu.memory_space<vmem>>, vector<1x64xf32>
    %max3A = arith.constant 1.000000e+00 : f32
    %max3A_7 = vector.broadcast %max3A : f32 to vector<1x64xf32>
    %max3A_8 = arith.maximumf %get3A_6, %max3A_7 : vector<1x64xf32>
    %div3A = vector.broadcast %max3A_8 : vector<1x64xf32> to vector<64x64xf32>
    %div3A_9 = arith.divf %get3A_3, %div3A : vector<64x64xf32>
    %get3A_10 = arith.constant 0 : index
    %get3A_11 = arith.constant 0 : index
    %get3A_12 = vector.load %arg9[%get3A_10, %get3A_11] : memref<64x64xf32, #tpu.memory_space<vmem>>, vector<64x64xf32>
    %get3A_13 = arith.constant 0 : index
    %get3A_14 = arith.constant 0 : index
    %get3A_15 = vector.load %arg10[%get3A_13, %get3A_14] : memref<1x64xf32, #tpu.memory_space<vmem>>, vector<1x64xf32>
    %max3A_16 = arith.constant 1.000000e+00 : f32
    %max3A_17 = vector.broadcast %max3A_16 : f32 to vector<1x64xf32>
    %max3A_18 = arith.maximumf %get3A_15, %max3A_17 : vector<1x64xf32>
    %div3A_19 = vector.broadcast %max3A_18 : vector<1x64xf32> to vector<64x64xf32>
    %div3A_20 = arith.divf %get3A_12, %div3A_19 : vector<64x64xf32>
    %mul3A = arith.mulf %div3A_9, %div3A_20 : vector<64x64xf32>
    %get3A_21 = arith.constant 0 : index
    %get3A_22 = arith.constant 0 : index
    %get3A_23 = arith.constant 0 : index
    %get3A_24 = vector.load %arg5[%get3A_21, %get3A_22, %get3A_23] : memref<3x64x64xf32, #tpu.memory_space<vmem>>, vector<1x64x64xf32>
    %get3A_25 = vector.shape_cast %get3A_24 : vector<1x64x64xf32> to vector<64x64xf32>
    %dot_general3A = arith.constant dense<0.000000e+00> : vector<64x64xf32>
    %dot_general3A_26 = tpu.matmul %get3A_25, %mul3A, %dot_general3A {dimension_numbers = #tpu.dot_dimension_numbers<[0], [0], [1], [1], [0, 1, 1, 1], [], []>, transpose_lhs_hint = false} : vector<64x64xf32>, vector<64x64xf32>, vector<64x64xf32> -> vector<64x64xf32>
    %tanh3A = math.tanh %dot_general3A_26 : vector<64x64xf32>
    %get3A_27 = arith.constant 0 : index
    %get3A_28 = arith.constant 0 : index
    %get3A_29 = vector.load %arg4[%get3A_27, %get3A_28] : memref<1280x1xi32, #tpu.memory_space<vmem>>, vector<1280x1xi32>
    %iota3A = tpu.iota {dimensions = array<i32: 1>} : vector<1280x64xi32>
    %eq3A_30 = vector.broadcast %get3A_29 : vector<1280x1xi32> to vector<1280x64xi32>
    %eq3A_31 = arith.cmpi eq, %eq3A_30, %iota3A : vector<1280x64xi32>
    %convert_element_type3A_32 = arith.extui %eq3A_31 : vector<1280x64xi1> to vector<1280x64xi32>
    %convert_element_type3A_33 = arith.sitofp %convert_element_type3A_32 : vector<1280x64xi32> to vector<1280x64xf32>
    %dot_general3A_34 = arith.constant dense<0.000000e+00> : vector<1280x64xf32>
    %dot_general3A_35 = tpu.matmul %convert_element_type3A_33, %tanh3A, %dot_general3A_34 {dimension_numbers = #tpu.dot_dimension_numbers<[1], [1], [0], [0], [0, 0, 1, 0], [], []>, precision = #tpu.contract_precision<fp32>, transpose_lhs_hint = false} : vector<1280x64xf32>, vector<64x64xf32>, vector<1280x64xf32> -> vector<1280x64xf32>
    %get3A_36 = arith.constant 0 : index
    %get3A_37 = arith.constant 0 : index
    %get3A_38 = arith.constant 0 : index
    %get3A_39 = vector.load %arg1[%get3A_36, %get3A_37, %get3A_38] : memref<1x1280x64xf32, #tpu.memory_space<vmem>>, vector<1x1280x64xf32>
    %get3A_40 = vector.shape_cast %get3A_39 : vector<1x1280x64xf32> to vector<1280x64xf32>
    %mul3A_41 = arith.mulf %get3A_40, %dot_general3A_35 : vector<1280x64xf32>
    %get3A_42 = arith.constant 0 : index
    %get3A_43 = arith.constant 0 : index
    %get3A_44 = arith.constant 0 : index
    %get3A_45 = vector.load %arg2[%get3A_42, %get3A_43, %get3A_44] : memref<1x1280x64xf32, #tpu.memory_space<vmem>>, vector<1x1280x64xf32>
    %get3A_46 = vector.shape_cast %get3A_45 : vector<1x1280x64xf32> to vector<1280x64xf32>
    %mul3A_47 = arith.mulf %mul3A_41, %get3A_46 : vector<1280x64xf32>
    %convert_element_type3A_48 = arith.truncf %mul3A_47 : vector<1280x64xf32> to vector<1280x64xbf16>
    %convert_element_type3A_49 = arith.extf %convert_element_type3A_48 : vector<1280x64xbf16> to vector<1280x64xf32>
    %get3A_50 = arith.constant 0 : index
    %get3A_51 = arith.constant 0 : index
    %get3A_52 = arith.constant 0 : index
    %get3A_53 = vector.load %arg6[%get3A_50, %get3A_51, %get3A_52] : memref<3x1x64xf32, #tpu.memory_space<vmem>>, vector<1x1x64xf32>
    %get3A_54 = vector.shape_cast %get3A_53 : vector<1x1x64xf32> to vector<1x64xf32>
    %mul3A_55 = vector.broadcast %get3A_54 : vector<1x64xf32> to vector<1280x64xf32>
    %mul3A_56 = arith.mulf %convert_element_type3A_49, %mul3A_55 : vector<1280x64xf32>
    %reduce_sum3A = arith.constant dense<0.000000e+00> : vector<1280xf32>
    %reduce_sum3A_57 = vector.multi_reduction <add>, %mul3A_56, %reduce_sum3A [1] : vector<1280x64xf32> to vector<1280xf32>
    %broadcast_in_dim3A = vector.shape_cast %reduce_sum3A_57 : vector<1280xf32> to vector<1280x1xf32>
    %gt3A = arith.constant 0.000000e+00 : f32
    %gt3A_58 = vector.broadcast %gt3A : f32 to vector<1280x64xf32>
    %gt3A_59 = arith.cmpf ogt, %convert_element_type3A_33, %gt3A_58 : vector<1280x64xf32>
    %jit3A = arith.constant -1.000000e+30 : f32
    %broadcast_in_dim3A_60 = vector.shape_cast %broadcast_in_dim3A : vector<1280x1xf32> to vector<1280x1xf32>
    %broadcast_in_dim3A_61 = vector.broadcast %broadcast_in_dim3A_60 : vector<1280x1xf32> to vector<1280x64xf32>
    %broadcast_in_dim3A_62 = vector.broadcast %jit3A : f32 to vector<1280x64xf32>
    %select_n3A = arith.select %gt3A_59, %broadcast_in_dim3A_61, %broadcast_in_dim3A_62 : vector<1280x64xi1>, vector<1280x64xf32>
    %reduce_max3A = arith.constant dense<0xFF800000> : vector<64xf32>
    %reduce_max3A_63 = vector.multi_reduction <maximumf>, %select_n3A, %reduce_max3A [0] : vector<1280x64xf32> to vector<64xf32>
    %broadcast_in_dim3A_64 = vector.shape_cast %reduce_max3A_63 : vector<64xf32> to vector<1x64xf32>
    %get3A_65 = arith.constant 0 : index
    %get3A_66 = arith.constant 0 : index
    %get3A_67 = vector.load %arg15[%get3A_65, %get3A_66] : memref<1x64xf32, #tpu.memory_space<vmem>>, vector<1x64xf32>
    %max3A_68 = arith.maximumf %get3A_67, %broadcast_in_dim3A_64 : vector<1x64xf32>
    %sub3A = arith.subf %get3A_67, %max3A_68 : vector<1x64xf32>
    %exp3A = math.exp %sub3A : vector<1x64xf32>
    %mul3A_69 = vector.broadcast %max3A_68 : vector<1x64xf32> to vector<1280x64xf32>
    %mul3A_70 = arith.mulf %convert_element_type3A_33, %mul3A_69 : vector<1280x64xf32>
    %reduce_sum3A_71 = arith.constant dense<0.000000e+00> : vector<1280xf32>
    %reduce_sum3A_72 = vector.multi_reduction <add>, %mul3A_70, %reduce_sum3A_71 [1] : vector<1280x64xf32> to vector<1280xf32>
    %broadcast_in_dim3A_73 = vector.shape_cast %reduce_sum3A_72 : vector<1280xf32> to vector<1280x1xf32>
    %sub3A_74 = arith.subf %broadcast_in_dim3A, %broadcast_in_dim3A_73 : vector<1280x1xf32>
    %exp3A_75 = math.exp %sub3A_74 : vector<1280x1xf32>
    %swap3A = arith.constant 0 : index
    %swap3A_76 = arith.constant 0 : index
    %swap3A_77 = vector.load %arg15[%swap3A, %swap3A_76] : memref<1x64xf32, #tpu.memory_space<vmem>>, vector<1x64xf32>
    tpu.vector_store %arg15[%swap3A, %swap3A_76], %max3A_68 {strides = array<i32>} : memref<1x64xf32, #tpu.memory_space<vmem>>, vector<1x64xf32>,
    %get3A_78 = arith.constant 0 : index
    %get3A_79 = arith.constant 0 : index
    %get3A_80 = vector.load %arg16[%get3A_78, %get3A_79] : memref<1x64xf32, #tpu.memory_space<vmem>>, vector<1x64xf32>
    %mul3A_81 = arith.mulf %get3A_80, %exp3A : vector<1x64xf32>
    %mul3A_82 = vector.broadcast %exp3A_75 : vector<1280x1xf32> to vector<1280x64xf32>
    %mul3A_83 = arith.mulf %convert_element_type3A_33, %mul3A_82 : vector<1280x64xf32>
    %reduce_sum3A_84 = arith.constant dense<0.000000e+00> : vector<64xf32>
    %reduce_sum3A_85 = vector.multi_reduction <add>, %mul3A_83, %reduce_sum3A_84 [0] : vector<1280x64xf32> to vector<64xf32>
    %broadcast_in_dim3A_86 = vector.shape_cast %reduce_sum3A_85 : vector<64xf32> to vector<1x64xf32>
    %add3A = arith.addf %mul3A_81, %broadcast_in_dim3A_86 : vector<1x64xf32>
    %swap3A_87 = arith.constant 0 : index
    %swap3A_88 = arith.constant 0 : index
    %swap3A_89 = vector.load %arg16[%swap3A_87, %swap3A_88] : memref<1x64xf32, #tpu.memory_space<vmem>>, vector<1x64xf32>
    tpu.vector_store %arg16[%swap3A_87, %swap3A_88], %add3A {strides = array<i32>} : memref<1x64xf32, #tpu.memory_space<vmem>>, vector<1x64xf32>,
    %get3A_90 = arith.constant 0 : index
    %get3A_91 = arith.constant 0 : index
    %get3A_92 = vector.load %arg17[%get3A_90, %get3A_91] : memref<64x64xf32, #tpu.memory_space<vmem>>, vector<64x64xf32>
    %mul3A_93 = vector.broadcast %exp3A : vector<1x64xf32> to vector<64x64xf32>
    %mul3A_94 = arith.mulf %get3A_92, %mul3A_93 : vector<64x64xf32>
    %get3A_95 = arith.constant 0 : index
    %get3A_96 = arith.constant 0 : index
    %get3A_97 = vector.load %arg3[%get3A_95, %get3A_96] : memref<1280x64xf32, #tpu.memory_space<vmem>>, vector<1280x64xf32>
    %mul3A_98 = vector.broadcast %exp3A_75 : vector<1280x1xf32> to vector<1280x64xf32>
    %mul3A_99 = arith.mulf %get3A_97, %mul3A_98 : vector<1280x64xf32>
    %dot_general3A_100 = arith.constant dense<0.000000e+00> : vector<64x64xf32>
    %dot_general3A_101 = tpu.matmul %mul3A_99, %convert_element_type3A_33, %dot_general3A_100 {dimension_numbers = #tpu.dot_dimension_numbers<[0], [0], [1], [1], [0, 1, 1, 1], [], []>, precision = #tpu.contract_precision<fp32>, transpose_lhs_hint = false} : vector<1280x64xf32>, vector<1280x64xf32>, vector<64x64xf32> -> vector<64x64xf32>
    %add3A_102 = arith.addf %mul3A_94, %dot_general3A_101 : vector<64x64xf32>
    %swap3A_103 = arith.constant 0 : index
    %swap3A_104 = arith.constant 0 : index
    %swap3A_105 = vector.load %arg17[%swap3A_103, %swap3A_104] : memref<64x64xf32, #tpu.memory_space<vmem>>, vector<64x64xf32>
    tpu.vector_store %arg17[%swap3A_103, %swap3A_104], %add3A_102 {strides = array<i32>} : memref<64x64xf32, #tpu.memory_space<vmem>>, vector<64x64xf32>,
    %eq3A_106 = arith.constant 19 : i32
    %eq3A_107 = arith.cmpi eq, %arg0, %eq3A_106 : i32
    %convert_element_type3A_108 = arith.extui %eq3A_107 : i1 to i32
    %cond3A_109 = arith.constant 0 : i32
    %cond3A_110 = arith.cmpi ne, %convert_element_type3A_108, %cond3A_109 : i32
    scf.if %cond3A_110 {
      %get3A_111 = arith.constant 0 : index
      %get3A_112 = arith.constant 0 : index
      %get3A_113 = vector.load %arg12[%get3A_111, %get3A_112] : memref<64x64xf32, #tpu.memory_space<vmem>>, vector<64x64xf32>
      %get3A_114 = arith.constant 0 : index
      %get3A_115 = arith.constant 0 : index
      %get3A_116 = vector.load %arg11[%get3A_114, %get3A_115] : memref<1x64xf32, #tpu.memory_space<vmem>>, vector<1x64xf32>
      %add3A_117 = arith.constant 9.99999997E-7 : f32
      %add3A_118 = vector.broadcast %add3A_117 : f32 to vector<1x64xf32>
      %add3A_119 = arith.addf %get3A_116, %add3A_118 : vector<1x64xf32>
      %div3A_120 = vector.broadcast %add3A_119 : vector<1x64xf32> to vector<64x64xf32>
      %div3A_121 = arith.divf %get3A_113, %div3A_120 : vector<64x64xf32>
      %get3A_122 = arith.constant 0 : index
      %get3A_123 = arith.constant 0 : index
      %get3A_124 = vector.load %arg17[%get3A_122, %get3A_123] : memref<64x64xf32, #tpu.memory_space<vmem>>, vector<64x64xf32>
      %get3A_125 = arith.constant 0 : index
      %get3A_126 = arith.constant 0 : index
      %get3A_127 = vector.load %arg16[%get3A_125, %get3A_126] : memref<1x64xf32, #tpu.memory_space<vmem>>, vector<1x64xf32>
      %add3A_128 = arith.constant 9.99999997E-7 : f32
      %add3A_129 = vector.broadcast %add3A_128 : f32 to vector<1x64xf32>
      %add3A_130 = arith.addf %get3A_127, %add3A_129 : vector<1x64xf32>
      %div3A_131 = vector.broadcast %add3A_130 : vector<1x64xf32> to vector<64x64xf32>
      %div3A_132 = arith.divf %get3A_124, %div3A_131 : vector<64x64xf32>
      %mul3A_133 = arith.mulf %div3A_121, %div3A_132 : vector<64x64xf32>
      %get3A_134 = arith.constant 0 : index
      %get3A_135 = arith.constant 0 : index
      %get3A_136 = vector.load %arg13[%get3A_134, %get3A_135] : memref<64x192xf32, #tpu.memory_space<vmem>>, vector<64x192xf32>
      %dot_general3A_137 = arith.constant dense<0.000000e+00> : vector<192x64xf32>
      %dot_general3A_138 = tpu.matmul %get3A_136, %mul3A_133, %dot_general3A_137 {dimension_numbers = #tpu.dot_dimension_numbers<[0], [0], [1], [1], [0, 1, 1, 1], [], []>, transpose_lhs_hint = false} : vector<64x192xf32>, vector<64x64xf32>, vector<192x64xf32> -> vector<192x64xf32>
      %get3A_139 = arith.constant 0 : index
      %get3A_140 = arith.constant 0 : index
      %get3A_141 = vector.load %arg14[%get3A_139, %get3A_140] : memref<64x192xf32, #tpu.memory_space<vmem>>, vector<64x192xf32>
      %dot_general3A_142 = arith.constant dense<0.000000e+00> : vector<192x64xf32>
      %dot_general3A_143 = tpu.matmul %get3A_141, %mul3A, %dot_general3A_142 {dimension_numbers = #tpu.dot_dimension_numbers<[0], [0], [1], [1], [0, 1, 1, 1], [], []>, transpose_lhs_hint = false} : vector<64x192xf32>, vector<64x64xf32>, vector<192x64xf32> -> vector<192x64xf32>
      %slice3A = vector.extract_strided_slice %dot_general3A_138 {offsets = [0, 0], sizes = [64, 64], strides = [1, 1]} : vector<192x64xf32> to vector<64x64xf32>
      %slice3A_144 = vector.extract_strided_slice %dot_general3A_143 {offsets = [0, 0], sizes = [64, 64], strides = [1, 1]} : vector<192x64xf32> to vector<64x64xf32>
      %add3A_145 = arith.addf %slice3A, %slice3A_144 : vector<64x64xf32>
      %logistic3A = arith.negf %add3A_145 : vector<64x64xf32>
      %logistic3A_146 = math.exp %logistic3A : vector<64x64xf32>
      %logistic3A_147 = arith.constant 1.000000e+00 : f32
      %logistic3A_148 = vector.broadcast %logistic3A_147 : f32 to vector<64x64xf32>
      %logistic3A_149 = arith.addf %logistic3A_148, %logistic3A_146 : vector<64x64xf32>
      %logistic3A_150 = arith.divf %logistic3A_148, %logistic3A_149 : vector<64x64xf32>
      %slice3A_151 = vector.extract_strided_slice %dot_general3A_138 {offsets = [64, 0], sizes = [64, 64], strides = [1, 1]} : vector<192x64xf32> to vector<64x64xf32>
      %slice3A_152 = vector.extract_strided_slice %dot_general3A_143 {offsets = [64, 0], sizes = [64, 64], strides = [1, 1]} : vector<192x64xf32> to vector<64x64xf32>
      %add3A_153 = arith.addf %slice3A_151, %slice3A_152 : vector<64x64xf32>
      %logistic3A_154 = arith.negf %add3A_153 : vector<64x64xf32>
      %logistic3A_155 = math.exp %logistic3A_154 : vector<64x64xf32>
      %logistic3A_156 = arith.constant 1.000000e+00 : f32
      %logistic3A_157 = vector.broadcast %logistic3A_156 : f32 to vector<64x64xf32>
      %logistic3A_158 = arith.addf %logistic3A_157, %logistic3A_155 : vector<64x64xf32>
      %logistic3A_159 = arith.divf %logistic3A_157, %logistic3A_158 : vector<64x64xf32>
      %slice3A_160 = vector.extract_strided_slice %dot_general3A_138 {offsets = [128, 0], sizes = [64, 64], strides = [1, 1]} : vector<192x64xf32> to vector<64x64xf32>
      %slice3A_161 = vector.extract_strided_slice %dot_general3A_143 {offsets = [128, 0], sizes = [64, 64], strides = [1, 1]} : vector<192x64xf32> to vector<64x64xf32>
      %mul3A_162 = arith.mulf %logistic3A_150, %slice3A_161 : vector<64x64xf32>
      %add3A_163 = arith.addf %slice3A_160, %mul3A_162 : vector<64x64xf32>
      %tanh3A_164 = math.tanh %add3A_163 : vector<64x64xf32>
      %sub3A_165 = arith.constant 1.000000e+00 : f32
      %sub3A_166 = vector.broadcast %sub3A_165 : f32 to vector<64x64xf32>
      %sub3A_167 = arith.subf %sub3A_166, %logistic3A_159 : vector<64x64xf32>
      %mul3A_168 = arith.mulf %sub3A_167, %tanh3A_164 : vector<64x64xf32>
      %mul3A_169 = arith.mulf %logistic3A_159, %mul3A : vector<64x64xf32>
      %add3A_170 = arith.addf %mul3A_168, %mul3A_169 : vector<64x64xf32>
      %swap3A_171 = arith.constant 0 : index
      %swap3A_172 = arith.constant 0 : index
      %swap3A_173 = vector.load %arg18[%swap3A_171, %swap3A_172] : memref<64x64xf32, #tpu.memory_space<vmem>>, vector<64x64xf32>
      tpu.vector_store %arg18[%swap3A_171, %swap3A_172], %add3A_170 {strides = array<i32>} : memref<64x64xf32, #tpu.memory_space<vmem>>, vector<64x64xf32>,
    } else {
    }
    return
  }
  func.func @transform_0(%arg0: i32) -> (i32, i32, i32) {
    %c0_i32 = arith.constant 0 : i32
    %c0_i32_0 = arith.constant 0 : i32
    %c0_i32_1 = arith.constant 0 : i32
    return %c0_i32, %arg0, %c0_i32_0 : i32, i32, i32
  }
  func.func @transform_1(%arg0: i32) -> (i32, i32, i32) {
    %c0_i32 = arith.constant 0 : i32
    %c0_i32_0 = arith.constant 0 : i32
    %c0_i32_1 = arith.constant 0 : i32
    return %c0_i32, %arg0, %c0_i32_0 : i32, i32, i32
  }
  func.func @transform_2(%arg0: i32) -> (i32, i32) {
    %c0_i32 = arith.constant 0 : i32
    %c0_i32_0 = arith.constant 0 : i32
    return %arg0, %c0_i32 : i32, i32
  }
  func.func @transform_3(%arg0: i32) -> (i32, i32) {
    %c0_i32 = arith.constant 0 : i32
    %c0_i32_0 = arith.constant 0 : i32
    return %arg0, %c0_i32 : i32, i32
  }
  func.func @transform_4(%arg0: i32) -> (i32, i32, i32) {
    %c0_i32 = arith.constant 0 : i32
    %c0_i32_0 = arith.constant 0 : i32
    %c0_i32_1 = arith.constant 0 : i32
    %c0_i32_2 = arith.constant 0 : i32
    return %c0_i32, %c0_i32_0, %c0_i32_1 : i32, i32, i32
  }
  func.func @transform_5(%arg0: i32) -> (i32, i32, i32) {
    %c0_i32 = arith.constant 0 : i32
    %c0_i32_0 = arith.constant 0 : i32
    %c0_i32_1 = arith.constant 0 : i32
    %c0_i32_2 = arith.constant 0 : i32
    return %c0_i32, %c0_i32_0, %c0_i32_1 : i32, i32, i32
  }
  func.func @transform_6(%arg0: i32) -> (i32, i32) {
    %c0_i32 = arith.constant 0 : i32
    %c0_i32_0 = arith.constant 0 : i32
    %c0_i32_1 = arith.constant 0 : i32
    return %c0_i32, %c0_i32_0 : i32, i32
  }
  func.func @transform_7(%arg0: i32) -> (i32, i32) {
    %c0_i32 = arith.constant 0 : i32
    %c0_i32_0 = arith.constant 0 : i32
    %c0_i32_1 = arith.constant 0 : i32
    return %c0_i32, %c0_i32_0 : i32, i32
  }
  func.func @transform_8(%arg0: i32) -> (i32, i32) {
    %c0_i32 = arith.constant 0 : i32
    %c0_i32_0 = arith.constant 0 : i32
    %c0_i32_1 = arith.constant 0 : i32
    return %c0_i32, %c0_i32_0 : i32, i32
  }
  func.func @transform_9(%arg0: i32) -> (i32, i32) {
    %c0_i32 = arith.constant 0 : i32
    %c0_i32_0 = arith.constant 0 : i32
    %c0_i32_1 = arith.constant 0 : i32
    return %c0_i32, %c0_i32_0 : i32, i32
  }
  func.func @transform_10(%arg0: i32) -> (i32, i32) {
    %c0_i32 = arith.constant 0 : i32
    %c0_i32_0 = arith.constant 0 : i32
    %c0_i32_1 = arith.constant 0 : i32
    return %c0_i32, %c0_i32_0 : i32, i32
  }
  func.func @transform_11(%arg0: i32) -> (i32, i32) {
    %c0_i32 = arith.constant 0 : i32
    %c0_i32_0 = arith.constant 0 : i32
    %c0_i32_1 = arith.constant 0 : i32
    return %c0_i32, %c0_i32_0 : i32, i32
  }
  func.func @transform_12(%arg0: i32) -> (i32, i32) {
    %c0_i32 = arith.constant 0 : i32
    %c0_i32_0 = arith.constant 0 : i32
    %c0_i32_1 = arith.constant 0 : i32
    return %c0_i32, %c0_i32_0 : i32, i32
  }
  func.func @transform_13(%arg0: i32) -> (i32, i32) {
    %c0_i32 = arith.constant 0 : i32
    %c0_i32_0 = arith.constant 0 : i32
    %c0_i32_1 = arith.constant 0 : i32
    return %c0_i32, %c0_i32_0 : i32, i32
  }
  func.func @transform_14(%arg0: i32) -> (i32, i32) {
    %c0_i32 = arith.constant 0 : i32
    %c0_i32_0 = arith.constant 0 : i32
    %c0_i32_1 = arith.constant 0 : i32
    return %c0_i32, %c0_i32_0 : i32, i32
  }
  func.func @transform_15(%arg0: i32) -> (i32, i32) {
    %c0_i32 = arith.constant 0 : i32
    %c0_i32_0 = arith.constant 0 : i32
    %c0_i32_1 = arith.constant 0 : i32
    return %c0_i32, %c0_i32_0 : i32, i32
  }
  func.func @transform_16(%arg0: i32) -> (i32, i32) {
    %c0_i32 = arith.constant 0 : i32
    %c0_i32_0 = arith.constant 0 : i32
    %c0_i32_1 = arith.constant 0 : i32
    return %c0_i32, %c0_i32_0 : i32, i32
  }
  func.func @transform_17(%arg0: i32) -> (i32, i32) {
    %c0_i32 = arith.constant 0 : i32
    %c0_i32_0 = arith.constant 0 : i32
    %c0_i32_1 = arith.constant 0 : i32
    return %c0_i32, %c0_i32_0 : i32, i32
  }
}

module attributes {stable_mosaic.version = 14 : i64} {
  func.func @body(%arg0: i32, %arg1: memref<1x1280x64xf32, #tpu.memory_space<vmem>>, %arg2: memref<1x1280x64xf32, #tpu.memory_space<vmem>>, %arg3: memref<1280x64xf32, #tpu.memory_space<vmem>>, %arg4: memref<1280x1xi32, #tpu.memory_space<vmem>>, %arg5: memref<3x64x64xf32, #tpu.memory_space<vmem>>, %arg6: memref<3x1x64xf32, #tpu.memory_space<vmem>>, %arg7: memref<64x64xf32, #tpu.memory_space<vmem>>, %arg8: memref<1x64xf32, #tpu.memory_space<vmem>>, %arg9: memref<1x64xf32, #tpu.memory_space<vmem>>, %arg10: memref<64x64xf32, #tpu.memory_space<vmem>>) attributes {dimension_semantics = [#tpu.dimension_semantics<arbitrary>], iteration_bounds = array<i64: 10>, scalar_prefetch = 0 : i64, scratch_operands = 0 : i64, tpu.core_type = #tpu.core_type<tc>, window_params = [{transform_indices = @transform_0, window_bounds = array<i64: 1, 1280, 64>}, {transform_indices = @transform_1, window_bounds = array<i64: 1, 1280, 64>}, {transform_indices = @transform_2, window_bounds = array<i64: 1280, 64>}, {transform_indices = @transform_3, window_bounds = array<i64: 1280, 1>}, {pipeline_mode = #tpu.pipeline_mode<synchronous>, transform_indices = @transform_4, window_bounds = array<i64: 3, 64, 64>}, {pipeline_mode = #tpu.pipeline_mode<synchronous>, transform_indices = @transform_5, window_bounds = array<i64: 3, 1, 64>}, {pipeline_mode = #tpu.pipeline_mode<synchronous>, transform_indices = @transform_6, window_bounds = array<i64: 64, 64>}, {pipeline_mode = #tpu.pipeline_mode<synchronous>, transform_indices = @transform_7, window_bounds = array<i64: 1, 64>}, {pipeline_mode = #tpu.pipeline_mode<synchronous>, transform_indices = @transform_8, window_bounds = array<i64: 1, 64>}, {pipeline_mode = #tpu.pipeline_mode<synchronous>, transform_indices = @transform_9, window_bounds = array<i64: 64, 64>}]} {
    %eq3A = arith.constant 0 : i32
    %eq3A_0 = arith.cmpi eq, %arg0, %eq3A : i32
    %convert_element_type3A = arith.extui %eq3A_0 : i1 to i32
    %cond3A = arith.constant 0 : i32
    %cond3A_1 = arith.cmpi ne, %convert_element_type3A, %cond3A : i32
    scf.if %cond3A_1 {
      %broadcast_in_dim3A_87 = arith.constant -1.000000e+30 : f32
      %broadcast_in_dim3A_88 = vector.broadcast %broadcast_in_dim3A_87 : f32 to vector<1x64xf32>
      %swap3A_89 = arith.constant 0 : index
      %swap3A_90 = arith.constant 0 : index
      %swap3A_91 = vector.load %arg8[%swap3A_89, %swap3A_90] : memref<1x64xf32, #tpu.memory_space<vmem>>, vector<1x64xf32>
      tpu.vector_store %arg8[%swap3A_89, %swap3A_90], %broadcast_in_dim3A_88 {strides = array<i32>} : memref<1x64xf32, #tpu.memory_space<vmem>>, vector<1x64xf32>,
      %broadcast_in_dim3A_92 = arith.constant 0.000000e+00 : f32
      %broadcast_in_dim3A_93 = vector.broadcast %broadcast_in_dim3A_92 : f32 to vector<1x64xf32>
      %swap3A_94 = arith.constant 0 : index
      %swap3A_95 = arith.constant 0 : index
      %swap3A_96 = vector.load %arg9[%swap3A_94, %swap3A_95] : memref<1x64xf32, #tpu.memory_space<vmem>>, vector<1x64xf32>
      tpu.vector_store %arg9[%swap3A_94, %swap3A_95], %broadcast_in_dim3A_93 {strides = array<i32>} : memref<1x64xf32, #tpu.memory_space<vmem>>, vector<1x64xf32>,
      %broadcast_in_dim3A_97 = arith.constant 0.000000e+00 : f32
      %broadcast_in_dim3A_98 = vector.broadcast %broadcast_in_dim3A_97 : f32 to vector<64x64xf32>
      %swap3A_99 = arith.constant 0 : index
      %swap3A_100 = arith.constant 0 : index
      %swap3A_101 = vector.load %arg10[%swap3A_99, %swap3A_100] : memref<64x64xf32, #tpu.memory_space<vmem>>, vector<64x64xf32>
      tpu.vector_store %arg10[%swap3A_99, %swap3A_100], %broadcast_in_dim3A_98 {strides = array<i32>} : memref<64x64xf32, #tpu.memory_space<vmem>>, vector<64x64xf32>,
    } else {
    }
    %get3A = arith.constant 0 : index
    %get3A_2 = arith.constant 0 : index
    %get3A_3 = vector.load %arg7[%get3A, %get3A_2] : memref<64x64xf32, #tpu.memory_space<vmem>>, vector<64x64xf32>
    %get3A_4 = arith.constant 1 : index
    %get3A_5 = arith.constant 0 : index
    %get3A_6 = arith.constant 0 : index
    %get3A_7 = vector.load %arg5[%get3A_4, %get3A_5, %get3A_6] : memref<3x64x64xf32, #tpu.memory_space<vmem>>, vector<1x64x64xf32>
    %get3A_8 = vector.shape_cast %get3A_7 : vector<1x64x64xf32> to vector<64x64xf32>
    %dot_general3A = arith.constant dense<0.000000e+00> : vector<64x64xf32>
    %dot_general3A_9 = tpu.matmul %get3A_8, %get3A_3, %dot_general3A {dimension_numbers = #tpu.dot_dimension_numbers<[0], [0], [1], [1], [0, 1, 1, 1], [], []>, transpose_lhs_hint = false} : vector<64x64xf32>, vector<64x64xf32>, vector<64x64xf32> -> vector<64x64xf32>
    %tanh3A = math.tanh %dot_general3A_9 : vector<64x64xf32>
    %get3A_10 = arith.constant 0 : index
    %get3A_11 = arith.constant 0 : index
    %get3A_12 = vector.load %arg4[%get3A_10, %get3A_11] : memref<1280x1xi32, #tpu.memory_space<vmem>>, vector<1280x1xi32>
    %iota3A = tpu.iota {dimensions = array<i32: 1>} : vector<1280x64xi32>
    %eq3A_13 = vector.broadcast %get3A_12 : vector<1280x1xi32> to vector<1280x64xi32>
    %eq3A_14 = arith.cmpi eq, %eq3A_13, %iota3A : vector<1280x64xi32>
    %convert_element_type3A_15 = arith.extui %eq3A_14 : vector<1280x64xi1> to vector<1280x64xi32>
    %convert_element_type3A_16 = arith.sitofp %convert_element_type3A_15 : vector<1280x64xi32> to vector<1280x64xf32>
    %dot_general3A_17 = arith.constant dense<0.000000e+00> : vector<1280x64xf32>
    %dot_general3A_18 = tpu.matmul %convert_element_type3A_16, %tanh3A, %dot_general3A_17 {dimension_numbers = #tpu.dot_dimension_numbers<[1], [1], [0], [0], [0, 0, 1, 0], [], []>, precision = #tpu.contract_precision<fp32>, transpose_lhs_hint = false} : vector<1280x64xf32>, vector<64x64xf32>, vector<1280x64xf32> -> vector<1280x64xf32>
    %get3A_19 = arith.constant 0 : index
    %get3A_20 = arith.constant 0 : index
    %get3A_21 = arith.constant 0 : index
    %get3A_22 = vector.load %arg1[%get3A_19, %get3A_20, %get3A_21] : memref<1x1280x64xf32, #tpu.memory_space<vmem>>, vector<1x1280x64xf32>
    %get3A_23 = vector.shape_cast %get3A_22 : vector<1x1280x64xf32> to vector<1280x64xf32>
    %mul3A = arith.mulf %get3A_23, %dot_general3A_18 : vector<1280x64xf32>
    %get3A_24 = arith.constant 0 : index
    %get3A_25 = arith.constant 0 : index
    %get3A_26 = arith.constant 0 : index
    %get3A_27 = vector.load %arg2[%get3A_24, %get3A_25, %get3A_26] : memref<1x1280x64xf32, #tpu.memory_space<vmem>>, vector<1x1280x64xf32>
    %get3A_28 = vector.shape_cast %get3A_27 : vector<1x1280x64xf32> to vector<1280x64xf32>
    %mul3A_29 = arith.mulf %mul3A, %get3A_28 : vector<1280x64xf32>
    %convert_element_type3A_30 = arith.truncf %mul3A_29 : vector<1280x64xf32> to vector<1280x64xbf16>
    %convert_element_type3A_31 = arith.extf %convert_element_type3A_30 : vector<1280x64xbf16> to vector<1280x64xf32>
    %get3A_32 = arith.constant 1 : index
    %get3A_33 = arith.constant 0 : index
    %get3A_34 = arith.constant 0 : index
    %get3A_35 = vector.load %arg6[%get3A_32, %get3A_33, %get3A_34] : memref<3x1x64xf32, #tpu.memory_space<vmem>>, vector<1x1x64xf32>
    %get3A_36 = vector.shape_cast %get3A_35 : vector<1x1x64xf32> to vector<1x64xf32>
    %mul3A_37 = vector.broadcast %get3A_36 : vector<1x64xf32> to vector<1280x64xf32>
    %mul3A_38 = arith.mulf %convert_element_type3A_31, %mul3A_37 : vector<1280x64xf32>
    %reduce_sum3A = arith.constant dense<0.000000e+00> : vector<1280xf32>
    %reduce_sum3A_39 = vector.multi_reduction <add>, %mul3A_38, %reduce_sum3A [1] : vector<1280x64xf32> to vector<1280xf32>
    %broadcast_in_dim3A = vector.shape_cast %reduce_sum3A_39 : vector<1280xf32> to vector<1280x1xf32>
    %gt3A = arith.constant 0.000000e+00 : f32
    %gt3A_40 = vector.broadcast %gt3A : f32 to vector<1280x64xf32>
    %gt3A_41 = arith.cmpf ogt, %convert_element_type3A_16, %gt3A_40 : vector<1280x64xf32>
    %jit3A = arith.constant -1.000000e+30 : f32
    %broadcast_in_dim3A_42 = vector.shape_cast %broadcast_in_dim3A : vector<1280x1xf32> to vector<1280x1xf32>
    %broadcast_in_dim3A_43 = vector.broadcast %broadcast_in_dim3A_42 : vector<1280x1xf32> to vector<1280x64xf32>
    %broadcast_in_dim3A_44 = vector.broadcast %jit3A : f32 to vector<1280x64xf32>
    %select_n3A = arith.select %gt3A_41, %broadcast_in_dim3A_43, %broadcast_in_dim3A_44 : vector<1280x64xi1>, vector<1280x64xf32>
    %reduce_max3A = arith.constant dense<0xFF800000> : vector<64xf32>
    %reduce_max3A_45 = vector.multi_reduction <maximumf>, %select_n3A, %reduce_max3A [0] : vector<1280x64xf32> to vector<64xf32>
    %broadcast_in_dim3A_46 = vector.shape_cast %reduce_max3A_45 : vector<64xf32> to vector<1x64xf32>
    %get3A_47 = arith.constant 0 : index
    %get3A_48 = arith.constant 0 : index
    %get3A_49 = vector.load %arg8[%get3A_47, %get3A_48] : memref<1x64xf32, #tpu.memory_space<vmem>>, vector<1x64xf32>
    %max3A = arith.maximumf %get3A_49, %broadcast_in_dim3A_46 : vector<1x64xf32>
    %sub3A = arith.subf %get3A_49, %max3A : vector<1x64xf32>
    %exp3A = math.exp %sub3A : vector<1x64xf32>
    %mul3A_50 = vector.broadcast %max3A : vector<1x64xf32> to vector<1280x64xf32>
    %mul3A_51 = arith.mulf %convert_element_type3A_16, %mul3A_50 : vector<1280x64xf32>
    %reduce_sum3A_52 = arith.constant dense<0.000000e+00> : vector<1280xf32>
    %reduce_sum3A_53 = vector.multi_reduction <add>, %mul3A_51, %reduce_sum3A_52 [1] : vector<1280x64xf32> to vector<1280xf32>
    %broadcast_in_dim3A_54 = vector.shape_cast %reduce_sum3A_53 : vector<1280xf32> to vector<1280x1xf32>
    %sub3A_55 = arith.subf %broadcast_in_dim3A, %broadcast_in_dim3A_54 : vector<1280x1xf32>
    %exp3A_56 = math.exp %sub3A_55 : vector<1280x1xf32>
    %swap3A = arith.constant 0 : index
    %swap3A_57 = arith.constant 0 : index
    %swap3A_58 = vector.load %arg8[%swap3A, %swap3A_57] : memref<1x64xf32, #tpu.memory_space<vmem>>, vector<1x64xf32>
    tpu.vector_store %arg8[%swap3A, %swap3A_57], %max3A {strides = array<i32>} : memref<1x64xf32, #tpu.memory_space<vmem>>, vector<1x64xf32>,
    %get3A_59 = arith.constant 0 : index
    %get3A_60 = arith.constant 0 : index
    %get3A_61 = vector.load %arg9[%get3A_59, %get3A_60] : memref<1x64xf32, #tpu.memory_space<vmem>>, vector<1x64xf32>
    %mul3A_62 = arith.mulf %get3A_61, %exp3A : vector<1x64xf32>
    %mul3A_63 = vector.broadcast %exp3A_56 : vector<1280x1xf32> to vector<1280x64xf32>
    %mul3A_64 = arith.mulf %convert_element_type3A_16, %mul3A_63 : vector<1280x64xf32>
    %reduce_sum3A_65 = arith.constant dense<0.000000e+00> : vector<64xf32>
    %reduce_sum3A_66 = vector.multi_reduction <add>, %mul3A_64, %reduce_sum3A_65 [0] : vector<1280x64xf32> to vector<64xf32>
    %broadcast_in_dim3A_67 = vector.shape_cast %reduce_sum3A_66 : vector<64xf32> to vector<1x64xf32>
    %add3A = arith.addf %mul3A_62, %broadcast_in_dim3A_67 : vector<1x64xf32>
    %swap3A_68 = arith.constant 0 : index
    %swap3A_69 = arith.constant 0 : index
    %swap3A_70 = vector.load %arg9[%swap3A_68, %swap3A_69] : memref<1x64xf32, #tpu.memory_space<vmem>>, vector<1x64xf32>
    tpu.vector_store %arg9[%swap3A_68, %swap3A_69], %add3A {strides = array<i32>} : memref<1x64xf32, #tpu.memory_space<vmem>>, vector<1x64xf32>,
    %get3A_71 = arith.constant 0 : index
    %get3A_72 = arith.constant 0 : index
    %get3A_73 = vector.load %arg10[%get3A_71, %get3A_72] : memref<64x64xf32, #tpu.memory_space<vmem>>, vector<64x64xf32>
    %mul3A_74 = vector.broadcast %exp3A : vector<1x64xf32> to vector<64x64xf32>
    %mul3A_75 = arith.mulf %get3A_73, %mul3A_74 : vector<64x64xf32>
    %get3A_76 = arith.constant 0 : index
    %get3A_77 = arith.constant 0 : index
    %get3A_78 = vector.load %arg3[%get3A_76, %get3A_77] : memref<1280x64xf32, #tpu.memory_space<vmem>>, vector<1280x64xf32>
    %mul3A_79 = vector.broadcast %exp3A_56 : vector<1280x1xf32> to vector<1280x64xf32>
    %mul3A_80 = arith.mulf %get3A_78, %mul3A_79 : vector<1280x64xf32>
    %dot_general3A_81 = arith.constant dense<0.000000e+00> : vector<64x64xf32>
    %dot_general3A_82 = tpu.matmul %mul3A_80, %convert_element_type3A_16, %dot_general3A_81 {dimension_numbers = #tpu.dot_dimension_numbers<[0], [0], [1], [1], [0, 1, 1, 1], [], []>, precision = #tpu.contract_precision<fp32>, transpose_lhs_hint = false} : vector<1280x64xf32>, vector<1280x64xf32>, vector<64x64xf32> -> vector<64x64xf32>
    %add3A_83 = arith.addf %mul3A_75, %dot_general3A_82 : vector<64x64xf32>
    %swap3A_84 = arith.constant 0 : index
    %swap3A_85 = arith.constant 0 : index
    %swap3A_86 = vector.load %arg10[%swap3A_84, %swap3A_85] : memref<64x64xf32, #tpu.memory_space<vmem>>, vector<64x64xf32>
    tpu.vector_store %arg10[%swap3A_84, %swap3A_85], %add3A_83 {strides = array<i32>} : memref<64x64xf32, #tpu.memory_space<vmem>>, vector<64x64xf32>,
    return
  }
  func.func @transform_0(%arg0: i32) -> (i32, i32, i32) {
    %c1_i32 = arith.constant 1 : i32
    %c0_i32 = arith.constant 0 : i32
    %c0_i32_0 = arith.constant 0 : i32
    return %c1_i32, %arg0, %c0_i32 : i32, i32, i32
  }
  func.func @transform_1(%arg0: i32) -> (i32, i32, i32) {
    %c1_i32 = arith.constant 1 : i32
    %c0_i32 = arith.constant 0 : i32
    %c0_i32_0 = arith.constant 0 : i32
    return %c1_i32, %arg0, %c0_i32 : i32, i32, i32
  }
  func.func @transform_2(%arg0: i32) -> (i32, i32) {
    %c0_i32 = arith.constant 0 : i32
    %c0_i32_0 = arith.constant 0 : i32
    return %arg0, %c0_i32 : i32, i32
  }
  func.func @transform_3(%arg0: i32) -> (i32, i32) {
    %c0_i32 = arith.constant 0 : i32
    %c0_i32_0 = arith.constant 0 : i32
    return %arg0, %c0_i32 : i32, i32
  }
  func.func @transform_4(%arg0: i32) -> (i32, i32, i32) {
    %c0_i32 = arith.constant 0 : i32
    %c0_i32_0 = arith.constant 0 : i32
    %c0_i32_1 = arith.constant 0 : i32
    %c0_i32_2 = arith.constant 0 : i32
    return %c0_i32, %c0_i32_0, %c0_i32_1 : i32, i32, i32
  }
  func.func @transform_5(%arg0: i32) -> (i32, i32, i32) {
    %c0_i32 = arith.constant 0 : i32
    %c0_i32_0 = arith.constant 0 : i32
    %c0_i32_1 = arith.constant 0 : i32
    %c0_i32_2 = arith.constant 0 : i32
    return %c0_i32, %c0_i32_0, %c0_i32_1 : i32, i32, i32
  }
  func.func @transform_6(%arg0: i32) -> (i32, i32) {
    %c0_i32 = arith.constant 0 : i32
    %c0_i32_0 = arith.constant 0 : i32
    %c0_i32_1 = arith.constant 0 : i32
    return %c0_i32, %c0_i32_0 : i32, i32
  }
  func.func @transform_7(%arg0: i32) -> (i32, i32) {
    %c0_i32 = arith.constant 0 : i32
    %c0_i32_0 = arith.constant 0 : i32
    %c0_i32_1 = arith.constant 0 : i32
    return %c0_i32, %c0_i32_0 : i32, i32
  }
  func.func @transform_8(%arg0: i32) -> (i32, i32) {
    %c0_i32 = arith.constant 0 : i32
    %c0_i32_0 = arith.constant 0 : i32
    %c0_i32_1 = arith.constant 0 : i32
    return %c0_i32, %c0_i32_0 : i32, i32
  }
  func.func @transform_9(%arg0: i32) -> (i32, i32) {
    %c0_i32 = arith.constant 0 : i32
    %c0_i32_0 = arith.constant 0 : i32
    %c0_i32_1 = arith.constant 0 : i32
    return %c0_i32, %c0_i32_0 : i32, i32
  }
}

module attributes {stable_mosaic.version = 14 : i64} {
  func.func @body(%arg0: i32, %arg1: memref<1x1280x64xf32, #tpu.memory_space<vmem>>, %arg2: memref<1x1280x64xf32, #tpu.memory_space<vmem>>, %arg3: memref<1280x64xf32, #tpu.memory_space<vmem>>, %arg4: memref<1280x1xi32, #tpu.memory_space<vmem>>, %arg5: memref<3x64x64xf32, #tpu.memory_space<vmem>>, %arg6: memref<3x1x64xf32, #tpu.memory_space<vmem>>, %arg7: memref<64x64xf32, #tpu.memory_space<vmem>>, %arg8: memref<1x64xf32, #tpu.memory_space<vmem>>, %arg9: memref<64x64xf32, #tpu.memory_space<vmem>>, %arg10: memref<64x192xf32, #tpu.memory_space<vmem>>, %arg11: memref<64x192xf32, #tpu.memory_space<vmem>>, %arg12: memref<1x64xf32, #tpu.memory_space<vmem>>, %arg13: memref<1x64xf32, #tpu.memory_space<vmem>>, %arg14: memref<64x64xf32, #tpu.memory_space<vmem>>, %arg15: memref<64x64xf32, #tpu.memory_space<vmem>>) attributes {dimension_semantics = [#tpu.dimension_semantics<arbitrary>], iteration_bounds = array<i64: 20>, scalar_prefetch = 0 : i64, scratch_operands = 0 : i64, tpu.core_type = #tpu.core_type<tc>, window_params = [{transform_indices = @transform_0, window_bounds = array<i64: 1, 1280, 64>}, {transform_indices = @transform_1, window_bounds = array<i64: 1, 1280, 64>}, {transform_indices = @transform_2, window_bounds = array<i64: 1280, 64>}, {transform_indices = @transform_3, window_bounds = array<i64: 1280, 1>}, {pipeline_mode = #tpu.pipeline_mode<synchronous>, transform_indices = @transform_4, window_bounds = array<i64: 3, 64, 64>}, {pipeline_mode = #tpu.pipeline_mode<synchronous>, transform_indices = @transform_5, window_bounds = array<i64: 3, 1, 64>}, {pipeline_mode = #tpu.pipeline_mode<synchronous>, transform_indices = @transform_6, window_bounds = array<i64: 64, 64>}, {pipeline_mode = #tpu.pipeline_mode<synchronous>, transform_indices = @transform_7, window_bounds = array<i64: 1, 64>}, {pipeline_mode = #tpu.pipeline_mode<synchronous>, transform_indices = @transform_8, window_bounds = array<i64: 64, 64>}, {pipeline_mode = #tpu.pipeline_mode<synchronous>, transform_indices = @transform_9, window_bounds = array<i64: 64, 192>}, {pipeline_mode = #tpu.pipeline_mode<synchronous>, transform_indices = @transform_10, window_bounds = array<i64: 64, 192>}, {pipeline_mode = #tpu.pipeline_mode<synchronous>, transform_indices = @transform_11, window_bounds = array<i64: 1, 64>}, {pipeline_mode = #tpu.pipeline_mode<synchronous>, transform_indices = @transform_12, window_bounds = array<i64: 1, 64>}, {pipeline_mode = #tpu.pipeline_mode<synchronous>, transform_indices = @transform_13, window_bounds = array<i64: 64, 64>}, {pipeline_mode = #tpu.pipeline_mode<synchronous>, transform_indices = @transform_14, window_bounds = array<i64: 64, 64>}]} {
    %eq3A = arith.constant 0 : i32
    %eq3A_0 = arith.cmpi eq, %arg0, %eq3A : i32
    %convert_element_type3A = arith.extui %eq3A_0 : i1 to i32
    %cond3A = arith.constant 0 : i32
    %cond3A_1 = arith.cmpi ne, %convert_element_type3A, %cond3A : i32
    scf.if %cond3A_1 {
      %broadcast_in_dim3A_92 = arith.constant -1.000000e+30 : f32
      %broadcast_in_dim3A_93 = vector.broadcast %broadcast_in_dim3A_92 : f32 to vector<1x64xf32>
      %swap3A_94 = arith.constant 0 : index
      %swap3A_95 = arith.constant 0 : index
      %swap3A_96 = vector.load %arg12[%swap3A_94, %swap3A_95] : memref<1x64xf32, #tpu.memory_space<vmem>>, vector<1x64xf32>
      tpu.vector_store %arg12[%swap3A_94, %swap3A_95], %broadcast_in_dim3A_93 {strides = array<i32>} : memref<1x64xf32, #tpu.memory_space<vmem>>, vector<1x64xf32>,
      %broadcast_in_dim3A_97 = arith.constant 0.000000e+00 : f32
      %broadcast_in_dim3A_98 = vector.broadcast %broadcast_in_dim3A_97 : f32 to vector<1x64xf32>
      %swap3A_99 = arith.constant 0 : index
      %swap3A_100 = arith.constant 0 : index
      %swap3A_101 = vector.load %arg13[%swap3A_99, %swap3A_100] : memref<1x64xf32, #tpu.memory_space<vmem>>, vector<1x64xf32>
      tpu.vector_store %arg13[%swap3A_99, %swap3A_100], %broadcast_in_dim3A_98 {strides = array<i32>} : memref<1x64xf32, #tpu.memory_space<vmem>>, vector<1x64xf32>,
      %broadcast_in_dim3A_102 = arith.constant 0.000000e+00 : f32
      %broadcast_in_dim3A_103 = vector.broadcast %broadcast_in_dim3A_102 : f32 to vector<64x64xf32>
      %swap3A_104 = arith.constant 0 : index
      %swap3A_105 = arith.constant 0 : index
      %swap3A_106 = vector.load %arg14[%swap3A_104, %swap3A_105] : memref<64x64xf32, #tpu.memory_space<vmem>>, vector<64x64xf32>
      tpu.vector_store %arg14[%swap3A_104, %swap3A_105], %broadcast_in_dim3A_103 {strides = array<i32>} : memref<64x64xf32, #tpu.memory_space<vmem>>, vector<64x64xf32>,
    } else {
    }
    %get3A = arith.constant 0 : index
    %get3A_2 = arith.constant 0 : index
    %get3A_3 = vector.load %arg7[%get3A, %get3A_2] : memref<64x64xf32, #tpu.memory_space<vmem>>, vector<64x64xf32>
    %get3A_4 = arith.constant 1 : index
    %get3A_5 = arith.constant 0 : index
    %get3A_6 = arith.constant 0 : index
    %get3A_7 = vector.load %arg5[%get3A_4, %get3A_5, %get3A_6] : memref<3x64x64xf32, #tpu.memory_space<vmem>>, vector<1x64x64xf32>
    %get3A_8 = vector.shape_cast %get3A_7 : vector<1x64x64xf32> to vector<64x64xf32>
    %dot_general3A = arith.constant dense<0.000000e+00> : vector<64x64xf32>
    %dot_general3A_9 = tpu.matmul %get3A_8, %get3A_3, %dot_general3A {dimension_numbers = #tpu.dot_dimension_numbers<[0], [0], [1], [1], [0, 1, 1, 1], [], []>, transpose_lhs_hint = false} : vector<64x64xf32>, vector<64x64xf32>, vector<64x64xf32> -> vector<64x64xf32>
    %tanh3A = math.tanh %dot_general3A_9 : vector<64x64xf32>
    %get3A_10 = arith.constant 0 : index
    %get3A_11 = arith.constant 0 : index
    %get3A_12 = vector.load %arg4[%get3A_10, %get3A_11] : memref<1280x1xi32, #tpu.memory_space<vmem>>, vector<1280x1xi32>
    %iota3A = tpu.iota {dimensions = array<i32: 1>} : vector<1280x64xi32>
    %eq3A_13 = vector.broadcast %get3A_12 : vector<1280x1xi32> to vector<1280x64xi32>
    %eq3A_14 = arith.cmpi eq, %eq3A_13, %iota3A : vector<1280x64xi32>
    %convert_element_type3A_15 = arith.extui %eq3A_14 : vector<1280x64xi1> to vector<1280x64xi32>
    %convert_element_type3A_16 = arith.sitofp %convert_element_type3A_15 : vector<1280x64xi32> to vector<1280x64xf32>
    %dot_general3A_17 = arith.constant dense<0.000000e+00> : vector<1280x64xf32>
    %dot_general3A_18 = tpu.matmul %convert_element_type3A_16, %tanh3A, %dot_general3A_17 {dimension_numbers = #tpu.dot_dimension_numbers<[1], [1], [0], [0], [0, 0, 1, 0], [], []>, precision = #tpu.contract_precision<fp32>, transpose_lhs_hint = false} : vector<1280x64xf32>, vector<64x64xf32>, vector<1280x64xf32> -> vector<1280x64xf32>
    %get3A_19 = arith.constant 0 : index
    %get3A_20 = arith.constant 0 : index
    %get3A_21 = arith.constant 0 : index
    %get3A_22 = vector.load %arg1[%get3A_19, %get3A_20, %get3A_21] : memref<1x1280x64xf32, #tpu.memory_space<vmem>>, vector<1x1280x64xf32>
    %get3A_23 = vector.shape_cast %get3A_22 : vector<1x1280x64xf32> to vector<1280x64xf32>
    %mul3A = arith.mulf %get3A_23, %dot_general3A_18 : vector<1280x64xf32>
    %get3A_24 = arith.constant 0 : index
    %get3A_25 = arith.constant 0 : index
    %get3A_26 = arith.constant 0 : index
    %get3A_27 = vector.load %arg2[%get3A_24, %get3A_25, %get3A_26] : memref<1x1280x64xf32, #tpu.memory_space<vmem>>, vector<1x1280x64xf32>
    %get3A_28 = vector.shape_cast %get3A_27 : vector<1x1280x64xf32> to vector<1280x64xf32>
    %mul3A_29 = arith.mulf %mul3A, %get3A_28 : vector<1280x64xf32>
    %convert_element_type3A_30 = arith.truncf %mul3A_29 : vector<1280x64xf32> to vector<1280x64xbf16>
    %convert_element_type3A_31 = arith.extf %convert_element_type3A_30 : vector<1280x64xbf16> to vector<1280x64xf32>
    %get3A_32 = arith.constant 1 : index
    %get3A_33 = arith.constant 0 : index
    %get3A_34 = arith.constant 0 : index
    %get3A_35 = vector.load %arg6[%get3A_32, %get3A_33, %get3A_34] : memref<3x1x64xf32, #tpu.memory_space<vmem>>, vector<1x1x64xf32>
    %get3A_36 = vector.shape_cast %get3A_35 : vector<1x1x64xf32> to vector<1x64xf32>
    %mul3A_37 = vector.broadcast %get3A_36 : vector<1x64xf32> to vector<1280x64xf32>
    %mul3A_38 = arith.mulf %convert_element_type3A_31, %mul3A_37 : vector<1280x64xf32>
    %reduce_sum3A = arith.constant dense<0.000000e+00> : vector<1280xf32>
    %reduce_sum3A_39 = vector.multi_reduction <add>, %mul3A_38, %reduce_sum3A [1] : vector<1280x64xf32> to vector<1280xf32>
    %broadcast_in_dim3A = vector.shape_cast %reduce_sum3A_39 : vector<1280xf32> to vector<1280x1xf32>
    %gt3A = arith.constant 0.000000e+00 : f32
    %gt3A_40 = vector.broadcast %gt3A : f32 to vector<1280x64xf32>
    %gt3A_41 = arith.cmpf ogt, %convert_element_type3A_16, %gt3A_40 : vector<1280x64xf32>
    %jit3A = arith.constant -1.000000e+30 : f32
    %broadcast_in_dim3A_42 = vector.shape_cast %broadcast_in_dim3A : vector<1280x1xf32> to vector<1280x1xf32>
    %broadcast_in_dim3A_43 = vector.broadcast %broadcast_in_dim3A_42 : vector<1280x1xf32> to vector<1280x64xf32>
    %broadcast_in_dim3A_44 = vector.broadcast %jit3A : f32 to vector<1280x64xf32>
    %select_n3A = arith.select %gt3A_41, %broadcast_in_dim3A_43, %broadcast_in_dim3A_44 : vector<1280x64xi1>, vector<1280x64xf32>
    %reduce_max3A = arith.constant dense<0xFF800000> : vector<64xf32>
    %reduce_max3A_45 = vector.multi_reduction <maximumf>, %select_n3A, %reduce_max3A [0] : vector<1280x64xf32> to vector<64xf32>
    %broadcast_in_dim3A_46 = vector.shape_cast %reduce_max3A_45 : vector<64xf32> to vector<1x64xf32>
    %get3A_47 = arith.constant 0 : index
    %get3A_48 = arith.constant 0 : index
    %get3A_49 = vector.load %arg12[%get3A_47, %get3A_48] : memref<1x64xf32, #tpu.memory_space<vmem>>, vector<1x64xf32>
    %max3A = arith.maximumf %get3A_49, %broadcast_in_dim3A_46 : vector<1x64xf32>
    %sub3A = arith.subf %get3A_49, %max3A : vector<1x64xf32>
    %exp3A = math.exp %sub3A : vector<1x64xf32>
    %mul3A_50 = vector.broadcast %max3A : vector<1x64xf32> to vector<1280x64xf32>
    %mul3A_51 = arith.mulf %convert_element_type3A_16, %mul3A_50 : vector<1280x64xf32>
    %reduce_sum3A_52 = arith.constant dense<0.000000e+00> : vector<1280xf32>
    %reduce_sum3A_53 = vector.multi_reduction <add>, %mul3A_51, %reduce_sum3A_52 [1] : vector<1280x64xf32> to vector<1280xf32>
    %broadcast_in_dim3A_54 = vector.shape_cast %reduce_sum3A_53 : vector<1280xf32> to vector<1280x1xf32>
    %sub3A_55 = arith.subf %broadcast_in_dim3A, %broadcast_in_dim3A_54 : vector<1280x1xf32>
    %exp3A_56 = math.exp %sub3A_55 : vector<1280x1xf32>
    %swap3A = arith.constant 0 : index
    %swap3A_57 = arith.constant 0 : index
    %swap3A_58 = vector.load %arg12[%swap3A, %swap3A_57] : memref<1x64xf32, #tpu.memory_space<vmem>>, vector<1x64xf32>
    tpu.vector_store %arg12[%swap3A, %swap3A_57], %max3A {strides = array<i32>} : memref<1x64xf32, #tpu.memory_space<vmem>>, vector<1x64xf32>,
    %get3A_59 = arith.constant 0 : index
    %get3A_60 = arith.constant 0 : index
    %get3A_61 = vector.load %arg13[%get3A_59, %get3A_60] : memref<1x64xf32, #tpu.memory_space<vmem>>, vector<1x64xf32>
    %mul3A_62 = arith.mulf %get3A_61, %exp3A : vector<1x64xf32>
    %mul3A_63 = vector.broadcast %exp3A_56 : vector<1280x1xf32> to vector<1280x64xf32>
    %mul3A_64 = arith.mulf %convert_element_type3A_16, %mul3A_63 : vector<1280x64xf32>
    %reduce_sum3A_65 = arith.constant dense<0.000000e+00> : vector<64xf32>
    %reduce_sum3A_66 = vector.multi_reduction <add>, %mul3A_64, %reduce_sum3A_65 [0] : vector<1280x64xf32> to vector<64xf32>
    %broadcast_in_dim3A_67 = vector.shape_cast %reduce_sum3A_66 : vector<64xf32> to vector<1x64xf32>
    %add3A = arith.addf %mul3A_62, %broadcast_in_dim3A_67 : vector<1x64xf32>
    %swap3A_68 = arith.constant 0 : index
    %swap3A_69 = arith.constant 0 : index
    %swap3A_70 = vector.load %arg13[%swap3A_68, %swap3A_69] : memref<1x64xf32, #tpu.memory_space<vmem>>, vector<1x64xf32>
    tpu.vector_store %arg13[%swap3A_68, %swap3A_69], %add3A {strides = array<i32>} : memref<1x64xf32, #tpu.memory_space<vmem>>, vector<1x64xf32>,
    %get3A_71 = arith.constant 0 : index
    %get3A_72 = arith.constant 0 : index
    %get3A_73 = vector.load %arg14[%get3A_71, %get3A_72] : memref<64x64xf32, #tpu.memory_space<vmem>>, vector<64x64xf32>
    %mul3A_74 = vector.broadcast %exp3A : vector<1x64xf32> to vector<64x64xf32>
    %mul3A_75 = arith.mulf %get3A_73, %mul3A_74 : vector<64x64xf32>
    %get3A_76 = arith.constant 0 : index
    %get3A_77 = arith.constant 0 : index
    %get3A_78 = vector.load %arg3[%get3A_76, %get3A_77] : memref<1280x64xf32, #tpu.memory_space<vmem>>, vector<1280x64xf32>
    %mul3A_79 = vector.broadcast %exp3A_56 : vector<1280x1xf32> to vector<1280x64xf32>
    %mul3A_80 = arith.mulf %get3A_78, %mul3A_79 : vector<1280x64xf32>
    %dot_general3A_81 = arith.constant dense<0.000000e+00> : vector<64x64xf32>
    %dot_general3A_82 = tpu.matmul %mul3A_80, %convert_element_type3A_16, %dot_general3A_81 {dimension_numbers = #tpu.dot_dimension_numbers<[0], [0], [1], [1], [0, 1, 1, 1], [], []>, precision = #tpu.contract_precision<fp32>, transpose_lhs_hint = false} : vector<1280x64xf32>, vector<1280x64xf32>, vector<64x64xf32> -> vector<64x64xf32>
    %add3A_83 = arith.addf %mul3A_75, %dot_general3A_82 : vector<64x64xf32>
    %swap3A_84 = arith.constant 0 : index
    %swap3A_85 = arith.constant 0 : index
    %swap3A_86 = vector.load %arg14[%swap3A_84, %swap3A_85] : memref<64x64xf32, #tpu.memory_space<vmem>>, vector<64x64xf32>
    tpu.vector_store %arg14[%swap3A_84, %swap3A_85], %add3A_83 {strides = array<i32>} : memref<64x64xf32, #tpu.memory_space<vmem>>, vector<64x64xf32>,
    %eq3A_87 = arith.constant 19 : i32
    %eq3A_88 = arith.cmpi eq, %arg0, %eq3A_87 : i32
    %convert_element_type3A_89 = arith.extui %eq3A_88 : i1 to i32
    %cond3A_90 = arith.constant 0 : i32
    %cond3A_91 = arith.cmpi ne, %convert_element_type3A_89, %cond3A_90 : i32
    scf.if %cond3A_91 {
      %get3A_92 = arith.constant 0 : index
      %get3A_93 = arith.constant 0 : index
      %get3A_94 = vector.load %arg9[%get3A_92, %get3A_93] : memref<64x64xf32, #tpu.memory_space<vmem>>, vector<64x64xf32>
      %get3A_95 = arith.constant 0 : index
      %get3A_96 = arith.constant 0 : index
      %get3A_97 = vector.load %arg8[%get3A_95, %get3A_96] : memref<1x64xf32, #tpu.memory_space<vmem>>, vector<1x64xf32>
      %add3A_98 = arith.constant 9.99999997E-7 : f32
      %add3A_99 = vector.broadcast %add3A_98 : f32 to vector<1x64xf32>
      %add3A_100 = arith.addf %get3A_97, %add3A_99 : vector<1x64xf32>
      %div3A = vector.broadcast %add3A_100 : vector<1x64xf32> to vector<64x64xf32>
      %div3A_101 = arith.divf %get3A_94, %div3A : vector<64x64xf32>
      %get3A_102 = arith.constant 0 : index
      %get3A_103 = arith.constant 0 : index
      %get3A_104 = vector.load %arg14[%get3A_102, %get3A_103] : memref<64x64xf32, #tpu.memory_space<vmem>>, vector<64x64xf32>
      %get3A_105 = arith.constant 0 : index
      %get3A_106 = arith.constant 0 : index
      %get3A_107 = vector.load %arg13[%get3A_105, %get3A_106] : memref<1x64xf32, #tpu.memory_space<vmem>>, vector<1x64xf32>
      %add3A_108 = arith.constant 9.99999997E-7 : f32
      %add3A_109 = vector.broadcast %add3A_108 : f32 to vector<1x64xf32>
      %add3A_110 = arith.addf %get3A_107, %add3A_109 : vector<1x64xf32>
      %div3A_111 = vector.broadcast %add3A_110 : vector<1x64xf32> to vector<64x64xf32>
      %div3A_112 = arith.divf %get3A_104, %div3A_111 : vector<64x64xf32>
      %mul3A_113 = arith.mulf %div3A_101, %div3A_112 : vector<64x64xf32>
      %get3A_114 = arith.constant 0 : index
      %get3A_115 = arith.constant 0 : index
      %get3A_116 = vector.load %arg10[%get3A_114, %get3A_115] : memref<64x192xf32, #tpu.memory_space<vmem>>, vector<64x192xf32>
      %dot_general3A_117 = arith.constant dense<0.000000e+00> : vector<192x64xf32>
      %dot_general3A_118 = tpu.matmul %get3A_116, %mul3A_113, %dot_general3A_117 {dimension_numbers = #tpu.dot_dimension_numbers<[0], [0], [1], [1], [0, 1, 1, 1], [], []>, transpose_lhs_hint = false} : vector<64x192xf32>, vector<64x64xf32>, vector<192x64xf32> -> vector<192x64xf32>
      %get3A_119 = arith.constant 0 : index
      %get3A_120 = arith.constant 0 : index
      %get3A_121 = vector.load %arg11[%get3A_119, %get3A_120] : memref<64x192xf32, #tpu.memory_space<vmem>>, vector<64x192xf32>
      %dot_general3A_122 = arith.constant dense<0.000000e+00> : vector<192x64xf32>
      %dot_general3A_123 = tpu.matmul %get3A_121, %get3A_3, %dot_general3A_122 {dimension_numbers = #tpu.dot_dimension_numbers<[0], [0], [1], [1], [0, 1, 1, 1], [], []>, transpose_lhs_hint = false} : vector<64x192xf32>, vector<64x64xf32>, vector<192x64xf32> -> vector<192x64xf32>
      %slice3A = vector.extract_strided_slice %dot_general3A_118 {offsets = [0, 0], sizes = [64, 64], strides = [1, 1]} : vector<192x64xf32> to vector<64x64xf32>
      %slice3A_124 = vector.extract_strided_slice %dot_general3A_123 {offsets = [0, 0], sizes = [64, 64], strides = [1, 1]} : vector<192x64xf32> to vector<64x64xf32>
      %add3A_125 = arith.addf %slice3A, %slice3A_124 : vector<64x64xf32>
      %logistic3A = arith.negf %add3A_125 : vector<64x64xf32>
      %logistic3A_126 = math.exp %logistic3A : vector<64x64xf32>
      %logistic3A_127 = arith.constant 1.000000e+00 : f32
      %logistic3A_128 = vector.broadcast %logistic3A_127 : f32 to vector<64x64xf32>
      %logistic3A_129 = arith.addf %logistic3A_128, %logistic3A_126 : vector<64x64xf32>
      %logistic3A_130 = arith.divf %logistic3A_128, %logistic3A_129 : vector<64x64xf32>
      %slice3A_131 = vector.extract_strided_slice %dot_general3A_118 {offsets = [64, 0], sizes = [64, 64], strides = [1, 1]} : vector<192x64xf32> to vector<64x64xf32>
      %slice3A_132 = vector.extract_strided_slice %dot_general3A_123 {offsets = [64, 0], sizes = [64, 64], strides = [1, 1]} : vector<192x64xf32> to vector<64x64xf32>
      %add3A_133 = arith.addf %slice3A_131, %slice3A_132 : vector<64x64xf32>
      %logistic3A_134 = arith.negf %add3A_133 : vector<64x64xf32>
      %logistic3A_135 = math.exp %logistic3A_134 : vector<64x64xf32>
      %logistic3A_136 = arith.constant 1.000000e+00 : f32
      %logistic3A_137 = vector.broadcast %logistic3A_136 : f32 to vector<64x64xf32>
      %logistic3A_138 = arith.addf %logistic3A_137, %logistic3A_135 : vector<64x64xf32>
      %logistic3A_139 = arith.divf %logistic3A_137, %logistic3A_138 : vector<64x64xf32>
      %slice3A_140 = vector.extract_strided_slice %dot_general3A_118 {offsets = [128, 0], sizes = [64, 64], strides = [1, 1]} : vector<192x64xf32> to vector<64x64xf32>
      %slice3A_141 = vector.extract_strided_slice %dot_general3A_123 {offsets = [128, 0], sizes = [64, 64], strides = [1, 1]} : vector<192x64xf32> to vector<64x64xf32>
      %mul3A_142 = arith.mulf %logistic3A_130, %slice3A_141 : vector<64x64xf32>
      %add3A_143 = arith.addf %slice3A_140, %mul3A_142 : vector<64x64xf32>
      %tanh3A_144 = math.tanh %add3A_143 : vector<64x64xf32>
      %sub3A_145 = arith.constant 1.000000e+00 : f32
      %sub3A_146 = vector.broadcast %sub3A_145 : f32 to vector<64x64xf32>
      %sub3A_147 = arith.subf %sub3A_146, %logistic3A_139 : vector<64x64xf32>
      %mul3A_148 = arith.mulf %sub3A_147, %tanh3A_144 : vector<64x64xf32>
      %mul3A_149 = arith.mulf %logistic3A_139, %get3A_3 : vector<64x64xf32>
      %add3A_150 = arith.addf %mul3A_148, %mul3A_149 : vector<64x64xf32>
      %swap3A_151 = arith.constant 0 : index
      %swap3A_152 = arith.constant 0 : index
      %swap3A_153 = vector.load %arg15[%swap3A_151, %swap3A_152] : memref<64x64xf32, #tpu.memory_space<vmem>>, vector<64x64xf32>
      tpu.vector_store %arg15[%swap3A_151, %swap3A_152], %add3A_150 {strides = array<i32>} : memref<64x64xf32, #tpu.memory_space<vmem>>, vector<64x64xf32>,
    } else {
    }
    return
  }
  func.func @transform_0(%arg0: i32) -> (i32, i32, i32) {
    %c1_i32 = arith.constant 1 : i32
    %c0_i32 = arith.constant 0 : i32
    %c0_i32_0 = arith.constant 0 : i32
    return %c1_i32, %arg0, %c0_i32 : i32, i32, i32
  }
  func.func @transform_1(%arg0: i32) -> (i32, i32, i32) {
    %c1_i32 = arith.constant 1 : i32
    %c0_i32 = arith.constant 0 : i32
    %c0_i32_0 = arith.constant 0 : i32
    return %c1_i32, %arg0, %c0_i32 : i32, i32, i32
  }
  func.func @transform_2(%arg0: i32) -> (i32, i32) {
    %c0_i32 = arith.constant 0 : i32
    %c0_i32_0 = arith.constant 0 : i32
    return %arg0, %c0_i32 : i32, i32
  }
  func.func @transform_3(%arg0: i32) -> (i32, i32) {
    %c0_i32 = arith.constant 0 : i32
    %c0_i32_0 = arith.constant 0 : i32
    return %arg0, %c0_i32 : i32, i32
  }
  func.func @transform_4(%arg0: i32) -> (i32, i32, i32) {
    %c0_i32 = arith.constant 0 : i32
    %c0_i32_0 = arith.constant 0 : i32
    %c0_i32_1 = arith.constant 0 : i32
    %c0_i32_2 = arith.constant 0 : i32
    return %c0_i32, %c0_i32_0, %c0_i32_1 : i32, i32, i32
  }
  func.func @transform_5(%arg0: i32) -> (i32, i32, i32) {
    %c0_i32 = arith.constant 0 : i32
    %c0_i32_0 = arith.constant 0 : i32
    %c0_i32_1 = arith.constant 0 : i32
    %c0_i32_2 = arith.constant 0 : i32
    return %c0_i32, %c0_i32_0, %c0_i32_1 : i32, i32, i32
  }
  func.func @transform_6(%arg0: i32) -> (i32, i32) {
    %c0_i32 = arith.constant 0 : i32
    %c0_i32_0 = arith.constant 0 : i32
    %c0_i32_1 = arith.constant 0 : i32
    return %c0_i32, %c0_i32_0 : i32, i32
  }
  func.func @transform_7(%arg0: i32) -> (i32, i32) {
    %c0_i32 = arith.constant 0 : i32
    %c0_i32_0 = arith.constant 0 : i32
    %c0_i32_1 = arith.constant 0 : i32
    return %c0_i32, %c0_i32_0 : i32, i32
  }
  func.func @transform_8(%arg0: i32) -> (i32, i32) {
    %c0_i32 = arith.constant 0 : i32
    %c0_i32_0 = arith.constant 0 : i32
    %c0_i32_1 = arith.constant 0 : i32
    return %c0_i32, %c0_i32_0 : i32, i32
  }
  func.func @transform_9(%arg0: i32) -> (i32, i32) {
    %c0_i32 = arith.constant 0 : i32
    %c0_i32_0 = arith.constant 0 : i32
    %c0_i32_1 = arith.constant 0 : i32
    return %c0_i32, %c0_i32_0 : i32, i32
  }
  func.func @transform_10(%arg0: i32) -> (i32, i32) {
    %c0_i32 = arith.constant 0 : i32
    %c0_i32_0 = arith.constant 0 : i32
    %c0_i32_1 = arith.constant 0 : i32
    return %c0_i32, %c0_i32_0 : i32, i32
  }
  func.func @transform_11(%arg0: i32) -> (i32, i32) {
    %c0_i32 = arith.constant 0 : i32
    %c0_i32_0 = arith.constant 0 : i32
    %c0_i32_1 = arith.constant 0 : i32
    return %c0_i32, %c0_i32_0 : i32, i32
  }
  func.func @transform_12(%arg0: i32) -> (i32, i32) {
    %c0_i32 = arith.constant 0 : i32
    %c0_i32_0 = arith.constant 0 : i32
    %c0_i32_1 = arith.constant 0 : i32
    return %c0_i32, %c0_i32_0 : i32, i32
  }
  func.func @transform_13(%arg0: i32) -> (i32, i32) {
    %c0_i32 = arith.constant 0 : i32
    %c0_i32_0 = arith.constant 0 : i32
    %c0_i32_1 = arith.constant 0 : i32
    return %c0_i32, %c0_i32_0 : i32, i32
  }
  func.func @transform_14(%arg0: i32) -> (i32, i32) {
    %c0_i32 = arith.constant 0 : i32
    %c0_i32_0 = arith.constant 0 : i32
    %c0_i32_1 = arith.constant 0 : i32
    return %c0_i32, %c0_i32_0 : i32, i32
  }
}

module attributes {stable_mosaic.version = 14 : i64} {
  func.func @body(%arg0: i32, %arg1: memref<1x1280x64xf32, #tpu.memory_space<vmem>>, %arg2: memref<1x1280x64xf32, #tpu.memory_space<vmem>>, %arg3: memref<1280x64xf32, #tpu.memory_space<vmem>>, %arg4: memref<1280x1xi32, #tpu.memory_space<vmem>>, %arg5: memref<3x64x64xf32, #tpu.memory_space<vmem>>, %arg6: memref<3x1x64xf32, #tpu.memory_space<vmem>>, %arg7: memref<64x64xf32, #tpu.memory_space<vmem>>, %arg8: memref<1x64xf32, #tpu.memory_space<vmem>>, %arg9: memref<1x64xf32, #tpu.memory_space<vmem>>, %arg10: memref<64x64xf32, #tpu.memory_space<vmem>>) attributes {dimension_semantics = [#tpu.dimension_semantics<arbitrary>], iteration_bounds = array<i64: 10>, scalar_prefetch = 0 : i64, scratch_operands = 0 : i64, tpu.core_type = #tpu.core_type<tc>, window_params = [{transform_indices = @transform_0, window_bounds = array<i64: 1, 1280, 64>}, {transform_indices = @transform_1, window_bounds = array<i64: 1, 1280, 64>}, {transform_indices = @transform_2, window_bounds = array<i64: 1280, 64>}, {transform_indices = @transform_3, window_bounds = array<i64: 1280, 1>}, {pipeline_mode = #tpu.pipeline_mode<synchronous>, transform_indices = @transform_4, window_bounds = array<i64: 3, 64, 64>}, {pipeline_mode = #tpu.pipeline_mode<synchronous>, transform_indices = @transform_5, window_bounds = array<i64: 3, 1, 64>}, {pipeline_mode = #tpu.pipeline_mode<synchronous>, transform_indices = @transform_6, window_bounds = array<i64: 64, 64>}, {pipeline_mode = #tpu.pipeline_mode<synchronous>, transform_indices = @transform_7, window_bounds = array<i64: 1, 64>}, {pipeline_mode = #tpu.pipeline_mode<synchronous>, transform_indices = @transform_8, window_bounds = array<i64: 1, 64>}, {pipeline_mode = #tpu.pipeline_mode<synchronous>, transform_indices = @transform_9, window_bounds = array<i64: 64, 64>}]} {
    %eq3A = arith.constant 0 : i32
    %eq3A_0 = arith.cmpi eq, %arg0, %eq3A : i32
    %convert_element_type3A = arith.extui %eq3A_0 : i1 to i32
    %cond3A = arith.constant 0 : i32
    %cond3A_1 = arith.cmpi ne, %convert_element_type3A, %cond3A : i32
    scf.if %cond3A_1 {
      %broadcast_in_dim3A_87 = arith.constant -1.000000e+30 : f32
      %broadcast_in_dim3A_88 = vector.broadcast %broadcast_in_dim3A_87 : f32 to vector<1x64xf32>
      %swap3A_89 = arith.constant 0 : index
      %swap3A_90 = arith.constant 0 : index
      %swap3A_91 = vector.load %arg8[%swap3A_89, %swap3A_90] : memref<1x64xf32, #tpu.memory_space<vmem>>, vector<1x64xf32>
      tpu.vector_store %arg8[%swap3A_89, %swap3A_90], %broadcast_in_dim3A_88 {strides = array<i32>} : memref<1x64xf32, #tpu.memory_space<vmem>>, vector<1x64xf32>,
      %broadcast_in_dim3A_92 = arith.constant 0.000000e+00 : f32
      %broadcast_in_dim3A_93 = vector.broadcast %broadcast_in_dim3A_92 : f32 to vector<1x64xf32>
      %swap3A_94 = arith.constant 0 : index
      %swap3A_95 = arith.constant 0 : index
      %swap3A_96 = vector.load %arg9[%swap3A_94, %swap3A_95] : memref<1x64xf32, #tpu.memory_space<vmem>>, vector<1x64xf32>
      tpu.vector_store %arg9[%swap3A_94, %swap3A_95], %broadcast_in_dim3A_93 {strides = array<i32>} : memref<1x64xf32, #tpu.memory_space<vmem>>, vector<1x64xf32>,
      %broadcast_in_dim3A_97 = arith.constant 0.000000e+00 : f32
      %broadcast_in_dim3A_98 = vector.broadcast %broadcast_in_dim3A_97 : f32 to vector<64x64xf32>
      %swap3A_99 = arith.constant 0 : index
      %swap3A_100 = arith.constant 0 : index
      %swap3A_101 = vector.load %arg10[%swap3A_99, %swap3A_100] : memref<64x64xf32, #tpu.memory_space<vmem>>, vector<64x64xf32>
      tpu.vector_store %arg10[%swap3A_99, %swap3A_100], %broadcast_in_dim3A_98 {strides = array<i32>} : memref<64x64xf32, #tpu.memory_space<vmem>>, vector<64x64xf32>,
    } else {
    }
    %get3A = arith.constant 0 : index
    %get3A_2 = arith.constant 0 : index
    %get3A_3 = vector.load %arg7[%get3A, %get3A_2] : memref<64x64xf32, #tpu.memory_space<vmem>>, vector<64x64xf32>
    %get3A_4 = arith.constant 2 : index
    %get3A_5 = arith.constant 0 : index
    %get3A_6 = arith.constant 0 : index
    %get3A_7 = vector.load %arg5[%get3A_4, %get3A_5, %get3A_6] : memref<3x64x64xf32, #tpu.memory_space<vmem>>, vector<1x64x64xf32>
    %get3A_8 = vector.shape_cast %get3A_7 : vector<1x64x64xf32> to vector<64x64xf32>
    %dot_general3A = arith.constant dense<0.000000e+00> : vector<64x64xf32>
    %dot_general3A_9 = tpu.matmul %get3A_8, %get3A_3, %dot_general3A {dimension_numbers = #tpu.dot_dimension_numbers<[0], [0], [1], [1], [0, 1, 1, 1], [], []>, transpose_lhs_hint = false} : vector<64x64xf32>, vector<64x64xf32>, vector<64x64xf32> -> vector<64x64xf32>
    %tanh3A = math.tanh %dot_general3A_9 : vector<64x64xf32>
    %get3A_10 = arith.constant 0 : index
    %get3A_11 = arith.constant 0 : index
    %get3A_12 = vector.load %arg4[%get3A_10, %get3A_11] : memref<1280x1xi32, #tpu.memory_space<vmem>>, vector<1280x1xi32>
    %iota3A = tpu.iota {dimensions = array<i32: 1>} : vector<1280x64xi32>
    %eq3A_13 = vector.broadcast %get3A_12 : vector<1280x1xi32> to vector<1280x64xi32>
    %eq3A_14 = arith.cmpi eq, %eq3A_13, %iota3A : vector<1280x64xi32>
    %convert_element_type3A_15 = arith.extui %eq3A_14 : vector<1280x64xi1> to vector<1280x64xi32>
    %convert_element_type3A_16 = arith.sitofp %convert_element_type3A_15 : vector<1280x64xi32> to vector<1280x64xf32>
    %dot_general3A_17 = arith.constant dense<0.000000e+00> : vector<1280x64xf32>
    %dot_general3A_18 = tpu.matmul %convert_element_type3A_16, %tanh3A, %dot_general3A_17 {dimension_numbers = #tpu.dot_dimension_numbers<[1], [1], [0], [0], [0, 0, 1, 0], [], []>, precision = #tpu.contract_precision<fp32>, transpose_lhs_hint = false} : vector<1280x64xf32>, vector<64x64xf32>, vector<1280x64xf32> -> vector<1280x64xf32>
    %get3A_19 = arith.constant 0 : index
    %get3A_20 = arith.constant 0 : index
    %get3A_21 = arith.constant 0 : index
    %get3A_22 = vector.load %arg1[%get3A_19, %get3A_20, %get3A_21] : memref<1x1280x64xf32, #tpu.memory_space<vmem>>, vector<1x1280x64xf32>
    %get3A_23 = vector.shape_cast %get3A_22 : vector<1x1280x64xf32> to vector<1280x64xf32>
    %mul3A = arith.mulf %get3A_23, %dot_general3A_18 : vector<1280x64xf32>
    %get3A_24 = arith.constant 0 : index
    %get3A_25 = arith.constant 0 : index
    %get3A_26 = arith.constant 0 : index
    %get3A_27 = vector.load %arg2[%get3A_24, %get3A_25, %get3A_26] : memref<1x1280x64xf32, #tpu.memory_space<vmem>>, vector<1x1280x64xf32>
    %get3A_28 = vector.shape_cast %get3A_27 : vector<1x1280x64xf32> to vector<1280x64xf32>
    %mul3A_29 = arith.mulf %mul3A, %get3A_28 : vector<1280x64xf32>
    %convert_element_type3A_30 = arith.truncf %mul3A_29 : vector<1280x64xf32> to vector<1280x64xbf16>
    %convert_element_type3A_31 = arith.extf %convert_element_type3A_30 : vector<1280x64xbf16> to vector<1280x64xf32>
    %get3A_32 = arith.constant 2 : index
    %get3A_33 = arith.constant 0 : index
    %get3A_34 = arith.constant 0 : index
    %get3A_35 = vector.load %arg6[%get3A_32, %get3A_33, %get3A_34] : memref<3x1x64xf32, #tpu.memory_space<vmem>>, vector<1x1x64xf32>
    %get3A_36 = vector.shape_cast %get3A_35 : vector<1x1x64xf32> to vector<1x64xf32>
    %mul3A_37 = vector.broadcast %get3A_36 : vector<1x64xf32> to vector<1280x64xf32>
    %mul3A_38 = arith.mulf %convert_element_type3A_31, %mul3A_37 : vector<1280x64xf32>
    %reduce_sum3A = arith.constant dense<0.000000e+00> : vector<1280xf32>
    %reduce_sum3A_39 = vector.multi_reduction <add>, %mul3A_38, %reduce_sum3A [1] : vector<1280x64xf32> to vector<1280xf32>
    %broadcast_in_dim3A = vector.shape_cast %reduce_sum3A_39 : vector<1280xf32> to vector<1280x1xf32>
    %gt3A = arith.constant 0.000000e+00 : f32
    %gt3A_40 = vector.broadcast %gt3A : f32 to vector<1280x64xf32>
    %gt3A_41 = arith.cmpf ogt, %convert_element_type3A_16, %gt3A_40 : vector<1280x64xf32>
    %jit3A = arith.constant -1.000000e+30 : f32
    %broadcast_in_dim3A_42 = vector.shape_cast %broadcast_in_dim3A : vector<1280x1xf32> to vector<1280x1xf32>
    %broadcast_in_dim3A_43 = vector.broadcast %broadcast_in_dim3A_42 : vector<1280x1xf32> to vector<1280x64xf32>
    %broadcast_in_dim3A_44 = vector.broadcast %jit3A : f32 to vector<1280x64xf32>
    %select_n3A = arith.select %gt3A_41, %broadcast_in_dim3A_43, %broadcast_in_dim3A_44 : vector<1280x64xi1>, vector<1280x64xf32>
    %reduce_max3A = arith.constant dense<0xFF800000> : vector<64xf32>
    %reduce_max3A_45 = vector.multi_reduction <maximumf>, %select_n3A, %reduce_max3A [0] : vector<1280x64xf32> to vector<64xf32>
    %broadcast_in_dim3A_46 = vector.shape_cast %reduce_max3A_45 : vector<64xf32> to vector<1x64xf32>
    %get3A_47 = arith.constant 0 : index
    %get3A_48 = arith.constant 0 : index
    %get3A_49 = vector.load %arg8[%get3A_47, %get3A_48] : memref<1x64xf32, #tpu.memory_space<vmem>>, vector<1x64xf32>
    %max3A = arith.maximumf %get3A_49, %broadcast_in_dim3A_46 : vector<1x64xf32>
    %sub3A = arith.subf %get3A_49, %max3A : vector<1x64xf32>
    %exp3A = math.exp %sub3A : vector<1x64xf32>
    %mul3A_50 = vector.broadcast %max3A : vector<1x64xf32> to vector<1280x64xf32>
    %mul3A_51 = arith.mulf %convert_element_type3A_16, %mul3A_50 : vector<1280x64xf32>
    %reduce_sum3A_52 = arith.constant dense<0.000000e+00> : vector<1280xf32>
    %reduce_sum3A_53 = vector.multi_reduction <add>, %mul3A_51, %reduce_sum3A_52 [1] : vector<1280x64xf32> to vector<1280xf32>
    %broadcast_in_dim3A_54 = vector.shape_cast %reduce_sum3A_53 : vector<1280xf32> to vector<1280x1xf32>
    %sub3A_55 = arith.subf %broadcast_in_dim3A, %broadcast_in_dim3A_54 : vector<1280x1xf32>
    %exp3A_56 = math.exp %sub3A_55 : vector<1280x1xf32>
    %swap3A = arith.constant 0 : index
    %swap3A_57 = arith.constant 0 : index
    %swap3A_58 = vector.load %arg8[%swap3A, %swap3A_57] : memref<1x64xf32, #tpu.memory_space<vmem>>, vector<1x64xf32>
    tpu.vector_store %arg8[%swap3A, %swap3A_57], %max3A {strides = array<i32>} : memref<1x64xf32, #tpu.memory_space<vmem>>, vector<1x64xf32>,
    %get3A_59 = arith.constant 0 : index
    %get3A_60 = arith.constant 0 : index
    %get3A_61 = vector.load %arg9[%get3A_59, %get3A_60] : memref<1x64xf32, #tpu.memory_space<vmem>>, vector<1x64xf32>
    %mul3A_62 = arith.mulf %get3A_61, %exp3A : vector<1x64xf32>
    %mul3A_63 = vector.broadcast %exp3A_56 : vector<1280x1xf32> to vector<1280x64xf32>
    %mul3A_64 = arith.mulf %convert_element_type3A_16, %mul3A_63 : vector<1280x64xf32>
    %reduce_sum3A_65 = arith.constant dense<0.000000e+00> : vector<64xf32>
    %reduce_sum3A_66 = vector.multi_reduction <add>, %mul3A_64, %reduce_sum3A_65 [0] : vector<1280x64xf32> to vector<64xf32>
    %broadcast_in_dim3A_67 = vector.shape_cast %reduce_sum3A_66 : vector<64xf32> to vector<1x64xf32>
    %add3A = arith.addf %mul3A_62, %broadcast_in_dim3A_67 : vector<1x64xf32>
    %swap3A_68 = arith.constant 0 : index
    %swap3A_69 = arith.constant 0 : index
    %swap3A_70 = vector.load %arg9[%swap3A_68, %swap3A_69] : memref<1x64xf32, #tpu.memory_space<vmem>>, vector<1x64xf32>
    tpu.vector_store %arg9[%swap3A_68, %swap3A_69], %add3A {strides = array<i32>} : memref<1x64xf32, #tpu.memory_space<vmem>>, vector<1x64xf32>,
    %get3A_71 = arith.constant 0 : index
    %get3A_72 = arith.constant 0 : index
    %get3A_73 = vector.load %arg10[%get3A_71, %get3A_72] : memref<64x64xf32, #tpu.memory_space<vmem>>, vector<64x64xf32>
    %mul3A_74 = vector.broadcast %exp3A : vector<1x64xf32> to vector<64x64xf32>
    %mul3A_75 = arith.mulf %get3A_73, %mul3A_74 : vector<64x64xf32>
    %get3A_76 = arith.constant 0 : index
    %get3A_77 = arith.constant 0 : index
    %get3A_78 = vector.load %arg3[%get3A_76, %get3A_77] : memref<1280x64xf32, #tpu.memory_space<vmem>>, vector<1280x64xf32>
    %mul3A_79 = vector.broadcast %exp3A_56 : vector<1280x1xf32> to vector<1280x64xf32>
    %mul3A_80 = arith.mulf %get3A_78, %mul3A_79 : vector<1280x64xf32>
    %dot_general3A_81 = arith.constant dense<0.000000e+00> : vector<64x64xf32>
    %dot_general3A_82 = tpu.matmul %mul3A_80, %convert_element_type3A_16, %dot_general3A_81 {dimension_numbers = #tpu.dot_dimension_numbers<[0], [0], [1], [1], [0, 1, 1, 1], [], []>, precision = #tpu.contract_precision<fp32>, transpose_lhs_hint = false} : vector<1280x64xf32>, vector<1280x64xf32>, vector<64x64xf32> -> vector<64x64xf32>
    %add3A_83 = arith.addf %mul3A_75, %dot_general3A_82 : vector<64x64xf32>
    %swap3A_84 = arith.constant 0 : index
    %swap3A_85 = arith.constant 0 : index
    %swap3A_86 = vector.load %arg10[%swap3A_84, %swap3A_85] : memref<64x64xf32, #tpu.memory_space<vmem>>, vector<64x64xf32>
    tpu.vector_store %arg10[%swap3A_84, %swap3A_85], %add3A_83 {strides = array<i32>} : memref<64x64xf32, #tpu.memory_space<vmem>>, vector<64x64xf32>,
    return
  }
  func.func @transform_0(%arg0: i32) -> (i32, i32, i32) {
    %c2_i32 = arith.constant 2 : i32
    %c0_i32 = arith.constant 0 : i32
    %c0_i32_0 = arith.constant 0 : i32
    return %c2_i32, %arg0, %c0_i32 : i32, i32, i32
  }
  func.func @transform_1(%arg0: i32) -> (i32, i32, i32) {
    %c2_i32 = arith.constant 2 : i32
    %c0_i32 = arith.constant 0 : i32
    %c0_i32_0 = arith.constant 0 : i32
    return %c2_i32, %arg0, %c0_i32 : i32, i32, i32
  }
  func.func @transform_2(%arg0: i32) -> (i32, i32) {
    %c0_i32 = arith.constant 0 : i32
    %c0_i32_0 = arith.constant 0 : i32
    return %arg0, %c0_i32 : i32, i32
  }
  func.func @transform_3(%arg0: i32) -> (i32, i32) {
    %c0_i32 = arith.constant 0 : i32
    %c0_i32_0 = arith.constant 0 : i32
    return %arg0, %c0_i32 : i32, i32
  }
  func.func @transform_4(%arg0: i32) -> (i32, i32, i32) {
    %c0_i32 = arith.constant 0 : i32
    %c0_i32_0 = arith.constant 0 : i32
    %c0_i32_1 = arith.constant 0 : i32
    %c0_i32_2 = arith.constant 0 : i32
    return %c0_i32, %c0_i32_0, %c0_i32_1 : i32, i32, i32
  }
  func.func @transform_5(%arg0: i32) -> (i32, i32, i32) {
    %c0_i32 = arith.constant 0 : i32
    %c0_i32_0 = arith.constant 0 : i32
    %c0_i32_1 = arith.constant 0 : i32
    %c0_i32_2 = arith.constant 0 : i32
    return %c0_i32, %c0_i32_0, %c0_i32_1 : i32, i32, i32
  }
  func.func @transform_6(%arg0: i32) -> (i32, i32) {
    %c0_i32 = arith.constant 0 : i32
    %c0_i32_0 = arith.constant 0 : i32
    %c0_i32_1 = arith.constant 0 : i32
    return %c0_i32, %c0_i32_0 : i32, i32
  }
  func.func @transform_7(%arg0: i32) -> (i32, i32) {
    %c0_i32 = arith.constant 0 : i32
    %c0_i32_0 = arith.constant 0 : i32
    %c0_i32_1 = arith.constant 0 : i32
    return %c0_i32, %c0_i32_0 : i32, i32
  }
  func.func @transform_8(%arg0: i32) -> (i32, i32) {
    %c0_i32 = arith.constant 0 : i32
    %c0_i32_0 = arith.constant 0 : i32
    %c0_i32_1 = arith.constant 0 : i32
    return %c0_i32, %c0_i32_0 : i32, i32
  }
  func.func @transform_9(%arg0: i32) -> (i32, i32) {
    %c0_i32 = arith.constant 0 : i32
    %c0_i32_0 = arith.constant 0 : i32
    %c0_i32_1 = arith.constant 0 : i32
    return %c0_i32, %c0_i32_0 : i32, i32
  }
}

module attributes {stable_mosaic.version = 14 : i64} {
  func.func @body(%arg0: i32, %arg1: memref<1x1280x64xf32, #tpu.memory_space<vmem>>, %arg2: memref<1x1280x64xf32, #tpu.memory_space<vmem>>, %arg3: memref<1280x64xf32, #tpu.memory_space<vmem>>, %arg4: memref<1280x1xi32, #tpu.memory_space<vmem>>, %arg5: memref<3x64x64xf32, #tpu.memory_space<vmem>>, %arg6: memref<3x1x64xf32, #tpu.memory_space<vmem>>, %arg7: memref<64x64xf32, #tpu.memory_space<vmem>>, %arg8: memref<1x64xf32, #tpu.memory_space<vmem>>, %arg9: memref<64x64xf32, #tpu.memory_space<vmem>>, %arg10: memref<64x192xf32, #tpu.memory_space<vmem>>, %arg11: memref<64x192xf32, #tpu.memory_space<vmem>>, %arg12: memref<64x64xf32, #tpu.memory_space<vmem>>, %arg13: memref<1x64xf32, #tpu.memory_space<vmem>>, %arg14: memref<1x64xf32, #tpu.memory_space<vmem>>, %arg15: memref<64x64xf32, #tpu.memory_space<vmem>>, %arg16: memref<64x64xf32, #tpu.memory_space<vmem>>, %arg17: memref<1x64xf32, #tpu.memory_space<vmem>>) attributes {dimension_semantics = [#tpu.dimension_semantics<arbitrary>], iteration_bounds = array<i64: 20>, scalar_prefetch = 0 : i64, scratch_operands = 0 : i64, tpu.core_type = #tpu.core_type<tc>, window_params = [{transform_indices = @transform_0, window_bounds = array<i64: 1, 1280, 64>}, {transform_indices = @transform_1, window_bounds = array<i64: 1, 1280, 64>}, {transform_indices = @transform_2, window_bounds = array<i64: 1280, 64>}, {transform_indices = @transform_3, window_bounds = array<i64: 1280, 1>}, {pipeline_mode = #tpu.pipeline_mode<synchronous>, transform_indices = @transform_4, window_bounds = array<i64: 3, 64, 64>}, {pipeline_mode = #tpu.pipeline_mode<synchronous>, transform_indices = @transform_5, window_bounds = array<i64: 3, 1, 64>}, {pipeline_mode = #tpu.pipeline_mode<synchronous>, transform_indices = @transform_6, window_bounds = array<i64: 64, 64>}, {pipeline_mode = #tpu.pipeline_mode<synchronous>, transform_indices = @transform_7, window_bounds = array<i64: 1, 64>}, {pipeline_mode = #tpu.pipeline_mode<synchronous>, transform_indices = @transform_8, window_bounds = array<i64: 64, 64>}, {pipeline_mode = #tpu.pipeline_mode<synchronous>, transform_indices = @transform_9, window_bounds = array<i64: 64, 192>}, {pipeline_mode = #tpu.pipeline_mode<synchronous>, transform_indices = @transform_10, window_bounds = array<i64: 64, 192>}, {pipeline_mode = #tpu.pipeline_mode<synchronous>, transform_indices = @transform_11, window_bounds = array<i64: 64, 64>}, {pipeline_mode = #tpu.pipeline_mode<synchronous>, transform_indices = @transform_12, window_bounds = array<i64: 1, 64>}, {pipeline_mode = #tpu.pipeline_mode<synchronous>, transform_indices = @transform_13, window_bounds = array<i64: 1, 64>}, {pipeline_mode = #tpu.pipeline_mode<synchronous>, transform_indices = @transform_14, window_bounds = array<i64: 64, 64>}, {pipeline_mode = #tpu.pipeline_mode<synchronous>, transform_indices = @transform_15, window_bounds = array<i64: 64, 64>}, {pipeline_mode = #tpu.pipeline_mode<synchronous>, transform_indices = @transform_16, window_bounds = array<i64: 1, 64>}]} {
    %eq3A = arith.constant 0 : i32
    %eq3A_0 = arith.cmpi eq, %arg0, %eq3A : i32
    %convert_element_type3A = arith.extui %eq3A_0 : i1 to i32
    %cond3A = arith.constant 0 : i32
    %cond3A_1 = arith.cmpi ne, %convert_element_type3A, %cond3A : i32
    scf.if %cond3A_1 {
      %broadcast_in_dim3A_92 = arith.constant -1.000000e+30 : f32
      %broadcast_in_dim3A_93 = vector.broadcast %broadcast_in_dim3A_92 : f32 to vector<1x64xf32>
      %swap3A_94 = arith.constant 0 : index
      %swap3A_95 = arith.constant 0 : index
      %swap3A_96 = vector.load %arg13[%swap3A_94, %swap3A_95] : memref<1x64xf32, #tpu.memory_space<vmem>>, vector<1x64xf32>
      tpu.vector_store %arg13[%swap3A_94, %swap3A_95], %broadcast_in_dim3A_93 {strides = array<i32>} : memref<1x64xf32, #tpu.memory_space<vmem>>, vector<1x64xf32>,
      %broadcast_in_dim3A_97 = arith.constant 0.000000e+00 : f32
      %broadcast_in_dim3A_98 = vector.broadcast %broadcast_in_dim3A_97 : f32 to vector<1x64xf32>
      %swap3A_99 = arith.constant 0 : index
      %swap3A_100 = arith.constant 0 : index
      %swap3A_101 = vector.load %arg14[%swap3A_99, %swap3A_100] : memref<1x64xf32, #tpu.memory_space<vmem>>, vector<1x64xf32>
      tpu.vector_store %arg14[%swap3A_99, %swap3A_100], %broadcast_in_dim3A_98 {strides = array<i32>} : memref<1x64xf32, #tpu.memory_space<vmem>>, vector<1x64xf32>,
      %broadcast_in_dim3A_102 = arith.constant 0.000000e+00 : f32
      %broadcast_in_dim3A_103 = vector.broadcast %broadcast_in_dim3A_102 : f32 to vector<64x64xf32>
      %swap3A_104 = arith.constant 0 : index
      %swap3A_105 = arith.constant 0 : index
      %swap3A_106 = vector.load %arg15[%swap3A_104, %swap3A_105] : memref<64x64xf32, #tpu.memory_space<vmem>>, vector<64x64xf32>
      tpu.vector_store %arg15[%swap3A_104, %swap3A_105], %broadcast_in_dim3A_103 {strides = array<i32>} : memref<64x64xf32, #tpu.memory_space<vmem>>, vector<64x64xf32>,
    } else {
    }
    %get3A = arith.constant 0 : index
    %get3A_2 = arith.constant 0 : index
    %get3A_3 = vector.load %arg7[%get3A, %get3A_2] : memref<64x64xf32, #tpu.memory_space<vmem>>, vector<64x64xf32>
    %get3A_4 = arith.constant 2 : index
    %get3A_5 = arith.constant 0 : index
    %get3A_6 = arith.constant 0 : index
    %get3A_7 = vector.load %arg5[%get3A_4, %get3A_5, %get3A_6] : memref<3x64x64xf32, #tpu.memory_space<vmem>>, vector<1x64x64xf32>
    %get3A_8 = vector.shape_cast %get3A_7 : vector<1x64x64xf32> to vector<64x64xf32>
    %dot_general3A = arith.constant dense<0.000000e+00> : vector<64x64xf32>
    %dot_general3A_9 = tpu.matmul %get3A_8, %get3A_3, %dot_general3A {dimension_numbers = #tpu.dot_dimension_numbers<[0], [0], [1], [1], [0, 1, 1, 1], [], []>, transpose_lhs_hint = false} : vector<64x64xf32>, vector<64x64xf32>, vector<64x64xf32> -> vector<64x64xf32>
    %tanh3A = math.tanh %dot_general3A_9 : vector<64x64xf32>
    %get3A_10 = arith.constant 0 : index
    %get3A_11 = arith.constant 0 : index
    %get3A_12 = vector.load %arg4[%get3A_10, %get3A_11] : memref<1280x1xi32, #tpu.memory_space<vmem>>, vector<1280x1xi32>
    %iota3A = tpu.iota {dimensions = array<i32: 1>} : vector<1280x64xi32>
    %eq3A_13 = vector.broadcast %get3A_12 : vector<1280x1xi32> to vector<1280x64xi32>
    %eq3A_14 = arith.cmpi eq, %eq3A_13, %iota3A : vector<1280x64xi32>
    %convert_element_type3A_15 = arith.extui %eq3A_14 : vector<1280x64xi1> to vector<1280x64xi32>
    %convert_element_type3A_16 = arith.sitofp %convert_element_type3A_15 : vector<1280x64xi32> to vector<1280x64xf32>
    %dot_general3A_17 = arith.constant dense<0.000000e+00> : vector<1280x64xf32>
    %dot_general3A_18 = tpu.matmul %convert_element_type3A_16, %tanh3A, %dot_general3A_17 {dimension_numbers = #tpu.dot_dimension_numbers<[1], [1], [0], [0], [0, 0, 1, 0], [], []>, precision = #tpu.contract_precision<fp32>, transpose_lhs_hint = false} : vector<1280x64xf32>, vector<64x64xf32>, vector<1280x64xf32> -> vector<1280x64xf32>
    %get3A_19 = arith.constant 0 : index
    %get3A_20 = arith.constant 0 : index
    %get3A_21 = arith.constant 0 : index
    %get3A_22 = vector.load %arg1[%get3A_19, %get3A_20, %get3A_21] : memref<1x1280x64xf32, #tpu.memory_space<vmem>>, vector<1x1280x64xf32>
    %get3A_23 = vector.shape_cast %get3A_22 : vector<1x1280x64xf32> to vector<1280x64xf32>
    %mul3A = arith.mulf %get3A_23, %dot_general3A_18 : vector<1280x64xf32>
    %get3A_24 = arith.constant 0 : index
    %get3A_25 = arith.constant 0 : index
    %get3A_26 = arith.constant 0 : index
    %get3A_27 = vector.load %arg2[%get3A_24, %get3A_25, %get3A_26] : memref<1x1280x64xf32, #tpu.memory_space<vmem>>, vector<1x1280x64xf32>
    %get3A_28 = vector.shape_cast %get3A_27 : vector<1x1280x64xf32> to vector<1280x64xf32>
    %mul3A_29 = arith.mulf %mul3A, %get3A_28 : vector<1280x64xf32>
    %convert_element_type3A_30 = arith.truncf %mul3A_29 : vector<1280x64xf32> to vector<1280x64xbf16>
    %convert_element_type3A_31 = arith.extf %convert_element_type3A_30 : vector<1280x64xbf16> to vector<1280x64xf32>
    %get3A_32 = arith.constant 2 : index
    %get3A_33 = arith.constant 0 : index
    %get3A_34 = arith.constant 0 : index
    %get3A_35 = vector.load %arg6[%get3A_32, %get3A_33, %get3A_34] : memref<3x1x64xf32, #tpu.memory_space<vmem>>, vector<1x1x64xf32>
    %get3A_36 = vector.shape_cast %get3A_35 : vector<1x1x64xf32> to vector<1x64xf32>
    %mul3A_37 = vector.broadcast %get3A_36 : vector<1x64xf32> to vector<1280x64xf32>
    %mul3A_38 = arith.mulf %convert_element_type3A_31, %mul3A_37 : vector<1280x64xf32>
    %reduce_sum3A = arith.constant dense<0.000000e+00> : vector<1280xf32>
    %reduce_sum3A_39 = vector.multi_reduction <add>, %mul3A_38, %reduce_sum3A [1] : vector<1280x64xf32> to vector<1280xf32>
    %broadcast_in_dim3A = vector.shape_cast %reduce_sum3A_39 : vector<1280xf32> to vector<1280x1xf32>
    %gt3A = arith.constant 0.000000e+00 : f32
    %gt3A_40 = vector.broadcast %gt3A : f32 to vector<1280x64xf32>
    %gt3A_41 = arith.cmpf ogt, %convert_element_type3A_16, %gt3A_40 : vector<1280x64xf32>
    %jit3A = arith.constant -1.000000e+30 : f32
    %broadcast_in_dim3A_42 = vector.shape_cast %broadcast_in_dim3A : vector<1280x1xf32> to vector<1280x1xf32>
    %broadcast_in_dim3A_43 = vector.broadcast %broadcast_in_dim3A_42 : vector<1280x1xf32> to vector<1280x64xf32>
    %broadcast_in_dim3A_44 = vector.broadcast %jit3A : f32 to vector<1280x64xf32>
    %select_n3A = arith.select %gt3A_41, %broadcast_in_dim3A_43, %broadcast_in_dim3A_44 : vector<1280x64xi1>, vector<1280x64xf32>
    %reduce_max3A = arith.constant dense<0xFF800000> : vector<64xf32>
    %reduce_max3A_45 = vector.multi_reduction <maximumf>, %select_n3A, %reduce_max3A [0] : vector<1280x64xf32> to vector<64xf32>
    %broadcast_in_dim3A_46 = vector.shape_cast %reduce_max3A_45 : vector<64xf32> to vector<1x64xf32>
    %get3A_47 = arith.constant 0 : index
    %get3A_48 = arith.constant 0 : index
    %get3A_49 = vector.load %arg13[%get3A_47, %get3A_48] : memref<1x64xf32, #tpu.memory_space<vmem>>, vector<1x64xf32>
    %max3A = arith.maximumf %get3A_49, %broadcast_in_dim3A_46 : vector<1x64xf32>
    %sub3A = arith.subf %get3A_49, %max3A : vector<1x64xf32>
    %exp3A = math.exp %sub3A : vector<1x64xf32>
    %mul3A_50 = vector.broadcast %max3A : vector<1x64xf32> to vector<1280x64xf32>
    %mul3A_51 = arith.mulf %convert_element_type3A_16, %mul3A_50 : vector<1280x64xf32>
    %reduce_sum3A_52 = arith.constant dense<0.000000e+00> : vector<1280xf32>
    %reduce_sum3A_53 = vector.multi_reduction <add>, %mul3A_51, %reduce_sum3A_52 [1] : vector<1280x64xf32> to vector<1280xf32>
    %broadcast_in_dim3A_54 = vector.shape_cast %reduce_sum3A_53 : vector<1280xf32> to vector<1280x1xf32>
    %sub3A_55 = arith.subf %broadcast_in_dim3A, %broadcast_in_dim3A_54 : vector<1280x1xf32>
    %exp3A_56 = math.exp %sub3A_55 : vector<1280x1xf32>
    %swap3A = arith.constant 0 : index
    %swap3A_57 = arith.constant 0 : index
    %swap3A_58 = vector.load %arg13[%swap3A, %swap3A_57] : memref<1x64xf32, #tpu.memory_space<vmem>>, vector<1x64xf32>
    tpu.vector_store %arg13[%swap3A, %swap3A_57], %max3A {strides = array<i32>} : memref<1x64xf32, #tpu.memory_space<vmem>>, vector<1x64xf32>,
    %get3A_59 = arith.constant 0 : index
    %get3A_60 = arith.constant 0 : index
    %get3A_61 = vector.load %arg14[%get3A_59, %get3A_60] : memref<1x64xf32, #tpu.memory_space<vmem>>, vector<1x64xf32>
    %mul3A_62 = arith.mulf %get3A_61, %exp3A : vector<1x64xf32>
    %mul3A_63 = vector.broadcast %exp3A_56 : vector<1280x1xf32> to vector<1280x64xf32>
    %mul3A_64 = arith.mulf %convert_element_type3A_16, %mul3A_63 : vector<1280x64xf32>
    %reduce_sum3A_65 = arith.constant dense<0.000000e+00> : vector<64xf32>
    %reduce_sum3A_66 = vector.multi_reduction <add>, %mul3A_64, %reduce_sum3A_65 [0] : vector<1280x64xf32> to vector<64xf32>
    %broadcast_in_dim3A_67 = vector.shape_cast %reduce_sum3A_66 : vector<64xf32> to vector<1x64xf32>
    %add3A = arith.addf %mul3A_62, %broadcast_in_dim3A_67 : vector<1x64xf32>
    %swap3A_68 = arith.constant 0 : index
    %swap3A_69 = arith.constant 0 : index
    %swap3A_70 = vector.load %arg14[%swap3A_68, %swap3A_69] : memref<1x64xf32, #tpu.memory_space<vmem>>, vector<1x64xf32>
    tpu.vector_store %arg14[%swap3A_68, %swap3A_69], %add3A {strides = array<i32>} : memref<1x64xf32, #tpu.memory_space<vmem>>, vector<1x64xf32>,
    %get3A_71 = arith.constant 0 : index
    %get3A_72 = arith.constant 0 : index
    %get3A_73 = vector.load %arg15[%get3A_71, %get3A_72] : memref<64x64xf32, #tpu.memory_space<vmem>>, vector<64x64xf32>
    %mul3A_74 = vector.broadcast %exp3A : vector<1x64xf32> to vector<64x64xf32>
    %mul3A_75 = arith.mulf %get3A_73, %mul3A_74 : vector<64x64xf32>
    %get3A_76 = arith.constant 0 : index
    %get3A_77 = arith.constant 0 : index
    %get3A_78 = vector.load %arg3[%get3A_76, %get3A_77] : memref<1280x64xf32, #tpu.memory_space<vmem>>, vector<1280x64xf32>
    %mul3A_79 = vector.broadcast %exp3A_56 : vector<1280x1xf32> to vector<1280x64xf32>
    %mul3A_80 = arith.mulf %get3A_78, %mul3A_79 : vector<1280x64xf32>
    %dot_general3A_81 = arith.constant dense<0.000000e+00> : vector<64x64xf32>
    %dot_general3A_82 = tpu.matmul %mul3A_80, %convert_element_type3A_16, %dot_general3A_81 {dimension_numbers = #tpu.dot_dimension_numbers<[0], [0], [1], [1], [0, 1, 1, 1], [], []>, precision = #tpu.contract_precision<fp32>, transpose_lhs_hint = false} : vector<1280x64xf32>, vector<1280x64xf32>, vector<64x64xf32> -> vector<64x64xf32>
    %add3A_83 = arith.addf %mul3A_75, %dot_general3A_82 : vector<64x64xf32>
    %swap3A_84 = arith.constant 0 : index
    %swap3A_85 = arith.constant 0 : index
    %swap3A_86 = vector.load %arg15[%swap3A_84, %swap3A_85] : memref<64x64xf32, #tpu.memory_space<vmem>>, vector<64x64xf32>
    tpu.vector_store %arg15[%swap3A_84, %swap3A_85], %add3A_83 {strides = array<i32>} : memref<64x64xf32, #tpu.memory_space<vmem>>, vector<64x64xf32>,
    %eq3A_87 = arith.constant 19 : i32
    %eq3A_88 = arith.cmpi eq, %arg0, %eq3A_87 : i32
    %convert_element_type3A_89 = arith.extui %eq3A_88 : i1 to i32
    %cond3A_90 = arith.constant 0 : i32
    %cond3A_91 = arith.cmpi ne, %convert_element_type3A_89, %cond3A_90 : i32
    scf.if %cond3A_91 {
      %get3A_92 = arith.constant 0 : index
      %get3A_93 = arith.constant 0 : index
      %get3A_94 = vector.load %arg9[%get3A_92, %get3A_93] : memref<64x64xf32, #tpu.memory_space<vmem>>, vector<64x64xf32>
      %get3A_95 = arith.constant 0 : index
      %get3A_96 = arith.constant 0 : index
      %get3A_97 = vector.load %arg8[%get3A_95, %get3A_96] : memref<1x64xf32, #tpu.memory_space<vmem>>, vector<1x64xf32>
      %add3A_98 = arith.constant 9.99999997E-7 : f32
      %add3A_99 = vector.broadcast %add3A_98 : f32 to vector<1x64xf32>
      %add3A_100 = arith.addf %get3A_97, %add3A_99 : vector<1x64xf32>
      %div3A = vector.broadcast %add3A_100 : vector<1x64xf32> to vector<64x64xf32>
      %div3A_101 = arith.divf %get3A_94, %div3A : vector<64x64xf32>
      %get3A_102 = arith.constant 0 : index
      %get3A_103 = arith.constant 0 : index
      %get3A_104 = vector.load %arg15[%get3A_102, %get3A_103] : memref<64x64xf32, #tpu.memory_space<vmem>>, vector<64x64xf32>
      %get3A_105 = arith.constant 0 : index
      %get3A_106 = arith.constant 0 : index
      %get3A_107 = vector.load %arg14[%get3A_105, %get3A_106] : memref<1x64xf32, #tpu.memory_space<vmem>>, vector<1x64xf32>
      %add3A_108 = arith.constant 9.99999997E-7 : f32
      %add3A_109 = vector.broadcast %add3A_108 : f32 to vector<1x64xf32>
      %add3A_110 = arith.addf %get3A_107, %add3A_109 : vector<1x64xf32>
      %div3A_111 = vector.broadcast %add3A_110 : vector<1x64xf32> to vector<64x64xf32>
      %div3A_112 = arith.divf %get3A_104, %div3A_111 : vector<64x64xf32>
      %mul3A_113 = arith.mulf %div3A_101, %div3A_112 : vector<64x64xf32>
      %get3A_114 = arith.constant 0 : index
      %get3A_115 = arith.constant 0 : index
      %get3A_116 = vector.load %arg10[%get3A_114, %get3A_115] : memref<64x192xf32, #tpu.memory_space<vmem>>, vector<64x192xf32>
      %dot_general3A_117 = arith.constant dense<0.000000e+00> : vector<192x64xf32>
      %dot_general3A_118 = tpu.matmul %get3A_116, %mul3A_113, %dot_general3A_117 {dimension_numbers = #tpu.dot_dimension_numbers<[0], [0], [1], [1], [0, 1, 1, 1], [], []>, transpose_lhs_hint = false} : vector<64x192xf32>, vector<64x64xf32>, vector<192x64xf32> -> vector<192x64xf32>
      %get3A_119 = arith.constant 0 : index
      %get3A_120 = arith.constant 0 : index
      %get3A_121 = vector.load %arg11[%get3A_119, %get3A_120] : memref<64x192xf32, #tpu.memory_space<vmem>>, vector<64x192xf32>
      %dot_general3A_122 = arith.constant dense<0.000000e+00> : vector<192x64xf32>
      %dot_general3A_123 = tpu.matmul %get3A_121, %get3A_3, %dot_general3A_122 {dimension_numbers = #tpu.dot_dimension_numbers<[0], [0], [1], [1], [0, 1, 1, 1], [], []>, transpose_lhs_hint = false} : vector<64x192xf32>, vector<64x64xf32>, vector<192x64xf32> -> vector<192x64xf32>
      %slice3A = vector.extract_strided_slice %dot_general3A_118 {offsets = [0, 0], sizes = [64, 64], strides = [1, 1]} : vector<192x64xf32> to vector<64x64xf32>
      %slice3A_124 = vector.extract_strided_slice %dot_general3A_123 {offsets = [0, 0], sizes = [64, 64], strides = [1, 1]} : vector<192x64xf32> to vector<64x64xf32>
      %add3A_125 = arith.addf %slice3A, %slice3A_124 : vector<64x64xf32>
      %logistic3A = arith.negf %add3A_125 : vector<64x64xf32>
      %logistic3A_126 = math.exp %logistic3A : vector<64x64xf32>
      %logistic3A_127 = arith.constant 1.000000e+00 : f32
      %logistic3A_128 = vector.broadcast %logistic3A_127 : f32 to vector<64x64xf32>
      %logistic3A_129 = arith.addf %logistic3A_128, %logistic3A_126 : vector<64x64xf32>
      %logistic3A_130 = arith.divf %logistic3A_128, %logistic3A_129 : vector<64x64xf32>
      %slice3A_131 = vector.extract_strided_slice %dot_general3A_118 {offsets = [64, 0], sizes = [64, 64], strides = [1, 1]} : vector<192x64xf32> to vector<64x64xf32>
      %slice3A_132 = vector.extract_strided_slice %dot_general3A_123 {offsets = [64, 0], sizes = [64, 64], strides = [1, 1]} : vector<192x64xf32> to vector<64x64xf32>
      %add3A_133 = arith.addf %slice3A_131, %slice3A_132 : vector<64x64xf32>
      %logistic3A_134 = arith.negf %add3A_133 : vector<64x64xf32>
      %logistic3A_135 = math.exp %logistic3A_134 : vector<64x64xf32>
      %logistic3A_136 = arith.constant 1.000000e+00 : f32
      %logistic3A_137 = vector.broadcast %logistic3A_136 : f32 to vector<64x64xf32>
      %logistic3A_138 = arith.addf %logistic3A_137, %logistic3A_135 : vector<64x64xf32>
      %logistic3A_139 = arith.divf %logistic3A_137, %logistic3A_138 : vector<64x64xf32>
      %slice3A_140 = vector.extract_strided_slice %dot_general3A_118 {offsets = [128, 0], sizes = [64, 64], strides = [1, 1]} : vector<192x64xf32> to vector<64x64xf32>
      %slice3A_141 = vector.extract_strided_slice %dot_general3A_123 {offsets = [128, 0], sizes = [64, 64], strides = [1, 1]} : vector<192x64xf32> to vector<64x64xf32>
      %mul3A_142 = arith.mulf %logistic3A_130, %slice3A_141 : vector<64x64xf32>
      %add3A_143 = arith.addf %slice3A_140, %mul3A_142 : vector<64x64xf32>
      %tanh3A_144 = math.tanh %add3A_143 : vector<64x64xf32>
      %sub3A_145 = arith.constant 1.000000e+00 : f32
      %sub3A_146 = vector.broadcast %sub3A_145 : f32 to vector<64x64xf32>
      %sub3A_147 = arith.subf %sub3A_146, %logistic3A_139 : vector<64x64xf32>
      %mul3A_148 = arith.mulf %sub3A_147, %tanh3A_144 : vector<64x64xf32>
      %mul3A_149 = arith.mulf %logistic3A_139, %get3A_3 : vector<64x64xf32>
      %add3A_150 = arith.addf %mul3A_148, %mul3A_149 : vector<64x64xf32>
      %swap3A_151 = arith.constant 0 : index
      %swap3A_152 = arith.constant 0 : index
      %swap3A_153 = vector.load %arg16[%swap3A_151, %swap3A_152] : memref<64x64xf32, #tpu.memory_space<vmem>>, vector<64x64xf32>
      tpu.vector_store %arg16[%swap3A_151, %swap3A_152], %add3A_150 {strides = array<i32>} : memref<64x64xf32, #tpu.memory_space<vmem>>, vector<64x64xf32>,
      %broadcast_in_dim3A_154 = arith.constant 0.000000e+00 : f32
      %broadcast_in_dim3A_155 = vector.broadcast %broadcast_in_dim3A_154 : f32 to vector<1x64xf32>
      %slice3A_156 = vector.extract_strided_slice %div3A_101 {offsets = [0, 0], sizes = [1, 64], strides = [1, 1]} : vector<64x64xf32> to vector<1x64xf32>
      %mul3A_157 = vector.broadcast %slice3A_156 : vector<1x64xf32> to vector<64x64xf32>
      %mul3A_158 = arith.mulf %mul3A_157, %div3A_112 : vector<64x64xf32>
      %gt3A_159 = arith.constant 0.000000e+00 : f32
      %gt3A_160 = vector.broadcast %gt3A_159 : f32 to vector<64x64xf32>
      %gt3A_161 = arith.cmpf ogt, %mul3A_158, %gt3A_160 : vector<64x64xf32>
      %mul3A_162 = arith.constant 1.000000e-01 : f32
      %mul3A_163 = vector.broadcast %mul3A_162 : f32 to vector<64x64xf32>
      %mul3A_164 = arith.mulf %mul3A_163, %mul3A_158 : vector<64x64xf32>
      %select_n3A_165 = arith.select %gt3A_161, %mul3A_158, %mul3A_164 : vector<64x64xi1>, vector<64x64xf32>
      %convert_element_type3A_166 = arith.truncf %select_n3A_165 : vector<64x64xf32> to vector<64x64xbf16>
      %convert_element_type3A_167 = arith.extf %convert_element_type3A_166 : vector<64x64xbf16> to vector<64x64xf32>
      %get3A_168 = arith.constant 0 : index
      %get3A_169 = arith.constant 0 : index
      %get3A_170 = vector.load %arg12[%get3A_168, %get3A_169] : memref<64x64xf32, #tpu.memory_space<vmem>>, vector<64x1xf32>
      %mul3A_171 = vector.broadcast %get3A_170 : vector<64x1xf32> to vector<64x64xf32>
      %mul3A_172 = arith.mulf %convert_element_type3A_167, %mul3A_171 : vector<64x64xf32>
      %reduce_sum3A_173 = arith.constant dense<0.000000e+00> : vector<64xf32>
      %reduce_sum3A_174 = vector.multi_reduction <add>, %mul3A_172, %reduce_sum3A_173 [0] : vector<64x64xf32> to vector<64xf32>
      %broadcast_in_dim3A_175 = vector.shape_cast %reduce_sum3A_174 : vector<64xf32> to vector<1x64xf32>
      %add3A_176 = arith.addf %broadcast_in_dim3A_155, %broadcast_in_dim3A_175 : vector<1x64xf32>
      %slice3A_177 = vector.extract_strided_slice %div3A_101 {offsets = [1, 0], sizes = [1, 64], strides = [1, 1]} : vector<64x64xf32> to vector<1x64xf32>
      %mul3A_178 = vector.broadcast %slice3A_177 : vector<1x64xf32> to vector<64x64xf32>
      %mul3A_179 = arith.mulf %mul3A_178, %div3A_112 : vector<64x64xf32>
      %gt3A_180 = arith.constant 0.000000e+00 : f32
      %gt3A_181 = vector.broadcast %gt3A_180 : f32 to vector<64x64xf32>
      %gt3A_182 = arith.cmpf ogt, %mul3A_179, %gt3A_181 : vector<64x64xf32>
      %mul3A_183 = arith.constant 1.000000e-01 : f32
      %mul3A_184 = vector.broadcast %mul3A_183 : f32 to vector<64x64xf32>
      %mul3A_185 = arith.mulf %mul3A_184, %mul3A_179 : vector<64x64xf32>
      %select_n3A_186 = arith.select %gt3A_182, %mul3A_179, %mul3A_185 : vector<64x64xi1>, vector<64x64xf32>
      %convert_element_type3A_187 = arith.truncf %select_n3A_186 : vector<64x64xf32> to vector<64x64xbf16>
      %convert_element_type3A_188 = arith.extf %convert_element_type3A_187 : vector<64x64xbf16> to vector<64x64xf32>
      %get3A_189 = arith.constant 0 : index
      %get3A_190 = arith.constant 1 : index
      %get3A_191 = vector.load %arg12[%get3A_189, %get3A_190] : memref<64x64xf32, #tpu.memory_space<vmem>>, vector<64x1xf32>
      %mul3A_192 = vector.broadcast %get3A_191 : vector<64x1xf32> to vector<64x64xf32>
      %mul3A_193 = arith.mulf %convert_element_type3A_188, %mul3A_192 : vector<64x64xf32>
      %reduce_sum3A_194 = arith.constant dense<0.000000e+00> : vector<64xf32>
      %reduce_sum3A_195 = vector.multi_reduction <add>, %mul3A_193, %reduce_sum3A_194 [0] : vector<64x64xf32> to vector<64xf32>
      %broadcast_in_dim3A_196 = vector.shape_cast %reduce_sum3A_195 : vector<64xf32> to vector<1x64xf32>
      %add3A_197 = arith.addf %add3A_176, %broadcast_in_dim3A_196 : vector<1x64xf32>
      %slice3A_198 = vector.extract_strided_slice %div3A_101 {offsets = [2, 0], sizes = [1, 64], strides = [1, 1]} : vector<64x64xf32> to vector<1x64xf32>
      %mul3A_199 = vector.broadcast %slice3A_198 : vector<1x64xf32> to vector<64x64xf32>
      %mul3A_200 = arith.mulf %mul3A_199, %div3A_112 : vector<64x64xf32>
      %gt3A_201 = arith.constant 0.000000e+00 : f32
      %gt3A_202 = vector.broadcast %gt3A_201 : f32 to vector<64x64xf32>
      %gt3A_203 = arith.cmpf ogt, %mul3A_200, %gt3A_202 : vector<64x64xf32>
      %mul3A_204 = arith.constant 1.000000e-01 : f32
      %mul3A_205 = vector.broadcast %mul3A_204 : f32 to vector<64x64xf32>
      %mul3A_206 = arith.mulf %mul3A_205, %mul3A_200 : vector<64x64xf32>
      %select_n3A_207 = arith.select %gt3A_203, %mul3A_200, %mul3A_206 : vector<64x64xi1>, vector<64x64xf32>
      %convert_element_type3A_208 = arith.truncf %select_n3A_207 : vector<64x64xf32> to vector<64x64xbf16>
      %convert_element_type3A_209 = arith.extf %convert_element_type3A_208 : vector<64x64xbf16> to vector<64x64xf32>
      %get3A_210 = arith.constant 0 : index
      %get3A_211 = arith.constant 2 : index
      %get3A_212 = vector.load %arg12[%get3A_210, %get3A_211] : memref<64x64xf32, #tpu.memory_space<vmem>>, vector<64x1xf32>
      %mul3A_213 = vector.broadcast %get3A_212 : vector<64x1xf32> to vector<64x64xf32>
      %mul3A_214 = arith.mulf %convert_element_type3A_209, %mul3A_213 : vector<64x64xf32>
      %reduce_sum3A_215 = arith.constant dense<0.000000e+00> : vector<64xf32>
      %reduce_sum3A_216 = vector.multi_reduction <add>, %mul3A_214, %reduce_sum3A_215 [0] : vector<64x64xf32> to vector<64xf32>
      %broadcast_in_dim3A_217 = vector.shape_cast %reduce_sum3A_216 : vector<64xf32> to vector<1x64xf32>
      %add3A_218 = arith.addf %add3A_197, %broadcast_in_dim3A_217 : vector<1x64xf32>
      %slice3A_219 = vector.extract_strided_slice %div3A_101 {offsets = [3, 0], sizes = [1, 64], strides = [1, 1]} : vector<64x64xf32> to vector<1x64xf32>
      %mul3A_220 = vector.broadcast %slice3A_219 : vector<1x64xf32> to vector<64x64xf32>
      %mul3A_221 = arith.mulf %mul3A_220, %div3A_112 : vector<64x64xf32>
      %gt3A_222 = arith.constant 0.000000e+00 : f32
      %gt3A_223 = vector.broadcast %gt3A_222 : f32 to vector<64x64xf32>
      %gt3A_224 = arith.cmpf ogt, %mul3A_221, %gt3A_223 : vector<64x64xf32>
      %mul3A_225 = arith.constant 1.000000e-01 : f32
      %mul3A_226 = vector.broadcast %mul3A_225 : f32 to vector<64x64xf32>
      %mul3A_227 = arith.mulf %mul3A_226, %mul3A_221 : vector<64x64xf32>
      %select_n3A_228 = arith.select %gt3A_224, %mul3A_221, %mul3A_227 : vector<64x64xi1>, vector<64x64xf32>
      %convert_element_type3A_229 = arith.truncf %select_n3A_228 : vector<64x64xf32> to vector<64x64xbf16>
      %convert_element_type3A_230 = arith.extf %convert_element_type3A_229 : vector<64x64xbf16> to vector<64x64xf32>
      %get3A_231 = arith.constant 0 : index
      %get3A_232 = arith.constant 3 : index
      %get3A_233 = vector.load %arg12[%get3A_231, %get3A_232] : memref<64x64xf32, #tpu.memory_space<vmem>>, vector<64x1xf32>
      %mul3A_234 = vector.broadcast %get3A_233 : vector<64x1xf32> to vector<64x64xf32>
      %mul3A_235 = arith.mulf %convert_element_type3A_230, %mul3A_234 : vector<64x64xf32>
      %reduce_sum3A_236 = arith.constant dense<0.000000e+00> : vector<64xf32>
      %reduce_sum3A_237 = vector.multi_reduction <add>, %mul3A_235, %reduce_sum3A_236 [0] : vector<64x64xf32> to vector<64xf32>
      %broadcast_in_dim3A_238 = vector.shape_cast %reduce_sum3A_237 : vector<64xf32> to vector<1x64xf32>
      %add3A_239 = arith.addf %add3A_218, %broadcast_in_dim3A_238 : vector<1x64xf32>
      %slice3A_240 = vector.extract_strided_slice %div3A_101 {offsets = [4, 0], sizes = [1, 64], strides = [1, 1]} : vector<64x64xf32> to vector<1x64xf32>
      %mul3A_241 = vector.broadcast %slice3A_240 : vector<1x64xf32> to vector<64x64xf32>
      %mul3A_242 = arith.mulf %mul3A_241, %div3A_112 : vector<64x64xf32>
      %gt3A_243 = arith.constant 0.000000e+00 : f32
      %gt3A_244 = vector.broadcast %gt3A_243 : f32 to vector<64x64xf32>
      %gt3A_245 = arith.cmpf ogt, %mul3A_242, %gt3A_244 : vector<64x64xf32>
      %mul3A_246 = arith.constant 1.000000e-01 : f32
      %mul3A_247 = vector.broadcast %mul3A_246 : f32 to vector<64x64xf32>
      %mul3A_248 = arith.mulf %mul3A_247, %mul3A_242 : vector<64x64xf32>
      %select_n3A_249 = arith.select %gt3A_245, %mul3A_242, %mul3A_248 : vector<64x64xi1>, vector<64x64xf32>
      %convert_element_type3A_250 = arith.truncf %select_n3A_249 : vector<64x64xf32> to vector<64x64xbf16>
      %convert_element_type3A_251 = arith.extf %convert_element_type3A_250 : vector<64x64xbf16> to vector<64x64xf32>
      %get3A_252 = arith.constant 0 : index
      %get3A_253 = arith.constant 4 : index
      %get3A_254 = vector.load %arg12[%get3A_252, %get3A_253] : memref<64x64xf32, #tpu.memory_space<vmem>>, vector<64x1xf32>
      %mul3A_255 = vector.broadcast %get3A_254 : vector<64x1xf32> to vector<64x64xf32>
      %mul3A_256 = arith.mulf %convert_element_type3A_251, %mul3A_255 : vector<64x64xf32>
      %reduce_sum3A_257 = arith.constant dense<0.000000e+00> : vector<64xf32>
      %reduce_sum3A_258 = vector.multi_reduction <add>, %mul3A_256, %reduce_sum3A_257 [0] : vector<64x64xf32> to vector<64xf32>
      %broadcast_in_dim3A_259 = vector.shape_cast %reduce_sum3A_258 : vector<64xf32> to vector<1x64xf32>
      %add3A_260 = arith.addf %add3A_239, %broadcast_in_dim3A_259 : vector<1x64xf32>
      %slice3A_261 = vector.extract_strided_slice %div3A_101 {offsets = [5, 0], sizes = [1, 64], strides = [1, 1]} : vector<64x64xf32> to vector<1x64xf32>
      %mul3A_262 = vector.broadcast %slice3A_261 : vector<1x64xf32> to vector<64x64xf32>
      %mul3A_263 = arith.mulf %mul3A_262, %div3A_112 : vector<64x64xf32>
      %gt3A_264 = arith.constant 0.000000e+00 : f32
      %gt3A_265 = vector.broadcast %gt3A_264 : f32 to vector<64x64xf32>
      %gt3A_266 = arith.cmpf ogt, %mul3A_263, %gt3A_265 : vector<64x64xf32>
      %mul3A_267 = arith.constant 1.000000e-01 : f32
      %mul3A_268 = vector.broadcast %mul3A_267 : f32 to vector<64x64xf32>
      %mul3A_269 = arith.mulf %mul3A_268, %mul3A_263 : vector<64x64xf32>
      %select_n3A_270 = arith.select %gt3A_266, %mul3A_263, %mul3A_269 : vector<64x64xi1>, vector<64x64xf32>
      %convert_element_type3A_271 = arith.truncf %select_n3A_270 : vector<64x64xf32> to vector<64x64xbf16>
      %convert_element_type3A_272 = arith.extf %convert_element_type3A_271 : vector<64x64xbf16> to vector<64x64xf32>
      %get3A_273 = arith.constant 0 : index
      %get3A_274 = arith.constant 5 : index
      %get3A_275 = vector.load %arg12[%get3A_273, %get3A_274] : memref<64x64xf32, #tpu.memory_space<vmem>>, vector<64x1xf32>
      %mul3A_276 = vector.broadcast %get3A_275 : vector<64x1xf32> to vector<64x64xf32>
      %mul3A_277 = arith.mulf %convert_element_type3A_272, %mul3A_276 : vector<64x64xf32>
      %reduce_sum3A_278 = arith.constant dense<0.000000e+00> : vector<64xf32>
      %reduce_sum3A_279 = vector.multi_reduction <add>, %mul3A_277, %reduce_sum3A_278 [0] : vector<64x64xf32> to vector<64xf32>
      %broadcast_in_dim3A_280 = vector.shape_cast %reduce_sum3A_279 : vector<64xf32> to vector<1x64xf32>
      %add3A_281 = arith.addf %add3A_260, %broadcast_in_dim3A_280 : vector<1x64xf32>
      %slice3A_282 = vector.extract_strided_slice %div3A_101 {offsets = [6, 0], sizes = [1, 64], strides = [1, 1]} : vector<64x64xf32> to vector<1x64xf32>
      %mul3A_283 = vector.broadcast %slice3A_282 : vector<1x64xf32> to vector<64x64xf32>
      %mul3A_284 = arith.mulf %mul3A_283, %div3A_112 : vector<64x64xf32>
      %gt3A_285 = arith.constant 0.000000e+00 : f32
      %gt3A_286 = vector.broadcast %gt3A_285 : f32 to vector<64x64xf32>
      %gt3A_287 = arith.cmpf ogt, %mul3A_284, %gt3A_286 : vector<64x64xf32>
      %mul3A_288 = arith.constant 1.000000e-01 : f32
      %mul3A_289 = vector.broadcast %mul3A_288 : f32 to vector<64x64xf32>
      %mul3A_290 = arith.mulf %mul3A_289, %mul3A_284 : vector<64x64xf32>
      %select_n3A_291 = arith.select %gt3A_287, %mul3A_284, %mul3A_290 : vector<64x64xi1>, vector<64x64xf32>
      %convert_element_type3A_292 = arith.truncf %select_n3A_291 : vector<64x64xf32> to vector<64x64xbf16>
      %convert_element_type3A_293 = arith.extf %convert_element_type3A_292 : vector<64x64xbf16> to vector<64x64xf32>
      %get3A_294 = arith.constant 0 : index
      %get3A_295 = arith.constant 6 : index
      %get3A_296 = vector.load %arg12[%get3A_294, %get3A_295] : memref<64x64xf32, #tpu.memory_space<vmem>>, vector<64x1xf32>
      %mul3A_297 = vector.broadcast %get3A_296 : vector<64x1xf32> to vector<64x64xf32>
      %mul3A_298 = arith.mulf %convert_element_type3A_293, %mul3A_297 : vector<64x64xf32>
      %reduce_sum3A_299 = arith.constant dense<0.000000e+00> : vector<64xf32>
      %reduce_sum3A_300 = vector.multi_reduction <add>, %mul3A_298, %reduce_sum3A_299 [0] : vector<64x64xf32> to vector<64xf32>
      %broadcast_in_dim3A_301 = vector.shape_cast %reduce_sum3A_300 : vector<64xf32> to vector<1x64xf32>
      %add3A_302 = arith.addf %add3A_281, %broadcast_in_dim3A_301 : vector<1x64xf32>
      %slice3A_303 = vector.extract_strided_slice %div3A_101 {offsets = [7, 0], sizes = [1, 64], strides = [1, 1]} : vector<64x64xf32> to vector<1x64xf32>
      %mul3A_304 = vector.broadcast %slice3A_303 : vector<1x64xf32> to vector<64x64xf32>
      %mul3A_305 = arith.mulf %mul3A_304, %div3A_112 : vector<64x64xf32>
      %gt3A_306 = arith.constant 0.000000e+00 : f32
      %gt3A_307 = vector.broadcast %gt3A_306 : f32 to vector<64x64xf32>
      %gt3A_308 = arith.cmpf ogt, %mul3A_305, %gt3A_307 : vector<64x64xf32>
      %mul3A_309 = arith.constant 1.000000e-01 : f32
      %mul3A_310 = vector.broadcast %mul3A_309 : f32 to vector<64x64xf32>
      %mul3A_311 = arith.mulf %mul3A_310, %mul3A_305 : vector<64x64xf32>
      %select_n3A_312 = arith.select %gt3A_308, %mul3A_305, %mul3A_311 : vector<64x64xi1>, vector<64x64xf32>
      %convert_element_type3A_313 = arith.truncf %select_n3A_312 : vector<64x64xf32> to vector<64x64xbf16>
      %convert_element_type3A_314 = arith.extf %convert_element_type3A_313 : vector<64x64xbf16> to vector<64x64xf32>
      %get3A_315 = arith.constant 0 : index
      %get3A_316 = arith.constant 7 : index
      %get3A_317 = vector.load %arg12[%get3A_315, %get3A_316] : memref<64x64xf32, #tpu.memory_space<vmem>>, vector<64x1xf32>
      %mul3A_318 = vector.broadcast %get3A_317 : vector<64x1xf32> to vector<64x64xf32>
      %mul3A_319 = arith.mulf %convert_element_type3A_314, %mul3A_318 : vector<64x64xf32>
      %reduce_sum3A_320 = arith.constant dense<0.000000e+00> : vector<64xf32>
      %reduce_sum3A_321 = vector.multi_reduction <add>, %mul3A_319, %reduce_sum3A_320 [0] : vector<64x64xf32> to vector<64xf32>
      %broadcast_in_dim3A_322 = vector.shape_cast %reduce_sum3A_321 : vector<64xf32> to vector<1x64xf32>
      %add3A_323 = arith.addf %add3A_302, %broadcast_in_dim3A_322 : vector<1x64xf32>
      %slice3A_324 = vector.extract_strided_slice %div3A_101 {offsets = [8, 0], sizes = [1, 64], strides = [1, 1]} : vector<64x64xf32> to vector<1x64xf32>
      %mul3A_325 = vector.broadcast %slice3A_324 : vector<1x64xf32> to vector<64x64xf32>
      %mul3A_326 = arith.mulf %mul3A_325, %div3A_112 : vector<64x64xf32>
      %gt3A_327 = arith.constant 0.000000e+00 : f32
      %gt3A_328 = vector.broadcast %gt3A_327 : f32 to vector<64x64xf32>
      %gt3A_329 = arith.cmpf ogt, %mul3A_326, %gt3A_328 : vector<64x64xf32>
      %mul3A_330 = arith.constant 1.000000e-01 : f32
      %mul3A_331 = vector.broadcast %mul3A_330 : f32 to vector<64x64xf32>
      %mul3A_332 = arith.mulf %mul3A_331, %mul3A_326 : vector<64x64xf32>
      %select_n3A_333 = arith.select %gt3A_329, %mul3A_326, %mul3A_332 : vector<64x64xi1>, vector<64x64xf32>
      %convert_element_type3A_334 = arith.truncf %select_n3A_333 : vector<64x64xf32> to vector<64x64xbf16>
      %convert_element_type3A_335 = arith.extf %convert_element_type3A_334 : vector<64x64xbf16> to vector<64x64xf32>
      %get3A_336 = arith.constant 0 : index
      %get3A_337 = arith.constant 8 : index
      %get3A_338 = vector.load %arg12[%get3A_336, %get3A_337] : memref<64x64xf32, #tpu.memory_space<vmem>>, vector<64x1xf32>
      %mul3A_339 = vector.broadcast %get3A_338 : vector<64x1xf32> to vector<64x64xf32>
      %mul3A_340 = arith.mulf %convert_element_type3A_335, %mul3A_339 : vector<64x64xf32>
      %reduce_sum3A_341 = arith.constant dense<0.000000e+00> : vector<64xf32>
      %reduce_sum3A_342 = vector.multi_reduction <add>, %mul3A_340, %reduce_sum3A_341 [0] : vector<64x64xf32> to vector<64xf32>
      %broadcast_in_dim3A_343 = vector.shape_cast %reduce_sum3A_342 : vector<64xf32> to vector<1x64xf32>
      %add3A_344 = arith.addf %add3A_323, %broadcast_in_dim3A_343 : vector<1x64xf32>
      %slice3A_345 = vector.extract_strided_slice %div3A_101 {offsets = [9, 0], sizes = [1, 64], strides = [1, 1]} : vector<64x64xf32> to vector<1x64xf32>
      %mul3A_346 = vector.broadcast %slice3A_345 : vector<1x64xf32> to vector<64x64xf32>
      %mul3A_347 = arith.mulf %mul3A_346, %div3A_112 : vector<64x64xf32>
      %gt3A_348 = arith.constant 0.000000e+00 : f32
      %gt3A_349 = vector.broadcast %gt3A_348 : f32 to vector<64x64xf32>
      %gt3A_350 = arith.cmpf ogt, %mul3A_347, %gt3A_349 : vector<64x64xf32>
      %mul3A_351 = arith.constant 1.000000e-01 : f32
      %mul3A_352 = vector.broadcast %mul3A_351 : f32 to vector<64x64xf32>
      %mul3A_353 = arith.mulf %mul3A_352, %mul3A_347 : vector<64x64xf32>
      %select_n3A_354 = arith.select %gt3A_350, %mul3A_347, %mul3A_353 : vector<64x64xi1>, vector<64x64xf32>
      %convert_element_type3A_355 = arith.truncf %select_n3A_354 : vector<64x64xf32> to vector<64x64xbf16>
      %convert_element_type3A_356 = arith.extf %convert_element_type3A_355 : vector<64x64xbf16> to vector<64x64xf32>
      %get3A_357 = arith.constant 0 : index
      %get3A_358 = arith.constant 9 : index
      %get3A_359 = vector.load %arg12[%get3A_357, %get3A_358] : memref<64x64xf32, #tpu.memory_space<vmem>>, vector<64x1xf32>
      %mul3A_360 = vector.broadcast %get3A_359 : vector<64x1xf32> to vector<64x64xf32>
      %mul3A_361 = arith.mulf %convert_element_type3A_356, %mul3A_360 : vector<64x64xf32>
      %reduce_sum3A_362 = arith.constant dense<0.000000e+00> : vector<64xf32>
      %reduce_sum3A_363 = vector.multi_reduction <add>, %mul3A_361, %reduce_sum3A_362 [0] : vector<64x64xf32> to vector<64xf32>
      %broadcast_in_dim3A_364 = vector.shape_cast %reduce_sum3A_363 : vector<64xf32> to vector<1x64xf32>
      %add3A_365 = arith.addf %add3A_344, %broadcast_in_dim3A_364 : vector<1x64xf32>
      %slice3A_366 = vector.extract_strided_slice %div3A_101 {offsets = [10, 0], sizes = [1, 64], strides = [1, 1]} : vector<64x64xf32> to vector<1x64xf32>
      %mul3A_367 = vector.broadcast %slice3A_366 : vector<1x64xf32> to vector<64x64xf32>
      %mul3A_368 = arith.mulf %mul3A_367, %div3A_112 : vector<64x64xf32>
      %gt3A_369 = arith.constant 0.000000e+00 : f32
      %gt3A_370 = vector.broadcast %gt3A_369 : f32 to vector<64x64xf32>
      %gt3A_371 = arith.cmpf ogt, %mul3A_368, %gt3A_370 : vector<64x64xf32>
      %mul3A_372 = arith.constant 1.000000e-01 : f32
      %mul3A_373 = vector.broadcast %mul3A_372 : f32 to vector<64x64xf32>
      %mul3A_374 = arith.mulf %mul3A_373, %mul3A_368 : vector<64x64xf32>
      %select_n3A_375 = arith.select %gt3A_371, %mul3A_368, %mul3A_374 : vector<64x64xi1>, vector<64x64xf32>
      %convert_element_type3A_376 = arith.truncf %select_n3A_375 : vector<64x64xf32> to vector<64x64xbf16>
      %convert_element_type3A_377 = arith.extf %convert_element_type3A_376 : vector<64x64xbf16> to vector<64x64xf32>
      %get3A_378 = arith.constant 0 : index
      %get3A_379 = arith.constant 10 : index
      %get3A_380 = vector.load %arg12[%get3A_378, %get3A_379] : memref<64x64xf32, #tpu.memory_space<vmem>>, vector<64x1xf32>
      %mul3A_381 = vector.broadcast %get3A_380 : vector<64x1xf32> to vector<64x64xf32>
      %mul3A_382 = arith.mulf %convert_element_type3A_377, %mul3A_381 : vector<64x64xf32>
      %reduce_sum3A_383 = arith.constant dense<0.000000e+00> : vector<64xf32>
      %reduce_sum3A_384 = vector.multi_reduction <add>, %mul3A_382, %reduce_sum3A_383 [0] : vector<64x64xf32> to vector<64xf32>
      %broadcast_in_dim3A_385 = vector.shape_cast %reduce_sum3A_384 : vector<64xf32> to vector<1x64xf32>
      %add3A_386 = arith.addf %add3A_365, %broadcast_in_dim3A_385 : vector<1x64xf32>
      %slice3A_387 = vector.extract_strided_slice %div3A_101 {offsets = [11, 0], sizes = [1, 64], strides = [1, 1]} : vector<64x64xf32> to vector<1x64xf32>
      %mul3A_388 = vector.broadcast %slice3A_387 : vector<1x64xf32> to vector<64x64xf32>
      %mul3A_389 = arith.mulf %mul3A_388, %div3A_112 : vector<64x64xf32>
      %gt3A_390 = arith.constant 0.000000e+00 : f32
      %gt3A_391 = vector.broadcast %gt3A_390 : f32 to vector<64x64xf32>
      %gt3A_392 = arith.cmpf ogt, %mul3A_389, %gt3A_391 : vector<64x64xf32>
      %mul3A_393 = arith.constant 1.000000e-01 : f32
      %mul3A_394 = vector.broadcast %mul3A_393 : f32 to vector<64x64xf32>
      %mul3A_395 = arith.mulf %mul3A_394, %mul3A_389 : vector<64x64xf32>
      %select_n3A_396 = arith.select %gt3A_392, %mul3A_389, %mul3A_395 : vector<64x64xi1>, vector<64x64xf32>
      %convert_element_type3A_397 = arith.truncf %select_n3A_396 : vector<64x64xf32> to vector<64x64xbf16>
      %convert_element_type3A_398 = arith.extf %convert_element_type3A_397 : vector<64x64xbf16> to vector<64x64xf32>
      %get3A_399 = arith.constant 0 : index
      %get3A_400 = arith.constant 11 : index
      %get3A_401 = vector.load %arg12[%get3A_399, %get3A_400] : memref<64x64xf32, #tpu.memory_space<vmem>>, vector<64x1xf32>
      %mul3A_402 = vector.broadcast %get3A_401 : vector<64x1xf32> to vector<64x64xf32>
      %mul3A_403 = arith.mulf %convert_element_type3A_398, %mul3A_402 : vector<64x64xf32>
      %reduce_sum3A_404 = arith.constant dense<0.000000e+00> : vector<64xf32>
      %reduce_sum3A_405 = vector.multi_reduction <add>, %mul3A_403, %reduce_sum3A_404 [0] : vector<64x64xf32> to vector<64xf32>
      %broadcast_in_dim3A_406 = vector.shape_cast %reduce_sum3A_405 : vector<64xf32> to vector<1x64xf32>
      %add3A_407 = arith.addf %add3A_386, %broadcast_in_dim3A_406 : vector<1x64xf32>
      %slice3A_408 = vector.extract_strided_slice %div3A_101 {offsets = [12, 0], sizes = [1, 64], strides = [1, 1]} : vector<64x64xf32> to vector<1x64xf32>
      %mul3A_409 = vector.broadcast %slice3A_408 : vector<1x64xf32> to vector<64x64xf32>
      %mul3A_410 = arith.mulf %mul3A_409, %div3A_112 : vector<64x64xf32>
      %gt3A_411 = arith.constant 0.000000e+00 : f32
      %gt3A_412 = vector.broadcast %gt3A_411 : f32 to vector<64x64xf32>
      %gt3A_413 = arith.cmpf ogt, %mul3A_410, %gt3A_412 : vector<64x64xf32>
      %mul3A_414 = arith.constant 1.000000e-01 : f32
      %mul3A_415 = vector.broadcast %mul3A_414 : f32 to vector<64x64xf32>
      %mul3A_416 = arith.mulf %mul3A_415, %mul3A_410 : vector<64x64xf32>
      %select_n3A_417 = arith.select %gt3A_413, %mul3A_410, %mul3A_416 : vector<64x64xi1>, vector<64x64xf32>
      %convert_element_type3A_418 = arith.truncf %select_n3A_417 : vector<64x64xf32> to vector<64x64xbf16>
      %convert_element_type3A_419 = arith.extf %convert_element_type3A_418 : vector<64x64xbf16> to vector<64x64xf32>
      %get3A_420 = arith.constant 0 : index
      %get3A_421 = arith.constant 12 : index
      %get3A_422 = vector.load %arg12[%get3A_420, %get3A_421] : memref<64x64xf32, #tpu.memory_space<vmem>>, vector<64x1xf32>
      %mul3A_423 = vector.broadcast %get3A_422 : vector<64x1xf32> to vector<64x64xf32>
      %mul3A_424 = arith.mulf %convert_element_type3A_419, %mul3A_423 : vector<64x64xf32>
      %reduce_sum3A_425 = arith.constant dense<0.000000e+00> : vector<64xf32>
      %reduce_sum3A_426 = vector.multi_reduction <add>, %mul3A_424, %reduce_sum3A_425 [0] : vector<64x64xf32> to vector<64xf32>
      %broadcast_in_dim3A_427 = vector.shape_cast %reduce_sum3A_426 : vector<64xf32> to vector<1x64xf32>
      %add3A_428 = arith.addf %add3A_407, %broadcast_in_dim3A_427 : vector<1x64xf32>
      %slice3A_429 = vector.extract_strided_slice %div3A_101 {offsets = [13, 0], sizes = [1, 64], strides = [1, 1]} : vector<64x64xf32> to vector<1x64xf32>
      %mul3A_430 = vector.broadcast %slice3A_429 : vector<1x64xf32> to vector<64x64xf32>
      %mul3A_431 = arith.mulf %mul3A_430, %div3A_112 : vector<64x64xf32>
      %gt3A_432 = arith.constant 0.000000e+00 : f32
      %gt3A_433 = vector.broadcast %gt3A_432 : f32 to vector<64x64xf32>
      %gt3A_434 = arith.cmpf ogt, %mul3A_431, %gt3A_433 : vector<64x64xf32>
      %mul3A_435 = arith.constant 1.000000e-01 : f32
      %mul3A_436 = vector.broadcast %mul3A_435 : f32 to vector<64x64xf32>
      %mul3A_437 = arith.mulf %mul3A_436, %mul3A_431 : vector<64x64xf32>
      %select_n3A_438 = arith.select %gt3A_434, %mul3A_431, %mul3A_437 : vector<64x64xi1>, vector<64x64xf32>
      %convert_element_type3A_439 = arith.truncf %select_n3A_438 : vector<64x64xf32> to vector<64x64xbf16>
      %convert_element_type3A_440 = arith.extf %convert_element_type3A_439 : vector<64x64xbf16> to vector<64x64xf32>
      %get3A_441 = arith.constant 0 : index
      %get3A_442 = arith.constant 13 : index
      %get3A_443 = vector.load %arg12[%get3A_441, %get3A_442] : memref<64x64xf32, #tpu.memory_space<vmem>>, vector<64x1xf32>
      %mul3A_444 = vector.broadcast %get3A_443 : vector<64x1xf32> to vector<64x64xf32>
      %mul3A_445 = arith.mulf %convert_element_type3A_440, %mul3A_444 : vector<64x64xf32>
      %reduce_sum3A_446 = arith.constant dense<0.000000e+00> : vector<64xf32>
      %reduce_sum3A_447 = vector.multi_reduction <add>, %mul3A_445, %reduce_sum3A_446 [0] : vector<64x64xf32> to vector<64xf32>
      %broadcast_in_dim3A_448 = vector.shape_cast %reduce_sum3A_447 : vector<64xf32> to vector<1x64xf32>
      %add3A_449 = arith.addf %add3A_428, %broadcast_in_dim3A_448 : vector<1x64xf32>
      %slice3A_450 = vector.extract_strided_slice %div3A_101 {offsets = [14, 0], sizes = [1, 64], strides = [1, 1]} : vector<64x64xf32> to vector<1x64xf32>
      %mul3A_451 = vector.broadcast %slice3A_450 : vector<1x64xf32> to vector<64x64xf32>
      %mul3A_452 = arith.mulf %mul3A_451, %div3A_112 : vector<64x64xf32>
      %gt3A_453 = arith.constant 0.000000e+00 : f32
      %gt3A_454 = vector.broadcast %gt3A_453 : f32 to vector<64x64xf32>
      %gt3A_455 = arith.cmpf ogt, %mul3A_452, %gt3A_454 : vector<64x64xf32>
      %mul3A_456 = arith.constant 1.000000e-01 : f32
      %mul3A_457 = vector.broadcast %mul3A_456 : f32 to vector<64x64xf32>
      %mul3A_458 = arith.mulf %mul3A_457, %mul3A_452 : vector<64x64xf32>
      %select_n3A_459 = arith.select %gt3A_455, %mul3A_452, %mul3A_458 : vector<64x64xi1>, vector<64x64xf32>
      %convert_element_type3A_460 = arith.truncf %select_n3A_459 : vector<64x64xf32> to vector<64x64xbf16>
      %convert_element_type3A_461 = arith.extf %convert_element_type3A_460 : vector<64x64xbf16> to vector<64x64xf32>
      %get3A_462 = arith.constant 0 : index
      %get3A_463 = arith.constant 14 : index
      %get3A_464 = vector.load %arg12[%get3A_462, %get3A_463] : memref<64x64xf32, #tpu.memory_space<vmem>>, vector<64x1xf32>
      %mul3A_465 = vector.broadcast %get3A_464 : vector<64x1xf32> to vector<64x64xf32>
      %mul3A_466 = arith.mulf %convert_element_type3A_461, %mul3A_465 : vector<64x64xf32>
      %reduce_sum3A_467 = arith.constant dense<0.000000e+00> : vector<64xf32>
      %reduce_sum3A_468 = vector.multi_reduction <add>, %mul3A_466, %reduce_sum3A_467 [0] : vector<64x64xf32> to vector<64xf32>
      %broadcast_in_dim3A_469 = vector.shape_cast %reduce_sum3A_468 : vector<64xf32> to vector<1x64xf32>
      %add3A_470 = arith.addf %add3A_449, %broadcast_in_dim3A_469 : vector<1x64xf32>
      %slice3A_471 = vector.extract_strided_slice %div3A_101 {offsets = [15, 0], sizes = [1, 64], strides = [1, 1]} : vector<64x64xf32> to vector<1x64xf32>
      %mul3A_472 = vector.broadcast %slice3A_471 : vector<1x64xf32> to vector<64x64xf32>
      %mul3A_473 = arith.mulf %mul3A_472, %div3A_112 : vector<64x64xf32>
      %gt3A_474 = arith.constant 0.000000e+00 : f32
      %gt3A_475 = vector.broadcast %gt3A_474 : f32 to vector<64x64xf32>
      %gt3A_476 = arith.cmpf ogt, %mul3A_473, %gt3A_475 : vector<64x64xf32>
      %mul3A_477 = arith.constant 1.000000e-01 : f32
      %mul3A_478 = vector.broadcast %mul3A_477 : f32 to vector<64x64xf32>
      %mul3A_479 = arith.mulf %mul3A_478, %mul3A_473 : vector<64x64xf32>
      %select_n3A_480 = arith.select %gt3A_476, %mul3A_473, %mul3A_479 : vector<64x64xi1>, vector<64x64xf32>
      %convert_element_type3A_481 = arith.truncf %select_n3A_480 : vector<64x64xf32> to vector<64x64xbf16>
      %convert_element_type3A_482 = arith.extf %convert_element_type3A_481 : vector<64x64xbf16> to vector<64x64xf32>
      %get3A_483 = arith.constant 0 : index
      %get3A_484 = arith.constant 15 : index
      %get3A_485 = vector.load %arg12[%get3A_483, %get3A_484] : memref<64x64xf32, #tpu.memory_space<vmem>>, vector<64x1xf32>
      %mul3A_486 = vector.broadcast %get3A_485 : vector<64x1xf32> to vector<64x64xf32>
      %mul3A_487 = arith.mulf %convert_element_type3A_482, %mul3A_486 : vector<64x64xf32>
      %reduce_sum3A_488 = arith.constant dense<0.000000e+00> : vector<64xf32>
      %reduce_sum3A_489 = vector.multi_reduction <add>, %mul3A_487, %reduce_sum3A_488 [0] : vector<64x64xf32> to vector<64xf32>
      %broadcast_in_dim3A_490 = vector.shape_cast %reduce_sum3A_489 : vector<64xf32> to vector<1x64xf32>
      %add3A_491 = arith.addf %add3A_470, %broadcast_in_dim3A_490 : vector<1x64xf32>
      %slice3A_492 = vector.extract_strided_slice %div3A_101 {offsets = [16, 0], sizes = [1, 64], strides = [1, 1]} : vector<64x64xf32> to vector<1x64xf32>
      %mul3A_493 = vector.broadcast %slice3A_492 : vector<1x64xf32> to vector<64x64xf32>
      %mul3A_494 = arith.mulf %mul3A_493, %div3A_112 : vector<64x64xf32>
      %gt3A_495 = arith.constant 0.000000e+00 : f32
      %gt3A_496 = vector.broadcast %gt3A_495 : f32 to vector<64x64xf32>
      %gt3A_497 = arith.cmpf ogt, %mul3A_494, %gt3A_496 : vector<64x64xf32>
      %mul3A_498 = arith.constant 1.000000e-01 : f32
      %mul3A_499 = vector.broadcast %mul3A_498 : f32 to vector<64x64xf32>
      %mul3A_500 = arith.mulf %mul3A_499, %mul3A_494 : vector<64x64xf32>
      %select_n3A_501 = arith.select %gt3A_497, %mul3A_494, %mul3A_500 : vector<64x64xi1>, vector<64x64xf32>
      %convert_element_type3A_502 = arith.truncf %select_n3A_501 : vector<64x64xf32> to vector<64x64xbf16>
      %convert_element_type3A_503 = arith.extf %convert_element_type3A_502 : vector<64x64xbf16> to vector<64x64xf32>
      %get3A_504 = arith.constant 0 : index
      %get3A_505 = arith.constant 16 : index
      %get3A_506 = vector.load %arg12[%get3A_504, %get3A_505] : memref<64x64xf32, #tpu.memory_space<vmem>>, vector<64x1xf32>
      %mul3A_507 = vector.broadcast %get3A_506 : vector<64x1xf32> to vector<64x64xf32>
      %mul3A_508 = arith.mulf %convert_element_type3A_503, %mul3A_507 : vector<64x64xf32>
      %reduce_sum3A_509 = arith.constant dense<0.000000e+00> : vector<64xf32>
      %reduce_sum3A_510 = vector.multi_reduction <add>, %mul3A_508, %reduce_sum3A_509 [0] : vector<64x64xf32> to vector<64xf32>
      %broadcast_in_dim3A_511 = vector.shape_cast %reduce_sum3A_510 : vector<64xf32> to vector<1x64xf32>
      %add3A_512 = arith.addf %add3A_491, %broadcast_in_dim3A_511 : vector<1x64xf32>
      %slice3A_513 = vector.extract_strided_slice %div3A_101 {offsets = [17, 0], sizes = [1, 64], strides = [1, 1]} : vector<64x64xf32> to vector<1x64xf32>
      %mul3A_514 = vector.broadcast %slice3A_513 : vector<1x64xf32> to vector<64x64xf32>
      %mul3A_515 = arith.mulf %mul3A_514, %div3A_112 : vector<64x64xf32>
      %gt3A_516 = arith.constant 0.000000e+00 : f32
      %gt3A_517 = vector.broadcast %gt3A_516 : f32 to vector<64x64xf32>
      %gt3A_518 = arith.cmpf ogt, %mul3A_515, %gt3A_517 : vector<64x64xf32>
      %mul3A_519 = arith.constant 1.000000e-01 : f32
      %mul3A_520 = vector.broadcast %mul3A_519 : f32 to vector<64x64xf32>
      %mul3A_521 = arith.mulf %mul3A_520, %mul3A_515 : vector<64x64xf32>
      %select_n3A_522 = arith.select %gt3A_518, %mul3A_515, %mul3A_521 : vector<64x64xi1>, vector<64x64xf32>
      %convert_element_type3A_523 = arith.truncf %select_n3A_522 : vector<64x64xf32> to vector<64x64xbf16>
      %convert_element_type3A_524 = arith.extf %convert_element_type3A_523 : vector<64x64xbf16> to vector<64x64xf32>
      %get3A_525 = arith.constant 0 : index
      %get3A_526 = arith.constant 17 : index
      %get3A_527 = vector.load %arg12[%get3A_525, %get3A_526] : memref<64x64xf32, #tpu.memory_space<vmem>>, vector<64x1xf32>
      %mul3A_528 = vector.broadcast %get3A_527 : vector<64x1xf32> to vector<64x64xf32>
      %mul3A_529 = arith.mulf %convert_element_type3A_524, %mul3A_528 : vector<64x64xf32>
      %reduce_sum3A_530 = arith.constant dense<0.000000e+00> : vector<64xf32>
      %reduce_sum3A_531 = vector.multi_reduction <add>, %mul3A_529, %reduce_sum3A_530 [0] : vector<64x64xf32> to vector<64xf32>
      %broadcast_in_dim3A_532 = vector.shape_cast %reduce_sum3A_531 : vector<64xf32> to vector<1x64xf32>
      %add3A_533 = arith.addf %add3A_512, %broadcast_in_dim3A_532 : vector<1x64xf32>
      %slice3A_534 = vector.extract_strided_slice %div3A_101 {offsets = [18, 0], sizes = [1, 64], strides = [1, 1]} : vector<64x64xf32> to vector<1x64xf32>
      %mul3A_535 = vector.broadcast %slice3A_534 : vector<1x64xf32> to vector<64x64xf32>
      %mul3A_536 = arith.mulf %mul3A_535, %div3A_112 : vector<64x64xf32>
      %gt3A_537 = arith.constant 0.000000e+00 : f32
      %gt3A_538 = vector.broadcast %gt3A_537 : f32 to vector<64x64xf32>
      %gt3A_539 = arith.cmpf ogt, %mul3A_536, %gt3A_538 : vector<64x64xf32>
      %mul3A_540 = arith.constant 1.000000e-01 : f32
      %mul3A_541 = vector.broadcast %mul3A_540 : f32 to vector<64x64xf32>
      %mul3A_542 = arith.mulf %mul3A_541, %mul3A_536 : vector<64x64xf32>
      %select_n3A_543 = arith.select %gt3A_539, %mul3A_536, %mul3A_542 : vector<64x64xi1>, vector<64x64xf32>
      %convert_element_type3A_544 = arith.truncf %select_n3A_543 : vector<64x64xf32> to vector<64x64xbf16>
      %convert_element_type3A_545 = arith.extf %convert_element_type3A_544 : vector<64x64xbf16> to vector<64x64xf32>
      %get3A_546 = arith.constant 0 : index
      %get3A_547 = arith.constant 18 : index
      %get3A_548 = vector.load %arg12[%get3A_546, %get3A_547] : memref<64x64xf32, #tpu.memory_space<vmem>>, vector<64x1xf32>
      %mul3A_549 = vector.broadcast %get3A_548 : vector<64x1xf32> to vector<64x64xf32>
      %mul3A_550 = arith.mulf %convert_element_type3A_545, %mul3A_549 : vector<64x64xf32>
      %reduce_sum3A_551 = arith.constant dense<0.000000e+00> : vector<64xf32>
      %reduce_sum3A_552 = vector.multi_reduction <add>, %mul3A_550, %reduce_sum3A_551 [0] : vector<64x64xf32> to vector<64xf32>
      %broadcast_in_dim3A_553 = vector.shape_cast %reduce_sum3A_552 : vector<64xf32> to vector<1x64xf32>
      %add3A_554 = arith.addf %add3A_533, %broadcast_in_dim3A_553 : vector<1x64xf32>
      %slice3A_555 = vector.extract_strided_slice %div3A_101 {offsets = [19, 0], sizes = [1, 64], strides = [1, 1]} : vector<64x64xf32> to vector<1x64xf32>
      %mul3A_556 = vector.broadcast %slice3A_555 : vector<1x64xf32> to vector<64x64xf32>
      %mul3A_557 = arith.mulf %mul3A_556, %div3A_112 : vector<64x64xf32>
      %gt3A_558 = arith.constant 0.000000e+00 : f32
      %gt3A_559 = vector.broadcast %gt3A_558 : f32 to vector<64x64xf32>
      %gt3A_560 = arith.cmpf ogt, %mul3A_557, %gt3A_559 : vector<64x64xf32>
      %mul3A_561 = arith.constant 1.000000e-01 : f32
      %mul3A_562 = vector.broadcast %mul3A_561 : f32 to vector<64x64xf32>
      %mul3A_563 = arith.mulf %mul3A_562, %mul3A_557 : vector<64x64xf32>
      %select_n3A_564 = arith.select %gt3A_560, %mul3A_557, %mul3A_563 : vector<64x64xi1>, vector<64x64xf32>
      %convert_element_type3A_565 = arith.truncf %select_n3A_564 : vector<64x64xf32> to vector<64x64xbf16>
      %convert_element_type3A_566 = arith.extf %convert_element_type3A_565 : vector<64x64xbf16> to vector<64x64xf32>
      %get3A_567 = arith.constant 0 : index
      %get3A_568 = arith.constant 19 : index
      %get3A_569 = vector.load %arg12[%get3A_567, %get3A_568] : memref<64x64xf32, #tpu.memory_space<vmem>>, vector<64x1xf32>
      %mul3A_570 = vector.broadcast %get3A_569 : vector<64x1xf32> to vector<64x64xf32>
      %mul3A_571 = arith.mulf %convert_element_type3A_566, %mul3A_570 : vector<64x64xf32>
      %reduce_sum3A_572 = arith.constant dense<0.000000e+00> : vector<64xf32>
      %reduce_sum3A_573 = vector.multi_reduction <add>, %mul3A_571, %reduce_sum3A_572 [0] : vector<64x64xf32> to vector<64xf32>
      %broadcast_in_dim3A_574 = vector.shape_cast %reduce_sum3A_573 : vector<64xf32> to vector<1x64xf32>
      %add3A_575 = arith.addf %add3A_554, %broadcast_in_dim3A_574 : vector<1x64xf32>
      %slice3A_576 = vector.extract_strided_slice %div3A_101 {offsets = [20, 0], sizes = [1, 64], strides = [1, 1]} : vector<64x64xf32> to vector<1x64xf32>
      %mul3A_577 = vector.broadcast %slice3A_576 : vector<1x64xf32> to vector<64x64xf32>
      %mul3A_578 = arith.mulf %mul3A_577, %div3A_112 : vector<64x64xf32>
      %gt3A_579 = arith.constant 0.000000e+00 : f32
      %gt3A_580 = vector.broadcast %gt3A_579 : f32 to vector<64x64xf32>
      %gt3A_581 = arith.cmpf ogt, %mul3A_578, %gt3A_580 : vector<64x64xf32>
      %mul3A_582 = arith.constant 1.000000e-01 : f32
      %mul3A_583 = vector.broadcast %mul3A_582 : f32 to vector<64x64xf32>
      %mul3A_584 = arith.mulf %mul3A_583, %mul3A_578 : vector<64x64xf32>
      %select_n3A_585 = arith.select %gt3A_581, %mul3A_578, %mul3A_584 : vector<64x64xi1>, vector<64x64xf32>
      %convert_element_type3A_586 = arith.truncf %select_n3A_585 : vector<64x64xf32> to vector<64x64xbf16>
      %convert_element_type3A_587 = arith.extf %convert_element_type3A_586 : vector<64x64xbf16> to vector<64x64xf32>
      %get3A_588 = arith.constant 0 : index
      %get3A_589 = arith.constant 20 : index
      %get3A_590 = vector.load %arg12[%get3A_588, %get3A_589] : memref<64x64xf32, #tpu.memory_space<vmem>>, vector<64x1xf32>
      %mul3A_591 = vector.broadcast %get3A_590 : vector<64x1xf32> to vector<64x64xf32>
      %mul3A_592 = arith.mulf %convert_element_type3A_587, %mul3A_591 : vector<64x64xf32>
      %reduce_sum3A_593 = arith.constant dense<0.000000e+00> : vector<64xf32>
      %reduce_sum3A_594 = vector.multi_reduction <add>, %mul3A_592, %reduce_sum3A_593 [0] : vector<64x64xf32> to vector<64xf32>
      %broadcast_in_dim3A_595 = vector.shape_cast %reduce_sum3A_594 : vector<64xf32> to vector<1x64xf32>
      %add3A_596 = arith.addf %add3A_575, %broadcast_in_dim3A_595 : vector<1x64xf32>
      %slice3A_597 = vector.extract_strided_slice %div3A_101 {offsets = [21, 0], sizes = [1, 64], strides = [1, 1]} : vector<64x64xf32> to vector<1x64xf32>
      %mul3A_598 = vector.broadcast %slice3A_597 : vector<1x64xf32> to vector<64x64xf32>
      %mul3A_599 = arith.mulf %mul3A_598, %div3A_112 : vector<64x64xf32>
      %gt3A_600 = arith.constant 0.000000e+00 : f32
      %gt3A_601 = vector.broadcast %gt3A_600 : f32 to vector<64x64xf32>
      %gt3A_602 = arith.cmpf ogt, %mul3A_599, %gt3A_601 : vector<64x64xf32>
      %mul3A_603 = arith.constant 1.000000e-01 : f32
      %mul3A_604 = vector.broadcast %mul3A_603 : f32 to vector<64x64xf32>
      %mul3A_605 = arith.mulf %mul3A_604, %mul3A_599 : vector<64x64xf32>
      %select_n3A_606 = arith.select %gt3A_602, %mul3A_599, %mul3A_605 : vector<64x64xi1>, vector<64x64xf32>
      %convert_element_type3A_607 = arith.truncf %select_n3A_606 : vector<64x64xf32> to vector<64x64xbf16>
      %convert_element_type3A_608 = arith.extf %convert_element_type3A_607 : vector<64x64xbf16> to vector<64x64xf32>
      %get3A_609 = arith.constant 0 : index
      %get3A_610 = arith.constant 21 : index
      %get3A_611 = vector.load %arg12[%get3A_609, %get3A_610] : memref<64x64xf32, #tpu.memory_space<vmem>>, vector<64x1xf32>
      %mul3A_612 = vector.broadcast %get3A_611 : vector<64x1xf32> to vector<64x64xf32>
      %mul3A_613 = arith.mulf %convert_element_type3A_608, %mul3A_612 : vector<64x64xf32>
      %reduce_sum3A_614 = arith.constant dense<0.000000e+00> : vector<64xf32>
      %reduce_sum3A_615 = vector.multi_reduction <add>, %mul3A_613, %reduce_sum3A_614 [0] : vector<64x64xf32> to vector<64xf32>
      %broadcast_in_dim3A_616 = vector.shape_cast %reduce_sum3A_615 : vector<64xf32> to vector<1x64xf32>
      %add3A_617 = arith.addf %add3A_596, %broadcast_in_dim3A_616 : vector<1x64xf32>
      %slice3A_618 = vector.extract_strided_slice %div3A_101 {offsets = [22, 0], sizes = [1, 64], strides = [1, 1]} : vector<64x64xf32> to vector<1x64xf32>
      %mul3A_619 = vector.broadcast %slice3A_618 : vector<1x64xf32> to vector<64x64xf32>
      %mul3A_620 = arith.mulf %mul3A_619, %div3A_112 : vector<64x64xf32>
      %gt3A_621 = arith.constant 0.000000e+00 : f32
      %gt3A_622 = vector.broadcast %gt3A_621 : f32 to vector<64x64xf32>
      %gt3A_623 = arith.cmpf ogt, %mul3A_620, %gt3A_622 : vector<64x64xf32>
      %mul3A_624 = arith.constant 1.000000e-01 : f32
      %mul3A_625 = vector.broadcast %mul3A_624 : f32 to vector<64x64xf32>
      %mul3A_626 = arith.mulf %mul3A_625, %mul3A_620 : vector<64x64xf32>
      %select_n3A_627 = arith.select %gt3A_623, %mul3A_620, %mul3A_626 : vector<64x64xi1>, vector<64x64xf32>
      %convert_element_type3A_628 = arith.truncf %select_n3A_627 : vector<64x64xf32> to vector<64x64xbf16>
      %convert_element_type3A_629 = arith.extf %convert_element_type3A_628 : vector<64x64xbf16> to vector<64x64xf32>
      %get3A_630 = arith.constant 0 : index
      %get3A_631 = arith.constant 22 : index
      %get3A_632 = vector.load %arg12[%get3A_630, %get3A_631] : memref<64x64xf32, #tpu.memory_space<vmem>>, vector<64x1xf32>
      %mul3A_633 = vector.broadcast %get3A_632 : vector<64x1xf32> to vector<64x64xf32>
      %mul3A_634 = arith.mulf %convert_element_type3A_629, %mul3A_633 : vector<64x64xf32>
      %reduce_sum3A_635 = arith.constant dense<0.000000e+00> : vector<64xf32>
      %reduce_sum3A_636 = vector.multi_reduction <add>, %mul3A_634, %reduce_sum3A_635 [0] : vector<64x64xf32> to vector<64xf32>
      %broadcast_in_dim3A_637 = vector.shape_cast %reduce_sum3A_636 : vector<64xf32> to vector<1x64xf32>
      %add3A_638 = arith.addf %add3A_617, %broadcast_in_dim3A_637 : vector<1x64xf32>
      %slice3A_639 = vector.extract_strided_slice %div3A_101 {offsets = [23, 0], sizes = [1, 64], strides = [1, 1]} : vector<64x64xf32> to vector<1x64xf32>
      %mul3A_640 = vector.broadcast %slice3A_639 : vector<1x64xf32> to vector<64x64xf32>
      %mul3A_641 = arith.mulf %mul3A_640, %div3A_112 : vector<64x64xf32>
      %gt3A_642 = arith.constant 0.000000e+00 : f32
      %gt3A_643 = vector.broadcast %gt3A_642 : f32 to vector<64x64xf32>
      %gt3A_644 = arith.cmpf ogt, %mul3A_641, %gt3A_643 : vector<64x64xf32>
      %mul3A_645 = arith.constant 1.000000e-01 : f32
      %mul3A_646 = vector.broadcast %mul3A_645 : f32 to vector<64x64xf32>
      %mul3A_647 = arith.mulf %mul3A_646, %mul3A_641 : vector<64x64xf32>
      %select_n3A_648 = arith.select %gt3A_644, %mul3A_641, %mul3A_647 : vector<64x64xi1>, vector<64x64xf32>
      %convert_element_type3A_649 = arith.truncf %select_n3A_648 : vector<64x64xf32> to vector<64x64xbf16>
      %convert_element_type3A_650 = arith.extf %convert_element_type3A_649 : vector<64x64xbf16> to vector<64x64xf32>
      %get3A_651 = arith.constant 0 : index
      %get3A_652 = arith.constant 23 : index
      %get3A_653 = vector.load %arg12[%get3A_651, %get3A_652] : memref<64x64xf32, #tpu.memory_space<vmem>>, vector<64x1xf32>
      %mul3A_654 = vector.broadcast %get3A_653 : vector<64x1xf32> to vector<64x64xf32>
      %mul3A_655 = arith.mulf %convert_element_type3A_650, %mul3A_654 : vector<64x64xf32>
      %reduce_sum3A_656 = arith.constant dense<0.000000e+00> : vector<64xf32>
      %reduce_sum3A_657 = vector.multi_reduction <add>, %mul3A_655, %reduce_sum3A_656 [0] : vector<64x64xf32> to vector<64xf32>
      %broadcast_in_dim3A_658 = vector.shape_cast %reduce_sum3A_657 : vector<64xf32> to vector<1x64xf32>
      %add3A_659 = arith.addf %add3A_638, %broadcast_in_dim3A_658 : vector<1x64xf32>
      %slice3A_660 = vector.extract_strided_slice %div3A_101 {offsets = [24, 0], sizes = [1, 64], strides = [1, 1]} : vector<64x64xf32> to vector<1x64xf32>
      %mul3A_661 = vector.broadcast %slice3A_660 : vector<1x64xf32> to vector<64x64xf32>
      %mul3A_662 = arith.mulf %mul3A_661, %div3A_112 : vector<64x64xf32>
      %gt3A_663 = arith.constant 0.000000e+00 : f32
      %gt3A_664 = vector.broadcast %gt3A_663 : f32 to vector<64x64xf32>
      %gt3A_665 = arith.cmpf ogt, %mul3A_662, %gt3A_664 : vector<64x64xf32>
      %mul3A_666 = arith.constant 1.000000e-01 : f32
      %mul3A_667 = vector.broadcast %mul3A_666 : f32 to vector<64x64xf32>
      %mul3A_668 = arith.mulf %mul3A_667, %mul3A_662 : vector<64x64xf32>
      %select_n3A_669 = arith.select %gt3A_665, %mul3A_662, %mul3A_668 : vector<64x64xi1>, vector<64x64xf32>
      %convert_element_type3A_670 = arith.truncf %select_n3A_669 : vector<64x64xf32> to vector<64x64xbf16>
      %convert_element_type3A_671 = arith.extf %convert_element_type3A_670 : vector<64x64xbf16> to vector<64x64xf32>
      %get3A_672 = arith.constant 0 : index
      %get3A_673 = arith.constant 24 : index
      %get3A_674 = vector.load %arg12[%get3A_672, %get3A_673] : memref<64x64xf32, #tpu.memory_space<vmem>>, vector<64x1xf32>
      %mul3A_675 = vector.broadcast %get3A_674 : vector<64x1xf32> to vector<64x64xf32>
      %mul3A_676 = arith.mulf %convert_element_type3A_671, %mul3A_675 : vector<64x64xf32>
      %reduce_sum3A_677 = arith.constant dense<0.000000e+00> : vector<64xf32>
      %reduce_sum3A_678 = vector.multi_reduction <add>, %mul3A_676, %reduce_sum3A_677 [0] : vector<64x64xf32> to vector<64xf32>
      %broadcast_in_dim3A_679 = vector.shape_cast %reduce_sum3A_678 : vector<64xf32> to vector<1x64xf32>
      %add3A_680 = arith.addf %add3A_659, %broadcast_in_dim3A_679 : vector<1x64xf32>
      %slice3A_681 = vector.extract_strided_slice %div3A_101 {offsets = [25, 0], sizes = [1, 64], strides = [1, 1]} : vector<64x64xf32> to vector<1x64xf32>
      %mul3A_682 = vector.broadcast %slice3A_681 : vector<1x64xf32> to vector<64x64xf32>
      %mul3A_683 = arith.mulf %mul3A_682, %div3A_112 : vector<64x64xf32>
      %gt3A_684 = arith.constant 0.000000e+00 : f32
      %gt3A_685 = vector.broadcast %gt3A_684 : f32 to vector<64x64xf32>
      %gt3A_686 = arith.cmpf ogt, %mul3A_683, %gt3A_685 : vector<64x64xf32>
      %mul3A_687 = arith.constant 1.000000e-01 : f32
      %mul3A_688 = vector.broadcast %mul3A_687 : f32 to vector<64x64xf32>
      %mul3A_689 = arith.mulf %mul3A_688, %mul3A_683 : vector<64x64xf32>
      %select_n3A_690 = arith.select %gt3A_686, %mul3A_683, %mul3A_689 : vector<64x64xi1>, vector<64x64xf32>
      %convert_element_type3A_691 = arith.truncf %select_n3A_690 : vector<64x64xf32> to vector<64x64xbf16>
      %convert_element_type3A_692 = arith.extf %convert_element_type3A_691 : vector<64x64xbf16> to vector<64x64xf32>
      %get3A_693 = arith.constant 0 : index
      %get3A_694 = arith.constant 25 : index
      %get3A_695 = vector.load %arg12[%get3A_693, %get3A_694] : memref<64x64xf32, #tpu.memory_space<vmem>>, vector<64x1xf32>
      %mul3A_696 = vector.broadcast %get3A_695 : vector<64x1xf32> to vector<64x64xf32>
      %mul3A_697 = arith.mulf %convert_element_type3A_692, %mul3A_696 : vector<64x64xf32>
      %reduce_sum3A_698 = arith.constant dense<0.000000e+00> : vector<64xf32>
      %reduce_sum3A_699 = vector.multi_reduction <add>, %mul3A_697, %reduce_sum3A_698 [0] : vector<64x64xf32> to vector<64xf32>
      %broadcast_in_dim3A_700 = vector.shape_cast %reduce_sum3A_699 : vector<64xf32> to vector<1x64xf32>
      %add3A_701 = arith.addf %add3A_680, %broadcast_in_dim3A_700 : vector<1x64xf32>
      %slice3A_702 = vector.extract_strided_slice %div3A_101 {offsets = [26, 0], sizes = [1, 64], strides = [1, 1]} : vector<64x64xf32> to vector<1x64xf32>
      %mul3A_703 = vector.broadcast %slice3A_702 : vector<1x64xf32> to vector<64x64xf32>
      %mul3A_704 = arith.mulf %mul3A_703, %div3A_112 : vector<64x64xf32>
      %gt3A_705 = arith.constant 0.000000e+00 : f32
      %gt3A_706 = vector.broadcast %gt3A_705 : f32 to vector<64x64xf32>
      %gt3A_707 = arith.cmpf ogt, %mul3A_704, %gt3A_706 : vector<64x64xf32>
      %mul3A_708 = arith.constant 1.000000e-01 : f32
      %mul3A_709 = vector.broadcast %mul3A_708 : f32 to vector<64x64xf32>
      %mul3A_710 = arith.mulf %mul3A_709, %mul3A_704 : vector<64x64xf32>
      %select_n3A_711 = arith.select %gt3A_707, %mul3A_704, %mul3A_710 : vector<64x64xi1>, vector<64x64xf32>
      %convert_element_type3A_712 = arith.truncf %select_n3A_711 : vector<64x64xf32> to vector<64x64xbf16>
      %convert_element_type3A_713 = arith.extf %convert_element_type3A_712 : vector<64x64xbf16> to vector<64x64xf32>
      %get3A_714 = arith.constant 0 : index
      %get3A_715 = arith.constant 26 : index
      %get3A_716 = vector.load %arg12[%get3A_714, %get3A_715] : memref<64x64xf32, #tpu.memory_space<vmem>>, vector<64x1xf32>
      %mul3A_717 = vector.broadcast %get3A_716 : vector<64x1xf32> to vector<64x64xf32>
      %mul3A_718 = arith.mulf %convert_element_type3A_713, %mul3A_717 : vector<64x64xf32>
      %reduce_sum3A_719 = arith.constant dense<0.000000e+00> : vector<64xf32>
      %reduce_sum3A_720 = vector.multi_reduction <add>, %mul3A_718, %reduce_sum3A_719 [0] : vector<64x64xf32> to vector<64xf32>
      %broadcast_in_dim3A_721 = vector.shape_cast %reduce_sum3A_720 : vector<64xf32> to vector<1x64xf32>
      %add3A_722 = arith.addf %add3A_701, %broadcast_in_dim3A_721 : vector<1x64xf32>
      %slice3A_723 = vector.extract_strided_slice %div3A_101 {offsets = [27, 0], sizes = [1, 64], strides = [1, 1]} : vector<64x64xf32> to vector<1x64xf32>
      %mul3A_724 = vector.broadcast %slice3A_723 : vector<1x64xf32> to vector<64x64xf32>
      %mul3A_725 = arith.mulf %mul3A_724, %div3A_112 : vector<64x64xf32>
      %gt3A_726 = arith.constant 0.000000e+00 : f32
      %gt3A_727 = vector.broadcast %gt3A_726 : f32 to vector<64x64xf32>
      %gt3A_728 = arith.cmpf ogt, %mul3A_725, %gt3A_727 : vector<64x64xf32>
      %mul3A_729 = arith.constant 1.000000e-01 : f32
      %mul3A_730 = vector.broadcast %mul3A_729 : f32 to vector<64x64xf32>
      %mul3A_731 = arith.mulf %mul3A_730, %mul3A_725 : vector<64x64xf32>
      %select_n3A_732 = arith.select %gt3A_728, %mul3A_725, %mul3A_731 : vector<64x64xi1>, vector<64x64xf32>
      %convert_element_type3A_733 = arith.truncf %select_n3A_732 : vector<64x64xf32> to vector<64x64xbf16>
      %convert_element_type3A_734 = arith.extf %convert_element_type3A_733 : vector<64x64xbf16> to vector<64x64xf32>
      %get3A_735 = arith.constant 0 : index
      %get3A_736 = arith.constant 27 : index
      %get3A_737 = vector.load %arg12[%get3A_735, %get3A_736] : memref<64x64xf32, #tpu.memory_space<vmem>>, vector<64x1xf32>
      %mul3A_738 = vector.broadcast %get3A_737 : vector<64x1xf32> to vector<64x64xf32>
      %mul3A_739 = arith.mulf %convert_element_type3A_734, %mul3A_738 : vector<64x64xf32>
      %reduce_sum3A_740 = arith.constant dense<0.000000e+00> : vector<64xf32>
      %reduce_sum3A_741 = vector.multi_reduction <add>, %mul3A_739, %reduce_sum3A_740 [0] : vector<64x64xf32> to vector<64xf32>
      %broadcast_in_dim3A_742 = vector.shape_cast %reduce_sum3A_741 : vector<64xf32> to vector<1x64xf32>
      %add3A_743 = arith.addf %add3A_722, %broadcast_in_dim3A_742 : vector<1x64xf32>
      %slice3A_744 = vector.extract_strided_slice %div3A_101 {offsets = [28, 0], sizes = [1, 64], strides = [1, 1]} : vector<64x64xf32> to vector<1x64xf32>
      %mul3A_745 = vector.broadcast %slice3A_744 : vector<1x64xf32> to vector<64x64xf32>
      %mul3A_746 = arith.mulf %mul3A_745, %div3A_112 : vector<64x64xf32>
      %gt3A_747 = arith.constant 0.000000e+00 : f32
      %gt3A_748 = vector.broadcast %gt3A_747 : f32 to vector<64x64xf32>
      %gt3A_749 = arith.cmpf ogt, %mul3A_746, %gt3A_748 : vector<64x64xf32>
      %mul3A_750 = arith.constant 1.000000e-01 : f32
      %mul3A_751 = vector.broadcast %mul3A_750 : f32 to vector<64x64xf32>
      %mul3A_752 = arith.mulf %mul3A_751, %mul3A_746 : vector<64x64xf32>
      %select_n3A_753 = arith.select %gt3A_749, %mul3A_746, %mul3A_752 : vector<64x64xi1>, vector<64x64xf32>
      %convert_element_type3A_754 = arith.truncf %select_n3A_753 : vector<64x64xf32> to vector<64x64xbf16>
      %convert_element_type3A_755 = arith.extf %convert_element_type3A_754 : vector<64x64xbf16> to vector<64x64xf32>
      %get3A_756 = arith.constant 0 : index
      %get3A_757 = arith.constant 28 : index
      %get3A_758 = vector.load %arg12[%get3A_756, %get3A_757] : memref<64x64xf32, #tpu.memory_space<vmem>>, vector<64x1xf32>
      %mul3A_759 = vector.broadcast %get3A_758 : vector<64x1xf32> to vector<64x64xf32>
      %mul3A_760 = arith.mulf %convert_element_type3A_755, %mul3A_759 : vector<64x64xf32>
      %reduce_sum3A_761 = arith.constant dense<0.000000e+00> : vector<64xf32>
      %reduce_sum3A_762 = vector.multi_reduction <add>, %mul3A_760, %reduce_sum3A_761 [0] : vector<64x64xf32> to vector<64xf32>
      %broadcast_in_dim3A_763 = vector.shape_cast %reduce_sum3A_762 : vector<64xf32> to vector<1x64xf32>
      %add3A_764 = arith.addf %add3A_743, %broadcast_in_dim3A_763 : vector<1x64xf32>
      %slice3A_765 = vector.extract_strided_slice %div3A_101 {offsets = [29, 0], sizes = [1, 64], strides = [1, 1]} : vector<64x64xf32> to vector<1x64xf32>
      %mul3A_766 = vector.broadcast %slice3A_765 : vector<1x64xf32> to vector<64x64xf32>
      %mul3A_767 = arith.mulf %mul3A_766, %div3A_112 : vector<64x64xf32>
      %gt3A_768 = arith.constant 0.000000e+00 : f32
      %gt3A_769 = vector.broadcast %gt3A_768 : f32 to vector<64x64xf32>
      %gt3A_770 = arith.cmpf ogt, %mul3A_767, %gt3A_769 : vector<64x64xf32>
      %mul3A_771 = arith.constant 1.000000e-01 : f32
      %mul3A_772 = vector.broadcast %mul3A_771 : f32 to vector<64x64xf32>
      %mul3A_773 = arith.mulf %mul3A_772, %mul3A_767 : vector<64x64xf32>
      %select_n3A_774 = arith.select %gt3A_770, %mul3A_767, %mul3A_773 : vector<64x64xi1>, vector<64x64xf32>
      %convert_element_type3A_775 = arith.truncf %select_n3A_774 : vector<64x64xf32> to vector<64x64xbf16>
      %convert_element_type3A_776 = arith.extf %convert_element_type3A_775 : vector<64x64xbf16> to vector<64x64xf32>
      %get3A_777 = arith.constant 0 : index
      %get3A_778 = arith.constant 29 : index
      %get3A_779 = vector.load %arg12[%get3A_777, %get3A_778] : memref<64x64xf32, #tpu.memory_space<vmem>>, vector<64x1xf32>
      %mul3A_780 = vector.broadcast %get3A_779 : vector<64x1xf32> to vector<64x64xf32>
      %mul3A_781 = arith.mulf %convert_element_type3A_776, %mul3A_780 : vector<64x64xf32>
      %reduce_sum3A_782 = arith.constant dense<0.000000e+00> : vector<64xf32>
      %reduce_sum3A_783 = vector.multi_reduction <add>, %mul3A_781, %reduce_sum3A_782 [0] : vector<64x64xf32> to vector<64xf32>
      %broadcast_in_dim3A_784 = vector.shape_cast %reduce_sum3A_783 : vector<64xf32> to vector<1x64xf32>
      %add3A_785 = arith.addf %add3A_764, %broadcast_in_dim3A_784 : vector<1x64xf32>
      %slice3A_786 = vector.extract_strided_slice %div3A_101 {offsets = [30, 0], sizes = [1, 64], strides = [1, 1]} : vector<64x64xf32> to vector<1x64xf32>
      %mul3A_787 = vector.broadcast %slice3A_786 : vector<1x64xf32> to vector<64x64xf32>
      %mul3A_788 = arith.mulf %mul3A_787, %div3A_112 : vector<64x64xf32>
      %gt3A_789 = arith.constant 0.000000e+00 : f32
      %gt3A_790 = vector.broadcast %gt3A_789 : f32 to vector<64x64xf32>
      %gt3A_791 = arith.cmpf ogt, %mul3A_788, %gt3A_790 : vector<64x64xf32>
      %mul3A_792 = arith.constant 1.000000e-01 : f32
      %mul3A_793 = vector.broadcast %mul3A_792 : f32 to vector<64x64xf32>
      %mul3A_794 = arith.mulf %mul3A_793, %mul3A_788 : vector<64x64xf32>
      %select_n3A_795 = arith.select %gt3A_791, %mul3A_788, %mul3A_794 : vector<64x64xi1>, vector<64x64xf32>
      %convert_element_type3A_796 = arith.truncf %select_n3A_795 : vector<64x64xf32> to vector<64x64xbf16>
      %convert_element_type3A_797 = arith.extf %convert_element_type3A_796 : vector<64x64xbf16> to vector<64x64xf32>
      %get3A_798 = arith.constant 0 : index
      %get3A_799 = arith.constant 30 : index
      %get3A_800 = vector.load %arg12[%get3A_798, %get3A_799] : memref<64x64xf32, #tpu.memory_space<vmem>>, vector<64x1xf32>
      %mul3A_801 = vector.broadcast %get3A_800 : vector<64x1xf32> to vector<64x64xf32>
      %mul3A_802 = arith.mulf %convert_element_type3A_797, %mul3A_801 : vector<64x64xf32>
      %reduce_sum3A_803 = arith.constant dense<0.000000e+00> : vector<64xf32>
      %reduce_sum3A_804 = vector.multi_reduction <add>, %mul3A_802, %reduce_sum3A_803 [0] : vector<64x64xf32> to vector<64xf32>
      %broadcast_in_dim3A_805 = vector.shape_cast %reduce_sum3A_804 : vector<64xf32> to vector<1x64xf32>
      %add3A_806 = arith.addf %add3A_785, %broadcast_in_dim3A_805 : vector<1x64xf32>
      %slice3A_807 = vector.extract_strided_slice %div3A_101 {offsets = [31, 0], sizes = [1, 64], strides = [1, 1]} : vector<64x64xf32> to vector<1x64xf32>
      %mul3A_808 = vector.broadcast %slice3A_807 : vector<1x64xf32> to vector<64x64xf32>
      %mul3A_809 = arith.mulf %mul3A_808, %div3A_112 : vector<64x64xf32>
      %gt3A_810 = arith.constant 0.000000e+00 : f32
      %gt3A_811 = vector.broadcast %gt3A_810 : f32 to vector<64x64xf32>
      %gt3A_812 = arith.cmpf ogt, %mul3A_809, %gt3A_811 : vector<64x64xf32>
      %mul3A_813 = arith.constant 1.000000e-01 : f32
      %mul3A_814 = vector.broadcast %mul3A_813 : f32 to vector<64x64xf32>
      %mul3A_815 = arith.mulf %mul3A_814, %mul3A_809 : vector<64x64xf32>
      %select_n3A_816 = arith.select %gt3A_812, %mul3A_809, %mul3A_815 : vector<64x64xi1>, vector<64x64xf32>
      %convert_element_type3A_817 = arith.truncf %select_n3A_816 : vector<64x64xf32> to vector<64x64xbf16>
      %convert_element_type3A_818 = arith.extf %convert_element_type3A_817 : vector<64x64xbf16> to vector<64x64xf32>
      %get3A_819 = arith.constant 0 : index
      %get3A_820 = arith.constant 31 : index
      %get3A_821 = vector.load %arg12[%get3A_819, %get3A_820] : memref<64x64xf32, #tpu.memory_space<vmem>>, vector<64x1xf32>
      %mul3A_822 = vector.broadcast %get3A_821 : vector<64x1xf32> to vector<64x64xf32>
      %mul3A_823 = arith.mulf %convert_element_type3A_818, %mul3A_822 : vector<64x64xf32>
      %reduce_sum3A_824 = arith.constant dense<0.000000e+00> : vector<64xf32>
      %reduce_sum3A_825 = vector.multi_reduction <add>, %mul3A_823, %reduce_sum3A_824 [0] : vector<64x64xf32> to vector<64xf32>
      %broadcast_in_dim3A_826 = vector.shape_cast %reduce_sum3A_825 : vector<64xf32> to vector<1x64xf32>
      %add3A_827 = arith.addf %add3A_806, %broadcast_in_dim3A_826 : vector<1x64xf32>
      %slice3A_828 = vector.extract_strided_slice %div3A_101 {offsets = [32, 0], sizes = [1, 64], strides = [1, 1]} : vector<64x64xf32> to vector<1x64xf32>
      %mul3A_829 = vector.broadcast %slice3A_828 : vector<1x64xf32> to vector<64x64xf32>
      %mul3A_830 = arith.mulf %mul3A_829, %div3A_112 : vector<64x64xf32>
      %gt3A_831 = arith.constant 0.000000e+00 : f32
      %gt3A_832 = vector.broadcast %gt3A_831 : f32 to vector<64x64xf32>
      %gt3A_833 = arith.cmpf ogt, %mul3A_830, %gt3A_832 : vector<64x64xf32>
      %mul3A_834 = arith.constant 1.000000e-01 : f32
      %mul3A_835 = vector.broadcast %mul3A_834 : f32 to vector<64x64xf32>
      %mul3A_836 = arith.mulf %mul3A_835, %mul3A_830 : vector<64x64xf32>
      %select_n3A_837 = arith.select %gt3A_833, %mul3A_830, %mul3A_836 : vector<64x64xi1>, vector<64x64xf32>
      %convert_element_type3A_838 = arith.truncf %select_n3A_837 : vector<64x64xf32> to vector<64x64xbf16>
      %convert_element_type3A_839 = arith.extf %convert_element_type3A_838 : vector<64x64xbf16> to vector<64x64xf32>
      %get3A_840 = arith.constant 0 : index
      %get3A_841 = arith.constant 32 : index
      %get3A_842 = vector.load %arg12[%get3A_840, %get3A_841] : memref<64x64xf32, #tpu.memory_space<vmem>>, vector<64x1xf32>
      %mul3A_843 = vector.broadcast %get3A_842 : vector<64x1xf32> to vector<64x64xf32>
      %mul3A_844 = arith.mulf %convert_element_type3A_839, %mul3A_843 : vector<64x64xf32>
      %reduce_sum3A_845 = arith.constant dense<0.000000e+00> : vector<64xf32>
      %reduce_sum3A_846 = vector.multi_reduction <add>, %mul3A_844, %reduce_sum3A_845 [0] : vector<64x64xf32> to vector<64xf32>
      %broadcast_in_dim3A_847 = vector.shape_cast %reduce_sum3A_846 : vector<64xf32> to vector<1x64xf32>
      %add3A_848 = arith.addf %add3A_827, %broadcast_in_dim3A_847 : vector<1x64xf32>
      %slice3A_849 = vector.extract_strided_slice %div3A_101 {offsets = [33, 0], sizes = [1, 64], strides = [1, 1]} : vector<64x64xf32> to vector<1x64xf32>
      %mul3A_850 = vector.broadcast %slice3A_849 : vector<1x64xf32> to vector<64x64xf32>
      %mul3A_851 = arith.mulf %mul3A_850, %div3A_112 : vector<64x64xf32>
      %gt3A_852 = arith.constant 0.000000e+00 : f32
      %gt3A_853 = vector.broadcast %gt3A_852 : f32 to vector<64x64xf32>
      %gt3A_854 = arith.cmpf ogt, %mul3A_851, %gt3A_853 : vector<64x64xf32>
      %mul3A_855 = arith.constant 1.000000e-01 : f32
      %mul3A_856 = vector.broadcast %mul3A_855 : f32 to vector<64x64xf32>
      %mul3A_857 = arith.mulf %mul3A_856, %mul3A_851 : vector<64x64xf32>
      %select_n3A_858 = arith.select %gt3A_854, %mul3A_851, %mul3A_857 : vector<64x64xi1>, vector<64x64xf32>
      %convert_element_type3A_859 = arith.truncf %select_n3A_858 : vector<64x64xf32> to vector<64x64xbf16>
      %convert_element_type3A_860 = arith.extf %convert_element_type3A_859 : vector<64x64xbf16> to vector<64x64xf32>
      %get3A_861 = arith.constant 0 : index
      %get3A_862 = arith.constant 33 : index
      %get3A_863 = vector.load %arg12[%get3A_861, %get3A_862] : memref<64x64xf32, #tpu.memory_space<vmem>>, vector<64x1xf32>
      %mul3A_864 = vector.broadcast %get3A_863 : vector<64x1xf32> to vector<64x64xf32>
      %mul3A_865 = arith.mulf %convert_element_type3A_860, %mul3A_864 : vector<64x64xf32>
      %reduce_sum3A_866 = arith.constant dense<0.000000e+00> : vector<64xf32>
      %reduce_sum3A_867 = vector.multi_reduction <add>, %mul3A_865, %reduce_sum3A_866 [0] : vector<64x64xf32> to vector<64xf32>
      %broadcast_in_dim3A_868 = vector.shape_cast %reduce_sum3A_867 : vector<64xf32> to vector<1x64xf32>
      %add3A_869 = arith.addf %add3A_848, %broadcast_in_dim3A_868 : vector<1x64xf32>
      %slice3A_870 = vector.extract_strided_slice %div3A_101 {offsets = [34, 0], sizes = [1, 64], strides = [1, 1]} : vector<64x64xf32> to vector<1x64xf32>
      %mul3A_871 = vector.broadcast %slice3A_870 : vector<1x64xf32> to vector<64x64xf32>
      %mul3A_872 = arith.mulf %mul3A_871, %div3A_112 : vector<64x64xf32>
      %gt3A_873 = arith.constant 0.000000e+00 : f32
      %gt3A_874 = vector.broadcast %gt3A_873 : f32 to vector<64x64xf32>
      %gt3A_875 = arith.cmpf ogt, %mul3A_872, %gt3A_874 : vector<64x64xf32>
      %mul3A_876 = arith.constant 1.000000e-01 : f32
      %mul3A_877 = vector.broadcast %mul3A_876 : f32 to vector<64x64xf32>
      %mul3A_878 = arith.mulf %mul3A_877, %mul3A_872 : vector<64x64xf32>
      %select_n3A_879 = arith.select %gt3A_875, %mul3A_872, %mul3A_878 : vector<64x64xi1>, vector<64x64xf32>
      %convert_element_type3A_880 = arith.truncf %select_n3A_879 : vector<64x64xf32> to vector<64x64xbf16>
      %convert_element_type3A_881 = arith.extf %convert_element_type3A_880 : vector<64x64xbf16> to vector<64x64xf32>
      %get3A_882 = arith.constant 0 : index
      %get3A_883 = arith.constant 34 : index
      %get3A_884 = vector.load %arg12[%get3A_882, %get3A_883] : memref<64x64xf32, #tpu.memory_space<vmem>>, vector<64x1xf32>
      %mul3A_885 = vector.broadcast %get3A_884 : vector<64x1xf32> to vector<64x64xf32>
      %mul3A_886 = arith.mulf %convert_element_type3A_881, %mul3A_885 : vector<64x64xf32>
      %reduce_sum3A_887 = arith.constant dense<0.000000e+00> : vector<64xf32>
      %reduce_sum3A_888 = vector.multi_reduction <add>, %mul3A_886, %reduce_sum3A_887 [0] : vector<64x64xf32> to vector<64xf32>
      %broadcast_in_dim3A_889 = vector.shape_cast %reduce_sum3A_888 : vector<64xf32> to vector<1x64xf32>
      %add3A_890 = arith.addf %add3A_869, %broadcast_in_dim3A_889 : vector<1x64xf32>
      %slice3A_891 = vector.extract_strided_slice %div3A_101 {offsets = [35, 0], sizes = [1, 64], strides = [1, 1]} : vector<64x64xf32> to vector<1x64xf32>
      %mul3A_892 = vector.broadcast %slice3A_891 : vector<1x64xf32> to vector<64x64xf32>
      %mul3A_893 = arith.mulf %mul3A_892, %div3A_112 : vector<64x64xf32>
      %gt3A_894 = arith.constant 0.000000e+00 : f32
      %gt3A_895 = vector.broadcast %gt3A_894 : f32 to vector<64x64xf32>
      %gt3A_896 = arith.cmpf ogt, %mul3A_893, %gt3A_895 : vector<64x64xf32>
      %mul3A_897 = arith.constant 1.000000e-01 : f32
      %mul3A_898 = vector.broadcast %mul3A_897 : f32 to vector<64x64xf32>
      %mul3A_899 = arith.mulf %mul3A_898, %mul3A_893 : vector<64x64xf32>
      %select_n3A_900 = arith.select %gt3A_896, %mul3A_893, %mul3A_899 : vector<64x64xi1>, vector<64x64xf32>
      %convert_element_type3A_901 = arith.truncf %select_n3A_900 : vector<64x64xf32> to vector<64x64xbf16>
      %convert_element_type3A_902 = arith.extf %convert_element_type3A_901 : vector<64x64xbf16> to vector<64x64xf32>
      %get3A_903 = arith.constant 0 : index
      %get3A_904 = arith.constant 35 : index
      %get3A_905 = vector.load %arg12[%get3A_903, %get3A_904] : memref<64x64xf32, #tpu.memory_space<vmem>>, vector<64x1xf32>
      %mul3A_906 = vector.broadcast %get3A_905 : vector<64x1xf32> to vector<64x64xf32>
      %mul3A_907 = arith.mulf %convert_element_type3A_902, %mul3A_906 : vector<64x64xf32>
      %reduce_sum3A_908 = arith.constant dense<0.000000e+00> : vector<64xf32>
      %reduce_sum3A_909 = vector.multi_reduction <add>, %mul3A_907, %reduce_sum3A_908 [0] : vector<64x64xf32> to vector<64xf32>
      %broadcast_in_dim3A_910 = vector.shape_cast %reduce_sum3A_909 : vector<64xf32> to vector<1x64xf32>
      %add3A_911 = arith.addf %add3A_890, %broadcast_in_dim3A_910 : vector<1x64xf32>
      %slice3A_912 = vector.extract_strided_slice %div3A_101 {offsets = [36, 0], sizes = [1, 64], strides = [1, 1]} : vector<64x64xf32> to vector<1x64xf32>
      %mul3A_913 = vector.broadcast %slice3A_912 : vector<1x64xf32> to vector<64x64xf32>
      %mul3A_914 = arith.mulf %mul3A_913, %div3A_112 : vector<64x64xf32>
      %gt3A_915 = arith.constant 0.000000e+00 : f32
      %gt3A_916 = vector.broadcast %gt3A_915 : f32 to vector<64x64xf32>
      %gt3A_917 = arith.cmpf ogt, %mul3A_914, %gt3A_916 : vector<64x64xf32>
      %mul3A_918 = arith.constant 1.000000e-01 : f32
      %mul3A_919 = vector.broadcast %mul3A_918 : f32 to vector<64x64xf32>
      %mul3A_920 = arith.mulf %mul3A_919, %mul3A_914 : vector<64x64xf32>
      %select_n3A_921 = arith.select %gt3A_917, %mul3A_914, %mul3A_920 : vector<64x64xi1>, vector<64x64xf32>
      %convert_element_type3A_922 = arith.truncf %select_n3A_921 : vector<64x64xf32> to vector<64x64xbf16>
      %convert_element_type3A_923 = arith.extf %convert_element_type3A_922 : vector<64x64xbf16> to vector<64x64xf32>
      %get3A_924 = arith.constant 0 : index
      %get3A_925 = arith.constant 36 : index
      %get3A_926 = vector.load %arg12[%get3A_924, %get3A_925] : memref<64x64xf32, #tpu.memory_space<vmem>>, vector<64x1xf32>
      %mul3A_927 = vector.broadcast %get3A_926 : vector<64x1xf32> to vector<64x64xf32>
      %mul3A_928 = arith.mulf %convert_element_type3A_923, %mul3A_927 : vector<64x64xf32>
      %reduce_sum3A_929 = arith.constant dense<0.000000e+00> : vector<64xf32>
      %reduce_sum3A_930 = vector.multi_reduction <add>, %mul3A_928, %reduce_sum3A_929 [0] : vector<64x64xf32> to vector<64xf32>
      %broadcast_in_dim3A_931 = vector.shape_cast %reduce_sum3A_930 : vector<64xf32> to vector<1x64xf32>
      %add3A_932 = arith.addf %add3A_911, %broadcast_in_dim3A_931 : vector<1x64xf32>
      %slice3A_933 = vector.extract_strided_slice %div3A_101 {offsets = [37, 0], sizes = [1, 64], strides = [1, 1]} : vector<64x64xf32> to vector<1x64xf32>
      %mul3A_934 = vector.broadcast %slice3A_933 : vector<1x64xf32> to vector<64x64xf32>
      %mul3A_935 = arith.mulf %mul3A_934, %div3A_112 : vector<64x64xf32>
      %gt3A_936 = arith.constant 0.000000e+00 : f32
      %gt3A_937 = vector.broadcast %gt3A_936 : f32 to vector<64x64xf32>
      %gt3A_938 = arith.cmpf ogt, %mul3A_935, %gt3A_937 : vector<64x64xf32>
      %mul3A_939 = arith.constant 1.000000e-01 : f32
      %mul3A_940 = vector.broadcast %mul3A_939 : f32 to vector<64x64xf32>
      %mul3A_941 = arith.mulf %mul3A_940, %mul3A_935 : vector<64x64xf32>
      %select_n3A_942 = arith.select %gt3A_938, %mul3A_935, %mul3A_941 : vector<64x64xi1>, vector<64x64xf32>
      %convert_element_type3A_943 = arith.truncf %select_n3A_942 : vector<64x64xf32> to vector<64x64xbf16>
      %convert_element_type3A_944 = arith.extf %convert_element_type3A_943 : vector<64x64xbf16> to vector<64x64xf32>
      %get3A_945 = arith.constant 0 : index
      %get3A_946 = arith.constant 37 : index
      %get3A_947 = vector.load %arg12[%get3A_945, %get3A_946] : memref<64x64xf32, #tpu.memory_space<vmem>>, vector<64x1xf32>
      %mul3A_948 = vector.broadcast %get3A_947 : vector<64x1xf32> to vector<64x64xf32>
      %mul3A_949 = arith.mulf %convert_element_type3A_944, %mul3A_948 : vector<64x64xf32>
      %reduce_sum3A_950 = arith.constant dense<0.000000e+00> : vector<64xf32>
      %reduce_sum3A_951 = vector.multi_reduction <add>, %mul3A_949, %reduce_sum3A_950 [0] : vector<64x64xf32> to vector<64xf32>
      %broadcast_in_dim3A_952 = vector.shape_cast %reduce_sum3A_951 : vector<64xf32> to vector<1x64xf32>
      %add3A_953 = arith.addf %add3A_932, %broadcast_in_dim3A_952 : vector<1x64xf32>
      %slice3A_954 = vector.extract_strided_slice %div3A_101 {offsets = [38, 0], sizes = [1, 64], strides = [1, 1]} : vector<64x64xf32> to vector<1x64xf32>
      %mul3A_955 = vector.broadcast %slice3A_954 : vector<1x64xf32> to vector<64x64xf32>
      %mul3A_956 = arith.mulf %mul3A_955, %div3A_112 : vector<64x64xf32>
      %gt3A_957 = arith.constant 0.000000e+00 : f32
      %gt3A_958 = vector.broadcast %gt3A_957 : f32 to vector<64x64xf32>
      %gt3A_959 = arith.cmpf ogt, %mul3A_956, %gt3A_958 : vector<64x64xf32>
      %mul3A_960 = arith.constant 1.000000e-01 : f32
      %mul3A_961 = vector.broadcast %mul3A_960 : f32 to vector<64x64xf32>
      %mul3A_962 = arith.mulf %mul3A_961, %mul3A_956 : vector<64x64xf32>
      %select_n3A_963 = arith.select %gt3A_959, %mul3A_956, %mul3A_962 : vector<64x64xi1>, vector<64x64xf32>
      %convert_element_type3A_964 = arith.truncf %select_n3A_963 : vector<64x64xf32> to vector<64x64xbf16>
      %convert_element_type3A_965 = arith.extf %convert_element_type3A_964 : vector<64x64xbf16> to vector<64x64xf32>
      %get3A_966 = arith.constant 0 : index
      %get3A_967 = arith.constant 38 : index
      %get3A_968 = vector.load %arg12[%get3A_966, %get3A_967] : memref<64x64xf32, #tpu.memory_space<vmem>>, vector<64x1xf32>
      %mul3A_969 = vector.broadcast %get3A_968 : vector<64x1xf32> to vector<64x64xf32>
      %mul3A_970 = arith.mulf %convert_element_type3A_965, %mul3A_969 : vector<64x64xf32>
      %reduce_sum3A_971 = arith.constant dense<0.000000e+00> : vector<64xf32>
      %reduce_sum3A_972 = vector.multi_reduction <add>, %mul3A_970, %reduce_sum3A_971 [0] : vector<64x64xf32> to vector<64xf32>
      %broadcast_in_dim3A_973 = vector.shape_cast %reduce_sum3A_972 : vector<64xf32> to vector<1x64xf32>
      %add3A_974 = arith.addf %add3A_953, %broadcast_in_dim3A_973 : vector<1x64xf32>
      %slice3A_975 = vector.extract_strided_slice %div3A_101 {offsets = [39, 0], sizes = [1, 64], strides = [1, 1]} : vector<64x64xf32> to vector<1x64xf32>
      %mul3A_976 = vector.broadcast %slice3A_975 : vector<1x64xf32> to vector<64x64xf32>
      %mul3A_977 = arith.mulf %mul3A_976, %div3A_112 : vector<64x64xf32>
      %gt3A_978 = arith.constant 0.000000e+00 : f32
      %gt3A_979 = vector.broadcast %gt3A_978 : f32 to vector<64x64xf32>
      %gt3A_980 = arith.cmpf ogt, %mul3A_977, %gt3A_979 : vector<64x64xf32>
      %mul3A_981 = arith.constant 1.000000e-01 : f32
      %mul3A_982 = vector.broadcast %mul3A_981 : f32 to vector<64x64xf32>
      %mul3A_983 = arith.mulf %mul3A_982, %mul3A_977 : vector<64x64xf32>
      %select_n3A_984 = arith.select %gt3A_980, %mul3A_977, %mul3A_983 : vector<64x64xi1>, vector<64x64xf32>
      %convert_element_type3A_985 = arith.truncf %select_n3A_984 : vector<64x64xf32> to vector<64x64xbf16>
      %convert_element_type3A_986 = arith.extf %convert_element_type3A_985 : vector<64x64xbf16> to vector<64x64xf32>
      %get3A_987 = arith.constant 0 : index
      %get3A_988 = arith.constant 39 : index
      %get3A_989 = vector.load %arg12[%get3A_987, %get3A_988] : memref<64x64xf32, #tpu.memory_space<vmem>>, vector<64x1xf32>
      %mul3A_990 = vector.broadcast %get3A_989 : vector<64x1xf32> to vector<64x64xf32>
      %mul3A_991 = arith.mulf %convert_element_type3A_986, %mul3A_990 : vector<64x64xf32>
      %reduce_sum3A_992 = arith.constant dense<0.000000e+00> : vector<64xf32>
      %reduce_sum3A_993 = vector.multi_reduction <add>, %mul3A_991, %reduce_sum3A_992 [0] : vector<64x64xf32> to vector<64xf32>
      %broadcast_in_dim3A_994 = vector.shape_cast %reduce_sum3A_993 : vector<64xf32> to vector<1x64xf32>
      %add3A_995 = arith.addf %add3A_974, %broadcast_in_dim3A_994 : vector<1x64xf32>
      %slice3A_996 = vector.extract_strided_slice %div3A_101 {offsets = [40, 0], sizes = [1, 64], strides = [1, 1]} : vector<64x64xf32> to vector<1x64xf32>
      %mul3A_997 = vector.broadcast %slice3A_996 : vector<1x64xf32> to vector<64x64xf32>
      %mul3A_998 = arith.mulf %mul3A_997, %div3A_112 : vector<64x64xf32>
      %gt3A_999 = arith.constant 0.000000e+00 : f32
      %gt3A_1000 = vector.broadcast %gt3A_999 : f32 to vector<64x64xf32>
      %gt3A_1001 = arith.cmpf ogt, %mul3A_998, %gt3A_1000 : vector<64x64xf32>
      %mul3A_1002 = arith.constant 1.000000e-01 : f32
      %mul3A_1003 = vector.broadcast %mul3A_1002 : f32 to vector<64x64xf32>
      %mul3A_1004 = arith.mulf %mul3A_1003, %mul3A_998 : vector<64x64xf32>
      %select_n3A_1005 = arith.select %gt3A_1001, %mul3A_998, %mul3A_1004 : vector<64x64xi1>, vector<64x64xf32>
      %convert_element_type3A_1006 = arith.truncf %select_n3A_1005 : vector<64x64xf32> to vector<64x64xbf16>
      %convert_element_type3A_1007 = arith.extf %convert_element_type3A_1006 : vector<64x64xbf16> to vector<64x64xf32>
      %get3A_1008 = arith.constant 0 : index
      %get3A_1009 = arith.constant 40 : index
      %get3A_1010 = vector.load %arg12[%get3A_1008, %get3A_1009] : memref<64x64xf32, #tpu.memory_space<vmem>>, vector<64x1xf32>
      %mul3A_1011 = vector.broadcast %get3A_1010 : vector<64x1xf32> to vector<64x64xf32>
      %mul3A_1012 = arith.mulf %convert_element_type3A_1007, %mul3A_1011 : vector<64x64xf32>
      %reduce_sum3A_1013 = arith.constant dense<0.000000e+00> : vector<64xf32>
      %reduce_sum3A_1014 = vector.multi_reduction <add>, %mul3A_1012, %reduce_sum3A_1013 [0] : vector<64x64xf32> to vector<64xf32>
      %broadcast_in_dim3A_1015 = vector.shape_cast %reduce_sum3A_1014 : vector<64xf32> to vector<1x64xf32>
      %add3A_1016 = arith.addf %add3A_995, %broadcast_in_dim3A_1015 : vector<1x64xf32>
      %slice3A_1017 = vector.extract_strided_slice %div3A_101 {offsets = [41, 0], sizes = [1, 64], strides = [1, 1]} : vector<64x64xf32> to vector<1x64xf32>
      %mul3A_1018 = vector.broadcast %slice3A_1017 : vector<1x64xf32> to vector<64x64xf32>
      %mul3A_1019 = arith.mulf %mul3A_1018, %div3A_112 : vector<64x64xf32>
      %gt3A_1020 = arith.constant 0.000000e+00 : f32
      %gt3A_1021 = vector.broadcast %gt3A_1020 : f32 to vector<64x64xf32>
      %gt3A_1022 = arith.cmpf ogt, %mul3A_1019, %gt3A_1021 : vector<64x64xf32>
      %mul3A_1023 = arith.constant 1.000000e-01 : f32
      %mul3A_1024 = vector.broadcast %mul3A_1023 : f32 to vector<64x64xf32>
      %mul3A_1025 = arith.mulf %mul3A_1024, %mul3A_1019 : vector<64x64xf32>
      %select_n3A_1026 = arith.select %gt3A_1022, %mul3A_1019, %mul3A_1025 : vector<64x64xi1>, vector<64x64xf32>
      %convert_element_type3A_1027 = arith.truncf %select_n3A_1026 : vector<64x64xf32> to vector<64x64xbf16>
      %convert_element_type3A_1028 = arith.extf %convert_element_type3A_1027 : vector<64x64xbf16> to vector<64x64xf32>
      %get3A_1029 = arith.constant 0 : index
      %get3A_1030 = arith.constant 41 : index
      %get3A_1031 = vector.load %arg12[%get3A_1029, %get3A_1030] : memref<64x64xf32, #tpu.memory_space<vmem>>, vector<64x1xf32>
      %mul3A_1032 = vector.broadcast %get3A_1031 : vector<64x1xf32> to vector<64x64xf32>
      %mul3A_1033 = arith.mulf %convert_element_type3A_1028, %mul3A_1032 : vector<64x64xf32>
      %reduce_sum3A_1034 = arith.constant dense<0.000000e+00> : vector<64xf32>
      %reduce_sum3A_1035 = vector.multi_reduction <add>, %mul3A_1033, %reduce_sum3A_1034 [0] : vector<64x64xf32> to vector<64xf32>
      %broadcast_in_dim3A_1036 = vector.shape_cast %reduce_sum3A_1035 : vector<64xf32> to vector<1x64xf32>
      %add3A_1037 = arith.addf %add3A_1016, %broadcast_in_dim3A_1036 : vector<1x64xf32>
      %slice3A_1038 = vector.extract_strided_slice %div3A_101 {offsets = [42, 0], sizes = [1, 64], strides = [1, 1]} : vector<64x64xf32> to vector<1x64xf32>
      %mul3A_1039 = vector.broadcast %slice3A_1038 : vector<1x64xf32> to vector<64x64xf32>
      %mul3A_1040 = arith.mulf %mul3A_1039, %div3A_112 : vector<64x64xf32>
      %gt3A_1041 = arith.constant 0.000000e+00 : f32
      %gt3A_1042 = vector.broadcast %gt3A_1041 : f32 to vector<64x64xf32>
      %gt3A_1043 = arith.cmpf ogt, %mul3A_1040, %gt3A_1042 : vector<64x64xf32>
      %mul3A_1044 = arith.constant 1.000000e-01 : f32
      %mul3A_1045 = vector.broadcast %mul3A_1044 : f32 to vector<64x64xf32>
      %mul3A_1046 = arith.mulf %mul3A_1045, %mul3A_1040 : vector<64x64xf32>
      %select_n3A_1047 = arith.select %gt3A_1043, %mul3A_1040, %mul3A_1046 : vector<64x64xi1>, vector<64x64xf32>
      %convert_element_type3A_1048 = arith.truncf %select_n3A_1047 : vector<64x64xf32> to vector<64x64xbf16>
      %convert_element_type3A_1049 = arith.extf %convert_element_type3A_1048 : vector<64x64xbf16> to vector<64x64xf32>
      %get3A_1050 = arith.constant 0 : index
      %get3A_1051 = arith.constant 42 : index
      %get3A_1052 = vector.load %arg12[%get3A_1050, %get3A_1051] : memref<64x64xf32, #tpu.memory_space<vmem>>, vector<64x1xf32>
      %mul3A_1053 = vector.broadcast %get3A_1052 : vector<64x1xf32> to vector<64x64xf32>
      %mul3A_1054 = arith.mulf %convert_element_type3A_1049, %mul3A_1053 : vector<64x64xf32>
      %reduce_sum3A_1055 = arith.constant dense<0.000000e+00> : vector<64xf32>
      %reduce_sum3A_1056 = vector.multi_reduction <add>, %mul3A_1054, %reduce_sum3A_1055 [0] : vector<64x64xf32> to vector<64xf32>
      %broadcast_in_dim3A_1057 = vector.shape_cast %reduce_sum3A_1056 : vector<64xf32> to vector<1x64xf32>
      %add3A_1058 = arith.addf %add3A_1037, %broadcast_in_dim3A_1057 : vector<1x64xf32>
      %slice3A_1059 = vector.extract_strided_slice %div3A_101 {offsets = [43, 0], sizes = [1, 64], strides = [1, 1]} : vector<64x64xf32> to vector<1x64xf32>
      %mul3A_1060 = vector.broadcast %slice3A_1059 : vector<1x64xf32> to vector<64x64xf32>
      %mul3A_1061 = arith.mulf %mul3A_1060, %div3A_112 : vector<64x64xf32>
      %gt3A_1062 = arith.constant 0.000000e+00 : f32
      %gt3A_1063 = vector.broadcast %gt3A_1062 : f32 to vector<64x64xf32>
      %gt3A_1064 = arith.cmpf ogt, %mul3A_1061, %gt3A_1063 : vector<64x64xf32>
      %mul3A_1065 = arith.constant 1.000000e-01 : f32
      %mul3A_1066 = vector.broadcast %mul3A_1065 : f32 to vector<64x64xf32>
      %mul3A_1067 = arith.mulf %mul3A_1066, %mul3A_1061 : vector<64x64xf32>
      %select_n3A_1068 = arith.select %gt3A_1064, %mul3A_1061, %mul3A_1067 : vector<64x64xi1>, vector<64x64xf32>
      %convert_element_type3A_1069 = arith.truncf %select_n3A_1068 : vector<64x64xf32> to vector<64x64xbf16>
      %convert_element_type3A_1070 = arith.extf %convert_element_type3A_1069 : vector<64x64xbf16> to vector<64x64xf32>
      %get3A_1071 = arith.constant 0 : index
      %get3A_1072 = arith.constant 43 : index
      %get3A_1073 = vector.load %arg12[%get3A_1071, %get3A_1072] : memref<64x64xf32, #tpu.memory_space<vmem>>, vector<64x1xf32>
      %mul3A_1074 = vector.broadcast %get3A_1073 : vector<64x1xf32> to vector<64x64xf32>
      %mul3A_1075 = arith.mulf %convert_element_type3A_1070, %mul3A_1074 : vector<64x64xf32>
      %reduce_sum3A_1076 = arith.constant dense<0.000000e+00> : vector<64xf32>
      %reduce_sum3A_1077 = vector.multi_reduction <add>, %mul3A_1075, %reduce_sum3A_1076 [0] : vector<64x64xf32> to vector<64xf32>
      %broadcast_in_dim3A_1078 = vector.shape_cast %reduce_sum3A_1077 : vector<64xf32> to vector<1x64xf32>
      %add3A_1079 = arith.addf %add3A_1058, %broadcast_in_dim3A_1078 : vector<1x64xf32>
      %slice3A_1080 = vector.extract_strided_slice %div3A_101 {offsets = [44, 0], sizes = [1, 64], strides = [1, 1]} : vector<64x64xf32> to vector<1x64xf32>
      %mul3A_1081 = vector.broadcast %slice3A_1080 : vector<1x64xf32> to vector<64x64xf32>
      %mul3A_1082 = arith.mulf %mul3A_1081, %div3A_112 : vector<64x64xf32>
      %gt3A_1083 = arith.constant 0.000000e+00 : f32
      %gt3A_1084 = vector.broadcast %gt3A_1083 : f32 to vector<64x64xf32>
      %gt3A_1085 = arith.cmpf ogt, %mul3A_1082, %gt3A_1084 : vector<64x64xf32>
      %mul3A_1086 = arith.constant 1.000000e-01 : f32
      %mul3A_1087 = vector.broadcast %mul3A_1086 : f32 to vector<64x64xf32>
      %mul3A_1088 = arith.mulf %mul3A_1087, %mul3A_1082 : vector<64x64xf32>
      %select_n3A_1089 = arith.select %gt3A_1085, %mul3A_1082, %mul3A_1088 : vector<64x64xi1>, vector<64x64xf32>
      %convert_element_type3A_1090 = arith.truncf %select_n3A_1089 : vector<64x64xf32> to vector<64x64xbf16>
      %convert_element_type3A_1091 = arith.extf %convert_element_type3A_1090 : vector<64x64xbf16> to vector<64x64xf32>
      %get3A_1092 = arith.constant 0 : index
      %get3A_1093 = arith.constant 44 : index
      %get3A_1094 = vector.load %arg12[%get3A_1092, %get3A_1093] : memref<64x64xf32, #tpu.memory_space<vmem>>, vector<64x1xf32>
      %mul3A_1095 = vector.broadcast %get3A_1094 : vector<64x1xf32> to vector<64x64xf32>
      %mul3A_1096 = arith.mulf %convert_element_type3A_1091, %mul3A_1095 : vector<64x64xf32>
      %reduce_sum3A_1097 = arith.constant dense<0.000000e+00> : vector<64xf32>
      %reduce_sum3A_1098 = vector.multi_reduction <add>, %mul3A_1096, %reduce_sum3A_1097 [0] : vector<64x64xf32> to vector<64xf32>
      %broadcast_in_dim3A_1099 = vector.shape_cast %reduce_sum3A_1098 : vector<64xf32> to vector<1x64xf32>
      %add3A_1100 = arith.addf %add3A_1079, %broadcast_in_dim3A_1099 : vector<1x64xf32>
      %slice3A_1101 = vector.extract_strided_slice %div3A_101 {offsets = [45, 0], sizes = [1, 64], strides = [1, 1]} : vector<64x64xf32> to vector<1x64xf32>
      %mul3A_1102 = vector.broadcast %slice3A_1101 : vector<1x64xf32> to vector<64x64xf32>
      %mul3A_1103 = arith.mulf %mul3A_1102, %div3A_112 : vector<64x64xf32>
      %gt3A_1104 = arith.constant 0.000000e+00 : f32
      %gt3A_1105 = vector.broadcast %gt3A_1104 : f32 to vector<64x64xf32>
      %gt3A_1106 = arith.cmpf ogt, %mul3A_1103, %gt3A_1105 : vector<64x64xf32>
      %mul3A_1107 = arith.constant 1.000000e-01 : f32
      %mul3A_1108 = vector.broadcast %mul3A_1107 : f32 to vector<64x64xf32>
      %mul3A_1109 = arith.mulf %mul3A_1108, %mul3A_1103 : vector<64x64xf32>
      %select_n3A_1110 = arith.select %gt3A_1106, %mul3A_1103, %mul3A_1109 : vector<64x64xi1>, vector<64x64xf32>
      %convert_element_type3A_1111 = arith.truncf %select_n3A_1110 : vector<64x64xf32> to vector<64x64xbf16>
      %convert_element_type3A_1112 = arith.extf %convert_element_type3A_1111 : vector<64x64xbf16> to vector<64x64xf32>
      %get3A_1113 = arith.constant 0 : index
      %get3A_1114 = arith.constant 45 : index
      %get3A_1115 = vector.load %arg12[%get3A_1113, %get3A_1114] : memref<64x64xf32, #tpu.memory_space<vmem>>, vector<64x1xf32>
      %mul3A_1116 = vector.broadcast %get3A_1115 : vector<64x1xf32> to vector<64x64xf32>
      %mul3A_1117 = arith.mulf %convert_element_type3A_1112, %mul3A_1116 : vector<64x64xf32>
      %reduce_sum3A_1118 = arith.constant dense<0.000000e+00> : vector<64xf32>
      %reduce_sum3A_1119 = vector.multi_reduction <add>, %mul3A_1117, %reduce_sum3A_1118 [0] : vector<64x64xf32> to vector<64xf32>
      %broadcast_in_dim3A_1120 = vector.shape_cast %reduce_sum3A_1119 : vector<64xf32> to vector<1x64xf32>
      %add3A_1121 = arith.addf %add3A_1100, %broadcast_in_dim3A_1120 : vector<1x64xf32>
      %slice3A_1122 = vector.extract_strided_slice %div3A_101 {offsets = [46, 0], sizes = [1, 64], strides = [1, 1]} : vector<64x64xf32> to vector<1x64xf32>
      %mul3A_1123 = vector.broadcast %slice3A_1122 : vector<1x64xf32> to vector<64x64xf32>
      %mul3A_1124 = arith.mulf %mul3A_1123, %div3A_112 : vector<64x64xf32>
      %gt3A_1125 = arith.constant 0.000000e+00 : f32
      %gt3A_1126 = vector.broadcast %gt3A_1125 : f32 to vector<64x64xf32>
      %gt3A_1127 = arith.cmpf ogt, %mul3A_1124, %gt3A_1126 : vector<64x64xf32>
      %mul3A_1128 = arith.constant 1.000000e-01 : f32
      %mul3A_1129 = vector.broadcast %mul3A_1128 : f32 to vector<64x64xf32>
      %mul3A_1130 = arith.mulf %mul3A_1129, %mul3A_1124 : vector<64x64xf32>
      %select_n3A_1131 = arith.select %gt3A_1127, %mul3A_1124, %mul3A_1130 : vector<64x64xi1>, vector<64x64xf32>
      %convert_element_type3A_1132 = arith.truncf %select_n3A_1131 : vector<64x64xf32> to vector<64x64xbf16>
      %convert_element_type3A_1133 = arith.extf %convert_element_type3A_1132 : vector<64x64xbf16> to vector<64x64xf32>
      %get3A_1134 = arith.constant 0 : index
      %get3A_1135 = arith.constant 46 : index
      %get3A_1136 = vector.load %arg12[%get3A_1134, %get3A_1135] : memref<64x64xf32, #tpu.memory_space<vmem>>, vector<64x1xf32>
      %mul3A_1137 = vector.broadcast %get3A_1136 : vector<64x1xf32> to vector<64x64xf32>
      %mul3A_1138 = arith.mulf %convert_element_type3A_1133, %mul3A_1137 : vector<64x64xf32>
      %reduce_sum3A_1139 = arith.constant dense<0.000000e+00> : vector<64xf32>
      %reduce_sum3A_1140 = vector.multi_reduction <add>, %mul3A_1138, %reduce_sum3A_1139 [0] : vector<64x64xf32> to vector<64xf32>
      %broadcast_in_dim3A_1141 = vector.shape_cast %reduce_sum3A_1140 : vector<64xf32> to vector<1x64xf32>
      %add3A_1142 = arith.addf %add3A_1121, %broadcast_in_dim3A_1141 : vector<1x64xf32>
      %slice3A_1143 = vector.extract_strided_slice %div3A_101 {offsets = [47, 0], sizes = [1, 64], strides = [1, 1]} : vector<64x64xf32> to vector<1x64xf32>
      %mul3A_1144 = vector.broadcast %slice3A_1143 : vector<1x64xf32> to vector<64x64xf32>
      %mul3A_1145 = arith.mulf %mul3A_1144, %div3A_112 : vector<64x64xf32>
      %gt3A_1146 = arith.constant 0.000000e+00 : f32
      %gt3A_1147 = vector.broadcast %gt3A_1146 : f32 to vector<64x64xf32>
      %gt3A_1148 = arith.cmpf ogt, %mul3A_1145, %gt3A_1147 : vector<64x64xf32>
      %mul3A_1149 = arith.constant 1.000000e-01 : f32
      %mul3A_1150 = vector.broadcast %mul3A_1149 : f32 to vector<64x64xf32>
      %mul3A_1151 = arith.mulf %mul3A_1150, %mul3A_1145 : vector<64x64xf32>
      %select_n3A_1152 = arith.select %gt3A_1148, %mul3A_1145, %mul3A_1151 : vector<64x64xi1>, vector<64x64xf32>
      %convert_element_type3A_1153 = arith.truncf %select_n3A_1152 : vector<64x64xf32> to vector<64x64xbf16>
      %convert_element_type3A_1154 = arith.extf %convert_element_type3A_1153 : vector<64x64xbf16> to vector<64x64xf32>
      %get3A_1155 = arith.constant 0 : index
      %get3A_1156 = arith.constant 47 : index
      %get3A_1157 = vector.load %arg12[%get3A_1155, %get3A_1156] : memref<64x64xf32, #tpu.memory_space<vmem>>, vector<64x1xf32>
      %mul3A_1158 = vector.broadcast %get3A_1157 : vector<64x1xf32> to vector<64x64xf32>
      %mul3A_1159 = arith.mulf %convert_element_type3A_1154, %mul3A_1158 : vector<64x64xf32>
      %reduce_sum3A_1160 = arith.constant dense<0.000000e+00> : vector<64xf32>
      %reduce_sum3A_1161 = vector.multi_reduction <add>, %mul3A_1159, %reduce_sum3A_1160 [0] : vector<64x64xf32> to vector<64xf32>
      %broadcast_in_dim3A_1162 = vector.shape_cast %reduce_sum3A_1161 : vector<64xf32> to vector<1x64xf32>
      %add3A_1163 = arith.addf %add3A_1142, %broadcast_in_dim3A_1162 : vector<1x64xf32>
      %slice3A_1164 = vector.extract_strided_slice %div3A_101 {offsets = [48, 0], sizes = [1, 64], strides = [1, 1]} : vector<64x64xf32> to vector<1x64xf32>
      %mul3A_1165 = vector.broadcast %slice3A_1164 : vector<1x64xf32> to vector<64x64xf32>
      %mul3A_1166 = arith.mulf %mul3A_1165, %div3A_112 : vector<64x64xf32>
      %gt3A_1167 = arith.constant 0.000000e+00 : f32
      %gt3A_1168 = vector.broadcast %gt3A_1167 : f32 to vector<64x64xf32>
      %gt3A_1169 = arith.cmpf ogt, %mul3A_1166, %gt3A_1168 : vector<64x64xf32>
      %mul3A_1170 = arith.constant 1.000000e-01 : f32
      %mul3A_1171 = vector.broadcast %mul3A_1170 : f32 to vector<64x64xf32>
      %mul3A_1172 = arith.mulf %mul3A_1171, %mul3A_1166 : vector<64x64xf32>
      %select_n3A_1173 = arith.select %gt3A_1169, %mul3A_1166, %mul3A_1172 : vector<64x64xi1>, vector<64x64xf32>
      %convert_element_type3A_1174 = arith.truncf %select_n3A_1173 : vector<64x64xf32> to vector<64x64xbf16>
      %convert_element_type3A_1175 = arith.extf %convert_element_type3A_1174 : vector<64x64xbf16> to vector<64x64xf32>
      %get3A_1176 = arith.constant 0 : index
      %get3A_1177 = arith.constant 48 : index
      %get3A_1178 = vector.load %arg12[%get3A_1176, %get3A_1177] : memref<64x64xf32, #tpu.memory_space<vmem>>, vector<64x1xf32>
      %mul3A_1179 = vector.broadcast %get3A_1178 : vector<64x1xf32> to vector<64x64xf32>
      %mul3A_1180 = arith.mulf %convert_element_type3A_1175, %mul3A_1179 : vector<64x64xf32>
      %reduce_sum3A_1181 = arith.constant dense<0.000000e+00> : vector<64xf32>
      %reduce_sum3A_1182 = vector.multi_reduction <add>, %mul3A_1180, %reduce_sum3A_1181 [0] : vector<64x64xf32> to vector<64xf32>
      %broadcast_in_dim3A_1183 = vector.shape_cast %reduce_sum3A_1182 : vector<64xf32> to vector<1x64xf32>
      %add3A_1184 = arith.addf %add3A_1163, %broadcast_in_dim3A_1183 : vector<1x64xf32>
      %slice3A_1185 = vector.extract_strided_slice %div3A_101 {offsets = [49, 0], sizes = [1, 64], strides = [1, 1]} : vector<64x64xf32> to vector<1x64xf32>
      %mul3A_1186 = vector.broadcast %slice3A_1185 : vector<1x64xf32> to vector<64x64xf32>
      %mul3A_1187 = arith.mulf %mul3A_1186, %div3A_112 : vector<64x64xf32>
      %gt3A_1188 = arith.constant 0.000000e+00 : f32
      %gt3A_1189 = vector.broadcast %gt3A_1188 : f32 to vector<64x64xf32>
      %gt3A_1190 = arith.cmpf ogt, %mul3A_1187, %gt3A_1189 : vector<64x64xf32>
      %mul3A_1191 = arith.constant 1.000000e-01 : f32
      %mul3A_1192 = vector.broadcast %mul3A_1191 : f32 to vector<64x64xf32>
      %mul3A_1193 = arith.mulf %mul3A_1192, %mul3A_1187 : vector<64x64xf32>
      %select_n3A_1194 = arith.select %gt3A_1190, %mul3A_1187, %mul3A_1193 : vector<64x64xi1>, vector<64x64xf32>
      %convert_element_type3A_1195 = arith.truncf %select_n3A_1194 : vector<64x64xf32> to vector<64x64xbf16>
      %convert_element_type3A_1196 = arith.extf %convert_element_type3A_1195 : vector<64x64xbf16> to vector<64x64xf32>
      %get3A_1197 = arith.constant 0 : index
      %get3A_1198 = arith.constant 49 : index
      %get3A_1199 = vector.load %arg12[%get3A_1197, %get3A_1198] : memref<64x64xf32, #tpu.memory_space<vmem>>, vector<64x1xf32>
      %mul3A_1200 = vector.broadcast %get3A_1199 : vector<64x1xf32> to vector<64x64xf32>
      %mul3A_1201 = arith.mulf %convert_element_type3A_1196, %mul3A_1200 : vector<64x64xf32>
      %reduce_sum3A_1202 = arith.constant dense<0.000000e+00> : vector<64xf32>
      %reduce_sum3A_1203 = vector.multi_reduction <add>, %mul3A_1201, %reduce_sum3A_1202 [0] : vector<64x64xf32> to vector<64xf32>
      %broadcast_in_dim3A_1204 = vector.shape_cast %reduce_sum3A_1203 : vector<64xf32> to vector<1x64xf32>
      %add3A_1205 = arith.addf %add3A_1184, %broadcast_in_dim3A_1204 : vector<1x64xf32>
      %slice3A_1206 = vector.extract_strided_slice %div3A_101 {offsets = [50, 0], sizes = [1, 64], strides = [1, 1]} : vector<64x64xf32> to vector<1x64xf32>
      %mul3A_1207 = vector.broadcast %slice3A_1206 : vector<1x64xf32> to vector<64x64xf32>
      %mul3A_1208 = arith.mulf %mul3A_1207, %div3A_112 : vector<64x64xf32>
      %gt3A_1209 = arith.constant 0.000000e+00 : f32
      %gt3A_1210 = vector.broadcast %gt3A_1209 : f32 to vector<64x64xf32>
      %gt3A_1211 = arith.cmpf ogt, %mul3A_1208, %gt3A_1210 : vector<64x64xf32>
      %mul3A_1212 = arith.constant 1.000000e-01 : f32
      %mul3A_1213 = vector.broadcast %mul3A_1212 : f32 to vector<64x64xf32>
      %mul3A_1214 = arith.mulf %mul3A_1213, %mul3A_1208 : vector<64x64xf32>
      %select_n3A_1215 = arith.select %gt3A_1211, %mul3A_1208, %mul3A_1214 : vector<64x64xi1>, vector<64x64xf32>
      %convert_element_type3A_1216 = arith.truncf %select_n3A_1215 : vector<64x64xf32> to vector<64x64xbf16>
      %convert_element_type3A_1217 = arith.extf %convert_element_type3A_1216 : vector<64x64xbf16> to vector<64x64xf32>
      %get3A_1218 = arith.constant 0 : index
      %get3A_1219 = arith.constant 50 : index
      %get3A_1220 = vector.load %arg12[%get3A_1218, %get3A_1219] : memref<64x64xf32, #tpu.memory_space<vmem>>, vector<64x1xf32>
      %mul3A_1221 = vector.broadcast %get3A_1220 : vector<64x1xf32> to vector<64x64xf32>
      %mul3A_1222 = arith.mulf %convert_element_type3A_1217, %mul3A_1221 : vector<64x64xf32>
      %reduce_sum3A_1223 = arith.constant dense<0.000000e+00> : vector<64xf32>
      %reduce_sum3A_1224 = vector.multi_reduction <add>, %mul3A_1222, %reduce_sum3A_1223 [0] : vector<64x64xf32> to vector<64xf32>
      %broadcast_in_dim3A_1225 = vector.shape_cast %reduce_sum3A_1224 : vector<64xf32> to vector<1x64xf32>
      %add3A_1226 = arith.addf %add3A_1205, %broadcast_in_dim3A_1225 : vector<1x64xf32>
      %slice3A_1227 = vector.extract_strided_slice %div3A_101 {offsets = [51, 0], sizes = [1, 64], strides = [1, 1]} : vector<64x64xf32> to vector<1x64xf32>
      %mul3A_1228 = vector.broadcast %slice3A_1227 : vector<1x64xf32> to vector<64x64xf32>
      %mul3A_1229 = arith.mulf %mul3A_1228, %div3A_112 : vector<64x64xf32>
      %gt3A_1230 = arith.constant 0.000000e+00 : f32
      %gt3A_1231 = vector.broadcast %gt3A_1230 : f32 to vector<64x64xf32>
      %gt3A_1232 = arith.cmpf ogt, %mul3A_1229, %gt3A_1231 : vector<64x64xf32>
      %mul3A_1233 = arith.constant 1.000000e-01 : f32
      %mul3A_1234 = vector.broadcast %mul3A_1233 : f32 to vector<64x64xf32>
      %mul3A_1235 = arith.mulf %mul3A_1234, %mul3A_1229 : vector<64x64xf32>
      %select_n3A_1236 = arith.select %gt3A_1232, %mul3A_1229, %mul3A_1235 : vector<64x64xi1>, vector<64x64xf32>
      %convert_element_type3A_1237 = arith.truncf %select_n3A_1236 : vector<64x64xf32> to vector<64x64xbf16>
      %convert_element_type3A_1238 = arith.extf %convert_element_type3A_1237 : vector<64x64xbf16> to vector<64x64xf32>
      %get3A_1239 = arith.constant 0 : index
      %get3A_1240 = arith.constant 51 : index
      %get3A_1241 = vector.load %arg12[%get3A_1239, %get3A_1240] : memref<64x64xf32, #tpu.memory_space<vmem>>, vector<64x1xf32>
      %mul3A_1242 = vector.broadcast %get3A_1241 : vector<64x1xf32> to vector<64x64xf32>
      %mul3A_1243 = arith.mulf %convert_element_type3A_1238, %mul3A_1242 : vector<64x64xf32>
      %reduce_sum3A_1244 = arith.constant dense<0.000000e+00> : vector<64xf32>
      %reduce_sum3A_1245 = vector.multi_reduction <add>, %mul3A_1243, %reduce_sum3A_1244 [0] : vector<64x64xf32> to vector<64xf32>
      %broadcast_in_dim3A_1246 = vector.shape_cast %reduce_sum3A_1245 : vector<64xf32> to vector<1x64xf32>
      %add3A_1247 = arith.addf %add3A_1226, %broadcast_in_dim3A_1246 : vector<1x64xf32>
      %slice3A_1248 = vector.extract_strided_slice %div3A_101 {offsets = [52, 0], sizes = [1, 64], strides = [1, 1]} : vector<64x64xf32> to vector<1x64xf32>
      %mul3A_1249 = vector.broadcast %slice3A_1248 : vector<1x64xf32> to vector<64x64xf32>
      %mul3A_1250 = arith.mulf %mul3A_1249, %div3A_112 : vector<64x64xf32>
      %gt3A_1251 = arith.constant 0.000000e+00 : f32
      %gt3A_1252 = vector.broadcast %gt3A_1251 : f32 to vector<64x64xf32>
      %gt3A_1253 = arith.cmpf ogt, %mul3A_1250, %gt3A_1252 : vector<64x64xf32>
      %mul3A_1254 = arith.constant 1.000000e-01 : f32
      %mul3A_1255 = vector.broadcast %mul3A_1254 : f32 to vector<64x64xf32>
      %mul3A_1256 = arith.mulf %mul3A_1255, %mul3A_1250 : vector<64x64xf32>
      %select_n3A_1257 = arith.select %gt3A_1253, %mul3A_1250, %mul3A_1256 : vector<64x64xi1>, vector<64x64xf32>
      %convert_element_type3A_1258 = arith.truncf %select_n3A_1257 : vector<64x64xf32> to vector<64x64xbf16>
      %convert_element_type3A_1259 = arith.extf %convert_element_type3A_1258 : vector<64x64xbf16> to vector<64x64xf32>
      %get3A_1260 = arith.constant 0 : index
      %get3A_1261 = arith.constant 52 : index
      %get3A_1262 = vector.load %arg12[%get3A_1260, %get3A_1261] : memref<64x64xf32, #tpu.memory_space<vmem>>, vector<64x1xf32>
      %mul3A_1263 = vector.broadcast %get3A_1262 : vector<64x1xf32> to vector<64x64xf32>
      %mul3A_1264 = arith.mulf %convert_element_type3A_1259, %mul3A_1263 : vector<64x64xf32>
      %reduce_sum3A_1265 = arith.constant dense<0.000000e+00> : vector<64xf32>
      %reduce_sum3A_1266 = vector.multi_reduction <add>, %mul3A_1264, %reduce_sum3A_1265 [0] : vector<64x64xf32> to vector<64xf32>
      %broadcast_in_dim3A_1267 = vector.shape_cast %reduce_sum3A_1266 : vector<64xf32> to vector<1x64xf32>
      %add3A_1268 = arith.addf %add3A_1247, %broadcast_in_dim3A_1267 : vector<1x64xf32>
      %slice3A_1269 = vector.extract_strided_slice %div3A_101 {offsets = [53, 0], sizes = [1, 64], strides = [1, 1]} : vector<64x64xf32> to vector<1x64xf32>
      %mul3A_1270 = vector.broadcast %slice3A_1269 : vector<1x64xf32> to vector<64x64xf32>
      %mul3A_1271 = arith.mulf %mul3A_1270, %div3A_112 : vector<64x64xf32>
      %gt3A_1272 = arith.constant 0.000000e+00 : f32
      %gt3A_1273 = vector.broadcast %gt3A_1272 : f32 to vector<64x64xf32>
      %gt3A_1274 = arith.cmpf ogt, %mul3A_1271, %gt3A_1273 : vector<64x64xf32>
      %mul3A_1275 = arith.constant 1.000000e-01 : f32
      %mul3A_1276 = vector.broadcast %mul3A_1275 : f32 to vector<64x64xf32>
      %mul3A_1277 = arith.mulf %mul3A_1276, %mul3A_1271 : vector<64x64xf32>
      %select_n3A_1278 = arith.select %gt3A_1274, %mul3A_1271, %mul3A_1277 : vector<64x64xi1>, vector<64x64xf32>
      %convert_element_type3A_1279 = arith.truncf %select_n3A_1278 : vector<64x64xf32> to vector<64x64xbf16>
      %convert_element_type3A_1280 = arith.extf %convert_element_type3A_1279 : vector<64x64xbf16> to vector<64x64xf32>
      %get3A_1281 = arith.constant 0 : index
      %get3A_1282 = arith.constant 53 : index
      %get3A_1283 = vector.load %arg12[%get3A_1281, %get3A_1282] : memref<64x64xf32, #tpu.memory_space<vmem>>, vector<64x1xf32>
      %mul3A_1284 = vector.broadcast %get3A_1283 : vector<64x1xf32> to vector<64x64xf32>
      %mul3A_1285 = arith.mulf %convert_element_type3A_1280, %mul3A_1284 : vector<64x64xf32>
      %reduce_sum3A_1286 = arith.constant dense<0.000000e+00> : vector<64xf32>
      %reduce_sum3A_1287 = vector.multi_reduction <add>, %mul3A_1285, %reduce_sum3A_1286 [0] : vector<64x64xf32> to vector<64xf32>
      %broadcast_in_dim3A_1288 = vector.shape_cast %reduce_sum3A_1287 : vector<64xf32> to vector<1x64xf32>
      %add3A_1289 = arith.addf %add3A_1268, %broadcast_in_dim3A_1288 : vector<1x64xf32>
      %slice3A_1290 = vector.extract_strided_slice %div3A_101 {offsets = [54, 0], sizes = [1, 64], strides = [1, 1]} : vector<64x64xf32> to vector<1x64xf32>
      %mul3A_1291 = vector.broadcast %slice3A_1290 : vector<1x64xf32> to vector<64x64xf32>
      %mul3A_1292 = arith.mulf %mul3A_1291, %div3A_112 : vector<64x64xf32>
      %gt3A_1293 = arith.constant 0.000000e+00 : f32
      %gt3A_1294 = vector.broadcast %gt3A_1293 : f32 to vector<64x64xf32>
      %gt3A_1295 = arith.cmpf ogt, %mul3A_1292, %gt3A_1294 : vector<64x64xf32>
      %mul3A_1296 = arith.constant 1.000000e-01 : f32
      %mul3A_1297 = vector.broadcast %mul3A_1296 : f32 to vector<64x64xf32>
      %mul3A_1298 = arith.mulf %mul3A_1297, %mul3A_1292 : vector<64x64xf32>
      %select_n3A_1299 = arith.select %gt3A_1295, %mul3A_1292, %mul3A_1298 : vector<64x64xi1>, vector<64x64xf32>
      %convert_element_type3A_1300 = arith.truncf %select_n3A_1299 : vector<64x64xf32> to vector<64x64xbf16>
      %convert_element_type3A_1301 = arith.extf %convert_element_type3A_1300 : vector<64x64xbf16> to vector<64x64xf32>
      %get3A_1302 = arith.constant 0 : index
      %get3A_1303 = arith.constant 54 : index
      %get3A_1304 = vector.load %arg12[%get3A_1302, %get3A_1303] : memref<64x64xf32, #tpu.memory_space<vmem>>, vector<64x1xf32>
      %mul3A_1305 = vector.broadcast %get3A_1304 : vector<64x1xf32> to vector<64x64xf32>
      %mul3A_1306 = arith.mulf %convert_element_type3A_1301, %mul3A_1305 : vector<64x64xf32>
      %reduce_sum3A_1307 = arith.constant dense<0.000000e+00> : vector<64xf32>
      %reduce_sum3A_1308 = vector.multi_reduction <add>, %mul3A_1306, %reduce_sum3A_1307 [0] : vector<64x64xf32> to vector<64xf32>
      %broadcast_in_dim3A_1309 = vector.shape_cast %reduce_sum3A_1308 : vector<64xf32> to vector<1x64xf32>
      %add3A_1310 = arith.addf %add3A_1289, %broadcast_in_dim3A_1309 : vector<1x64xf32>
      %slice3A_1311 = vector.extract_strided_slice %div3A_101 {offsets = [55, 0], sizes = [1, 64], strides = [1, 1]} : vector<64x64xf32> to vector<1x64xf32>
      %mul3A_1312 = vector.broadcast %slice3A_1311 : vector<1x64xf32> to vector<64x64xf32>
      %mul3A_1313 = arith.mulf %mul3A_1312, %div3A_112 : vector<64x64xf32>
      %gt3A_1314 = arith.constant 0.000000e+00 : f32
      %gt3A_1315 = vector.broadcast %gt3A_1314 : f32 to vector<64x64xf32>
      %gt3A_1316 = arith.cmpf ogt, %mul3A_1313, %gt3A_1315 : vector<64x64xf32>
      %mul3A_1317 = arith.constant 1.000000e-01 : f32
      %mul3A_1318 = vector.broadcast %mul3A_1317 : f32 to vector<64x64xf32>
      %mul3A_1319 = arith.mulf %mul3A_1318, %mul3A_1313 : vector<64x64xf32>
      %select_n3A_1320 = arith.select %gt3A_1316, %mul3A_1313, %mul3A_1319 : vector<64x64xi1>, vector<64x64xf32>
      %convert_element_type3A_1321 = arith.truncf %select_n3A_1320 : vector<64x64xf32> to vector<64x64xbf16>
      %convert_element_type3A_1322 = arith.extf %convert_element_type3A_1321 : vector<64x64xbf16> to vector<64x64xf32>
      %get3A_1323 = arith.constant 0 : index
      %get3A_1324 = arith.constant 55 : index
      %get3A_1325 = vector.load %arg12[%get3A_1323, %get3A_1324] : memref<64x64xf32, #tpu.memory_space<vmem>>, vector<64x1xf32>
      %mul3A_1326 = vector.broadcast %get3A_1325 : vector<64x1xf32> to vector<64x64xf32>
      %mul3A_1327 = arith.mulf %convert_element_type3A_1322, %mul3A_1326 : vector<64x64xf32>
      %reduce_sum3A_1328 = arith.constant dense<0.000000e+00> : vector<64xf32>
      %reduce_sum3A_1329 = vector.multi_reduction <add>, %mul3A_1327, %reduce_sum3A_1328 [0] : vector<64x64xf32> to vector<64xf32>
      %broadcast_in_dim3A_1330 = vector.shape_cast %reduce_sum3A_1329 : vector<64xf32> to vector<1x64xf32>
      %add3A_1331 = arith.addf %add3A_1310, %broadcast_in_dim3A_1330 : vector<1x64xf32>
      %slice3A_1332 = vector.extract_strided_slice %div3A_101 {offsets = [56, 0], sizes = [1, 64], strides = [1, 1]} : vector<64x64xf32> to vector<1x64xf32>
      %mul3A_1333 = vector.broadcast %slice3A_1332 : vector<1x64xf32> to vector<64x64xf32>
      %mul3A_1334 = arith.mulf %mul3A_1333, %div3A_112 : vector<64x64xf32>
      %gt3A_1335 = arith.constant 0.000000e+00 : f32
      %gt3A_1336 = vector.broadcast %gt3A_1335 : f32 to vector<64x64xf32>
      %gt3A_1337 = arith.cmpf ogt, %mul3A_1334, %gt3A_1336 : vector<64x64xf32>
      %mul3A_1338 = arith.constant 1.000000e-01 : f32
      %mul3A_1339 = vector.broadcast %mul3A_1338 : f32 to vector<64x64xf32>
      %mul3A_1340 = arith.mulf %mul3A_1339, %mul3A_1334 : vector<64x64xf32>
      %select_n3A_1341 = arith.select %gt3A_1337, %mul3A_1334, %mul3A_1340 : vector<64x64xi1>, vector<64x64xf32>
      %convert_element_type3A_1342 = arith.truncf %select_n3A_1341 : vector<64x64xf32> to vector<64x64xbf16>
      %convert_element_type3A_1343 = arith.extf %convert_element_type3A_1342 : vector<64x64xbf16> to vector<64x64xf32>
      %get3A_1344 = arith.constant 0 : index
      %get3A_1345 = arith.constant 56 : index
      %get3A_1346 = vector.load %arg12[%get3A_1344, %get3A_1345] : memref<64x64xf32, #tpu.memory_space<vmem>>, vector<64x1xf32>
      %mul3A_1347 = vector.broadcast %get3A_1346 : vector<64x1xf32> to vector<64x64xf32>
      %mul3A_1348 = arith.mulf %convert_element_type3A_1343, %mul3A_1347 : vector<64x64xf32>
      %reduce_sum3A_1349 = arith.constant dense<0.000000e+00> : vector<64xf32>
      %reduce_sum3A_1350 = vector.multi_reduction <add>, %mul3A_1348, %reduce_sum3A_1349 [0] : vector<64x64xf32> to vector<64xf32>
      %broadcast_in_dim3A_1351 = vector.shape_cast %reduce_sum3A_1350 : vector<64xf32> to vector<1x64xf32>
      %add3A_1352 = arith.addf %add3A_1331, %broadcast_in_dim3A_1351 : vector<1x64xf32>
      %slice3A_1353 = vector.extract_strided_slice %div3A_101 {offsets = [57, 0], sizes = [1, 64], strides = [1, 1]} : vector<64x64xf32> to vector<1x64xf32>
      %mul3A_1354 = vector.broadcast %slice3A_1353 : vector<1x64xf32> to vector<64x64xf32>
      %mul3A_1355 = arith.mulf %mul3A_1354, %div3A_112 : vector<64x64xf32>
      %gt3A_1356 = arith.constant 0.000000e+00 : f32
      %gt3A_1357 = vector.broadcast %gt3A_1356 : f32 to vector<64x64xf32>
      %gt3A_1358 = arith.cmpf ogt, %mul3A_1355, %gt3A_1357 : vector<64x64xf32>
      %mul3A_1359 = arith.constant 1.000000e-01 : f32
      %mul3A_1360 = vector.broadcast %mul3A_1359 : f32 to vector<64x64xf32>
      %mul3A_1361 = arith.mulf %mul3A_1360, %mul3A_1355 : vector<64x64xf32>
      %select_n3A_1362 = arith.select %gt3A_1358, %mul3A_1355, %mul3A_1361 : vector<64x64xi1>, vector<64x64xf32>
      %convert_element_type3A_1363 = arith.truncf %select_n3A_1362 : vector<64x64xf32> to vector<64x64xbf16>
      %convert_element_type3A_1364 = arith.extf %convert_element_type3A_1363 : vector<64x64xbf16> to vector<64x64xf32>
      %get3A_1365 = arith.constant 0 : index
      %get3A_1366 = arith.constant 57 : index
      %get3A_1367 = vector.load %arg12[%get3A_1365, %get3A_1366] : memref<64x64xf32, #tpu.memory_space<vmem>>, vector<64x1xf32>
      %mul3A_1368 = vector.broadcast %get3A_1367 : vector<64x1xf32> to vector<64x64xf32>
      %mul3A_1369 = arith.mulf %convert_element_type3A_1364, %mul3A_1368 : vector<64x64xf32>
      %reduce_sum3A_1370 = arith.constant dense<0.000000e+00> : vector<64xf32>
      %reduce_sum3A_1371 = vector.multi_reduction <add>, %mul3A_1369, %reduce_sum3A_1370 [0] : vector<64x64xf32> to vector<64xf32>
      %broadcast_in_dim3A_1372 = vector.shape_cast %reduce_sum3A_1371 : vector<64xf32> to vector<1x64xf32>
      %add3A_1373 = arith.addf %add3A_1352, %broadcast_in_dim3A_1372 : vector<1x64xf32>
      %slice3A_1374 = vector.extract_strided_slice %div3A_101 {offsets = [58, 0], sizes = [1, 64], strides = [1, 1]} : vector<64x64xf32> to vector<1x64xf32>
      %mul3A_1375 = vector.broadcast %slice3A_1374 : vector<1x64xf32> to vector<64x64xf32>
      %mul3A_1376 = arith.mulf %mul3A_1375, %div3A_112 : vector<64x64xf32>
      %gt3A_1377 = arith.constant 0.000000e+00 : f32
      %gt3A_1378 = vector.broadcast %gt3A_1377 : f32 to vector<64x64xf32>
      %gt3A_1379 = arith.cmpf ogt, %mul3A_1376, %gt3A_1378 : vector<64x64xf32>
      %mul3A_1380 = arith.constant 1.000000e-01 : f32
      %mul3A_1381 = vector.broadcast %mul3A_1380 : f32 to vector<64x64xf32>
      %mul3A_1382 = arith.mulf %mul3A_1381, %mul3A_1376 : vector<64x64xf32>
      %select_n3A_1383 = arith.select %gt3A_1379, %mul3A_1376, %mul3A_1382 : vector<64x64xi1>, vector<64x64xf32>
      %convert_element_type3A_1384 = arith.truncf %select_n3A_1383 : vector<64x64xf32> to vector<64x64xbf16>
      %convert_element_type3A_1385 = arith.extf %convert_element_type3A_1384 : vector<64x64xbf16> to vector<64x64xf32>
      %get3A_1386 = arith.constant 0 : index
      %get3A_1387 = arith.constant 58 : index
      %get3A_1388 = vector.load %arg12[%get3A_1386, %get3A_1387] : memref<64x64xf32, #tpu.memory_space<vmem>>, vector<64x1xf32>
      %mul3A_1389 = vector.broadcast %get3A_1388 : vector<64x1xf32> to vector<64x64xf32>
      %mul3A_1390 = arith.mulf %convert_element_type3A_1385, %mul3A_1389 : vector<64x64xf32>
      %reduce_sum3A_1391 = arith.constant dense<0.000000e+00> : vector<64xf32>
      %reduce_sum3A_1392 = vector.multi_reduction <add>, %mul3A_1390, %reduce_sum3A_1391 [0] : vector<64x64xf32> to vector<64xf32>
      %broadcast_in_dim3A_1393 = vector.shape_cast %reduce_sum3A_1392 : vector<64xf32> to vector<1x64xf32>
      %add3A_1394 = arith.addf %add3A_1373, %broadcast_in_dim3A_1393 : vector<1x64xf32>
      %slice3A_1395 = vector.extract_strided_slice %div3A_101 {offsets = [59, 0], sizes = [1, 64], strides = [1, 1]} : vector<64x64xf32> to vector<1x64xf32>
      %mul3A_1396 = vector.broadcast %slice3A_1395 : vector<1x64xf32> to vector<64x64xf32>
      %mul3A_1397 = arith.mulf %mul3A_1396, %div3A_112 : vector<64x64xf32>
      %gt3A_1398 = arith.constant 0.000000e+00 : f32
      %gt3A_1399 = vector.broadcast %gt3A_1398 : f32 to vector<64x64xf32>
      %gt3A_1400 = arith.cmpf ogt, %mul3A_1397, %gt3A_1399 : vector<64x64xf32>
      %mul3A_1401 = arith.constant 1.000000e-01 : f32
      %mul3A_1402 = vector.broadcast %mul3A_1401 : f32 to vector<64x64xf32>
      %mul3A_1403 = arith.mulf %mul3A_1402, %mul3A_1397 : vector<64x64xf32>
      %select_n3A_1404 = arith.select %gt3A_1400, %mul3A_1397, %mul3A_1403 : vector<64x64xi1>, vector<64x64xf32>
      %convert_element_type3A_1405 = arith.truncf %select_n3A_1404 : vector<64x64xf32> to vector<64x64xbf16>
      %convert_element_type3A_1406 = arith.extf %convert_element_type3A_1405 : vector<64x64xbf16> to vector<64x64xf32>
      %get3A_1407 = arith.constant 0 : index
      %get3A_1408 = arith.constant 59 : index
      %get3A_1409 = vector.load %arg12[%get3A_1407, %get3A_1408] : memref<64x64xf32, #tpu.memory_space<vmem>>, vector<64x1xf32>
      %mul3A_1410 = vector.broadcast %get3A_1409 : vector<64x1xf32> to vector<64x64xf32>
      %mul3A_1411 = arith.mulf %convert_element_type3A_1406, %mul3A_1410 : vector<64x64xf32>
      %reduce_sum3A_1412 = arith.constant dense<0.000000e+00> : vector<64xf32>
      %reduce_sum3A_1413 = vector.multi_reduction <add>, %mul3A_1411, %reduce_sum3A_1412 [0] : vector<64x64xf32> to vector<64xf32>
      %broadcast_in_dim3A_1414 = vector.shape_cast %reduce_sum3A_1413 : vector<64xf32> to vector<1x64xf32>
      %add3A_1415 = arith.addf %add3A_1394, %broadcast_in_dim3A_1414 : vector<1x64xf32>
      %slice3A_1416 = vector.extract_strided_slice %div3A_101 {offsets = [60, 0], sizes = [1, 64], strides = [1, 1]} : vector<64x64xf32> to vector<1x64xf32>
      %mul3A_1417 = vector.broadcast %slice3A_1416 : vector<1x64xf32> to vector<64x64xf32>
      %mul3A_1418 = arith.mulf %mul3A_1417, %div3A_112 : vector<64x64xf32>
      %gt3A_1419 = arith.constant 0.000000e+00 : f32
      %gt3A_1420 = vector.broadcast %gt3A_1419 : f32 to vector<64x64xf32>
      %gt3A_1421 = arith.cmpf ogt, %mul3A_1418, %gt3A_1420 : vector<64x64xf32>
      %mul3A_1422 = arith.constant 1.000000e-01 : f32
      %mul3A_1423 = vector.broadcast %mul3A_1422 : f32 to vector<64x64xf32>
      %mul3A_1424 = arith.mulf %mul3A_1423, %mul3A_1418 : vector<64x64xf32>
      %select_n3A_1425 = arith.select %gt3A_1421, %mul3A_1418, %mul3A_1424 : vector<64x64xi1>, vector<64x64xf32>
      %convert_element_type3A_1426 = arith.truncf %select_n3A_1425 : vector<64x64xf32> to vector<64x64xbf16>
      %convert_element_type3A_1427 = arith.extf %convert_element_type3A_1426 : vector<64x64xbf16> to vector<64x64xf32>
      %get3A_1428 = arith.constant 0 : index
      %get3A_1429 = arith.constant 60 : index
      %get3A_1430 = vector.load %arg12[%get3A_1428, %get3A_1429] : memref<64x64xf32, #tpu.memory_space<vmem>>, vector<64x1xf32>
      %mul3A_1431 = vector.broadcast %get3A_1430 : vector<64x1xf32> to vector<64x64xf32>
      %mul3A_1432 = arith.mulf %convert_element_type3A_1427, %mul3A_1431 : vector<64x64xf32>
      %reduce_sum3A_1433 = arith.constant dense<0.000000e+00> : vector<64xf32>
      %reduce_sum3A_1434 = vector.multi_reduction <add>, %mul3A_1432, %reduce_sum3A_1433 [0] : vector<64x64xf32> to vector<64xf32>
      %broadcast_in_dim3A_1435 = vector.shape_cast %reduce_sum3A_1434 : vector<64xf32> to vector<1x64xf32>
      %add3A_1436 = arith.addf %add3A_1415, %broadcast_in_dim3A_1435 : vector<1x64xf32>
      %slice3A_1437 = vector.extract_strided_slice %div3A_101 {offsets = [61, 0], sizes = [1, 64], strides = [1, 1]} : vector<64x64xf32> to vector<1x64xf32>
      %mul3A_1438 = vector.broadcast %slice3A_1437 : vector<1x64xf32> to vector<64x64xf32>
      %mul3A_1439 = arith.mulf %mul3A_1438, %div3A_112 : vector<64x64xf32>
      %gt3A_1440 = arith.constant 0.000000e+00 : f32
      %gt3A_1441 = vector.broadcast %gt3A_1440 : f32 to vector<64x64xf32>
      %gt3A_1442 = arith.cmpf ogt, %mul3A_1439, %gt3A_1441 : vector<64x64xf32>
      %mul3A_1443 = arith.constant 1.000000e-01 : f32
      %mul3A_1444 = vector.broadcast %mul3A_1443 : f32 to vector<64x64xf32>
      %mul3A_1445 = arith.mulf %mul3A_1444, %mul3A_1439 : vector<64x64xf32>
      %select_n3A_1446 = arith.select %gt3A_1442, %mul3A_1439, %mul3A_1445 : vector<64x64xi1>, vector<64x64xf32>
      %convert_element_type3A_1447 = arith.truncf %select_n3A_1446 : vector<64x64xf32> to vector<64x64xbf16>
      %convert_element_type3A_1448 = arith.extf %convert_element_type3A_1447 : vector<64x64xbf16> to vector<64x64xf32>
      %get3A_1449 = arith.constant 0 : index
      %get3A_1450 = arith.constant 61 : index
      %get3A_1451 = vector.load %arg12[%get3A_1449, %get3A_1450] : memref<64x64xf32, #tpu.memory_space<vmem>>, vector<64x1xf32>
      %mul3A_1452 = vector.broadcast %get3A_1451 : vector<64x1xf32> to vector<64x64xf32>
      %mul3A_1453 = arith.mulf %convert_element_type3A_1448, %mul3A_1452 : vector<64x64xf32>
      %reduce_sum3A_1454 = arith.constant dense<0.000000e+00> : vector<64xf32>
      %reduce_sum3A_1455 = vector.multi_reduction <add>, %mul3A_1453, %reduce_sum3A_1454 [0] : vector<64x64xf32> to vector<64xf32>
      %broadcast_in_dim3A_1456 = vector.shape_cast %reduce_sum3A_1455 : vector<64xf32> to vector<1x64xf32>
      %add3A_1457 = arith.addf %add3A_1436, %broadcast_in_dim3A_1456 : vector<1x64xf32>
      %slice3A_1458 = vector.extract_strided_slice %div3A_101 {offsets = [62, 0], sizes = [1, 64], strides = [1, 1]} : vector<64x64xf32> to vector<1x64xf32>
      %mul3A_1459 = vector.broadcast %slice3A_1458 : vector<1x64xf32> to vector<64x64xf32>
      %mul3A_1460 = arith.mulf %mul3A_1459, %div3A_112 : vector<64x64xf32>
      %gt3A_1461 = arith.constant 0.000000e+00 : f32
      %gt3A_1462 = vector.broadcast %gt3A_1461 : f32 to vector<64x64xf32>
      %gt3A_1463 = arith.cmpf ogt, %mul3A_1460, %gt3A_1462 : vector<64x64xf32>
      %mul3A_1464 = arith.constant 1.000000e-01 : f32
      %mul3A_1465 = vector.broadcast %mul3A_1464 : f32 to vector<64x64xf32>
      %mul3A_1466 = arith.mulf %mul3A_1465, %mul3A_1460 : vector<64x64xf32>
      %select_n3A_1467 = arith.select %gt3A_1463, %mul3A_1460, %mul3A_1466 : vector<64x64xi1>, vector<64x64xf32>
      %convert_element_type3A_1468 = arith.truncf %select_n3A_1467 : vector<64x64xf32> to vector<64x64xbf16>
      %convert_element_type3A_1469 = arith.extf %convert_element_type3A_1468 : vector<64x64xbf16> to vector<64x64xf32>
      %get3A_1470 = arith.constant 0 : index
      %get3A_1471 = arith.constant 62 : index
      %get3A_1472 = vector.load %arg12[%get3A_1470, %get3A_1471] : memref<64x64xf32, #tpu.memory_space<vmem>>, vector<64x1xf32>
      %mul3A_1473 = vector.broadcast %get3A_1472 : vector<64x1xf32> to vector<64x64xf32>
      %mul3A_1474 = arith.mulf %convert_element_type3A_1469, %mul3A_1473 : vector<64x64xf32>
      %reduce_sum3A_1475 = arith.constant dense<0.000000e+00> : vector<64xf32>
      %reduce_sum3A_1476 = vector.multi_reduction <add>, %mul3A_1474, %reduce_sum3A_1475 [0] : vector<64x64xf32> to vector<64xf32>
      %broadcast_in_dim3A_1477 = vector.shape_cast %reduce_sum3A_1476 : vector<64xf32> to vector<1x64xf32>
      %add3A_1478 = arith.addf %add3A_1457, %broadcast_in_dim3A_1477 : vector<1x64xf32>
      %slice3A_1479 = vector.extract_strided_slice %div3A_101 {offsets = [63, 0], sizes = [1, 64], strides = [1, 1]} : vector<64x64xf32> to vector<1x64xf32>
      %mul3A_1480 = vector.broadcast %slice3A_1479 : vector<1x64xf32> to vector<64x64xf32>
      %mul3A_1481 = arith.mulf %mul3A_1480, %div3A_112 : vector<64x64xf32>
      %gt3A_1482 = arith.constant 0.000000e+00 : f32
      %gt3A_1483 = vector.broadcast %gt3A_1482 : f32 to vector<64x64xf32>
      %gt3A_1484 = arith.cmpf ogt, %mul3A_1481, %gt3A_1483 : vector<64x64xf32>
      %mul3A_1485 = arith.constant 1.000000e-01 : f32
      %mul3A_1486 = vector.broadcast %mul3A_1485 : f32 to vector<64x64xf32>
      %mul3A_1487 = arith.mulf %mul3A_1486, %mul3A_1481 : vector<64x64xf32>
      %select_n3A_1488 = arith.select %gt3A_1484, %mul3A_1481, %mul3A_1487 : vector<64x64xi1>, vector<64x64xf32>
      %convert_element_type3A_1489 = arith.truncf %select_n3A_1488 : vector<64x64xf32> to vector<64x64xbf16>
      %convert_element_type3A_1490 = arith.extf %convert_element_type3A_1489 : vector<64x64xbf16> to vector<64x64xf32>
      %get3A_1491 = arith.constant 0 : index
      %get3A_1492 = arith.constant 63 : index
      %get3A_1493 = vector.load %arg12[%get3A_1491, %get3A_1492] : memref<64x64xf32, #tpu.memory_space<vmem>>, vector<64x1xf32>
      %mul3A_1494 = vector.broadcast %get3A_1493 : vector<64x1xf32> to vector<64x64xf32>
      %mul3A_1495 = arith.mulf %convert_element_type3A_1490, %mul3A_1494 : vector<64x64xf32>
      %reduce_sum3A_1496 = arith.constant dense<0.000000e+00> : vector<64xf32>
      %reduce_sum3A_1497 = vector.multi_reduction <add>, %mul3A_1495, %reduce_sum3A_1496 [0] : vector<64x64xf32> to vector<64xf32>
      %broadcast_in_dim3A_1498 = vector.shape_cast %reduce_sum3A_1497 : vector<64xf32> to vector<1x64xf32>
      %add3A_1499 = arith.addf %add3A_1478, %broadcast_in_dim3A_1498 : vector<1x64xf32>
      %swap3A_1500 = arith.constant 0 : index
      %swap3A_1501 = arith.constant 0 : index
      %swap3A_1502 = vector.load %arg17[%swap3A_1500, %swap3A_1501] : memref<1x64xf32, #tpu.memory_space<vmem>>, vector<1x64xf32>
      tpu.vector_store %arg17[%swap3A_1500, %swap3A_1501], %add3A_1499 {strides = array<i32>} : memref<1x64xf32, #tpu.memory_space<vmem>>, vector<1x64xf32>,
    } else {
    }
    return
  }
  func.func @transform_0(%arg0: i32) -> (i32, i32, i32) {
    %c2_i32 = arith.constant 2 : i32
    %c0_i32 = arith.constant 0 : i32
    %c0_i32_0 = arith.constant 0 : i32
    return %c2_i32, %arg0, %c0_i32 : i32, i32, i32
  }
  func.func @transform_1(%arg0: i32) -> (i32, i32, i32) {
    %c2_i32 = arith.constant 2 : i32
    %c0_i32 = arith.constant 0 : i32
    %c0_i32_0 = arith.constant 0 : i32
    return %c2_i32, %arg0, %c0_i32 : i32, i32, i32
  }
  func.func @transform_2(%arg0: i32) -> (i32, i32) {
    %c0_i32 = arith.constant 0 : i32
    %c0_i32_0 = arith.constant 0 : i32
    return %arg0, %c0_i32 : i32, i32
  }
  func.func @transform_3(%arg0: i32) -> (i32, i32) {
    %c0_i32 = arith.constant 0 : i32
    %c0_i32_0 = arith.constant 0 : i32
    return %arg0, %c0_i32 : i32, i32
  }
  func.func @transform_4(%arg0: i32) -> (i32, i32, i32) {
    %c0_i32 = arith.constant 0 : i32
    %c0_i32_0 = arith.constant 0 : i32
    %c0_i32_1 = arith.constant 0 : i32
    %c0_i32_2 = arith.constant 0 : i32
    return %c0_i32, %c0_i32_0, %c0_i32_1 : i32, i32, i32
  }
  func.func @transform_5(%arg0: i32) -> (i32, i32, i32) {
    %c0_i32 = arith.constant 0 : i32
    %c0_i32_0 = arith.constant 0 : i32
    %c0_i32_1 = arith.constant 0 : i32
    %c0_i32_2 = arith.constant 0 : i32
    return %c0_i32, %c0_i32_0, %c0_i32_1 : i32, i32, i32
  }
  func.func @transform_6(%arg0: i32) -> (i32, i32) {
    %c0_i32 = arith.constant 0 : i32
    %c0_i32_0 = arith.constant 0 : i32
    %c0_i32_1 = arith.constant 0 : i32
    return %c0_i32, %c0_i32_0 : i32, i32
  }
  func.func @transform_7(%arg0: i32) -> (i32, i32) {
    %c0_i32 = arith.constant 0 : i32
    %c0_i32_0 = arith.constant 0 : i32
    %c0_i32_1 = arith.constant 0 : i32
    return %c0_i32, %c0_i32_0 : i32, i32
  }
  func.func @transform_8(%arg0: i32) -> (i32, i32) {
    %c0_i32 = arith.constant 0 : i32
    %c0_i32_0 = arith.constant 0 : i32
    %c0_i32_1 = arith.constant 0 : i32
    return %c0_i32, %c0_i32_0 : i32, i32
  }
  func.func @transform_9(%arg0: i32) -> (i32, i32) {
    %c0_i32 = arith.constant 0 : i32
    %c0_i32_0 = arith.constant 0 : i32
    %c0_i32_1 = arith.constant 0 : i32
    return %c0_i32, %c0_i32_0 : i32, i32
  }
  func.func @transform_10(%arg0: i32) -> (i32, i32) {
    %c0_i32 = arith.constant 0 : i32
    %c0_i32_0 = arith.constant 0 : i32
    %c0_i32_1 = arith.constant 0 : i32
    return %c0_i32, %c0_i32_0 : i32, i32
  }
  func.func @transform_11(%arg0: i32) -> (i32, i32) {
    %c0_i32 = arith.constant 0 : i32
    %c0_i32_0 = arith.constant 0 : i32
    %c0_i32_1 = arith.constant 0 : i32
    return %c0_i32, %c0_i32_0 : i32, i32
  }
  func.func @transform_12(%arg0: i32) -> (i32, i32) {
    %c0_i32 = arith.constant 0 : i32
    %c0_i32_0 = arith.constant 0 : i32
    %c0_i32_1 = arith.constant 0 : i32
    return %c0_i32, %c0_i32_0 : i32, i32
  }
  func.func @transform_13(%arg0: i32) -> (i32, i32) {
    %c0_i32 = arith.constant 0 : i32
    %c0_i32_0 = arith.constant 0 : i32
    %c0_i32_1 = arith.constant 0 : i32
    return %c0_i32, %c0_i32_0 : i32, i32
  }
  func.func @transform_14(%arg0: i32) -> (i32, i32) {
    %c0_i32 = arith.constant 0 : i32
    %c0_i32_0 = arith.constant 0 : i32
    %c0_i32_1 = arith.constant 0 : i32
    return %c0_i32, %c0_i32_0 : i32, i32
  }
  func.func @transform_15(%arg0: i32) -> (i32, i32) {
    %c0_i32 = arith.constant 0 : i32
    %c0_i32_0 = arith.constant 0 : i32
    %c0_i32_1 = arith.constant 0 : i32
    return %c0_i32, %c0_i32_0 : i32, i32
  }
  func.func @transform_16(%arg0: i32) -> (i32, i32) {
    %c0_i32 = arith.constant 0 : i32
    %c0_i32_0 = arith.constant 0 : i32
    %c0_i32_1 = arith.constant 0 : i32
    return %c0_i32, %c0_i32_0 : i32, i32
  }
}

</mosaic_0001>

<sc_bundles>
// kernel: kernel.13.cloned.1.call-start
scs
__scs_entry_jumppad:
0x0: {  	(pc) =	sbr.rel $0x88, $3  }
0x1: {  	(tag) =	ssettag $0x0;
	lr =	simm.s32 $0x1  }
0x2: {  	[smem:$0x3F8D] =	sst lr;
	_ =	strace $0xD0000000  }
0x3: {  	_ = 	snop  }
0x4: {  	_ = 	snop  }
0x5: {  	_ = 	snop  }
0x6: {  	_ = 	snop  }
0x7: {  	_ = 	snop  }
__scs_overlays_trampoline_lowered:
0x8: {  	[smem:$0x3F9C] =	sst s0  }
0x9: {  	[smem:$0x3F9D] =	sst s1  }
0xa: {  	[smem:$0x3F9E] =	sst s2  }
0xb: {  	[smem:$0x3F9F] =	sst s3  }
0xc: {  	[smem:$0x3FA0] =	sst s4  }
0xd: {  	[smem:$0x3FA1] =	sst s5  }
0xe: {  	[smem:$0x3FA2] =	sst s6  }
0xf: {  	[smem:$0x3FA3] =	sst s7  }
0x10: {  	[smem:$0x3FA4] =	sst s8  }
0x11: {  	[smem:$0x3FA5] =	sst s9;
	s0 =	simm.s32 @!p0 $0x0  }
0x12: {  	s1 =	sld [smem:$0x3F8B];
	s0 =	simm.s32 @p0 $0x1  }
0x13: {  	[smem:$0x3FA6] =	sst s0;
	s0 =	simm.s32 @!p1 $0x0  }
0x14: {  	s2 =	sld [smem:$0x3F8A];
	s0 =	simm.s32 @p1 $0x1  }
0x15: {  	[smem:$0x3FA7] =	sst s0;
	s0 =	simm.s32 @!p2 $0x0  }
0x16: {  	s3 =	sld [smem:$0x3FDB];
	s0 =	simm.s32 @p2 $0x1  }
0x17: {  	s4 =	simm.s32 $0x1BF5;
	[smem:$0x3FA9] =	sst s0  }
0x18: {  	s0 =	sld [smem:$0x3F8C];
	_ =	swait.ge [sflag:s4], $0x0  }
0x19: {  	s7 =	sld [smem:$0x3F8D]  }
0x1a: {  	s8 =	sadd.s32 $0xFFFFE003, lr  }
0x1b: {  	s9 =	sadd.s32 $0xFFFFFEF7, lr;
	s5 =	simm.s32 $0xFFFFFFFF;
	p2 =	slt.u32 s8, $0xFFFFF086  }
0x1c: {  	p1 =	slt.u32 s9, $0xF7A;
	s5 =	simm.s32 @!p2 $0x0  }
0x1d: {  	s5 =	simm.s32 @p1 $0x1;
	p0 =	seq.s32 s7, s2  }
0x1e: {  	s7 =	smul.u32 @!p0 $0xF7A, s2;
	p2 =	seq.s32 @!p0 s5, $0x0  }
0x1f: {  	s9 =	smul.u32 $0xF7A, s1;
	s8 =	simm.s32 @!p0 $0x1BF5;
	p2 =	por !p2, p0  }
0x20: {  	[sflag:s8] =	ssyncset.s32 @!p0 $0xFFFFF086;
	s6 =	sadd.s32 @!p0 s3, s7;
	s7 =	simm.s32 @!p0 $0x108  }
0x21: {  	s3 =	sadd.s32 s3, s9;
	s6 =	sadd.s32 @!p0 $0x88, s6;
	s7 =	simm.s32 @p2 $0x1082  }
0x22: {  	[simem:s7], [sflag:s8] =	dma.local @!p0 [hbm:s6], $0xF7A  }
0x23: {  	s9 =	sor.u32 $0xD0000000, s2;
	s6 =	simm.s32 $0x108;
	_ =	swait.ge @!p0 [sflag:s8], $0x0  }
0x24: {  	s3 =	sadd.s32 $0x88, s3;
	s6 =	simm.s32 @!p1 $0x1082;
	[sflag:s4] =	ssyncset.s32 $0xFFFFF086  }
0x25: {  	[simem:s6], [sflag:s4] =	dma.local [hbm:s3], $0xF7A  }
0x26: {  	[smem:$0x3F8D] =	sst s1;
	(tag) =	ssettag s2;
	_ =	strace s9  }
0x27: {  	s1 =	sld [smem:$0x3F9D]  }
0x28: {  	s2 =	sld [smem:$0x3F9E]  }
0x29: {  	s4 =	sld [smem:$0x3FA0]  }
0x2a: {  	p0 =	seq.s32 s5, $0x0;
	s5 =	sld [smem:$0x3FA1]  }
0x2b: {  	s6 =	sld [smem:$0x3FA2]  }
0x2c: {  	s7 =	sld [smem:$0x3FA3]  }
0x2d: {  	s3 =	simm.s32 $0x108;
	s8 =	sld [smem:$0x3FA4]  }
0x2e: {  	s3 =	simm.s32 @!p0 $0x1082;
	s9 =	sld [smem:$0x3FA5]  }
0x2f: {  	lr =	sadd.s32 s0, s3;
	s0 =	sld [smem:$0x3F9C]  }
0x30: {  	s3 =	sld [smem:$0x3F9F]  }
0x31: {  	[smem:$0x3FA8] =	sst s10  }
0x32: {  	s10 =	sld [smem:$0x3FA6];
	_ =	sdelay $0x3  }
0x33: {  	p0 =	seq.s32 s10, $0x1;
	s10 =	sld [smem:$0x3FA8];
	_ =	sdelay $0x3  }
0x34: {  	[smem:$0x3FA8] =	sst s10  }
0x35: {  	s10 =	sld [smem:$0x3FA7];
	_ =	sdelay $0x3  }
0x36: {  	p1 =	seq.s32 s10, $0x1;
	s10 =	sld [smem:$0x3FA8];
	_ =	sdelay $0x3  }
0x37: {  	[smem:$0x3FA8] =	sst s10  }
0x38: {  	s10 =	sld [smem:$0x3FA9]  }
0x39: {  	_ = 	snop;
	(pc) =	sbr.ind lr, $3  }
0x3a: {  	_ = 	snop  }
0x3b: {  	_ = 	snop  }
0x3c: {  	p2 =	seq.s32 s10, $0x1;
	s10 =	sld [smem:$0x3FA8]  }
0x3d: {  	_ =	shalt  }
0x3e: {  	_ =	shalt  }
0x3f: {  	_ =	shalt  }
0x40: {  	_ =	shalt  }
0x41: {  	_ =	shalt  }
0x42: {  	_ =	shalt  }
0x43: {  	_ =	shalt  }
0x44: {  	_ =	shalt  }
0x45: {  	_ =	shalt  }
0x46: {  	_ =	shalt  }
0x47: {  	_ =	shalt  }
0x48: {  	_ =	shalt  }
0x49: {  	_ =	shalt  }
0x4a: {  	_ =	shalt  }
0x4b: {  	_ =	shalt  }
0x4c: {  	_ =	shalt  }
0x4d: {  	_ =	shalt  }
0x4e: {  	_ =	shalt  }
0x4f: {  	_ =	shalt  }
0x50: {  	_ =	shalt  }
0x51: {  	_ =	shalt  }
0x52: {  	_ =	shalt  }
0x53: {  	_ =	shalt  }
0x54: {  	_ =	shalt  }
0x55: {  	_ =	shalt  }
0x56: {  	_ =	shalt  }
0x57: {  	_ =	shalt  }
0x58: {  	_ =	shalt  }
0x59: {  	_ =	shalt  }
0x5a: {  	_ =	shalt  }
0x5b: {  	_ =	shalt  }
0x5c: {  	_ =	shalt  }
0x5d: {  	_ =	shalt  }
0x5e: {  	_ =	shalt  }
0x5f: {  	_ =	shalt  }
0x60: {  	_ =	shalt  }
0x61: {  	_ =	shalt  }
0x62: {  	_ =	shalt  }
0x63: {  	_ =	shalt  }
0x64: {  	_ =	shalt  }
0x65: {  	_ =	shalt  }
0x66: {  	_ =	shalt  }
0x67: {  	_ =	shalt  }
0x68: {  	_ =	shalt  }
0x69: {  	_ =	shalt  }
0x6a: {  	_ =	shalt  }
0x6b: {  	_ =	shalt  }
0x6c: {  	_ =	shalt  }
0x6d: {  	_ =	shalt  }
0x6e: {  	_ =	shalt  }
0x6f: {  	_ =	shalt  }
0x70: {  	_ =	shalt  }
0x71: {  	_ =	shalt  }
0x72: {  	_ =	shalt  }
0x73: {  	_ =	shalt  }
0x74: {  	_ =	shalt  }
0x75: {  	_ =	shalt  }
0x76: {  	_ =	shalt  }
0x77: {  	_ =	shalt  }
0x78: {  	_ =	shalt  }
0x79: {  	_ =	shalt  }
0x7a: {  	_ =	shalt  }
0x7b: {  	_ =	shalt  }
0x7c: {  	_ =	shalt  }
0x7d: {  	_ =	shalt  }
0x7e: {  	_ =	shalt  }
0x7f: {  	_ =	shalt  }
0x80: {  	_ =	shalt  }
0x81: {  	_ =	shalt  }
0x82: {  	_ =	shalt  }
0x83: {  	_ =	shalt  }
0x84: {  	_ =	shalt  }
0x85: {  	_ =	shalt  }
0x86: {  	_ =	shalt  }
0x87: {  	_ =	shalt  }
.Lfunc_end0:
.L_simem_size_0:
called_computation_lowered:
.L_overlay_start_0:
0x88: {  	s2 =	sld [smem:$0x3FD9]  }
0x89: {  	s3 =	sld [smem:$0x3FFE];
	_ =	sdelay $0x1  }
0x8a: {  	s1 =	srdreg.scid  }
0x8b: {  	s0 =	sand.u32 $0x1, s1  }
0x8c: {  	s17 =	sshll.u32 s0, $0xA;
	s2 =	sadd.s32 s3, s2  }
0x8d: {  	s2 =	sadd.s32 s2, s17  }
0x8e: {  	[smem:$0x3FB4] =	sst s2  }
0x8f: {  	_ = 	snop  }
0x90: {  	s2 =	sld [smem:$0x3FC7]  }
0x91: {  	s18 =	sld [smem:$0x3FC6];
	(tm) =	ssettm $0x1  }
0x92: {  	s4 =	sld [smem:$0x3FFB];
	_ =	sdelay $0x3  }
0x93: {  	_ =	strace s4  }
0x94: {  	s4 =	sld [smem:$0x3FFC];
	_ =	sdelay $0x3  }
0x95: {  	_ =	strace s4  }
0x96: {  	s4 =	sld [smem:$0x3FFD];
	_ =	sdelay $0x3  }
0x97: {  	_ =	strace s4  }
0x98: {  	_ =	strace $0x8FFFFFFF  }
0x99: {  	s19 =	sld [smem:$0x3FDB];
	_ =	sdelay $0x1  }
0x9a: {  	s5 =	simm.s32 $_scs_section_size  }
0x9b: {  	s6 =	simm.s32 $_size__tile_overlayer_lowered;
	s7 =	simm.s32 $_tile_overlayer_lowered  }
0x9c: {  	s22 =	simm.s32 $0x1BFF;
	s21 =	sshll.u32 s7, $0x1;
	s4 =	sadd.s32 s5, s19  }
0x9d: {  	s8 =	simm.s32 $0x0;
	s20 =	sshll.u32 s6, $0x1;
	s6 =	sadd.s32 s21, s4  }
0x9e: {  	[timem:s8], [sflag:s22] =	dma.local [hbm:s6], s20  }
0x9f: {  	_ =	swait.ge [sflag:s22], s20  }
0xa0: {  	s5 =	ssub.s32 $0x0, s20;
	[sflag:s22] =	ssyncset.done $0x0  }
0xa1: {  	[sflag:s22] =	ssyncadd.s32 s5;
	_ =	sdelay $0x1  }
0xa2: {  	s23 =	simm.s32 $0x1B8B  }
0xa3: {  	_ =	swait.ge [sflag:s23], $0x1  }
0xa4: {  	[sflag:s23] =	ssyncset.done $0x0  }
0xa5: {  	s25 =	simm.s32 $0x1B8E;
	s24 =	sld [smem:$0x3FFE];
	[sflag:s23] =	ssyncadd.s32 $0xFFFFFFFF  }
0xa6: {  	s26 =	simm.s32 $execute0_lowered;
	[smem:$0x3FD2] =	sst s25  }
0xa7: {  	s6 =	sshll.u32 s26, $0x1;
	_ =	strace $0x80000046;
	[dreg:$0x1] =	wrdreg $0xFFFFFFFF  }
0xa8: {  	s28 =	simm.s32 $_size_execute0_lowered;
	s4 =	sadd.s32 s4, s6;
	[dreg:$0x0] =	wrdreg $0x0  }
0xa9: {  	s6 =	sshll.u32 s28, $0x1;
	[dreg:$0x2] =	wrdreg s4  }
0xaa: {  	[dreg:$0x3] =	wrdreg s6  }
0xab: {  	[dreg:$0x4] =	wrdreg $0xC0  }
0xac: {  	_ =	task [dreg:s8], $0x5FFFF  }
0xad: {  	[dreg:$0x1] =	wrdreg $0xFFFFFFFF  }
0xae: {  	[dreg:$0x0] =	wrdreg $0x60  }
0xaf: {  	[dreg:$0x2] =	wrdreg s2  }
0xb0: {  	[dreg:$0x3] =	wrdreg s18  }
0xb1: {  	[dreg:$0x4] =	wrdreg s24  }
0xb2: {  	[dreg:$0x5] =	wrdreg $0x9  }
0xb3: {  	_ =	task.clear_ibuf [dreg:s8], $0x6FFFF;
	_ =	strace $0x90000046  }
0xb4: {  	s29 =	simm.s32 $0x9;
	_ =	strace $0x80000048  }
0xb5: {  	_ =	swait.ge [sflag:s29], $0x1  }
0xb6: {  	[sflag:s29] =	ssyncadd.s32 $0xFFFFFFFF  }
0xb7: {  	_ =	strace $0x90000048  }
0xb8: {  	_ =	sfence  }
0xb9: {  	s30 =	sld [smem:$0x0];
	_ =	sdelay $0x2  }
0xba: {  	s31 =	sshll.u32 s1, $0xD;
	s1 =	sshrl.u32 s1, $0x2  }
0xbb: {  	s3 =	sand.u32 $0x4000, s31;
	s1 =	sadd.s32 s1, s30  }
0xbc: {  	s0 =	sor.u32 s3, s0;
	s1 =	sshll.u32 s1, $0x11  }
0xbd: {  	s0 =	sor.u32 s1, s0  }
0xbe: {  	s0 =	sadd.s32 $0x8F2B, s0  }
0xbf: {  	[sflag:s0] =	ssyncadd.remote.s32 $0x1  }
0xc0: {  	_ =	sfence.sel $0xFFFF  }
0xc1: {  	[dreg:$0x0] =	wrdreg $0xFFFFFFFF;
	(pc) =	sbr.abs _section_cstart, $3  }
0xc2: {  	[dreg:$0x1] =	wrdreg $0xFFFFFFFF  }
0xc3: {  	_ =	task.clear_ibuf [dreg:s8], $0x2FFFF;
	_ =	strace $0x9FFFFFFF  }
0xc4: {  	(tm) =	ssettm $0x7FFFFFFF  }
0xc5: {  	_ =	shalt  }
tec
execute0_lowered:
.L_overlay_start_1:
0x0: {  	(tag) =	ssettag $0x1  }
0x1: {  	s1 =	rddreg [dreg:$0x0]  }
0x2: {  	s2 =	rddreg [dreg:$0x1]  }
0x3: {  	s5 =	rddreg [dreg:$0x2]  }
0x4: {  	s0 =	rddreg [dreg:$0x3];
	s4 =	simm.s32 $0x0;
	s6 =	srdreg.scid  }
0x5: {  	s3 =	stileid.u32;
	[smem:$0x7FF] =	sst s4  }
0x6: {  	s6 =	sand.u32 $0x1, s6;
	s7 =	sshll.u32 s3, $0x1;
	s8 =	sadd.s32 $0x4C00, s5  }
0x7: {  	s10 =	sadd.s32 $0x4A00, s5;
	s9 =	ssub.s32 $0x2, s6;
	s11 =	sor.u32 s6, s7  }
0x8: {  	_ =	strace $0x80000047;
	s31 =	sshrl.u32 s9, $0x1;
	s12 =	sor.u32 $0x20, s11  }
0x9: {  	s7 =	sshll.u32 s11, $0x1;
	v0 =	vmov s11;
	s11 =	simm.s32 $0x3200;
	s9 =	ssub.s32 s9, s31  }
0xa: {  	s13 =	sshll.u32 s12, $0x1;
	s5 =	sadd.s32 s8, s7;
	s7 =	sadd.s32 s10, s7  }
0xb: {  	v1 =	vmov s12;
	s12 =	simm.s32 $0x9600;
	s6 =	sadd.s32 s8, s13;
	s8 =	sadd.s32 s10, s13  }
0xc: {  	v2 =	vimm.s32 $0x0;
	s9 =	smax.u32 s9, $0x1;
	s10 =	simm.s32 $0x1;
	s13 =	simm.s32 $0x0  }
.LBB2_1:
0xd: {  	[tilespmem:s4], [sflag:$0x1] =	stream.linear.gather [hbm4b:s1+s4], $0x3200, $0x38;
	[tilespmem:$0x9680] =	vst v63  }
0xe: {  	_ =	swait.ge [sflag:s10], $0x3200  }
0xf: {  	[sflag:s10] =	ssyncset.done $0x0  }
0x10: {  	[sflag:s10] =	ssyncadd.s32 $0xFFFFCE00  }
0x11: {  	[tilespmem:s11], [sflag:$0x1] =	stream.linear.gather [hbm4b:s2+s4], $0x6400, $0x38;
	[tilespmem:$0x9680] =	vst v63  }
0x12: {  	_ =	swait.ge [sflag:s10], $0x6400  }
0x13: {  	[sflag:s10] =	ssyncset.done $0x0  }
0x14: {  	s15 =	simm.s32 $0x0;
	[sflag:s10] =	ssyncadd.s32 $0xFFFF9C00  }
0x15: {  	s14 =	simm.s32 $0x40;
	v3 =	vimm.s32 $0x0;
	v4 =	vld [tilespmem:s15+$0x0]  }
.LBB2_2:
0x16: {  	_ =	sdelay $0x1  }
0x17: {  	p0 =	sne.s32 s14, $0xC7C0  }
.Ltmp0:
0x18: {  	_ = 	snop;
	(pc) =	sbr.rel @p0 .LBB2_2-.Ltmp0, $4  }
0x19: {  	v5 =	vsub.s32 v0, v4  }
0x1a: {  	vm0 =	vgt.s32 v5, $0x0  }
0x1b: {  	s15 =	sshra.s32 s14, $0x2;
	v5 =	vsel vm0, $0x1, v2  }
0x1c: {  	s14 =	sadd.s32 $0x40, s14;
	v4 =	vld [tilespmem:s15+$0x0];
	v3 =	vadd.s32 v5, v3  }
0x1d: {  	_ =	sdelay $0x3  }
0x1e: {  	v4 =	vsub.s32 v0, v4  }
0x1f: {  	vm0 =	vgt.s32 v4, $0x0  }
0x20: {  	v4 =	vsel vm0, $0x1, v2  }
0x21: {  	v3 =	vadd.s32 v4, v3  }
0x22: {  	s14 =	simm.s32 $0x0;
	[tilespmem:$0x9600] =	vst v3  }
0x23: {  	[hbm4b:s5+s14] =	stream.linear.scatter [tilespmem:s12], [sflag:$0x1], $0x10, $0x38;
	[tilespmem:$0x9680] =	vst v63  }
0x24: {  	_ =	swait.ge [sflag:s10], $0x10  }
0x25: {  	[sflag:s10] =	ssyncset.done $0x0  }
0x26: {  	s15 =	simm.s32 $0x0;
	[sflag:s10] =	ssyncadd.s32 $0xFFFFFFF0  }
0x27: {  	v3 =	vimm.s32 $0x0;
	s14 =	simm.s32 $0x40;
	v4 =	vld [tilespmem:s15+$0x0]  }
.LBB2_4:
0x28: {  	_ =	sdelay $0x1  }
0x29: {  	p0 =	sne.s32 s14, $0xC7C0  }
.Ltmp1:
0x2a: {  	_ = 	snop;
	(pc) =	sbr.rel @p0 .LBB2_4-.Ltmp1, $4  }
0x2b: {  	v5 =	vsub.s32 v1, v4  }
0x2c: {  	vm0 =	vgt.s32 v5, $0x0  }
0x2d: {  	s15 =	sshra.s32 s14, $0x2;
	v5 =	vsel vm0, $0x1, v2  }
0x2e: {  	s14 =	sadd.s32 $0x40, s14;
	v4 =	vld [tilespmem:s15+$0x0];
	v3 =	vadd.s32 v5, v3  }
0x2f: {  	_ =	sdelay $0x3  }
0x30: {  	v4 =	vsub.s32 v1, v4  }
0x31: {  	vm0 =	vgt.s32 v4, $0x0  }
0x32: {  	v4 =	vsel vm0, $0x1, v2  }
0x33: {  	v3 =	vadd.s32 v4, v3  }
0x34: {  	s14 =	simm.s32 $0x0;
	[tilespmem:$0x9600] =	vst v3  }
0x35: {  	[hbm4b:s6+s14] =	stream.linear.scatter [tilespmem:s12], [sflag:$0x1], $0x10, $0x38;
	[tilespmem:$0x9680] =	vst v63  }
0x36: {  	_ =	swait.ge [sflag:s10], $0x10  }
0x37: {  	[sflag:s10] =	ssyncset.done $0x0  }
0x38: {  	s15 =	simm.s32 $0x0;
	[sflag:s10] =	ssyncadd.s32 $0xFFFFFFF0  }
0x39: {  	v3 =	vimm.s32 $0x0;
	s14 =	simm.s32 $0x40;
	v4 =	vld [tilespmem:s15+$0x3200]  }
.LBB2_6:
0x3a: {  	_ =	sdelay $0x1  }
0x3b: {  	p0 =	sne.s32 s14, $0x18FC0  }
.Ltmp2:
0x3c: {  	_ = 	snop;
	(pc) =	sbr.rel @p0 .LBB2_6-.Ltmp2, $4  }
0x3d: {  	v5 =	vsub.s32 v0, v4  }
0x3e: {  	vm0 =	vgt.s32 v5, $0x0  }
0x3f: {  	s15 =	sshra.s32 s14, $0x2;
	v5 =	vsel vm0, $0x1, v2  }
0x40: {  	s14 =	sadd.s32 $0x40, s14;
	v4 =	vld [tilespmem:s15+$0x3200];
	v3 =	vadd.s32 v5, v3  }
0x41: {  	_ =	sdelay $0x3  }
0x42: {  	v4 =	vsub.s32 v0, v4  }
0x43: {  	vm0 =	vgt.s32 v4, $0x0  }
0x44: {  	v4 =	vsel vm0, $0x1, v2  }
0x45: {  	v3 =	vadd.s32 v4, v3  }
0x46: {  	s14 =	simm.s32 $0x0;
	[tilespmem:$0x9600] =	vst v3  }
0x47: {  	[hbm4b:s7+s14] =	stream.linear.scatter [tilespmem:s12], [sflag:$0x1], $0x10, $0x38;
	[tilespmem:$0x9680] =	vst v63  }
0x48: {  	_ =	swait.ge [sflag:s10], $0x10  }
0x49: {  	[sflag:s10] =	ssyncset.done $0x0  }
0x4a: {  	s15 =	simm.s32 $0x0;
	[sflag:s10] =	ssyncadd.s32 $0xFFFFFFF0  }
0x4b: {  	v3 =	vimm.s32 $0x0;
	s14 =	simm.s32 $0x40;
	v4 =	vld [tilespmem:s15+$0x3200]  }
.LBB2_8:
0x4c: {  	_ =	sdelay $0x1  }
0x4d: {  	p0 =	sne.s32 s14, $0x18FC0  }
.Ltmp3:
0x4e: {  	_ = 	snop;
	(pc) =	sbr.rel @p0 .LBB2_8-.Ltmp3, $4  }
0x4f: {  	v5 =	vsub.s32 v1, v4  }
0x50: {  	vm0 =	vgt.s32 v5, $0x0  }
0x51: {  	s15 =	sshra.s32 s14, $0x2;
	v5 =	vsel vm0, $0x1, v2  }
0x52: {  	s14 =	sadd.s32 $0x40, s14;
	v4 =	vld [tilespmem:s15+$0x3200];
	v3 =	vadd.s32 v5, v3  }
0x53: {  	_ =	sdelay $0x3  }
0x54: {  	v4 =	vsub.s32 v1, v4  }
0x55: {  	vm0 =	vgt.s32 v4, $0x0  }
0x56: {  	s13 =	sadd.s32 $0x1, s13;
	v4 =	vsel vm0, $0x1, v2  }
0x57: {  	p0 =	sne.s32 s13, s9;
	v3 =	vadd.s32 v4, v3  }
.Ltmp4:
0x58: {  	[tilespmem:$0x9600] =	vst v3;
	(pc) =	sbr.rel @p0 .LBB2_1-.Ltmp4, $4  }
0x59: {  	[hbm4b:s8+s4] =	stream.linear.scatter [tilespmem:s12], [sflag:$0x1], $0x10, $0x38;
	[tilespmem:$0x9680] =	vst v63  }
0x5a: {  	_ =	swait.ge [sflag:s10], $0x10  }
0x5b: {  	[sflag:s10] =	ssyncset.done $0x0  }
0x5c: {  	[sflag:s10] =	ssyncadd.s32 $0xFFFFFFF0  }
0x5d: {  	_ =	sfence.sel $0x180000  }
0x5e: {  	[bflag:$0x0] =	sbarrier.arrive $0xFFFF  }
0x5f: {  	p0 =	sne.s32 s3, $0x0;
	_ =	strace $0x90000047  }
0x60: {  	s0 =	sadd.s32 @!p0 $0x100000, s0;
	[bflag:$0x2] =	sbarrier.arrive $0xFFFF  }
0x61: {  	[sflag:s0] =	ssyncadd.tile.s32 @!p0 $0x1;
	_ =	shalt  }
.Lfunc_end2:
_tile_overlayer_lowered:
.L_overlay_start_2:
0x62: {  	(tag) =	ssettag $0x2  }
0x63: {  	s0 =	rddreg [dreg:$0x0];
	s2 =	stileid.u32  }
0x64: {  	s1 =	rddreg [dreg:$0x1];
	p0 =	sne.s32 s2, $0x0  }
0x65: {  	s3 =	rddreg [dreg:$0x2];
	[bflag:$0x3] =	sbarrier.arrive $0xFFFF;
	s2 =	simm.s32 @!p0 $0x1C01  }
0x66: {  	[timem:s3], [sflag:s2] =	dma.local @!p0 [hbm:s0], s1  }
0x67: {  	s0 =	simm.s32 @!p0 $0x1  }
0x68: {  	_ =	swait.ge @!p0 [sflag:s0], s1  }
0x69: {  	s1 =	ssub.s32 @!p0 $0x0, s1;
	[sflag:s0] =	ssyncset.done @!p0 $0x0  }
0x6a: {  	[sflag:s0] =	ssyncadd.s32 @!p0 s1  }
0x6b: {  	[bflag:$0x3] =	sbarrier.arrive $0xFFFF  }
0x6c: {  	_ =	shalt  }

</sc_bundles>
